<compile_context>
chip_gen: v7x
topology: tpu7x:2x2x1
jax: 0.10.2.dev20260603
libtpu: 0.0.44.dev20260713+nightly
codegen_flags: <defaults>
</compile_context>

<pallas_src>
import functools

import jax
import jax.numpy as jnp
from jax import lax
from jax.experimental import pallas as pl
from jax.experimental.pallas import tpu as pltpu
from jax.experimental.pallas import tpu_sc as plsc

N = 10000
E = 160000
D = 256
H = 128
NC = 2
NS = 16

EB = 128
EPT_DEG = 4992
INIT_CH = 624


def _deg_body(dst_hbm, out_hbm, idx_v, ones_v, buf_v, acc_sh):
    c = lax.axis_index("c")
    s = lax.axis_index("s")
    for j in range(EB // 16):
        ones_v[pl.ds(j * 16, 16)] = jnp.full((16,), 1.0, jnp.float32)
    for j in range(INIT_CH // 16):
        buf_v[pl.ds(j * 16, 16)] = jnp.full((16,), 0.0, jnp.float32)
    pltpu.sync_copy(buf_v, acc_sh.at[pl.ds(s * INIT_CH, INIT_CH)])

    @pl.when(s == 0)
    def _():
        pltpu.sync_copy(buf_v.at[pl.ds(0, 16)],
                        acc_sh.at[pl.ds(NS * INIT_CH, 16)])

    plsc.subcore_barrier()
    edge0 = c * (E // NC) + s * EPT_DEG
    nb = 39 + jnp.where(s == NS - 1, 1, 0)

    def body(i, carry):
        base = pl.multiple_of(edge0 + i * EB, 8)
        pltpu.sync_copy(dst_hbm.at[pl.ds(base, EB)], idx_v)
        pltpu.sync_copy(ones_v, acc_sh.at[idx_v], add=True)
        return carry

    lax.fori_loop(0, nb, body, 0)
    plsc.subcore_barrier()
    pltpu.sync_copy(acc_sh.at[pl.ds(s * INIT_CH, INIT_CH)], buf_v)
    pltpu.sync_copy(buf_v, out_hbm.at[pl.ds(c * N + s * INIT_CH, INIT_CH)])

    @pl.when(s == 0)
    def _():
        pltpu.sync_copy(acc_sh.at[pl.ds(NS * INIT_CH, 16)],
                        buf_v.at[pl.ds(0, 16)])
        pltpu.sync_copy(buf_v.at[pl.ds(0, 16)],
                        out_hbm.at[pl.ds(c * N + NS * INIT_CH, 16)])


def _deg_call(dst):
    f = pl.kernel(
        _deg_body,
        out_type=jax.ShapeDtypeStruct((NC * N,), jnp.float32),
        mesh=plsc.VectorSubcoreMesh(core_axis_name="c", subcore_axis_name="s",
                                    num_cores=NC, num_subcores=NS),
        scratch_types=[
            pltpu.VMEM((EB,), jnp.int32),
            pltpu.VMEM((EB,), jnp.float32),
            pltpu.VMEM((INIT_CH,), jnp.float32),
            pltpu.VMEM_SHARED((N,), jnp.float32),
        ],
    )
    return f(dst)


B = 128
EPT = 9984
NH = N // 2
ACC_R = NH + 8
RPT = 312
RTAIL = NH - NS * RPT


def _agg_body(hp_hbm, src_hbm, dst_hbm, out_hbm,
              idx_s0, idx_s1, idx_d0, idx_d1,
              rows0, rows1, buf_v, acc_sh,
              gsem0, gsem1, ssem0, ssem1):
    c = lax.axis_index("c")
    s = lax.axis_index("s")
    coff = c * N
    edge0 = s * EPT
    nedges = EPT + jnp.where(s == NS - 1, 2 * B, 0)
    nb2 = 39 + jnp.where(s == NS - 1, 1, 0)
    max_base = edge0 + nedges - B
    idx_s = (idx_s0, idx_s1)
    idx_d = (idx_d0, idx_d1)
    rows = (rows0, rows1)
    gsem = (gsem0, gsem1)
    ssem = (ssem0, ssem1)

    def load_src(b, j):
        base = pl.multiple_of(jnp.minimum(edge0 + b * B, max_base), 8)
        pltpu.sync_copy(src_hbm.at[pl.ds(base, B)], idx_s[j])
        for k in range(B // 16):
            sl = pl.ds(k * 16, 16)
            idx_s[j][sl] = idx_s[j][sl] + coff

    for p in range(2):
        nbase = p * NH
        row0 = coff + nbase + s * RPT
        pltpu.sync_copy(hp_hbm.at[pl.ds(row0, RPT)], buf_v)
        pltpu.sync_copy(buf_v, acc_sh.at[pl.ds(s * RPT, RPT)])

        @pl.when(s == 0)
        def _():
            pltpu.sync_copy(hp_hbm.at[pl.ds(coff + nbase + NS * RPT, RTAIL)],
                            buf_v.at[pl.ds(0, RTAIL)])
            pltpu.sync_copy(buf_v.at[pl.ds(0, RTAIL)],
                            acc_sh.at[pl.ds(NS * RPT, RTAIL)])

        plsc.subcore_barrier()

        for q in range(2):
            load_src(jnp.int32(q), q)
            pltpu.async_copy(hp_hbm.at[idx_s[q]], rows[q], gsem[q])

        def body(k, carry):
            for j in range(2):
                b = 2 * k + j
                pltpu.make_async_copy(hp_hbm.at[idx_s[j]], rows[j],
                                      gsem[j]).wait()
                bb = pl.multiple_of(jnp.minimum(edge0 + b * B, max_base), 8)
                pltpu.sync_copy(dst_hbm.at[pl.ds(bb, B)], idx_d[j])
                for u in range(B // 16):
                    sl = pl.ds(u * 16, 16)
                    v = idx_d[j][sl] - nbase
                    ok = (v >= 0) & (v < NH)
                    idx_d[j][sl] = jnp.where(ok, v, NH)
                pltpu.async_copy(rows[j], acc_sh.at[idx_d[j]], ssem[j],
                                 add=True)
                load_src(b + 2, j)
                pltpu.make_async_copy(rows[j], acc_sh.at[idx_d[j]],
                                      ssem[j]).wait()
                pltpu.async_copy(hp_hbm.at[idx_s[j]], rows[j], gsem[j])
            return carry

        lax.fori_loop(0, nb2, body, 0)
        for j in range(2):
            pltpu.make_async_copy(hp_hbm.at[idx_s[j]], rows[j],
                                  gsem[j]).wait()
        plsc.subcore_barrier()
        pltpu.sync_copy(acc_sh.at[pl.ds(s * RPT, RPT)], buf_v)
        pltpu.sync_copy(buf_v, out_hbm.at[pl.ds(row0, RPT)])

        @pl.when(s == 0)
        def _():
            pltpu.sync_copy(acc_sh.at[pl.ds(NS * RPT, RTAIL)],
                            buf_v.at[pl.ds(0, RTAIL)])
            pltpu.sync_copy(buf_v.at[pl.ds(0, RTAIL)],
                            out_hbm.at[pl.ds(coff + nbase + NS * RPT, RTAIL)])

        plsc.subcore_barrier()


@functools.cache
def _agg_kernel():
    return pl.kernel(
        _agg_body,
        out_type=jax.ShapeDtypeStruct((NC * N, H), jnp.float32),
        mesh=plsc.VectorSubcoreMesh(core_axis_name="c", subcore_axis_name="s",
                                    num_cores=NC, num_subcores=NS),
        scratch_types=(
            [pltpu.VMEM((B,), jnp.int32)] * 4
            + [pltpu.VMEM((B, H), jnp.float32)] * 2
            + [pltpu.VMEM((RPT, H), jnp.float32),
               pltpu.VMEM_SHARED((ACC_R, H), jnp.float32)]
            + [pltpu.SemaphoreType.DMA] * 4
        ),
    )


def _agg_call(hp2d, src, dst):
    return _agg_kernel()(hp2d, src, dst)


R = 1000
_HI = lax.Precision.HIGHEST


def _dis_from(deg_ref):
    d = deg_ref[:, 0] + deg_ref[:, 1] + 1.0
    return lax.rsqrt(d)[:, None]


def _mm1_body(x_ref, w_ref, deg_ref, out_ref):
    dis = _dis_from(deg_ref)
    out_ref[0] = jnp.dot(x_ref[...], w_ref[...],
                         preferred_element_type=jnp.float32,
                         precision=_HI) * dis


def _mm1_call(x, W1, degT):
    return pl.pallas_call(
        _mm1_body,
        grid=(NC, N // R),
        in_specs=[
            pl.BlockSpec((R, D), lambda c, i: (i, 0)),
            pl.BlockSpec((D, H), lambda c, i: (0, c)),
            pl.BlockSpec((R, 2), lambda c, i: (i, 0)),
        ],
        out_specs=pl.BlockSpec((1, R, H), lambda c, i: (c, i, 0)),
        out_shape=jax.ShapeDtypeStruct((NC, N, H), jnp.float32),
    )(x, W1, degT)


def _ln_relu(agg_ref, dis, b_ref, g_ref, be_ref):
    v0 = agg_ref[0] * dis + b_ref[0]
    v1 = agg_ref[1] * dis + b_ref[1]
    mu = (jnp.sum(v0, axis=1) + jnp.sum(v1, axis=1)) * (1.0 / D)
    c0 = v0 - mu[:, None]
    c1 = v1 - mu[:, None]
    var = (jnp.sum(c0 * c0, axis=1) + jnp.sum(c1 * c1, axis=1)) * (1.0 / D)
    inv = lax.rsqrt(var + 1e-5)[:, None]
    t0 = jnp.maximum(c0 * inv * g_ref[0] + be_ref[0], 0.0)
    t1 = jnp.maximum(c1 * inv * g_ref[1] + be_ref[1], 0.0)
    return jnp.concatenate([t0, t1], axis=1)


def _ln_mm_body(agg_ref, deg_ref, b_ref, g_ref, be_ref, w_ref, out_ref):
    dis = _dis_from(deg_ref)
    t = _ln_relu(agg_ref, dis, b_ref, g_ref, be_ref)
    out_ref[0] = jnp.dot(t, w_ref[...],
                         preferred_element_type=jnp.float32,
                         precision=_HI) * dis


def _ln_mm_call(agg, degT, b, g, be, W2):
    full = lambda c, i: (0, 0)
    return pl.pallas_call(
        _ln_mm_body,
        grid=(NC, N // R),
        in_specs=[
            pl.BlockSpec((NC, R, H), lambda c, i: (0, i, 0)),
            pl.BlockSpec((R, 2), lambda c, i: (i, 0)),
            pl.BlockSpec((NC, H), full),
            pl.BlockSpec((NC, H), full),
            pl.BlockSpec((NC, H), full),
            pl.BlockSpec((D, H), lambda c, i: (0, c)),
        ],
        out_specs=pl.BlockSpec((1, R, H), lambda c, i: (c, i, 0)),
        out_shape=jax.ShapeDtypeStruct((NC, N, H), jnp.float32),
    )(agg, degT, b, g, be, W2)


def _head_body(agg_ref, deg_ref, b_ref, g_ref, be_ref,
               wf1_ref, bf1_ref, wf2_ref, bf2_ref, out_ref):
    dis = _dis_from(deg_ref)
    t = _ln_relu(agg_ref, dis, b_ref, g_ref, be_ref)
    u = jnp.maximum(jnp.dot(t, wf1_ref[...],
                            preferred_element_type=jnp.float32,
                            precision=_HI) + bf1_ref[0], 0.0)
    out_ref[...] = jnp.tanh(jnp.dot(u, wf2_ref[...],
                                    preferred_element_type=jnp.float32,
                                    precision=_HI) + bf2_ref[0])


def _head_call(agg, degT, b, g, be, Wf1, bf1, Wf2p, bf2p):
    full = lambda i: (0, 0)
    return pl.pallas_call(
        _head_body,
        grid=(N // R,),
        in_specs=[
            pl.BlockSpec((NC, R, H), lambda i: (0, i, 0)),
            pl.BlockSpec((R, 2), lambda i: (i, 0)),
            pl.BlockSpec((NC, H), full),
            pl.BlockSpec((NC, H), full),
            pl.BlockSpec((NC, H), full),
            pl.BlockSpec((D, H), full),
            pl.BlockSpec((1, H), full),
            pl.BlockSpec((H, H), full),
            pl.BlockSpec((1, H), full),
        ],
        out_specs=pl.BlockSpec((R, H), lambda i: (i, 0)),
        out_shape=jax.ShapeDtypeStruct((N, H), jnp.float32),
    )(agg, degT, b, g, be, Wf1, bf1, Wf2p, bf2p)


def kernel(x, edge_index, batch, W1, b1, g1, be1, W2, b2, g2, be2,
           Wf1, bf1, Wf2, bf2):
    src = edge_index[0]
    dst = edge_index[1]
    deg2 = _deg_call(dst).reshape(NC, N)
    degT = jnp.transpose(deg2)

    hp1 = _mm1_call(x, W1, degT)

    W_st = jnp.stack([W2, W2])
    b_st = jnp.stack([b1.reshape(NC, H), b2.reshape(NC, H)])
    g_st = jnp.stack([g1.reshape(NC, H), g2.reshape(NC, H)])
    be_st = jnp.stack([be1.reshape(NC, H), be2.reshape(NC, H)])

    def step(hp, xs):
        Wl, bl, gl, bel = xs
        agg = _agg_call(hp.reshape(NC * N, H), src, dst).reshape(NC, N, H)
        hp_next = _ln_mm_call(agg, degT, bl, gl, bel, Wl)
        return hp_next, agg

    _, aggs = lax.scan(step, hp1, (W_st, b_st, g_st, be_st))
    agg2 = aggs[1]

    Wf2p = jnp.pad(Wf2, ((0, 0), (0, H - Wf2.shape[1])))
    bf2p = jnp.pad(bf2, (0, H - bf2.shape[0])).reshape(1, H)
    o = _head_call(agg2, degT,
                   b2.reshape(NC, H), g2.reshape(NC, H), be2.reshape(NC, H),
                   Wf1, bf1.reshape(1, H), Wf2p, bf2p)
    return o[:, :Wf2.shape[1]]

# --- scband reference (transcript-rebuilt; emitter-appended) ---
"""Pipeline reference for scband-residual-gnn-68839735821116 (READ-ONLY COPY).

The authoritative reference and input builder live on the scoring server;
editing this copy changes nothing except your own understanding.
"""

import jax, jax.numpy as jnp
import numpy as np

N_NODES = 10000
N_EDGES = 160000
D_IN = 256
D_HID = 256
N_CLASSES = 3


def layer_norm(x, gamma, beta, eps=1e-5):
    mu = jnp.mean(x, axis=-1, keepdims=True)
    var = jnp.mean((x - mu) ** 2, axis=-1, keepdims=True)
    return (x - mu) / jnp.sqrt(var + eps) * gamma + beta


def gcn_conv(x, edge_index, W, b, num_nodes):
    # GCN: D^{-1/2} (A + I) D^{-1/2} X W + b
    src = edge_index[0]
    dst = edge_index[1]
    loop = jnp.arange(num_nodes, dtype=src.dtype)
    src = jnp.concatenate([src, loop])
    dst = jnp.concatenate([dst, loop])
    deg = jnp.zeros((num_nodes,), dtype=x.dtype).at[dst].add(1.0)
    dis = jnp.where(deg > 0, 1.0 / jnp.sqrt(jnp.maximum(deg, 1e-12)), 0.0)
    norm = dis[src] * dis[dst]
    h = x @ W
    msg = h[src] * norm[:, None]
    out = jnp.zeros((num_nodes, h.shape[1]), dtype=x.dtype).at[dst].add(msg)
    return out + b


def setup_inputs(seed: int = 0) -> dict:
    key = jax.random.key(seed)
    ks = jax.random.split(key, 16)
    x = jax.random.normal(ks[0], (N_NODES, D_IN), dtype=jnp.float32)
    edge_index = jax.random.randint(ks[1], (2, N_EDGES), 0, N_NODES, dtype=jnp.int64 if jax.config.read('jax_enable_x64') else jnp.int32).astype(jnp.int32)
    batch = jnp.zeros((N_NODES,), dtype=jnp.int32)
    s1 = 1.0 / np.sqrt(D_IN)
    s2 = 1.0 / np.sqrt(D_HID)
    W1 = jax.random.uniform(ks[2], (D_IN, D_HID), jnp.float32, -s1, s1)
    b1 = jnp.zeros((D_HID,), jnp.float32)
    g1 = jnp.ones((D_HID,), jnp.float32)
    be1 = jnp.zeros((D_HID,), jnp.float32)
    W2 = jax.random.uniform(ks[3], (D_HID, D_HID), jnp.float32, -s2, s2)
    b2 = jnp.zeros((D_HID,), jnp.float32)
    g2 = jnp.ones((D_HID,), jnp.float32)
    be2 = jnp.zeros((D_HID,), jnp.float32)
    Wf1 = jax.random.uniform(ks[4], (D_HID, D_HID // 2), jnp.float32, -s2, s2)
    bf1 = jax.random.uniform(ks[5], (D_HID // 2,), jnp.float32, -s2, s2)
    sf = 1.0 / np.sqrt(D_HID // 2)
    Wf2 = jax.random.uniform(ks[6], (D_HID // 2, N_CLASSES), jnp.float32, -sf, sf)
    bf2 = jax.random.uniform(ks[7], (N_CLASSES,), jnp.float32, -sf, sf)
    return {"x": x, "edge_index": edge_index, "batch": batch,
            "W1": W1, "b1": b1, "g1": g1, "be1": be1,
            "W2": W2, "b2": b2, "g2": g2, "be2": be2,
            "Wf1": Wf1, "bf1": bf1, "Wf2": Wf2, "bf2": bf2}


def reference(x, edge_index, batch, W1, b1, g1, be1, W2, b2, g2, be2, Wf1, bf1, Wf2, bf2):
    num_nodes = x.shape[0]
    # layer 1: GCNConv -> LayerNorm -> ReLU (dropout = identity in eval)
    h = gcn_conv(x, edge_index, W1, b1, num_nodes)
    h = layer_norm(h, g1, be1)
    h = jax.nn.relu(h)
    # layer 2
    h = gcn_conv(h, edge_index, W2, b2, num_nodes)
    h = layer_norm(h, g2, be2)
    h = jax.nn.relu(h)
    # fc head: Linear -> ReLU (applied twice per original loop, idempotent) -> Linear -> tanh
    h = h @ Wf1 + bf1
    h = jax.nn.relu(h)
    h = jax.nn.relu(h)
    out = h @ Wf2 + bf2
    return jnp.tanh(out)

if __name__ == "__main__":
    import jax
    _d = setup_inputs()
    print(jax.jit(kernel)(*tuple(_d.values())))

</pallas_src>

<mosaic_0001>
#map = affine_map<(d0, d1) -> (0)>
module attributes {stable_mosaic.version = 14 : i64} {
  func.func @_deg_body(%arg0: i32, %arg1: i32, %arg2: memref<160000xi32, #tpu.memory_space<hbm>>, %arg3: memref<20000xf32, #tpu.memory_space<hbm>>, %arg4: memref<128xi32, #tpu.memory_space<vmem>>, %arg5: memref<128xf32, #tpu.memory_space<vmem>>, %arg6: memref<624xf32, #tpu.memory_space<vmem>>, %arg7: memref<10000xf32, #tpu.memory_space<vmem_shared>>) attributes {dimension_semantics = [#tpu.dimension_semantics<core_parallel>, #tpu.dimension_semantics<subcore_parallel>], iteration_bounds = array<i64: 2, 16>, scalar_prefetch = 0 : i64, scratch_operands = 4 : i64, tpu.core_type = #tpu.core_type<sc_vector_subcore>, window_params = [{transform_indices = #map}, {transform_indices = #map}]} {
    %broadcast_in_dim3A = arith.constant 1.000000e+00 : f32
    %broadcast_in_dim3A_0 = vector.broadcast %broadcast_in_dim3A : f32 to vector<16xf32>
    %swap3A = arith.constant 0 : index
    %swap3A_1 = tpu.vector_load %arg5[%swap3A] {strides = array<i32>} : memref<128xf32, #tpu.memory_space<vmem>>, vector<16xf32>,
    %swap3A_2 = vector.shape_cast %swap3A_1 : vector<16xf32> to vector<16xf32>
    %swap3A_3 = vector.shape_cast %broadcast_in_dim3A_0 : vector<16xf32> to vector<16xf32>
    tpu.vector_store %arg5[%swap3A], %swap3A_3 {strides = array<i32>} : memref<128xf32, #tpu.memory_space<vmem>>, vector<16xf32>,
    %broadcast_in_dim3A_4 = arith.constant 1.000000e+00 : f32
    %broadcast_in_dim3A_5 = vector.broadcast %broadcast_in_dim3A_4 : f32 to vector<16xf32>
    %swap3A_6 = arith.constant 16 : index
    %swap3A_7 = tpu.vector_load %arg5[%swap3A_6] {strides = array<i32>} : memref<128xf32, #tpu.memory_space<vmem>>, vector<16xf32>,
    %swap3A_8 = vector.shape_cast %swap3A_7 : vector<16xf32> to vector<16xf32>
    %swap3A_9 = vector.shape_cast %broadcast_in_dim3A_5 : vector<16xf32> to vector<16xf32>
    tpu.vector_store %arg5[%swap3A_6], %swap3A_9 {strides = array<i32>} : memref<128xf32, #tpu.memory_space<vmem>>, vector<16xf32>,
    %broadcast_in_dim3A_10 = arith.constant 1.000000e+00 : f32
    %broadcast_in_dim3A_11 = vector.broadcast %broadcast_in_dim3A_10 : f32 to vector<16xf32>
    %swap3A_12 = arith.constant 32 : index
    %swap3A_13 = tpu.vector_load %arg5[%swap3A_12] {strides = array<i32>} : memref<128xf32, #tpu.memory_space<vmem>>, vector<16xf32>,
    %swap3A_14 = vector.shape_cast %swap3A_13 : vector<16xf32> to vector<16xf32>
    %swap3A_15 = vector.shape_cast %broadcast_in_dim3A_11 : vector<16xf32> to vector<16xf32>
    tpu.vector_store %arg5[%swap3A_12], %swap3A_15 {strides = array<i32>} : memref<128xf32, #tpu.memory_space<vmem>>, vector<16xf32>,
    %broadcast_in_dim3A_16 = arith.constant 1.000000e+00 : f32
    %broadcast_in_dim3A_17 = vector.broadcast %broadcast_in_dim3A_16 : f32 to vector<16xf32>
    %swap3A_18 = arith.constant 48 : index
    %swap3A_19 = tpu.vector_load %arg5[%swap3A_18] {strides = array<i32>} : memref<128xf32, #tpu.memory_space<vmem>>, vector<16xf32>,
    %swap3A_20 = vector.shape_cast %swap3A_19 : vector<16xf32> to vector<16xf32>
    %swap3A_21 = vector.shape_cast %broadcast_in_dim3A_17 : vector<16xf32> to vector<16xf32>
    tpu.vector_store %arg5[%swap3A_18], %swap3A_21 {strides = array<i32>} : memref<128xf32, #tpu.memory_space<vmem>>, vector<16xf32>,
    %broadcast_in_dim3A_22 = arith.constant 1.000000e+00 : f32
    %broadcast_in_dim3A_23 = vector.broadcast %broadcast_in_dim3A_22 : f32 to vector<16xf32>
    %swap3A_24 = arith.constant 64 : index
    %swap3A_25 = tpu.vector_load %arg5[%swap3A_24] {strides = array<i32>} : memref<128xf32, #tpu.memory_space<vmem>>, vector<16xf32>,
    %swap3A_26 = vector.shape_cast %swap3A_25 : vector<16xf32> to vector<16xf32>
    %swap3A_27 = vector.shape_cast %broadcast_in_dim3A_23 : vector<16xf32> to vector<16xf32>
    tpu.vector_store %arg5[%swap3A_24], %swap3A_27 {strides = array<i32>} : memref<128xf32, #tpu.memory_space<vmem>>, vector<16xf32>,
    %broadcast_in_dim3A_28 = arith.constant 1.000000e+00 : f32
    %broadcast_in_dim3A_29 = vector.broadcast %broadcast_in_dim3A_28 : f32 to vector<16xf32>
    %swap3A_30 = arith.constant 80 : index
    %swap3A_31 = tpu.vector_load %arg5[%swap3A_30] {strides = array<i32>} : memref<128xf32, #tpu.memory_space<vmem>>, vector<16xf32>,
    %swap3A_32 = vector.shape_cast %swap3A_31 : vector<16xf32> to vector<16xf32>
    %swap3A_33 = vector.shape_cast %broadcast_in_dim3A_29 : vector<16xf32> to vector<16xf32>
    tpu.vector_store %arg5[%swap3A_30], %swap3A_33 {strides = array<i32>} : memref<128xf32, #tpu.memory_space<vmem>>, vector<16xf32>,
    %broadcast_in_dim3A_34 = arith.constant 1.000000e+00 : f32
    %broadcast_in_dim3A_35 = vector.broadcast %broadcast_in_dim3A_34 : f32 to vector<16xf32>
    %swap3A_36 = arith.constant 96 : index
    %swap3A_37 = tpu.vector_load %arg5[%swap3A_36] {strides = array<i32>} : memref<128xf32, #tpu.memory_space<vmem>>, vector<16xf32>,
    %swap3A_38 = vector.shape_cast %swap3A_37 : vector<16xf32> to vector<16xf32>
    %swap3A_39 = vector.shape_cast %broadcast_in_dim3A_35 : vector<16xf32> to vector<16xf32>
    tpu.vector_store %arg5[%swap3A_36], %swap3A_39 {strides = array<i32>} : memref<128xf32, #tpu.memory_space<vmem>>, vector<16xf32>,
    %broadcast_in_dim3A_40 = arith.constant 1.000000e+00 : f32
    %broadcast_in_dim3A_41 = vector.broadcast %broadcast_in_dim3A_40 : f32 to vector<16xf32>
    %swap3A_42 = arith.constant 112 : index
    %swap3A_43 = tpu.vector_load %arg5[%swap3A_42] {strides = array<i32>} : memref<128xf32, #tpu.memory_space<vmem>>, vector<16xf32>,
    %swap3A_44 = vector.shape_cast %swap3A_43 : vector<16xf32> to vector<16xf32>
    %swap3A_45 = vector.shape_cast %broadcast_in_dim3A_41 : vector<16xf32> to vector<16xf32>
    tpu.vector_store %arg5[%swap3A_42], %swap3A_45 {strides = array<i32>} : memref<128xf32, #tpu.memory_space<vmem>>, vector<16xf32>,
    %broadcast_in_dim3A_46 = arith.constant 0.000000e+00 : f32
    %broadcast_in_dim3A_47 = vector.broadcast %broadcast_in_dim3A_46 : f32 to vector<16xf32>
    %swap3A_48 = arith.constant 0 : index
    %swap3A_49 = tpu.vector_load %arg6[%swap3A_48] {strides = array<i32>} : memref<624xf32, #tpu.memory_space<vmem>>, vector<16xf32>,
    %swap3A_50 = vector.shape_cast %swap3A_49 : vector<16xf32> to vector<16xf32>
    %swap3A_51 = vector.shape_cast %broadcast_in_dim3A_47 : vector<16xf32> to vector<16xf32>
    tpu.vector_store %arg6[%swap3A_48], %swap3A_51 {strides = array<i32>} : memref<624xf32, #tpu.memory_space<vmem>>, vector<16xf32>,
    %broadcast_in_dim3A_52 = arith.constant 0.000000e+00 : f32
    %broadcast_in_dim3A_53 = vector.broadcast %broadcast_in_dim3A_52 : f32 to vector<16xf32>
    %swap3A_54 = arith.constant 16 : index
    %swap3A_55 = tpu.vector_load %arg6[%swap3A_54] {strides = array<i32>} : memref<624xf32, #tpu.memory_space<vmem>>, vector<16xf32>,
    %swap3A_56 = vector.shape_cast %swap3A_55 : vector<16xf32> to vector<16xf32>
    %swap3A_57 = vector.shape_cast %broadcast_in_dim3A_53 : vector<16xf32> to vector<16xf32>
    tpu.vector_store %arg6[%swap3A_54], %swap3A_57 {strides = array<i32>} : memref<624xf32, #tpu.memory_space<vmem>>, vector<16xf32>,
    %broadcast_in_dim3A_58 = arith.constant 0.000000e+00 : f32
    %broadcast_in_dim3A_59 = vector.broadcast %broadcast_in_dim3A_58 : f32 to vector<16xf32>
    %swap3A_60 = arith.constant 32 : index
    %swap3A_61 = tpu.vector_load %arg6[%swap3A_60] {strides = array<i32>} : memref<624xf32, #tpu.memory_space<vmem>>, vector<16xf32>,
    %swap3A_62 = vector.shape_cast %swap3A_61 : vector<16xf32> to vector<16xf32>
    %swap3A_63 = vector.shape_cast %broadcast_in_dim3A_59 : vector<16xf32> to vector<16xf32>
    tpu.vector_store %arg6[%swap3A_60], %swap3A_63 {strides = array<i32>} : memref<624xf32, #tpu.memory_space<vmem>>, vector<16xf32>,
    %broadcast_in_dim3A_64 = arith.constant 0.000000e+00 : f32
    %broadcast_in_dim3A_65 = vector.broadcast %broadcast_in_dim3A_64 : f32 to vector<16xf32>
    %swap3A_66 = arith.constant 48 : index
    %swap3A_67 = tpu.vector_load %arg6[%swap3A_66] {strides = array<i32>} : memref<624xf32, #tpu.memory_space<vmem>>, vector<16xf32>,
    %swap3A_68 = vector.shape_cast %swap3A_67 : vector<16xf32> to vector<16xf32>
    %swap3A_69 = vector.shape_cast %broadcast_in_dim3A_65 : vector<16xf32> to vector<16xf32>
    tpu.vector_store %arg6[%swap3A_66], %swap3A_69 {strides = array<i32>} : memref<624xf32, #tpu.memory_space<vmem>>, vector<16xf32>,
    %broadcast_in_dim3A_70 = arith.constant 0.000000e+00 : f32
    %broadcast_in_dim3A_71 = vector.broadcast %broadcast_in_dim3A_70 : f32 to vector<16xf32>
    %swap3A_72 = arith.constant 64 : index
    %swap3A_73 = tpu.vector_load %arg6[%swap3A_72] {strides = array<i32>} : memref<624xf32, #tpu.memory_space<vmem>>, vector<16xf32>,
    %swap3A_74 = vector.shape_cast %swap3A_73 : vector<16xf32> to vector<16xf32>
    %swap3A_75 = vector.shape_cast %broadcast_in_dim3A_71 : vector<16xf32> to vector<16xf32>
    tpu.vector_store %arg6[%swap3A_72], %swap3A_75 {strides = array<i32>} : memref<624xf32, #tpu.memory_space<vmem>>, vector<16xf32>,
    %broadcast_in_dim3A_76 = arith.constant 0.000000e+00 : f32
    %broadcast_in_dim3A_77 = vector.broadcast %broadcast_in_dim3A_76 : f32 to vector<16xf32>
    %swap3A_78 = arith.constant 80 : index
    %swap3A_79 = tpu.vector_load %arg6[%swap3A_78] {strides = array<i32>} : memref<624xf32, #tpu.memory_space<vmem>>, vector<16xf32>,
    %swap3A_80 = vector.shape_cast %swap3A_79 : vector<16xf32> to vector<16xf32>
    %swap3A_81 = vector.shape_cast %broadcast_in_dim3A_77 : vector<16xf32> to vector<16xf32>
    tpu.vector_store %arg6[%swap3A_78], %swap3A_81 {strides = array<i32>} : memref<624xf32, #tpu.memory_space<vmem>>, vector<16xf32>,
    %broadcast_in_dim3A_82 = arith.constant 0.000000e+00 : f32
    %broadcast_in_dim3A_83 = vector.broadcast %broadcast_in_dim3A_82 : f32 to vector<16xf32>
    %swap3A_84 = arith.constant 96 : index
    %swap3A_85 = tpu.vector_load %arg6[%swap3A_84] {strides = array<i32>} : memref<624xf32, #tpu.memory_space<vmem>>, vector<16xf32>,
    %swap3A_86 = vector.shape_cast %swap3A_85 : vector<16xf32> to vector<16xf32>
    %swap3A_87 = vector.shape_cast %broadcast_in_dim3A_83 : vector<16xf32> to vector<16xf32>
    tpu.vector_store %arg6[%swap3A_84], %swap3A_87 {strides = array<i32>} : memref<624xf32, #tpu.memory_space<vmem>>, vector<16xf32>,
    %broadcast_in_dim3A_88 = arith.constant 0.000000e+00 : f32
    %broadcast_in_dim3A_89 = vector.broadcast %broadcast_in_dim3A_88 : f32 to vector<16xf32>
    %swap3A_90 = arith.constant 112 : index
    %swap3A_91 = tpu.vector_load %arg6[%swap3A_90] {strides = array<i32>} : memref<624xf32, #tpu.memory_space<vmem>>, vector<16xf32>,
    %swap3A_92 = vector.shape_cast %swap3A_91 : vector<16xf32> to vector<16xf32>
    %swap3A_93 = vector.shape_cast %broadcast_in_dim3A_89 : vector<16xf32> to vector<16xf32>
    tpu.vector_store %arg6[%swap3A_90], %swap3A_93 {strides = array<i32>} : memref<624xf32, #tpu.memory_space<vmem>>, vector<16xf32>,
    %broadcast_in_dim3A_94 = arith.constant 0.000000e+00 : f32
    %broadcast_in_dim3A_95 = vector.broadcast %broadcast_in_dim3A_94 : f32 to vector<16xf32>
    %swap3A_96 = arith.constant 128 : index
    %swap3A_97 = tpu.vector_load %arg6[%swap3A_96] {strides = array<i32>} : memref<624xf32, #tpu.memory_space<vmem>>, vector<16xf32>,
    %swap3A_98 = vector.shape_cast %swap3A_97 : vector<16xf32> to vector<16xf32>
    %swap3A_99 = vector.shape_cast %broadcast_in_dim3A_95 : vector<16xf32> to vector<16xf32>
    tpu.vector_store %arg6[%swap3A_96], %swap3A_99 {strides = array<i32>} : memref<624xf32, #tpu.memory_space<vmem>>, vector<16xf32>,
    %broadcast_in_dim3A_100 = arith.constant 0.000000e+00 : f32
    %broadcast_in_dim3A_101 = vector.broadcast %broadcast_in_dim3A_100 : f32 to vector<16xf32>
    %swap3A_102 = arith.constant 144 : index
    %swap3A_103 = tpu.vector_load %arg6[%swap3A_102] {strides = array<i32>} : memref<624xf32, #tpu.memory_space<vmem>>, vector<16xf32>,
    %swap3A_104 = vector.shape_cast %swap3A_103 : vector<16xf32> to vector<16xf32>
    %swap3A_105 = vector.shape_cast %broadcast_in_dim3A_101 : vector<16xf32> to vector<16xf32>
    tpu.vector_store %arg6[%swap3A_102], %swap3A_105 {strides = array<i32>} : memref<624xf32, #tpu.memory_space<vmem>>, vector<16xf32>,
    %broadcast_in_dim3A_106 = arith.constant 0.000000e+00 : f32
    %broadcast_in_dim3A_107 = vector.broadcast %broadcast_in_dim3A_106 : f32 to vector<16xf32>
    %swap3A_108 = arith.constant 160 : index
    %swap3A_109 = tpu.vector_load %arg6[%swap3A_108] {strides = array<i32>} : memref<624xf32, #tpu.memory_space<vmem>>, vector<16xf32>,
    %swap3A_110 = vector.shape_cast %swap3A_109 : vector<16xf32> to vector<16xf32>
    %swap3A_111 = vector.shape_cast %broadcast_in_dim3A_107 : vector<16xf32> to vector<16xf32>
    tpu.vector_store %arg6[%swap3A_108], %swap3A_111 {strides = array<i32>} : memref<624xf32, #tpu.memory_space<vmem>>, vector<16xf32>,
    %broadcast_in_dim3A_112 = arith.constant 0.000000e+00 : f32
    %broadcast_in_dim3A_113 = vector.broadcast %broadcast_in_dim3A_112 : f32 to vector<16xf32>
    %swap3A_114 = arith.constant 176 : index
    %swap3A_115 = tpu.vector_load %arg6[%swap3A_114] {strides = array<i32>} : memref<624xf32, #tpu.memory_space<vmem>>, vector<16xf32>,
    %swap3A_116 = vector.shape_cast %swap3A_115 : vector<16xf32> to vector<16xf32>
    %swap3A_117 = vector.shape_cast %broadcast_in_dim3A_113 : vector<16xf32> to vector<16xf32>
    tpu.vector_store %arg6[%swap3A_114], %swap3A_117 {strides = array<i32>} : memref<624xf32, #tpu.memory_space<vmem>>, vector<16xf32>,
    %broadcast_in_dim3A_118 = arith.constant 0.000000e+00 : f32
    %broadcast_in_dim3A_119 = vector.broadcast %broadcast_in_dim3A_118 : f32 to vector<16xf32>
    %swap3A_120 = arith.constant 192 : index
    %swap3A_121 = tpu.vector_load %arg6[%swap3A_120] {strides = array<i32>} : memref<624xf32, #tpu.memory_space<vmem>>, vector<16xf32>,
    %swap3A_122 = vector.shape_cast %swap3A_121 : vector<16xf32> to vector<16xf32>
    %swap3A_123 = vector.shape_cast %broadcast_in_dim3A_119 : vector<16xf32> to vector<16xf32>
    tpu.vector_store %arg6[%swap3A_120], %swap3A_123 {strides = array<i32>} : memref<624xf32, #tpu.memory_space<vmem>>, vector<16xf32>,
    %broadcast_in_dim3A_124 = arith.constant 0.000000e+00 : f32
    %broadcast_in_dim3A_125 = vector.broadcast %broadcast_in_dim3A_124 : f32 to vector<16xf32>
    %swap3A_126 = arith.constant 208 : index
    %swap3A_127 = tpu.vector_load %arg6[%swap3A_126] {strides = array<i32>} : memref<624xf32, #tpu.memory_space<vmem>>, vector<16xf32>,
    %swap3A_128 = vector.shape_cast %swap3A_127 : vector<16xf32> to vector<16xf32>
    %swap3A_129 = vector.shape_cast %broadcast_in_dim3A_125 : vector<16xf32> to vector<16xf32>
    tpu.vector_store %arg6[%swap3A_126], %swap3A_129 {strides = array<i32>} : memref<624xf32, #tpu.memory_space<vmem>>, vector<16xf32>,
    %broadcast_in_dim3A_130 = arith.constant 0.000000e+00 : f32
    %broadcast_in_dim3A_131 = vector.broadcast %broadcast_in_dim3A_130 : f32 to vector<16xf32>
    %swap3A_132 = arith.constant 224 : index
    %swap3A_133 = tpu.vector_load %arg6[%swap3A_132] {strides = array<i32>} : memref<624xf32, #tpu.memory_space<vmem>>, vector<16xf32>,
    %swap3A_134 = vector.shape_cast %swap3A_133 : vector<16xf32> to vector<16xf32>
    %swap3A_135 = vector.shape_cast %broadcast_in_dim3A_131 : vector<16xf32> to vector<16xf32>
    tpu.vector_store %arg6[%swap3A_132], %swap3A_135 {strides = array<i32>} : memref<624xf32, #tpu.memory_space<vmem>>, vector<16xf32>,
    %broadcast_in_dim3A_136 = arith.constant 0.000000e+00 : f32
    %broadcast_in_dim3A_137 = vector.broadcast %broadcast_in_dim3A_136 : f32 to vector<16xf32>
    %swap3A_138 = arith.constant 240 : index
    %swap3A_139 = tpu.vector_load %arg6[%swap3A_138] {strides = array<i32>} : memref<624xf32, #tpu.memory_space<vmem>>, vector<16xf32>,
    %swap3A_140 = vector.shape_cast %swap3A_139 : vector<16xf32> to vector<16xf32>
    %swap3A_141 = vector.shape_cast %broadcast_in_dim3A_137 : vector<16xf32> to vector<16xf32>
    tpu.vector_store %arg6[%swap3A_138], %swap3A_141 {strides = array<i32>} : memref<624xf32, #tpu.memory_space<vmem>>, vector<16xf32>,
    %broadcast_in_dim3A_142 = arith.constant 0.000000e+00 : f32
    %broadcast_in_dim3A_143 = vector.broadcast %broadcast_in_dim3A_142 : f32 to vector<16xf32>
    %swap3A_144 = arith.constant 256 : index
    %swap3A_145 = tpu.vector_load %arg6[%swap3A_144] {strides = array<i32>} : memref<624xf32, #tpu.memory_space<vmem>>, vector<16xf32>,
    %swap3A_146 = vector.shape_cast %swap3A_145 : vector<16xf32> to vector<16xf32>
    %swap3A_147 = vector.shape_cast %broadcast_in_dim3A_143 : vector<16xf32> to vector<16xf32>
    tpu.vector_store %arg6[%swap3A_144], %swap3A_147 {strides = array<i32>} : memref<624xf32, #tpu.memory_space<vmem>>, vector<16xf32>,
    %broadcast_in_dim3A_148 = arith.constant 0.000000e+00 : f32
    %broadcast_in_dim3A_149 = vector.broadcast %broadcast_in_dim3A_148 : f32 to vector<16xf32>
    %swap3A_150 = arith.constant 272 : index
    %swap3A_151 = tpu.vector_load %arg6[%swap3A_150] {strides = array<i32>} : memref<624xf32, #tpu.memory_space<vmem>>, vector<16xf32>,
    %swap3A_152 = vector.shape_cast %swap3A_151 : vector<16xf32> to vector<16xf32>
    %swap3A_153 = vector.shape_cast %broadcast_in_dim3A_149 : vector<16xf32> to vector<16xf32>
    tpu.vector_store %arg6[%swap3A_150], %swap3A_153 {strides = array<i32>} : memref<624xf32, #tpu.memory_space<vmem>>, vector<16xf32>,
    %broadcast_in_dim3A_154 = arith.constant 0.000000e+00 : f32
    %broadcast_in_dim3A_155 = vector.broadcast %broadcast_in_dim3A_154 : f32 to vector<16xf32>
    %swap3A_156 = arith.constant 288 : index
    %swap3A_157 = tpu.vector_load %arg6[%swap3A_156] {strides = array<i32>} : memref<624xf32, #tpu.memory_space<vmem>>, vector<16xf32>,
    %swap3A_158 = vector.shape_cast %swap3A_157 : vector<16xf32> to vector<16xf32>
    %swap3A_159 = vector.shape_cast %broadcast_in_dim3A_155 : vector<16xf32> to vector<16xf32>
    tpu.vector_store %arg6[%swap3A_156], %swap3A_159 {strides = array<i32>} : memref<624xf32, #tpu.memory_space<vmem>>, vector<16xf32>,
    %broadcast_in_dim3A_160 = arith.constant 0.000000e+00 : f32
    %broadcast_in_dim3A_161 = vector.broadcast %broadcast_in_dim3A_160 : f32 to vector<16xf32>
    %swap3A_162 = arith.constant 304 : index
    %swap3A_163 = tpu.vector_load %arg6[%swap3A_162] {strides = array<i32>} : memref<624xf32, #tpu.memory_space<vmem>>, vector<16xf32>,
    %swap3A_164 = vector.shape_cast %swap3A_163 : vector<16xf32> to vector<16xf32>
    %swap3A_165 = vector.shape_cast %broadcast_in_dim3A_161 : vector<16xf32> to vector<16xf32>
    tpu.vector_store %arg6[%swap3A_162], %swap3A_165 {strides = array<i32>} : memref<624xf32, #tpu.memory_space<vmem>>, vector<16xf32>,
    %broadcast_in_dim3A_166 = arith.constant 0.000000e+00 : f32
    %broadcast_in_dim3A_167 = vector.broadcast %broadcast_in_dim3A_166 : f32 to vector<16xf32>
    %swap3A_168 = arith.constant 320 : index
    %swap3A_169 = tpu.vector_load %arg6[%swap3A_168] {strides = array<i32>} : memref<624xf32, #tpu.memory_space<vmem>>, vector<16xf32>,
    %swap3A_170 = vector.shape_cast %swap3A_169 : vector<16xf32> to vector<16xf32>
    %swap3A_171 = vector.shape_cast %broadcast_in_dim3A_167 : vector<16xf32> to vector<16xf32>
    tpu.vector_store %arg6[%swap3A_168], %swap3A_171 {strides = array<i32>} : memref<624xf32, #tpu.memory_space<vmem>>, vector<16xf32>,
    %broadcast_in_dim3A_172 = arith.constant 0.000000e+00 : f32
    %broadcast_in_dim3A_173 = vector.broadcast %broadcast_in_dim3A_172 : f32 to vector<16xf32>
    %swap3A_174 = arith.constant 336 : index
    %swap3A_175 = tpu.vector_load %arg6[%swap3A_174] {strides = array<i32>} : memref<624xf32, #tpu.memory_space<vmem>>, vector<16xf32>,
    %swap3A_176 = vector.shape_cast %swap3A_175 : vector<16xf32> to vector<16xf32>
    %swap3A_177 = vector.shape_cast %broadcast_in_dim3A_173 : vector<16xf32> to vector<16xf32>
    tpu.vector_store %arg6[%swap3A_174], %swap3A_177 {strides = array<i32>} : memref<624xf32, #tpu.memory_space<vmem>>, vector<16xf32>,
    %broadcast_in_dim3A_178 = arith.constant 0.000000e+00 : f32
    %broadcast_in_dim3A_179 = vector.broadcast %broadcast_in_dim3A_178 : f32 to vector<16xf32>
    %swap3A_180 = arith.constant 352 : index
    %swap3A_181 = tpu.vector_load %arg6[%swap3A_180] {strides = array<i32>} : memref<624xf32, #tpu.memory_space<vmem>>, vector<16xf32>,
    %swap3A_182 = vector.shape_cast %swap3A_181 : vector<16xf32> to vector<16xf32>
    %swap3A_183 = vector.shape_cast %broadcast_in_dim3A_179 : vector<16xf32> to vector<16xf32>
    tpu.vector_store %arg6[%swap3A_180], %swap3A_183 {strides = array<i32>} : memref<624xf32, #tpu.memory_space<vmem>>, vector<16xf32>,
    %broadcast_in_dim3A_184 = arith.constant 0.000000e+00 : f32
    %broadcast_in_dim3A_185 = vector.broadcast %broadcast_in_dim3A_184 : f32 to vector<16xf32>
    %swap3A_186 = arith.constant 368 : index
    %swap3A_187 = tpu.vector_load %arg6[%swap3A_186] {strides = array<i32>} : memref<624xf32, #tpu.memory_space<vmem>>, vector<16xf32>,
    %swap3A_188 = vector.shape_cast %swap3A_187 : vector<16xf32> to vector<16xf32>
    %swap3A_189 = vector.shape_cast %broadcast_in_dim3A_185 : vector<16xf32> to vector<16xf32>
    tpu.vector_store %arg6[%swap3A_186], %swap3A_189 {strides = array<i32>} : memref<624xf32, #tpu.memory_space<vmem>>, vector<16xf32>,
    %broadcast_in_dim3A_190 = arith.constant 0.000000e+00 : f32
    %broadcast_in_dim3A_191 = vector.broadcast %broadcast_in_dim3A_190 : f32 to vector<16xf32>
    %swap3A_192 = arith.constant 384 : index
    %swap3A_193 = tpu.vector_load %arg6[%swap3A_192] {strides = array<i32>} : memref<624xf32, #tpu.memory_space<vmem>>, vector<16xf32>,
    %swap3A_194 = vector.shape_cast %swap3A_193 : vector<16xf32> to vector<16xf32>
    %swap3A_195 = vector.shape_cast %broadcast_in_dim3A_191 : vector<16xf32> to vector<16xf32>
    tpu.vector_store %arg6[%swap3A_192], %swap3A_195 {strides = array<i32>} : memref<624xf32, #tpu.memory_space<vmem>>, vector<16xf32>,
    %broadcast_in_dim3A_196 = arith.constant 0.000000e+00 : f32
    %broadcast_in_dim3A_197 = vector.broadcast %broadcast_in_dim3A_196 : f32 to vector<16xf32>
    %swap3A_198 = arith.constant 400 : index
    %swap3A_199 = tpu.vector_load %arg6[%swap3A_198] {strides = array<i32>} : memref<624xf32, #tpu.memory_space<vmem>>, vector<16xf32>,
    %swap3A_200 = vector.shape_cast %swap3A_199 : vector<16xf32> to vector<16xf32>
    %swap3A_201 = vector.shape_cast %broadcast_in_dim3A_197 : vector<16xf32> to vector<16xf32>
    tpu.vector_store %arg6[%swap3A_198], %swap3A_201 {strides = array<i32>} : memref<624xf32, #tpu.memory_space<vmem>>, vector<16xf32>,
    %broadcast_in_dim3A_202 = arith.constant 0.000000e+00 : f32
    %broadcast_in_dim3A_203 = vector.broadcast %broadcast_in_dim3A_202 : f32 to vector<16xf32>
    %swap3A_204 = arith.constant 416 : index
    %swap3A_205 = tpu.vector_load %arg6[%swap3A_204] {strides = array<i32>} : memref<624xf32, #tpu.memory_space<vmem>>, vector<16xf32>,
    %swap3A_206 = vector.shape_cast %swap3A_205 : vector<16xf32> to vector<16xf32>
    %swap3A_207 = vector.shape_cast %broadcast_in_dim3A_203 : vector<16xf32> to vector<16xf32>
    tpu.vector_store %arg6[%swap3A_204], %swap3A_207 {strides = array<i32>} : memref<624xf32, #tpu.memory_space<vmem>>, vector<16xf32>,
    %broadcast_in_dim3A_208 = arith.constant 0.000000e+00 : f32
    %broadcast_in_dim3A_209 = vector.broadcast %broadcast_in_dim3A_208 : f32 to vector<16xf32>
    %swap3A_210 = arith.constant 432 : index
    %swap3A_211 = tpu.vector_load %arg6[%swap3A_210] {strides = array<i32>} : memref<624xf32, #tpu.memory_space<vmem>>, vector<16xf32>,
    %swap3A_212 = vector.shape_cast %swap3A_211 : vector<16xf32> to vector<16xf32>
    %swap3A_213 = vector.shape_cast %broadcast_in_dim3A_209 : vector<16xf32> to vector<16xf32>
    tpu.vector_store %arg6[%swap3A_210], %swap3A_213 {strides = array<i32>} : memref<624xf32, #tpu.memory_space<vmem>>, vector<16xf32>,
    %broadcast_in_dim3A_214 = arith.constant 0.000000e+00 : f32
    %broadcast_in_dim3A_215 = vector.broadcast %broadcast_in_dim3A_214 : f32 to vector<16xf32>
    %swap3A_216 = arith.constant 448 : index
    %swap3A_217 = tpu.vector_load %arg6[%swap3A_216] {strides = array<i32>} : memref<624xf32, #tpu.memory_space<vmem>>, vector<16xf32>,
    %swap3A_218 = vector.shape_cast %swap3A_217 : vector<16xf32> to vector<16xf32>
    %swap3A_219 = vector.shape_cast %broadcast_in_dim3A_215 : vector<16xf32> to vector<16xf32>
    tpu.vector_store %arg6[%swap3A_216], %swap3A_219 {strides = array<i32>} : memref<624xf32, #tpu.memory_space<vmem>>, vector<16xf32>,
    %broadcast_in_dim3A_220 = arith.constant 0.000000e+00 : f32
    %broadcast_in_dim3A_221 = vector.broadcast %broadcast_in_dim3A_220 : f32 to vector<16xf32>
    %swap3A_222 = arith.constant 464 : index
    %swap3A_223 = tpu.vector_load %arg6[%swap3A_222] {strides = array<i32>} : memref<624xf32, #tpu.memory_space<vmem>>, vector<16xf32>,
    %swap3A_224 = vector.shape_cast %swap3A_223 : vector<16xf32> to vector<16xf32>
    %swap3A_225 = vector.shape_cast %broadcast_in_dim3A_221 : vector<16xf32> to vector<16xf32>
    tpu.vector_store %arg6[%swap3A_222], %swap3A_225 {strides = array<i32>} : memref<624xf32, #tpu.memory_space<vmem>>, vector<16xf32>,
    %broadcast_in_dim3A_226 = arith.constant 0.000000e+00 : f32
    %broadcast_in_dim3A_227 = vector.broadcast %broadcast_in_dim3A_226 : f32 to vector<16xf32>
    %swap3A_228 = arith.constant 480 : index
    %swap3A_229 = tpu.vector_load %arg6[%swap3A_228] {strides = array<i32>} : memref<624xf32, #tpu.memory_space<vmem>>, vector<16xf32>,
    %swap3A_230 = vector.shape_cast %swap3A_229 : vector<16xf32> to vector<16xf32>
    %swap3A_231 = vector.shape_cast %broadcast_in_dim3A_227 : vector<16xf32> to vector<16xf32>
    tpu.vector_store %arg6[%swap3A_228], %swap3A_231 {strides = array<i32>} : memref<624xf32, #tpu.memory_space<vmem>>, vector<16xf32>,
    %broadcast_in_dim3A_232 = arith.constant 0.000000e+00 : f32
    %broadcast_in_dim3A_233 = vector.broadcast %broadcast_in_dim3A_232 : f32 to vector<16xf32>
    %swap3A_234 = arith.constant 496 : index
    %swap3A_235 = tpu.vector_load %arg6[%swap3A_234] {strides = array<i32>} : memref<624xf32, #tpu.memory_space<vmem>>, vector<16xf32>,
    %swap3A_236 = vector.shape_cast %swap3A_235 : vector<16xf32> to vector<16xf32>
    %swap3A_237 = vector.shape_cast %broadcast_in_dim3A_233 : vector<16xf32> to vector<16xf32>
    tpu.vector_store %arg6[%swap3A_234], %swap3A_237 {strides = array<i32>} : memref<624xf32, #tpu.memory_space<vmem>>, vector<16xf32>,
    %broadcast_in_dim3A_238 = arith.constant 0.000000e+00 : f32
    %broadcast_in_dim3A_239 = vector.broadcast %broadcast_in_dim3A_238 : f32 to vector<16xf32>
    %swap3A_240 = arith.constant 512 : index
    %swap3A_241 = tpu.vector_load %arg6[%swap3A_240] {strides = array<i32>} : memref<624xf32, #tpu.memory_space<vmem>>, vector<16xf32>,
    %swap3A_242 = vector.shape_cast %swap3A_241 : vector<16xf32> to vector<16xf32>
    %swap3A_243 = vector.shape_cast %broadcast_in_dim3A_239 : vector<16xf32> to vector<16xf32>
    tpu.vector_store %arg6[%swap3A_240], %swap3A_243 {strides = array<i32>} : memref<624xf32, #tpu.memory_space<vmem>>, vector<16xf32>,
    %broadcast_in_dim3A_244 = arith.constant 0.000000e+00 : f32
    %broadcast_in_dim3A_245 = vector.broadcast %broadcast_in_dim3A_244 : f32 to vector<16xf32>
    %swap3A_246 = arith.constant 528 : index
    %swap3A_247 = tpu.vector_load %arg6[%swap3A_246] {strides = array<i32>} : memref<624xf32, #tpu.memory_space<vmem>>, vector<16xf32>,
    %swap3A_248 = vector.shape_cast %swap3A_247 : vector<16xf32> to vector<16xf32>
    %swap3A_249 = vector.shape_cast %broadcast_in_dim3A_245 : vector<16xf32> to vector<16xf32>
    tpu.vector_store %arg6[%swap3A_246], %swap3A_249 {strides = array<i32>} : memref<624xf32, #tpu.memory_space<vmem>>, vector<16xf32>,
    %broadcast_in_dim3A_250 = arith.constant 0.000000e+00 : f32
    %broadcast_in_dim3A_251 = vector.broadcast %broadcast_in_dim3A_250 : f32 to vector<16xf32>
    %swap3A_252 = arith.constant 544 : index
    %swap3A_253 = tpu.vector_load %arg6[%swap3A_252] {strides = array<i32>} : memref<624xf32, #tpu.memory_space<vmem>>, vector<16xf32>,
    %swap3A_254 = vector.shape_cast %swap3A_253 : vector<16xf32> to vector<16xf32>
    %swap3A_255 = vector.shape_cast %broadcast_in_dim3A_251 : vector<16xf32> to vector<16xf32>
    tpu.vector_store %arg6[%swap3A_252], %swap3A_255 {strides = array<i32>} : memref<624xf32, #tpu.memory_space<vmem>>, vector<16xf32>,
    %broadcast_in_dim3A_256 = arith.constant 0.000000e+00 : f32
    %broadcast_in_dim3A_257 = vector.broadcast %broadcast_in_dim3A_256 : f32 to vector<16xf32>
    %swap3A_258 = arith.constant 560 : index
    %swap3A_259 = tpu.vector_load %arg6[%swap3A_258] {strides = array<i32>} : memref<624xf32, #tpu.memory_space<vmem>>, vector<16xf32>,
    %swap3A_260 = vector.shape_cast %swap3A_259 : vector<16xf32> to vector<16xf32>
    %swap3A_261 = vector.shape_cast %broadcast_in_dim3A_257 : vector<16xf32> to vector<16xf32>
    tpu.vector_store %arg6[%swap3A_258], %swap3A_261 {strides = array<i32>} : memref<624xf32, #tpu.memory_space<vmem>>, vector<16xf32>,
    %broadcast_in_dim3A_262 = arith.constant 0.000000e+00 : f32
    %broadcast_in_dim3A_263 = vector.broadcast %broadcast_in_dim3A_262 : f32 to vector<16xf32>
    %swap3A_264 = arith.constant 576 : index
    %swap3A_265 = tpu.vector_load %arg6[%swap3A_264] {strides = array<i32>} : memref<624xf32, #tpu.memory_space<vmem>>, vector<16xf32>,
    %swap3A_266 = vector.shape_cast %swap3A_265 : vector<16xf32> to vector<16xf32>
    %swap3A_267 = vector.shape_cast %broadcast_in_dim3A_263 : vector<16xf32> to vector<16xf32>
    tpu.vector_store %arg6[%swap3A_264], %swap3A_267 {strides = array<i32>} : memref<624xf32, #tpu.memory_space<vmem>>, vector<16xf32>,
    %broadcast_in_dim3A_268 = arith.constant 0.000000e+00 : f32
    %broadcast_in_dim3A_269 = vector.broadcast %broadcast_in_dim3A_268 : f32 to vector<16xf32>
    %swap3A_270 = arith.constant 592 : index
    %swap3A_271 = tpu.vector_load %arg6[%swap3A_270] {strides = array<i32>} : memref<624xf32, #tpu.memory_space<vmem>>, vector<16xf32>,
    %swap3A_272 = vector.shape_cast %swap3A_271 : vector<16xf32> to vector<16xf32>
    %swap3A_273 = vector.shape_cast %broadcast_in_dim3A_269 : vector<16xf32> to vector<16xf32>
    tpu.vector_store %arg6[%swap3A_270], %swap3A_273 {strides = array<i32>} : memref<624xf32, #tpu.memory_space<vmem>>, vector<16xf32>,
    %broadcast_in_dim3A_274 = arith.constant 0.000000e+00 : f32
    %broadcast_in_dim3A_275 = vector.broadcast %broadcast_in_dim3A_274 : f32 to vector<16xf32>
    %swap3A_276 = arith.constant 608 : index
    %swap3A_277 = tpu.vector_load %arg6[%swap3A_276] {strides = array<i32>} : memref<624xf32, #tpu.memory_space<vmem>>, vector<16xf32>,
    %swap3A_278 = vector.shape_cast %swap3A_277 : vector<16xf32> to vector<16xf32>
    %swap3A_279 = vector.shape_cast %broadcast_in_dim3A_275 : vector<16xf32> to vector<16xf32>
    tpu.vector_store %arg6[%swap3A_276], %swap3A_279 {strides = array<i32>} : memref<624xf32, #tpu.memory_space<vmem>>, vector<16xf32>,
    %mul3A = arith.constant 624 : i32
    %mul3A_280 = arith.muli %arg1, %mul3A : i32
    "tpu.region"() ({
      %run_scoped3A = tpu.sem_alloc : memref<!tpu.dma_semaphore, #tpu.memory_space<semaphore_mem>>
      %dma_start3A = tpu.memref_slice %arg7[%mul3A_280] : memref<10000xf32, #tpu.memory_space<vmem_shared>> -> memref<624xf32, #tpu.memory_space<vmem_shared>>
      %dma_start3A_314 = tpu.memref_slice %arg7[%mul3A_280] : memref<10000xf32, #tpu.memory_space<vmem_shared>> -> memref<624xf32, #tpu.memory_space<vmem_shared>>
      tpu.enqueue_dma source(%arg6 : memref<624xf32, #tpu.memory_space<vmem>>) target(%dma_start3A_314 : memref<624xf32, #tpu.memory_space<vmem_shared>>) target_semaphore(%run_scoped3A : memref<!tpu.dma_semaphore, #tpu.memory_space<semaphore_mem>>)
      %dma_wait3A = tpu.memref_slice %arg7[%mul3A_280] : memref<10000xf32, #tpu.memory_space<vmem_shared>> -> memref<624xf32, #tpu.memory_space<vmem_shared>>
      %dma_wait3A_315 = tpu.memref_slice %arg7[%mul3A_280] : memref<10000xf32, #tpu.memory_space<vmem_shared>> -> memref<624xf32, #tpu.memory_space<vmem_shared>>
      tpu.wait_dma2 semaphore(%run_scoped3A : memref<!tpu.dma_semaphore, #tpu.memory_space<semaphore_mem>>) src(%arg6 : memref<624xf32, #tpu.memory_space<vmem>>) dst(%dma_wait3A_315 : memref<624xf32, #tpu.memory_space<vmem_shared>>)
      tpu.yield
    }) : () -> ()
    %eq3A = arith.constant 0 : i32
    %eq3A_281 = arith.cmpi eq, %arg1, %eq3A : i32
    %convert_element_type3A = arith.extui %eq3A_281 : i1 to i32
    %cond3A = arith.constant 0 : i32
    %cond3A_282 = arith.cmpi ne, %convert_element_type3A, %cond3A : i32
    scf.if %cond3A_282 {
      "tpu.region"() ({
        %run_scoped3A = tpu.sem_alloc : memref<!tpu.dma_semaphore, #tpu.memory_space<semaphore_mem>>
        %dma_start3A = arith.constant 0 : i32
        %dma_start3A_314 = tpu.memref_slice %arg6[%dma_start3A] : memref<624xf32, #tpu.memory_space<vmem>> -> memref<16xf32, #tpu.memory_space<vmem>>
        %dma_start3A_315 = arith.constant 9984 : i32
        %dma_start3A_316 = tpu.memref_slice %arg7[%dma_start3A_315] : memref<10000xf32, #tpu.memory_space<vmem_shared>> -> memref<16xf32, #tpu.memory_space<vmem_shared>>
        %dma_start3A_317 = arith.constant 9984 : i32
        %dma_start3A_318 = tpu.memref_slice %arg7[%dma_start3A_317] : memref<10000xf32, #tpu.memory_space<vmem_shared>> -> memref<16xf32, #tpu.memory_space<vmem_shared>>
        %dma_start3A_319 = arith.constant 0 : i32
        %dma_start3A_320 = tpu.memref_slice %arg6[%dma_start3A_319] : memref<624xf32, #tpu.memory_space<vmem>> -> memref<16xf32, #tpu.memory_space<vmem>>
        tpu.enqueue_dma source(%dma_start3A_320 : memref<16xf32, #tpu.memory_space<vmem>>) target(%dma_start3A_318 : memref<16xf32, #tpu.memory_space<vmem_shared>>) target_semaphore(%run_scoped3A : memref<!tpu.dma_semaphore, #tpu.memory_space<semaphore_mem>>)
        %dma_wait3A = arith.constant 0 : i32
        %dma_wait3A_321 = tpu.memref_slice %arg6[%dma_wait3A] : memref<624xf32, #tpu.memory_space<vmem>> -> memref<16xf32, #tpu.memory_space<vmem>>
        %dma_wait3A_322 = arith.constant 9984 : i32
        %dma_wait3A_323 = tpu.memref_slice %arg7[%dma_wait3A_322] : memref<10000xf32, #tpu.memory_space<vmem_shared>> -> memref<16xf32, #tpu.memory_space<vmem_shared>>
        %dma_wait3A_324 = arith.constant 9984 : i32
        %dma_wait3A_325 = tpu.memref_slice %arg7[%dma_wait3A_324] : memref<10000xf32, #tpu.memory_space<vmem_shared>> -> memref<16xf32, #tpu.memory_space<vmem_shared>>
        %dma_wait3A_326 = arith.constant 0 : i32
        %dma_wait3A_327 = tpu.memref_slice %arg6[%dma_wait3A_326] : memref<624xf32, #tpu.memory_space<vmem>> -> memref<16xf32, #tpu.memory_space<vmem>>
        tpu.wait_dma2 semaphore(%run_scoped3A : memref<!tpu.dma_semaphore, #tpu.memory_space<semaphore_mem>>) src(%dma_wait3A_327 : memref<16xf32, #tpu.memory_space<vmem>>) dst(%dma_wait3A_325 : memref<16xf32, #tpu.memory_space<vmem_shared>>)
        tpu.yield
      }) : () -> ()
    } else {
    }
    %barrier3A = arith.constant 0 : index
    tpu.barrier barrier_id(%barrier3A)
    %mul3A_283 = arith.constant 80000 : i32
    %mul3A_284 = arith.muli %arg0, %mul3A_283 : i32
    %mul3A_285 = arith.constant 4992 : i32
    %mul3A_286 = arith.muli %arg1, %mul3A_285 : i32
    %add3A = arith.addi %mul3A_284, %mul3A_286 : i32
    %eq3A_287 = arith.constant 15 : i32
    %eq3A_288 = arith.cmpi eq, %arg1, %eq3A_287 : i32
    %jit3A = arith.constant 1 : i32
    %jit3A_289 = arith.constant 0 : i32
    %select_n3A = arith.select %eq3A_288, %jit3A, %jit3A_289 : i32
    %add3A_290 = arith.constant 39 : i32
    %add3A_291 = arith.addi %add3A_290, %select_n3A : i32
    %while3A = arith.constant 0 : i32
    %while3A_292 = arith.constant 0 : i32
    %while3A_293 = arith.subi %add3A_291, %while3A_292 : i32
    %while3A_294 = arith.addi %while3A_292, %while3A_293 : i32
    %while3A_295 = arith.constant 1 : i32
    %while3A_296 = arith.divsi %while3A_293, %while3A_295 : i32
    %while3A_297 = arith.muli %while3A_296, %while3A_295 : i32
    %while3A_298 = arith.addi %while3A_292, %while3A_297 : i32
    %while3A_299 = arith.constant 1 : i32
    scf.for %while3A_314 = %while3A_292 to %while3A_298 step %while3A_299  : i32 {
      %mul3A_315 = arith.constant 128 : i32
      %mul3A_316 = arith.muli %while3A_314, %mul3A_315 : i32
      %add3A_317 = arith.addi %add3A, %mul3A_316 : i32
      %multiple_of3A = tpu.assume_multiple %add3A_317, 8 : i32
      "tpu.region"() ({
        %run_scoped3A = tpu.sem_alloc : memref<!tpu.dma_semaphore, #tpu.memory_space<semaphore_mem>>
        %dma_start3A = tpu.memref_slice %arg2[%multiple_of3A] : memref<160000xi32, #tpu.memory_space<hbm>> -> memref<128xi32, #tpu.memory_space<hbm>>
        %dma_start3A_318 = tpu.memref_slice %arg2[%multiple_of3A] : memref<160000xi32, #tpu.memory_space<hbm>> -> memref<128xi32, #tpu.memory_space<hbm>>
        tpu.enqueue_dma source(%dma_start3A_318 : memref<128xi32, #tpu.memory_space<hbm>>) target(%arg4 : memref<128xi32, #tpu.memory_space<vmem>>) target_semaphore(%run_scoped3A : memref<!tpu.dma_semaphore, #tpu.memory_space<semaphore_mem>>)
        %dma_wait3A = tpu.memref_slice %arg2[%multiple_of3A] : memref<160000xi32, #tpu.memory_space<hbm>> -> memref<128xi32, #tpu.memory_space<hbm>>
        %dma_wait3A_319 = tpu.memref_slice %arg2[%multiple_of3A] : memref<160000xi32, #tpu.memory_space<hbm>> -> memref<128xi32, #tpu.memory_space<hbm>>
        tpu.wait_dma2 semaphore(%run_scoped3A : memref<!tpu.dma_semaphore, #tpu.memory_space<semaphore_mem>>) src(%dma_wait3A_319 : memref<128xi32, #tpu.memory_space<hbm>>) dst(%arg4 : memref<128xi32, #tpu.memory_space<vmem>>)
        tpu.yield
      }) : () -> ()
      "tpu.region"() ({
        %run_scoped3A = tpu.sem_alloc : memref<!tpu.dma_semaphore, #tpu.memory_space<semaphore_mem>>
        %dma_start3A = arith.constant 0 : i32
        %dma_start3A_318 = tpu.memref_slice %arg7[%dma_start3A] : memref<10000xf32, #tpu.memory_space<vmem_shared>> -> memref<10000xf32, #tpu.memory_space<vmem_shared>>
        tpu.enqueue_indirect_dma source(%arg5 : memref<128xf32, #tpu.memory_space<vmem>>) target(%dma_start3A_318 : memref<10000xf32, #tpu.memory_space<vmem_shared>>) offsets(%arg4 : memref<128xi32, #tpu.memory_space<vmem>>) semaphore(%run_scoped3A : memref<!tpu.dma_semaphore, #tpu.memory_space<semaphore_mem>>) {add = true}
        %dma_wait3A = arith.constant 0 : i32
        %dma_wait3A_319 = tpu.memref_slice %arg7[%dma_wait3A] : memref<10000xf32, #tpu.memory_space<vmem_shared>> -> memref<10000xf32, #tpu.memory_space<vmem_shared>>
        tpu.wait_indirect_dma semaphore(%run_scoped3A : memref<!tpu.dma_semaphore, #tpu.memory_space<semaphore_mem>>) src(%arg5 : memref<128xf32, #tpu.memory_space<vmem>>) dst(%dma_wait3A_319 : memref<10000xf32, #tpu.memory_space<vmem_shared>>)
        tpu.yield
      }) : () -> ()
    }
    %while3A_300 = arith.constant 1 : i32
    scf.for %while3A_314 = %while3A_298 to %while3A_294 step %while3A_300  : i32 {
      %mul3A_315 = arith.constant 128 : i32
      %mul3A_316 = arith.muli %while3A_314, %mul3A_315 : i32
      %add3A_317 = arith.addi %add3A, %mul3A_316 : i32
      %multiple_of3A = tpu.assume_multiple %add3A_317, 8 : i32
      "tpu.region"() ({
        %run_scoped3A = tpu.sem_alloc : memref<!tpu.dma_semaphore, #tpu.memory_space<semaphore_mem>>
        %dma_start3A = tpu.memref_slice %arg2[%multiple_of3A] : memref<160000xi32, #tpu.memory_space<hbm>> -> memref<128xi32, #tpu.memory_space<hbm>>
        %dma_start3A_318 = tpu.memref_slice %arg2[%multiple_of3A] : memref<160000xi32, #tpu.memory_space<hbm>> -> memref<128xi32, #tpu.memory_space<hbm>>
        tpu.enqueue_dma source(%dma_start3A_318 : memref<128xi32, #tpu.memory_space<hbm>>) target(%arg4 : memref<128xi32, #tpu.memory_space<vmem>>) target_semaphore(%run_scoped3A : memref<!tpu.dma_semaphore, #tpu.memory_space<semaphore_mem>>)
        %dma_wait3A = tpu.memref_slice %arg2[%multiple_of3A] : memref<160000xi32, #tpu.memory_space<hbm>> -> memref<128xi32, #tpu.memory_space<hbm>>
        %dma_wait3A_319 = tpu.memref_slice %arg2[%multiple_of3A] : memref<160000xi32, #tpu.memory_space<hbm>> -> memref<128xi32, #tpu.memory_space<hbm>>
        tpu.wait_dma2 semaphore(%run_scoped3A : memref<!tpu.dma_semaphore, #tpu.memory_space<semaphore_mem>>) src(%dma_wait3A_319 : memref<128xi32, #tpu.memory_space<hbm>>) dst(%arg4 : memref<128xi32, #tpu.memory_space<vmem>>)
        tpu.yield
      }) : () -> ()
      "tpu.region"() ({
        %run_scoped3A = tpu.sem_alloc : memref<!tpu.dma_semaphore, #tpu.memory_space<semaphore_mem>>
        %dma_start3A = arith.constant 0 : i32
        %dma_start3A_318 = tpu.memref_slice %arg7[%dma_start3A] : memref<10000xf32, #tpu.memory_space<vmem_shared>> -> memref<10000xf32, #tpu.memory_space<vmem_shared>>
        tpu.enqueue_indirect_dma source(%arg5 : memref<128xf32, #tpu.memory_space<vmem>>) target(%dma_start3A_318 : memref<10000xf32, #tpu.memory_space<vmem_shared>>) offsets(%arg4 : memref<128xi32, #tpu.memory_space<vmem>>) semaphore(%run_scoped3A : memref<!tpu.dma_semaphore, #tpu.memory_space<semaphore_mem>>) {add = true}
        %dma_wait3A = arith.constant 0 : i32
        %dma_wait3A_319 = tpu.memref_slice %arg7[%dma_wait3A] : memref<10000xf32, #tpu.memory_space<vmem_shared>> -> memref<10000xf32, #tpu.memory_space<vmem_shared>>
        tpu.wait_indirect_dma semaphore(%run_scoped3A : memref<!tpu.dma_semaphore, #tpu.memory_space<semaphore_mem>>) src(%arg5 : memref<128xf32, #tpu.memory_space<vmem>>) dst(%dma_wait3A_319 : memref<10000xf32, #tpu.memory_space<vmem_shared>>)
        tpu.yield
      }) : () -> ()
    }
    %barrier3A_301 = arith.constant 0 : index
    tpu.barrier barrier_id(%barrier3A_301)
    %mul3A_302 = arith.constant 624 : i32
    %mul3A_303 = arith.muli %arg1, %mul3A_302 : i32
    "tpu.region"() ({
      %run_scoped3A = tpu.sem_alloc : memref<!tpu.dma_semaphore, #tpu.memory_space<semaphore_mem>>
      %dma_start3A = tpu.memref_slice %arg7[%mul3A_303] : memref<10000xf32, #tpu.memory_space<vmem_shared>> -> memref<624xf32, #tpu.memory_space<vmem_shared>>
      %dma_start3A_314 = tpu.memref_slice %arg7[%mul3A_303] : memref<10000xf32, #tpu.memory_space<vmem_shared>> -> memref<624xf32, #tpu.memory_space<vmem_shared>>
      tpu.enqueue_dma source(%dma_start3A_314 : memref<624xf32, #tpu.memory_space<vmem_shared>>) target(%arg6 : memref<624xf32, #tpu.memory_space<vmem>>) target_semaphore(%run_scoped3A : memref<!tpu.dma_semaphore, #tpu.memory_space<semaphore_mem>>)
      %dma_wait3A = tpu.memref_slice %arg7[%mul3A_303] : memref<10000xf32, #tpu.memory_space<vmem_shared>> -> memref<624xf32, #tpu.memory_space<vmem_shared>>
      %dma_wait3A_315 = tpu.memref_slice %arg7[%mul3A_303] : memref<10000xf32, #tpu.memory_space<vmem_shared>> -> memref<624xf32, #tpu.memory_space<vmem_shared>>
      tpu.wait_dma2 semaphore(%run_scoped3A : memref<!tpu.dma_semaphore, #tpu.memory_space<semaphore_mem>>) src(%dma_wait3A_315 : memref<624xf32, #tpu.memory_space<vmem_shared>>) dst(%arg6 : memref<624xf32, #tpu.memory_space<vmem>>)
      tpu.yield
    }) : () -> ()
    %mul3A_304 = arith.constant 10000 : i32
    %mul3A_305 = arith.muli %arg0, %mul3A_304 : i32
    %mul3A_306 = arith.constant 624 : i32
    %mul3A_307 = arith.muli %arg1, %mul3A_306 : i32
    %add3A_308 = arith.addi %mul3A_305, %mul3A_307 : i32
    "tpu.region"() ({
      %run_scoped3A = tpu.sem_alloc : memref<!tpu.dma_semaphore, #tpu.memory_space<semaphore_mem>>
      %dma_start3A = tpu.memref_slice %arg3[%add3A_308] : memref<20000xf32, #tpu.memory_space<hbm>> -> memref<624xf32, #tpu.memory_space<hbm>>
      %dma_start3A_314 = tpu.memref_slice %arg3[%add3A_308] : memref<20000xf32, #tpu.memory_space<hbm>> -> memref<624xf32, #tpu.memory_space<hbm>>
      tpu.enqueue_dma source(%arg6 : memref<624xf32, #tpu.memory_space<vmem>>) target(%dma_start3A_314 : memref<624xf32, #tpu.memory_space<hbm>>) target_semaphore(%run_scoped3A : memref<!tpu.dma_semaphore, #tpu.memory_space<semaphore_mem>>)
      %dma_wait3A = tpu.memref_slice %arg3[%add3A_308] : memref<20000xf32, #tpu.memory_space<hbm>> -> memref<624xf32, #tpu.memory_space<hbm>>
      %dma_wait3A_315 = tpu.memref_slice %arg3[%add3A_308] : memref<20000xf32, #tpu.memory_space<hbm>> -> memref<624xf32, #tpu.memory_space<hbm>>
      tpu.wait_dma2 semaphore(%run_scoped3A : memref<!tpu.dma_semaphore, #tpu.memory_space<semaphore_mem>>) src(%arg6 : memref<624xf32, #tpu.memory_space<vmem>>) dst(%dma_wait3A_315 : memref<624xf32, #tpu.memory_space<hbm>>)
      tpu.yield
    }) : () -> ()
    %eq3A_309 = arith.constant 0 : i32
    %eq3A_310 = arith.cmpi eq, %arg1, %eq3A_309 : i32
    %convert_element_type3A_311 = arith.extui %eq3A_310 : i1 to i32
    %cond3A_312 = arith.constant 0 : i32
    %cond3A_313 = arith.cmpi ne, %convert_element_type3A_311, %cond3A_312 : i32
    scf.if %cond3A_313 {
      "tpu.region"() ({
        %run_scoped3A = tpu.sem_alloc : memref<!tpu.dma_semaphore, #tpu.memory_space<semaphore_mem>>
        %dma_start3A = arith.constant 0 : i32
        %dma_start3A_318 = tpu.memref_slice %arg6[%dma_start3A] : memref<624xf32, #tpu.memory_space<vmem>> -> memref<16xf32, #tpu.memory_space<vmem>>
        %dma_start3A_319 = arith.constant 9984 : i32
        %dma_start3A_320 = tpu.memref_slice %arg7[%dma_start3A_319] : memref<10000xf32, #tpu.memory_space<vmem_shared>> -> memref<16xf32, #tpu.memory_space<vmem_shared>>
        %dma_start3A_321 = arith.constant 0 : i32
        %dma_start3A_322 = tpu.memref_slice %arg6[%dma_start3A_321] : memref<624xf32, #tpu.memory_space<vmem>> -> memref<16xf32, #tpu.memory_space<vmem>>
        %dma_start3A_323 = arith.constant 9984 : i32
        %dma_start3A_324 = tpu.memref_slice %arg7[%dma_start3A_323] : memref<10000xf32, #tpu.memory_space<vmem_shared>> -> memref<16xf32, #tpu.memory_space<vmem_shared>>
        tpu.enqueue_dma source(%dma_start3A_324 : memref<16xf32, #tpu.memory_space<vmem_shared>>) target(%dma_start3A_322 : memref<16xf32, #tpu.memory_space<vmem>>) target_semaphore(%run_scoped3A : memref<!tpu.dma_semaphore, #tpu.memory_space<semaphore_mem>>)
        %dma_wait3A = arith.constant 0 : i32
        %dma_wait3A_325 = tpu.memref_slice %arg6[%dma_wait3A] : memref<624xf32, #tpu.memory_space<vmem>> -> memref<16xf32, #tpu.memory_space<vmem>>
        %dma_wait3A_326 = arith.constant 9984 : i32
        %dma_wait3A_327 = tpu.memref_slice %arg7[%dma_wait3A_326] : memref<10000xf32, #tpu.memory_space<vmem_shared>> -> memref<16xf32, #tpu.memory_space<vmem_shared>>
        %dma_wait3A_328 = arith.constant 0 : i32
        %dma_wait3A_329 = tpu.memref_slice %arg6[%dma_wait3A_328] : memref<624xf32, #tpu.memory_space<vmem>> -> memref<16xf32, #tpu.memory_space<vmem>>
        %dma_wait3A_330 = arith.constant 9984 : i32
        %dma_wait3A_331 = tpu.memref_slice %arg7[%dma_wait3A_330] : memref<10000xf32, #tpu.memory_space<vmem_shared>> -> memref<16xf32, #tpu.memory_space<vmem_shared>>
        tpu.wait_dma2 semaphore(%run_scoped3A : memref<!tpu.dma_semaphore, #tpu.memory_space<semaphore_mem>>) src(%dma_wait3A_331 : memref<16xf32, #tpu.memory_space<vmem_shared>>) dst(%dma_wait3A_329 : memref<16xf32, #tpu.memory_space<vmem>>)
        tpu.yield
      }) : () -> ()
      %mul3A_314 = arith.constant 10000 : i32
      %mul3A_315 = arith.muli %arg0, %mul3A_314 : i32
      %add3A_316 = arith.constant 9984 : i32
      %add3A_317 = arith.addi %mul3A_315, %add3A_316 : i32
      "tpu.region"() ({
        %run_scoped3A = tpu.sem_alloc : memref<!tpu.dma_semaphore, #tpu.memory_space<semaphore_mem>>
        %dma_start3A = arith.constant 0 : i32
        %dma_start3A_318 = tpu.memref_slice %arg6[%dma_start3A] : memref<624xf32, #tpu.memory_space<vmem>> -> memref<16xf32, #tpu.memory_space<vmem>>
        %dma_start3A_319 = tpu.memref_slice %arg3[%add3A_317] : memref<20000xf32, #tpu.memory_space<hbm>> -> memref<16xf32, #tpu.memory_space<hbm>>
        %dma_start3A_320 = tpu.memref_slice %arg3[%add3A_317] : memref<20000xf32, #tpu.memory_space<hbm>> -> memref<16xf32, #tpu.memory_space<hbm>>
        %dma_start3A_321 = arith.constant 0 : i32
        %dma_start3A_322 = tpu.memref_slice %arg6[%dma_start3A_321] : memref<624xf32, #tpu.memory_space<vmem>> -> memref<16xf32, #tpu.memory_space<vmem>>
        tpu.enqueue_dma source(%dma_start3A_322 : memref<16xf32, #tpu.memory_space<vmem>>) target(%dma_start3A_320 : memref<16xf32, #tpu.memory_space<hbm>>) target_semaphore(%run_scoped3A : memref<!tpu.dma_semaphore, #tpu.memory_space<semaphore_mem>>)
        %dma_wait3A = arith.constant 0 : i32
        %dma_wait3A_323 = tpu.memref_slice %arg6[%dma_wait3A] : memref<624xf32, #tpu.memory_space<vmem>> -> memref<16xf32, #tpu.memory_space<vmem>>
        %dma_wait3A_324 = tpu.memref_slice %arg3[%add3A_317] : memref<20000xf32, #tpu.memory_space<hbm>> -> memref<16xf32, #tpu.memory_space<hbm>>
        %dma_wait3A_325 = tpu.memref_slice %arg3[%add3A_317] : memref<20000xf32, #tpu.memory_space<hbm>> -> memref<16xf32, #tpu.memory_space<hbm>>
        %dma_wait3A_326 = arith.constant 0 : i32
        %dma_wait3A_327 = tpu.memref_slice %arg6[%dma_wait3A_326] : memref<624xf32, #tpu.memory_space<vmem>> -> memref<16xf32, #tpu.memory_space<vmem>>
        tpu.wait_dma2 semaphore(%run_scoped3A : memref<!tpu.dma_semaphore, #tpu.memory_space<semaphore_mem>>) src(%dma_wait3A_327 : memref<16xf32, #tpu.memory_space<vmem>>) dst(%dma_wait3A_325 : memref<16xf32, #tpu.memory_space<hbm>>)
        tpu.yield
      }) : () -> ()
    } else {
    }
    return
  }
}

#map = affine_map<(d0, d1) -> (0, 0)>
#map1 = affine_map<(d0, d1) -> (0)>
module attributes {stable_mosaic.version = 14 : i64} {
  func.func @_agg_body(%arg0: i32, %arg1: i32, %arg2: memref<20000x128xf32, #tpu.memory_space<hbm>>, %arg3: memref<160000xi32, #tpu.memory_space<hbm>>, %arg4: memref<160000xi32, #tpu.memory_space<hbm>>, %arg5: memref<20000x128xf32, #tpu.memory_space<hbm>>, %arg6: memref<128xi32, #tpu.memory_space<vmem>>, %arg7: memref<128xi32, #tpu.memory_space<vmem>>, %arg8: memref<128xi32, #tpu.memory_space<vmem>>, %arg9: memref<128xi32, #tpu.memory_space<vmem>>, %arg10: memref<128x128xf32, #tpu.memory_space<vmem>>, %arg11: memref<128x128xf32, #tpu.memory_space<vmem>>, %arg12: memref<312x128xf32, #tpu.memory_space<vmem>>, %arg13: memref<5008x128xf32, #tpu.memory_space<vmem_shared>>, %arg14: memref<!tpu.dma_semaphore, #tpu.memory_space<semaphore_mem>>, %arg15: memref<!tpu.dma_semaphore, #tpu.memory_space<semaphore_mem>>, %arg16: memref<!tpu.dma_semaphore, #tpu.memory_space<semaphore_mem>>, %arg17: memref<!tpu.dma_semaphore, #tpu.memory_space<semaphore_mem>>) attributes {dimension_semantics = [#tpu.dimension_semantics<core_parallel>, #tpu.dimension_semantics<subcore_parallel>], iteration_bounds = array<i64: 2, 16>, scalar_prefetch = 0 : i64, scratch_operands = 12 : i64, tpu.core_type = #tpu.core_type<sc_vector_subcore>, window_params = [{transform_indices = #map}, {transform_indices = #map1}, {transform_indices = #map1}, {transform_indices = #map}]} {
    %mul3A = arith.constant 10000 : i32
    %mul3A_0 = arith.muli %arg0, %mul3A : i32
    %mul3A_1 = arith.constant 9984 : i32
    %mul3A_2 = arith.muli %arg1, %mul3A_1 : i32
    %eq3A = arith.constant 15 : i32
    %eq3A_3 = arith.cmpi eq, %arg1, %eq3A : i32
    %jit3A = arith.constant 256 : i32
    %jit3A_4 = arith.constant 0 : i32
    %select_n3A = arith.select %eq3A_3, %jit3A, %jit3A_4 : i32
    %add3A = arith.constant 9984 : i32
    %add3A_5 = arith.addi %add3A, %select_n3A : i32
    %eq3A_6 = arith.constant 15 : i32
    %eq3A_7 = arith.cmpi eq, %arg1, %eq3A_6 : i32
    %jit3A_8 = arith.constant 1 : i32
    %jit3A_9 = arith.constant 0 : i32
    %select_n3A_10 = arith.select %eq3A_7, %jit3A_8, %jit3A_9 : i32
    %add3A_11 = arith.constant 39 : i32
    %add3A_12 = arith.addi %add3A_11, %select_n3A_10 : i32
    %add3A_13 = arith.addi %mul3A_2, %add3A_5 : i32
    %sub3A = arith.constant 128 : i32
    %sub3A_14 = arith.subi %add3A_13, %sub3A : i32
    %add3A_15 = arith.constant 0 : i32
    %add3A_16 = arith.addi %mul3A_0, %add3A_15 : i32
    %mul3A_17 = arith.constant 312 : i32
    %mul3A_18 = arith.muli %arg1, %mul3A_17 : i32
    %add3A_19 = arith.addi %add3A_16, %mul3A_18 : i32
    "tpu.region"() ({
      %run_scoped3A = tpu.sem_alloc : memref<!tpu.dma_semaphore, #tpu.memory_space<semaphore_mem>>
      %dma_start3A_405 = arith.constant 0 : i32
      %dma_start3A_406 = tpu.memref_slice %arg2[%add3A_19, %dma_start3A_405] : memref<20000x128xf32, #tpu.memory_space<hbm>> -> memref<312x128xf32, #tpu.memory_space<hbm>>
      %dma_start3A_407 = arith.constant 0 : i32
      %dma_start3A_408 = tpu.memref_slice %arg2[%add3A_19, %dma_start3A_407] : memref<20000x128xf32, #tpu.memory_space<hbm>> -> memref<312x128xf32, #tpu.memory_space<hbm>>
      tpu.enqueue_dma source(%dma_start3A_408 : memref<312x128xf32, #tpu.memory_space<hbm>>) target(%arg12 : memref<312x128xf32, #tpu.memory_space<vmem>>) target_semaphore(%run_scoped3A : memref<!tpu.dma_semaphore, #tpu.memory_space<semaphore_mem>>)
      %dma_wait3A_409 = arith.constant 0 : i32
      %dma_wait3A_410 = tpu.memref_slice %arg2[%add3A_19, %dma_wait3A_409] : memref<20000x128xf32, #tpu.memory_space<hbm>> -> memref<312x128xf32, #tpu.memory_space<hbm>>
      %dma_wait3A_411 = arith.constant 0 : i32
      %dma_wait3A_412 = tpu.memref_slice %arg2[%add3A_19, %dma_wait3A_411] : memref<20000x128xf32, #tpu.memory_space<hbm>> -> memref<312x128xf32, #tpu.memory_space<hbm>>
      tpu.wait_dma2 semaphore(%run_scoped3A : memref<!tpu.dma_semaphore, #tpu.memory_space<semaphore_mem>>) src(%dma_wait3A_412 : memref<312x128xf32, #tpu.memory_space<hbm>>) dst(%arg12 : memref<312x128xf32, #tpu.memory_space<vmem>>)
      tpu.yield
    }) : () -> ()
    %mul3A_20 = arith.constant 312 : i32
    %mul3A_21 = arith.muli %arg1, %mul3A_20 : i32
    "tpu.region"() ({
      %run_scoped3A = tpu.sem_alloc : memref<!tpu.dma_semaphore, #tpu.memory_space<semaphore_mem>>
      %dma_start3A_405 = arith.constant 0 : i32
      %dma_start3A_406 = tpu.memref_slice %arg13[%mul3A_21, %dma_start3A_405] : memref<5008x128xf32, #tpu.memory_space<vmem_shared>> -> memref<312x128xf32, #tpu.memory_space<vmem_shared>>
      %dma_start3A_407 = arith.constant 0 : i32
      %dma_start3A_408 = tpu.memref_slice %arg13[%mul3A_21, %dma_start3A_407] : memref<5008x128xf32, #tpu.memory_space<vmem_shared>> -> memref<312x128xf32, #tpu.memory_space<vmem_shared>>
      tpu.enqueue_dma source(%arg12 : memref<312x128xf32, #tpu.memory_space<vmem>>) target(%dma_start3A_408 : memref<312x128xf32, #tpu.memory_space<vmem_shared>>) target_semaphore(%run_scoped3A : memref<!tpu.dma_semaphore, #tpu.memory_space<semaphore_mem>>)
      %dma_wait3A_409 = arith.constant 0 : i32
      %dma_wait3A_410 = tpu.memref_slice %arg13[%mul3A_21, %dma_wait3A_409] : memref<5008x128xf32, #tpu.memory_space<vmem_shared>> -> memref<312x128xf32, #tpu.memory_space<vmem_shared>>
      %dma_wait3A_411 = arith.constant 0 : i32
      %dma_wait3A_412 = tpu.memref_slice %arg13[%mul3A_21, %dma_wait3A_411] : memref<5008x128xf32, #tpu.memory_space<vmem_shared>> -> memref<312x128xf32, #tpu.memory_space<vmem_shared>>
      tpu.wait_dma2 semaphore(%run_scoped3A : memref<!tpu.dma_semaphore, #tpu.memory_space<semaphore_mem>>) src(%arg12 : memref<312x128xf32, #tpu.memory_space<vmem>>) dst(%dma_wait3A_412 : memref<312x128xf32, #tpu.memory_space<vmem_shared>>)
      tpu.yield
    }) : () -> ()
    %eq3A_22 = arith.constant 0 : i32
    %eq3A_23 = arith.cmpi eq, %arg1, %eq3A_22 : i32
    %convert_element_type3A = arith.extui %eq3A_23 : i1 to i32
    %cond3A = arith.constant 0 : i32
    %cond3A_24 = arith.cmpi ne, %convert_element_type3A, %cond3A : i32
    scf.if %cond3A_24 {
      %add3A_405 = arith.constant 0 : i32
      %add3A_406 = arith.addi %mul3A_0, %add3A_405 : i32
      %add3A_407 = arith.constant 4992 : i32
      %add3A_408 = arith.addi %add3A_406, %add3A_407 : i32
      "tpu.region"() ({
        %run_scoped3A = tpu.sem_alloc : memref<!tpu.dma_semaphore, #tpu.memory_space<semaphore_mem>>
        %dma_start3A_409 = arith.constant 0 : i32
        %dma_start3A_410 = arith.constant 0 : i32
        %dma_start3A_411 = tpu.memref_slice %arg12[%dma_start3A_409, %dma_start3A_410] : memref<312x128xf32, #tpu.memory_space<vmem>> -> memref<8x128xf32, #tpu.memory_space<vmem>>
        %dma_start3A_412 = arith.constant 0 : i32
        %dma_start3A_413 = tpu.memref_slice %arg2[%add3A_408, %dma_start3A_412] : memref<20000x128xf32, #tpu.memory_space<hbm>> -> memref<8x128xf32, #tpu.memory_space<hbm>>
        %dma_start3A_414 = arith.constant 0 : i32
        %dma_start3A_415 = arith.constant 0 : i32
        %dma_start3A_416 = tpu.memref_slice %arg12[%dma_start3A_414, %dma_start3A_415] : memref<312x128xf32, #tpu.memory_space<vmem>> -> memref<8x128xf32, #tpu.memory_space<vmem>>
        %dma_start3A_417 = arith.constant 0 : i32
        %dma_start3A_418 = tpu.memref_slice %arg2[%add3A_408, %dma_start3A_417] : memref<20000x128xf32, #tpu.memory_space<hbm>> -> memref<8x128xf32, #tpu.memory_space<hbm>>
        tpu.enqueue_dma source(%dma_start3A_418 : memref<8x128xf32, #tpu.memory_space<hbm>>) target(%dma_start3A_416 : memref<8x128xf32, #tpu.memory_space<vmem>>) target_semaphore(%run_scoped3A : memref<!tpu.dma_semaphore, #tpu.memory_space<semaphore_mem>>)
        %dma_wait3A_419 = arith.constant 0 : i32
        %dma_wait3A_420 = arith.constant 0 : i32
        %dma_wait3A_421 = tpu.memref_slice %arg12[%dma_wait3A_419, %dma_wait3A_420] : memref<312x128xf32, #tpu.memory_space<vmem>> -> memref<8x128xf32, #tpu.memory_space<vmem>>
        %dma_wait3A_422 = arith.constant 0 : i32
        %dma_wait3A_423 = tpu.memref_slice %arg2[%add3A_408, %dma_wait3A_422] : memref<20000x128xf32, #tpu.memory_space<hbm>> -> memref<8x128xf32, #tpu.memory_space<hbm>>
        %dma_wait3A_424 = arith.constant 0 : i32
        %dma_wait3A_425 = arith.constant 0 : i32
        %dma_wait3A_426 = tpu.memref_slice %arg12[%dma_wait3A_424, %dma_wait3A_425] : memref<312x128xf32, #tpu.memory_space<vmem>> -> memref<8x128xf32, #tpu.memory_space<vmem>>
        %dma_wait3A_427 = arith.constant 0 : i32
        %dma_wait3A_428 = tpu.memref_slice %arg2[%add3A_408, %dma_wait3A_427] : memref<20000x128xf32, #tpu.memory_space<hbm>> -> memref<8x128xf32, #tpu.memory_space<hbm>>
        tpu.wait_dma2 semaphore(%run_scoped3A : memref<!tpu.dma_semaphore, #tpu.memory_space<semaphore_mem>>) src(%dma_wait3A_428 : memref<8x128xf32, #tpu.memory_space<hbm>>) dst(%dma_wait3A_426 : memref<8x128xf32, #tpu.memory_space<vmem>>)
        tpu.yield
      }) : () -> ()
      "tpu.region"() ({
        %run_scoped3A = tpu.sem_alloc : memref<!tpu.dma_semaphore, #tpu.memory_space<semaphore_mem>>
        %dma_start3A_409 = arith.constant 0 : i32
        %dma_start3A_410 = arith.constant 0 : i32
        %dma_start3A_411 = tpu.memref_slice %arg12[%dma_start3A_409, %dma_start3A_410] : memref<312x128xf32, #tpu.memory_space<vmem>> -> memref<8x128xf32, #tpu.memory_space<vmem>>
        %dma_start3A_412 = arith.constant 4992 : i32
        %dma_start3A_413 = arith.constant 0 : i32
        %dma_start3A_414 = tpu.memref_slice %arg13[%dma_start3A_412, %dma_start3A_413] : memref<5008x128xf32, #tpu.memory_space<vmem_shared>> -> memref<8x128xf32, #tpu.memory_space<vmem_shared>>
        %dma_start3A_415 = arith.constant 4992 : i32
        %dma_start3A_416 = arith.constant 0 : i32
        %dma_start3A_417 = tpu.memref_slice %arg13[%dma_start3A_415, %dma_start3A_416] : memref<5008x128xf32, #tpu.memory_space<vmem_shared>> -> memref<8x128xf32, #tpu.memory_space<vmem_shared>>
        %dma_start3A_418 = arith.constant 0 : i32
        %dma_start3A_419 = arith.constant 0 : i32
        %dma_start3A_420 = tpu.memref_slice %arg12[%dma_start3A_418, %dma_start3A_419] : memref<312x128xf32, #tpu.memory_space<vmem>> -> memref<8x128xf32, #tpu.memory_space<vmem>>
        tpu.enqueue_dma source(%dma_start3A_420 : memref<8x128xf32, #tpu.memory_space<vmem>>) target(%dma_start3A_417 : memref<8x128xf32, #tpu.memory_space<vmem_shared>>) target_semaphore(%run_scoped3A : memref<!tpu.dma_semaphore, #tpu.memory_space<semaphore_mem>>)
        %dma_wait3A_421 = arith.constant 0 : i32
        %dma_wait3A_422 = arith.constant 0 : i32
        %dma_wait3A_423 = tpu.memref_slice %arg12[%dma_wait3A_421, %dma_wait3A_422] : memref<312x128xf32, #tpu.memory_space<vmem>> -> memref<8x128xf32, #tpu.memory_space<vmem>>
        %dma_wait3A_424 = arith.constant 4992 : i32
        %dma_wait3A_425 = arith.constant 0 : i32
        %dma_wait3A_426 = tpu.memref_slice %arg13[%dma_wait3A_424, %dma_wait3A_425] : memref<5008x128xf32, #tpu.memory_space<vmem_shared>> -> memref<8x128xf32, #tpu.memory_space<vmem_shared>>
        %dma_wait3A_427 = arith.constant 4992 : i32
        %dma_wait3A_428 = arith.constant 0 : i32
        %dma_wait3A_429 = tpu.memref_slice %arg13[%dma_wait3A_427, %dma_wait3A_428] : memref<5008x128xf32, #tpu.memory_space<vmem_shared>> -> memref<8x128xf32, #tpu.memory_space<vmem_shared>>
        %dma_wait3A_430 = arith.constant 0 : i32
        %dma_wait3A_431 = arith.constant 0 : i32
        %dma_wait3A_432 = tpu.memref_slice %arg12[%dma_wait3A_430, %dma_wait3A_431] : memref<312x128xf32, #tpu.memory_space<vmem>> -> memref<8x128xf32, #tpu.memory_space<vmem>>
        tpu.wait_dma2 semaphore(%run_scoped3A : memref<!tpu.dma_semaphore, #tpu.memory_space<semaphore_mem>>) src(%dma_wait3A_432 : memref<8x128xf32, #tpu.memory_space<vmem>>) dst(%dma_wait3A_429 : memref<8x128xf32, #tpu.memory_space<vmem_shared>>)
        tpu.yield
      }) : () -> ()
    } else {
    }
    %barrier3A = arith.constant 0 : index
    tpu.barrier barrier_id(%barrier3A)
    %mul3A_25 = arith.constant 0 : i32
    %mul3A_26 = arith.constant 128 : i32
    %mul3A_27 = arith.muli %mul3A_25, %mul3A_26 : i32
    %add3A_28 = arith.addi %mul3A_2, %mul3A_27 : i32
    %min3A = arith.minsi %add3A_28, %sub3A_14 : i32
    %multiple_of3A = tpu.assume_multiple %min3A, 8 : i32
    "tpu.region"() ({
      %run_scoped3A = tpu.sem_alloc : memref<!tpu.dma_semaphore, #tpu.memory_space<semaphore_mem>>
      %dma_start3A_405 = tpu.memref_slice %arg3[%multiple_of3A] : memref<160000xi32, #tpu.memory_space<hbm>> -> memref<128xi32, #tpu.memory_space<hbm>>
      %dma_start3A_406 = tpu.memref_slice %arg3[%multiple_of3A] : memref<160000xi32, #tpu.memory_space<hbm>> -> memref<128xi32, #tpu.memory_space<hbm>>
      tpu.enqueue_dma source(%dma_start3A_406 : memref<128xi32, #tpu.memory_space<hbm>>) target(%arg6 : memref<128xi32, #tpu.memory_space<vmem>>) target_semaphore(%run_scoped3A : memref<!tpu.dma_semaphore, #tpu.memory_space<semaphore_mem>>)
      %dma_wait3A_407 = tpu.memref_slice %arg3[%multiple_of3A] : memref<160000xi32, #tpu.memory_space<hbm>> -> memref<128xi32, #tpu.memory_space<hbm>>
      %dma_wait3A_408 = tpu.memref_slice %arg3[%multiple_of3A] : memref<160000xi32, #tpu.memory_space<hbm>> -> memref<128xi32, #tpu.memory_space<hbm>>
      tpu.wait_dma2 semaphore(%run_scoped3A : memref<!tpu.dma_semaphore, #tpu.memory_space<semaphore_mem>>) src(%dma_wait3A_408 : memref<128xi32, #tpu.memory_space<hbm>>) dst(%arg6 : memref<128xi32, #tpu.memory_space<vmem>>)
      tpu.yield
    }) : () -> ()
    %get3A = arith.constant 0 : index
    %get3A_29 = tpu.vector_load %arg6[%get3A] {strides = array<i32>} : memref<128xi32, #tpu.memory_space<vmem>>, vector<16xi32>,
    %get3A_30 = vector.shape_cast %get3A_29 : vector<16xi32> to vector<16xi32>
    %add3A_31 = vector.broadcast %mul3A_0 : i32 to vector<16xi32>
    %add3A_32 = arith.addi %get3A_30, %add3A_31 : vector<16xi32>
    %swap3A = arith.constant 0 : index
    %swap3A_33 = tpu.vector_load %arg6[%swap3A] {strides = array<i32>} : memref<128xi32, #tpu.memory_space<vmem>>, vector<16xi32>,
    %swap3A_34 = vector.shape_cast %swap3A_33 : vector<16xi32> to vector<16xi32>
    %swap3A_35 = vector.shape_cast %add3A_32 : vector<16xi32> to vector<16xi32>
    tpu.vector_store %arg6[%swap3A], %swap3A_35 {strides = array<i32>} : memref<128xi32, #tpu.memory_space<vmem>>, vector<16xi32>,
    %get3A_36 = arith.constant 16 : index
    %get3A_37 = tpu.vector_load %arg6[%get3A_36] {strides = array<i32>} : memref<128xi32, #tpu.memory_space<vmem>>, vector<16xi32>,
    %get3A_38 = vector.shape_cast %get3A_37 : vector<16xi32> to vector<16xi32>
    %add3A_39 = vector.broadcast %mul3A_0 : i32 to vector<16xi32>
    %add3A_40 = arith.addi %get3A_38, %add3A_39 : vector<16xi32>
    %swap3A_41 = arith.constant 16 : index
    %swap3A_42 = tpu.vector_load %arg6[%swap3A_41] {strides = array<i32>} : memref<128xi32, #tpu.memory_space<vmem>>, vector<16xi32>,
    %swap3A_43 = vector.shape_cast %swap3A_42 : vector<16xi32> to vector<16xi32>
    %swap3A_44 = vector.shape_cast %add3A_40 : vector<16xi32> to vector<16xi32>
    tpu.vector_store %arg6[%swap3A_41], %swap3A_44 {strides = array<i32>} : memref<128xi32, #tpu.memory_space<vmem>>, vector<16xi32>,
    %get3A_45 = arith.constant 32 : index
    %get3A_46 = tpu.vector_load %arg6[%get3A_45] {strides = array<i32>} : memref<128xi32, #tpu.memory_space<vmem>>, vector<16xi32>,
    %get3A_47 = vector.shape_cast %get3A_46 : vector<16xi32> to vector<16xi32>
    %add3A_48 = vector.broadcast %mul3A_0 : i32 to vector<16xi32>
    %add3A_49 = arith.addi %get3A_47, %add3A_48 : vector<16xi32>
    %swap3A_50 = arith.constant 32 : index
    %swap3A_51 = tpu.vector_load %arg6[%swap3A_50] {strides = array<i32>} : memref<128xi32, #tpu.memory_space<vmem>>, vector<16xi32>,
    %swap3A_52 = vector.shape_cast %swap3A_51 : vector<16xi32> to vector<16xi32>
    %swap3A_53 = vector.shape_cast %add3A_49 : vector<16xi32> to vector<16xi32>
    tpu.vector_store %arg6[%swap3A_50], %swap3A_53 {strides = array<i32>} : memref<128xi32, #tpu.memory_space<vmem>>, vector<16xi32>,
    %get3A_54 = arith.constant 48 : index
    %get3A_55 = tpu.vector_load %arg6[%get3A_54] {strides = array<i32>} : memref<128xi32, #tpu.memory_space<vmem>>, vector<16xi32>,
    %get3A_56 = vector.shape_cast %get3A_55 : vector<16xi32> to vector<16xi32>
    %add3A_57 = vector.broadcast %mul3A_0 : i32 to vector<16xi32>
    %add3A_58 = arith.addi %get3A_56, %add3A_57 : vector<16xi32>
    %swap3A_59 = arith.constant 48 : index
    %swap3A_60 = tpu.vector_load %arg6[%swap3A_59] {strides = array<i32>} : memref<128xi32, #tpu.memory_space<vmem>>, vector<16xi32>,
    %swap3A_61 = vector.shape_cast %swap3A_60 : vector<16xi32> to vector<16xi32>
    %swap3A_62 = vector.shape_cast %add3A_58 : vector<16xi32> to vector<16xi32>
    tpu.vector_store %arg6[%swap3A_59], %swap3A_62 {strides = array<i32>} : memref<128xi32, #tpu.memory_space<vmem>>, vector<16xi32>,
    %get3A_63 = arith.constant 64 : index
    %get3A_64 = tpu.vector_load %arg6[%get3A_63] {strides = array<i32>} : memref<128xi32, #tpu.memory_space<vmem>>, vector<16xi32>,
    %get3A_65 = vector.shape_cast %get3A_64 : vector<16xi32> to vector<16xi32>
    %add3A_66 = vector.broadcast %mul3A_0 : i32 to vector<16xi32>
    %add3A_67 = arith.addi %get3A_65, %add3A_66 : vector<16xi32>
    %swap3A_68 = arith.constant 64 : index
    %swap3A_69 = tpu.vector_load %arg6[%swap3A_68] {strides = array<i32>} : memref<128xi32, #tpu.memory_space<vmem>>, vector<16xi32>,
    %swap3A_70 = vector.shape_cast %swap3A_69 : vector<16xi32> to vector<16xi32>
    %swap3A_71 = vector.shape_cast %add3A_67 : vector<16xi32> to vector<16xi32>
    tpu.vector_store %arg6[%swap3A_68], %swap3A_71 {strides = array<i32>} : memref<128xi32, #tpu.memory_space<vmem>>, vector<16xi32>,
    %get3A_72 = arith.constant 80 : index
    %get3A_73 = tpu.vector_load %arg6[%get3A_72] {strides = array<i32>} : memref<128xi32, #tpu.memory_space<vmem>>, vector<16xi32>,
    %get3A_74 = vector.shape_cast %get3A_73 : vector<16xi32> to vector<16xi32>
    %add3A_75 = vector.broadcast %mul3A_0 : i32 to vector<16xi32>
    %add3A_76 = arith.addi %get3A_74, %add3A_75 : vector<16xi32>
    %swap3A_77 = arith.constant 80 : index
    %swap3A_78 = tpu.vector_load %arg6[%swap3A_77] {strides = array<i32>} : memref<128xi32, #tpu.memory_space<vmem>>, vector<16xi32>,
    %swap3A_79 = vector.shape_cast %swap3A_78 : vector<16xi32> to vector<16xi32>
    %swap3A_80 = vector.shape_cast %add3A_76 : vector<16xi32> to vector<16xi32>
    tpu.vector_store %arg6[%swap3A_77], %swap3A_80 {strides = array<i32>} : memref<128xi32, #tpu.memory_space<vmem>>, vector<16xi32>,
    %get3A_81 = arith.constant 96 : index
    %get3A_82 = tpu.vector_load %arg6[%get3A_81] {strides = array<i32>} : memref<128xi32, #tpu.memory_space<vmem>>, vector<16xi32>,
    %get3A_83 = vector.shape_cast %get3A_82 : vector<16xi32> to vector<16xi32>
    %add3A_84 = vector.broadcast %mul3A_0 : i32 to vector<16xi32>
    %add3A_85 = arith.addi %get3A_83, %add3A_84 : vector<16xi32>
    %swap3A_86 = arith.constant 96 : index
    %swap3A_87 = tpu.vector_load %arg6[%swap3A_86] {strides = array<i32>} : memref<128xi32, #tpu.memory_space<vmem>>, vector<16xi32>,
    %swap3A_88 = vector.shape_cast %swap3A_87 : vector<16xi32> to vector<16xi32>
    %swap3A_89 = vector.shape_cast %add3A_85 : vector<16xi32> to vector<16xi32>
    tpu.vector_store %arg6[%swap3A_86], %swap3A_89 {strides = array<i32>} : memref<128xi32, #tpu.memory_space<vmem>>, vector<16xi32>,
    %get3A_90 = arith.constant 112 : index
    %get3A_91 = tpu.vector_load %arg6[%get3A_90] {strides = array<i32>} : memref<128xi32, #tpu.memory_space<vmem>>, vector<16xi32>,
    %get3A_92 = vector.shape_cast %get3A_91 : vector<16xi32> to vector<16xi32>
    %add3A_93 = vector.broadcast %mul3A_0 : i32 to vector<16xi32>
    %add3A_94 = arith.addi %get3A_92, %add3A_93 : vector<16xi32>
    %swap3A_95 = arith.constant 112 : index
    %swap3A_96 = tpu.vector_load %arg6[%swap3A_95] {strides = array<i32>} : memref<128xi32, #tpu.memory_space<vmem>>, vector<16xi32>,
    %swap3A_97 = vector.shape_cast %swap3A_96 : vector<16xi32> to vector<16xi32>
    %swap3A_98 = vector.shape_cast %add3A_94 : vector<16xi32> to vector<16xi32>
    tpu.vector_store %arg6[%swap3A_95], %swap3A_98 {strides = array<i32>} : memref<128xi32, #tpu.memory_space<vmem>>, vector<16xi32>,
    %dma_start3A = arith.constant 0 : i32
    %dma_start3A_99 = arith.constant 0 : i32
    %dma_start3A_100 = tpu.memref_slice %arg2[%dma_start3A, %dma_start3A_99] : memref<20000x128xf32, #tpu.memory_space<hbm>> -> memref<20000x128xf32, #tpu.memory_space<hbm>>
    tpu.enqueue_indirect_dma source(%dma_start3A_100 : memref<20000x128xf32, #tpu.memory_space<hbm>>) target(%arg10 : memref<128x128xf32, #tpu.memory_space<vmem>>) offsets(%arg6 : memref<128xi32, #tpu.memory_space<vmem>>) semaphore(%arg14 : memref<!tpu.dma_semaphore, #tpu.memory_space<semaphore_mem>>)
    %mul3A_101 = arith.constant 1 : i32
    %mul3A_102 = arith.constant 128 : i32
    %mul3A_103 = arith.muli %mul3A_101, %mul3A_102 : i32
    %add3A_104 = arith.addi %mul3A_2, %mul3A_103 : i32
    %min3A_105 = arith.minsi %add3A_104, %sub3A_14 : i32
    %multiple_of3A_106 = tpu.assume_multiple %min3A_105, 8 : i32
    "tpu.region"() ({
      %run_scoped3A = tpu.sem_alloc : memref<!tpu.dma_semaphore, #tpu.memory_space<semaphore_mem>>
      %dma_start3A_405 = tpu.memref_slice %arg3[%multiple_of3A_106] : memref<160000xi32, #tpu.memory_space<hbm>> -> memref<128xi32, #tpu.memory_space<hbm>>
      %dma_start3A_406 = tpu.memref_slice %arg3[%multiple_of3A_106] : memref<160000xi32, #tpu.memory_space<hbm>> -> memref<128xi32, #tpu.memory_space<hbm>>
      tpu.enqueue_dma source(%dma_start3A_406 : memref<128xi32, #tpu.memory_space<hbm>>) target(%arg7 : memref<128xi32, #tpu.memory_space<vmem>>) target_semaphore(%run_scoped3A : memref<!tpu.dma_semaphore, #tpu.memory_space<semaphore_mem>>)
      %dma_wait3A_407 = tpu.memref_slice %arg3[%multiple_of3A_106] : memref<160000xi32, #tpu.memory_space<hbm>> -> memref<128xi32, #tpu.memory_space<hbm>>
      %dma_wait3A_408 = tpu.memref_slice %arg3[%multiple_of3A_106] : memref<160000xi32, #tpu.memory_space<hbm>> -> memref<128xi32, #tpu.memory_space<hbm>>
      tpu.wait_dma2 semaphore(%run_scoped3A : memref<!tpu.dma_semaphore, #tpu.memory_space<semaphore_mem>>) src(%dma_wait3A_408 : memref<128xi32, #tpu.memory_space<hbm>>) dst(%arg7 : memref<128xi32, #tpu.memory_space<vmem>>)
      tpu.yield
    }) : () -> ()
    %get3A_107 = arith.constant 0 : index
    %get3A_108 = tpu.vector_load %arg7[%get3A_107] {strides = array<i32>} : memref<128xi32, #tpu.memory_space<vmem>>, vector<16xi32>,
    %get3A_109 = vector.shape_cast %get3A_108 : vector<16xi32> to vector<16xi32>
    %add3A_110 = vector.broadcast %mul3A_0 : i32 to vector<16xi32>
    %add3A_111 = arith.addi %get3A_109, %add3A_110 : vector<16xi32>
    %swap3A_112 = arith.constant 0 : index
    %swap3A_113 = tpu.vector_load %arg7[%swap3A_112] {strides = array<i32>} : memref<128xi32, #tpu.memory_space<vmem>>, vector<16xi32>,
    %swap3A_114 = vector.shape_cast %swap3A_113 : vector<16xi32> to vector<16xi32>
    %swap3A_115 = vector.shape_cast %add3A_111 : vector<16xi32> to vector<16xi32>
    tpu.vector_store %arg7[%swap3A_112], %swap3A_115 {strides = array<i32>} : memref<128xi32, #tpu.memory_space<vmem>>, vector<16xi32>,
    %get3A_116 = arith.constant 16 : index
    %get3A_117 = tpu.vector_load %arg7[%get3A_116] {strides = array<i32>} : memref<128xi32, #tpu.memory_space<vmem>>, vector<16xi32>,
    %get3A_118 = vector.shape_cast %get3A_117 : vector<16xi32> to vector<16xi32>
    %add3A_119 = vector.broadcast %mul3A_0 : i32 to vector<16xi32>
    %add3A_120 = arith.addi %get3A_118, %add3A_119 : vector<16xi32>
    %swap3A_121 = arith.constant 16 : index
    %swap3A_122 = tpu.vector_load %arg7[%swap3A_121] {strides = array<i32>} : memref<128xi32, #tpu.memory_space<vmem>>, vector<16xi32>,
    %swap3A_123 = vector.shape_cast %swap3A_122 : vector<16xi32> to vector<16xi32>
    %swap3A_124 = vector.shape_cast %add3A_120 : vector<16xi32> to vector<16xi32>
    tpu.vector_store %arg7[%swap3A_121], %swap3A_124 {strides = array<i32>} : memref<128xi32, #tpu.memory_space<vmem>>, vector<16xi32>,
    %get3A_125 = arith.constant 32 : index
    %get3A_126 = tpu.vector_load %arg7[%get3A_125] {strides = array<i32>} : memref<128xi32, #tpu.memory_space<vmem>>, vector<16xi32>,
    %get3A_127 = vector.shape_cast %get3A_126 : vector<16xi32> to vector<16xi32>
    %add3A_128 = vector.broadcast %mul3A_0 : i32 to vector<16xi32>
    %add3A_129 = arith.addi %get3A_127, %add3A_128 : vector<16xi32>
    %swap3A_130 = arith.constant 32 : index
    %swap3A_131 = tpu.vector_load %arg7[%swap3A_130] {strides = array<i32>} : memref<128xi32, #tpu.memory_space<vmem>>, vector<16xi32>,
    %swap3A_132 = vector.shape_cast %swap3A_131 : vector<16xi32> to vector<16xi32>
    %swap3A_133 = vector.shape_cast %add3A_129 : vector<16xi32> to vector<16xi32>
    tpu.vector_store %arg7[%swap3A_130], %swap3A_133 {strides = array<i32>} : memref<128xi32, #tpu.memory_space<vmem>>, vector<16xi32>,
    %get3A_134 = arith.constant 48 : index
    %get3A_135 = tpu.vector_load %arg7[%get3A_134] {strides = array<i32>} : memref<128xi32, #tpu.memory_space<vmem>>, vector<16xi32>,
    %get3A_136 = vector.shape_cast %get3A_135 : vector<16xi32> to vector<16xi32>
    %add3A_137 = vector.broadcast %mul3A_0 : i32 to vector<16xi32>
    %add3A_138 = arith.addi %get3A_136, %add3A_137 : vector<16xi32>
    %swap3A_139 = arith.constant 48 : index
    %swap3A_140 = tpu.vector_load %arg7[%swap3A_139] {strides = array<i32>} : memref<128xi32, #tpu.memory_space<vmem>>, vector<16xi32>,
    %swap3A_141 = vector.shape_cast %swap3A_140 : vector<16xi32> to vector<16xi32>
    %swap3A_142 = vector.shape_cast %add3A_138 : vector<16xi32> to vector<16xi32>
    tpu.vector_store %arg7[%swap3A_139], %swap3A_142 {strides = array<i32>} : memref<128xi32, #tpu.memory_space<vmem>>, vector<16xi32>,
    %get3A_143 = arith.constant 64 : index
    %get3A_144 = tpu.vector_load %arg7[%get3A_143] {strides = array<i32>} : memref<128xi32, #tpu.memory_space<vmem>>, vector<16xi32>,
    %get3A_145 = vector.shape_cast %get3A_144 : vector<16xi32> to vector<16xi32>
    %add3A_146 = vector.broadcast %mul3A_0 : i32 to vector<16xi32>
    %add3A_147 = arith.addi %get3A_145, %add3A_146 : vector<16xi32>
    %swap3A_148 = arith.constant 64 : index
    %swap3A_149 = tpu.vector_load %arg7[%swap3A_148] {strides = array<i32>} : memref<128xi32, #tpu.memory_space<vmem>>, vector<16xi32>,
    %swap3A_150 = vector.shape_cast %swap3A_149 : vector<16xi32> to vector<16xi32>
    %swap3A_151 = vector.shape_cast %add3A_147 : vector<16xi32> to vector<16xi32>
    tpu.vector_store %arg7[%swap3A_148], %swap3A_151 {strides = array<i32>} : memref<128xi32, #tpu.memory_space<vmem>>, vector<16xi32>,
    %get3A_152 = arith.constant 80 : index
    %get3A_153 = tpu.vector_load %arg7[%get3A_152] {strides = array<i32>} : memref<128xi32, #tpu.memory_space<vmem>>, vector<16xi32>,
    %get3A_154 = vector.shape_cast %get3A_153 : vector<16xi32> to vector<16xi32>
    %add3A_155 = vector.broadcast %mul3A_0 : i32 to vector<16xi32>
    %add3A_156 = arith.addi %get3A_154, %add3A_155 : vector<16xi32>
    %swap3A_157 = arith.constant 80 : index
    %swap3A_158 = tpu.vector_load %arg7[%swap3A_157] {strides = array<i32>} : memref<128xi32, #tpu.memory_space<vmem>>, vector<16xi32>,
    %swap3A_159 = vector.shape_cast %swap3A_158 : vector<16xi32> to vector<16xi32>
    %swap3A_160 = vector.shape_cast %add3A_156 : vector<16xi32> to vector<16xi32>
    tpu.vector_store %arg7[%swap3A_157], %swap3A_160 {strides = array<i32>} : memref<128xi32, #tpu.memory_space<vmem>>, vector<16xi32>,
    %get3A_161 = arith.constant 96 : index
    %get3A_162 = tpu.vector_load %arg7[%get3A_161] {strides = array<i32>} : memref<128xi32, #tpu.memory_space<vmem>>, vector<16xi32>,
    %get3A_163 = vector.shape_cast %get3A_162 : vector<16xi32> to vector<16xi32>
    %add3A_164 = vector.broadcast %mul3A_0 : i32 to vector<16xi32>
    %add3A_165 = arith.addi %get3A_163, %add3A_164 : vector<16xi32>
    %swap3A_166 = arith.constant 96 : index
    %swap3A_167 = tpu.vector_load %arg7[%swap3A_166] {strides = array<i32>} : memref<128xi32, #tpu.memory_space<vmem>>, vector<16xi32>,
    %swap3A_168 = vector.shape_cast %swap3A_167 : vector<16xi32> to vector<16xi32>
    %swap3A_169 = vector.shape_cast %add3A_165 : vector<16xi32> to vector<16xi32>
    tpu.vector_store %arg7[%swap3A_166], %swap3A_169 {strides = array<i32>} : memref<128xi32, #tpu.memory_space<vmem>>, vector<16xi32>,
    %get3A_170 = arith.constant 112 : index
    %get3A_171 = tpu.vector_load %arg7[%get3A_170] {strides = array<i32>} : memref<128xi32, #tpu.memory_space<vmem>>, vector<16xi32>,
    %get3A_172 = vector.shape_cast %get3A_171 : vector<16xi32> to vector<16xi32>
    %add3A_173 = vector.broadcast %mul3A_0 : i32 to vector<16xi32>
    %add3A_174 = arith.addi %get3A_172, %add3A_173 : vector<16xi32>
    %swap3A_175 = arith.constant 112 : index
    %swap3A_176 = tpu.vector_load %arg7[%swap3A_175] {strides = array<i32>} : memref<128xi32, #tpu.memory_space<vmem>>, vector<16xi32>,
    %swap3A_177 = vector.shape_cast %swap3A_176 : vector<16xi32> to vector<16xi32>
    %swap3A_178 = vector.shape_cast %add3A_174 : vector<16xi32> to vector<16xi32>
    tpu.vector_store %arg7[%swap3A_175], %swap3A_178 {strides = array<i32>} : memref<128xi32, #tpu.memory_space<vmem>>, vector<16xi32>,
    %dma_start3A_179 = arith.constant 0 : i32
    %dma_start3A_180 = arith.constant 0 : i32
    %dma_start3A_181 = tpu.memref_slice %arg2[%dma_start3A_179, %dma_start3A_180] : memref<20000x128xf32, #tpu.memory_space<hbm>> -> memref<20000x128xf32, #tpu.memory_space<hbm>>
    tpu.enqueue_indirect_dma source(%dma_start3A_181 : memref<20000x128xf32, #tpu.memory_space<hbm>>) target(%arg11 : memref<128x128xf32, #tpu.memory_space<vmem>>) offsets(%arg7 : memref<128xi32, #tpu.memory_space<vmem>>) semaphore(%arg15 : memref<!tpu.dma_semaphore, #tpu.memory_space<semaphore_mem>>)
    %while3A = arith.constant 0 : i32
    %while3A_182 = arith.constant 0 : i32
    %while3A_183 = arith.subi %add3A_12, %while3A_182 : i32
    %while3A_184 = arith.addi %while3A_182, %while3A_183 : i32
    %while3A_185 = arith.constant 1 : i32
    %while3A_186 = arith.divsi %while3A_183, %while3A_185 : i32
    %while3A_187 = arith.muli %while3A_186, %while3A_185 : i32
    %while3A_188 = arith.addi %while3A_182, %while3A_187 : i32
    %while3A_189 = arith.constant 1 : i32
    scf.for %while3A_405 = %while3A_182 to %while3A_188 step %while3A_189  : i32 {
      %mul3A_406 = arith.constant 2 : i32
      %mul3A_407 = arith.muli %mul3A_406, %while3A_405 : i32
      %add3A_408 = arith.constant 0 : i32
      %add3A_409 = arith.addi %mul3A_407, %add3A_408 : i32
      %dma_wait3A_410 = arith.constant 0 : i32
      %dma_wait3A_411 = arith.constant 0 : i32
      %dma_wait3A_412 = tpu.memref_slice %arg2[%dma_wait3A_410, %dma_wait3A_411] : memref<20000x128xf32, #tpu.memory_space<hbm>> -> memref<20000x128xf32, #tpu.memory_space<hbm>>
      tpu.wait_indirect_dma semaphore(%arg14 : memref<!tpu.dma_semaphore, #tpu.memory_space<semaphore_mem>>) src(%dma_wait3A_412 : memref<20000x128xf32, #tpu.memory_space<hbm>>) dst(%arg10 : memref<128x128xf32, #tpu.memory_space<vmem>>)
      %mul3A_413 = arith.constant 128 : i32
      %mul3A_414 = arith.muli %add3A_409, %mul3A_413 : i32
      %add3A_415 = arith.addi %mul3A_2, %mul3A_414 : i32
      %min3A_416 = arith.minsi %add3A_415, %sub3A_14 : i32
      %multiple_of3A_417 = tpu.assume_multiple %min3A_416, 8 : i32
      "tpu.region"() ({
        %run_scoped3A = tpu.sem_alloc : memref<!tpu.dma_semaphore, #tpu.memory_space<semaphore_mem>>
        %dma_start3A_922 = tpu.memref_slice %arg4[%multiple_of3A_417] : memref<160000xi32, #tpu.memory_space<hbm>> -> memref<128xi32, #tpu.memory_space<hbm>>
        %dma_start3A_923 = tpu.memref_slice %arg4[%multiple_of3A_417] : memref<160000xi32, #tpu.memory_space<hbm>> -> memref<128xi32, #tpu.memory_space<hbm>>
        tpu.enqueue_dma source(%dma_start3A_923 : memref<128xi32, #tpu.memory_space<hbm>>) target(%arg8 : memref<128xi32, #tpu.memory_space<vmem>>) target_semaphore(%run_scoped3A : memref<!tpu.dma_semaphore, #tpu.memory_space<semaphore_mem>>)
        %dma_wait3A_924 = tpu.memref_slice %arg4[%multiple_of3A_417] : memref<160000xi32, #tpu.memory_space<hbm>> -> memref<128xi32, #tpu.memory_space<hbm>>
        %dma_wait3A_925 = tpu.memref_slice %arg4[%multiple_of3A_417] : memref<160000xi32, #tpu.memory_space<hbm>> -> memref<128xi32, #tpu.memory_space<hbm>>
        tpu.wait_dma2 semaphore(%run_scoped3A : memref<!tpu.dma_semaphore, #tpu.memory_space<semaphore_mem>>) src(%dma_wait3A_925 : memref<128xi32, #tpu.memory_space<hbm>>) dst(%arg8 : memref<128xi32, #tpu.memory_space<vmem>>)
        tpu.yield
      }) : () -> ()
      %get3A_418 = arith.constant 0 : index
      %get3A_419 = tpu.vector_load %arg8[%get3A_418] {strides = array<i32>} : memref<128xi32, #tpu.memory_space<vmem>>, vector<16xi32>,
      %get3A_420 = vector.shape_cast %get3A_419 : vector<16xi32> to vector<16xi32>
      %sub3A_421 = arith.constant 0 : i32
      %sub3A_422 = vector.broadcast %sub3A_421 : i32 to vector<16xi32>
      %sub3A_423 = arith.subi %get3A_420, %sub3A_422 : vector<16xi32>
      %ge3A = arith.constant 0 : i32
      %ge3A_424 = vector.broadcast %ge3A : i32 to vector<16xi32>
      %ge3A_425 = arith.cmpi sge, %sub3A_423, %ge3A_424 : vector<16xi32>
      %lt3A = arith.constant 5000 : i32
      %lt3A_426 = vector.broadcast %lt3A : i32 to vector<16xi32>
      %lt3A_427 = arith.cmpi slt, %sub3A_423, %lt3A_426 : vector<16xi32>
      %and3A = arith.andi %ge3A_425, %lt3A_427 : vector<16xi1>
      %jit3A_428 = arith.constant 5000 : i32
      %broadcast_in_dim3A = vector.broadcast %jit3A_428 : i32 to vector<16xi32>
      %select_n3A_429 = arith.select %and3A, %sub3A_423, %broadcast_in_dim3A : vector<16xi1>, vector<16xi32>
      %swap3A_430 = arith.constant 0 : index
      %swap3A_431 = tpu.vector_load %arg8[%swap3A_430] {strides = array<i32>} : memref<128xi32, #tpu.memory_space<vmem>>, vector<16xi32>,
      %swap3A_432 = vector.shape_cast %swap3A_431 : vector<16xi32> to vector<16xi32>
      %swap3A_433 = vector.shape_cast %select_n3A_429 : vector<16xi32> to vector<16xi32>
      tpu.vector_store %arg8[%swap3A_430], %swap3A_433 {strides = array<i32>} : memref<128xi32, #tpu.memory_space<vmem>>, vector<16xi32>,
      %get3A_434 = arith.constant 16 : index
      %get3A_435 = tpu.vector_load %arg8[%get3A_434] {strides = array<i32>} : memref<128xi32, #tpu.memory_space<vmem>>, vector<16xi32>,
      %get3A_436 = vector.shape_cast %get3A_435 : vector<16xi32> to vector<16xi32>
      %sub3A_437 = arith.constant 0 : i32
      %sub3A_438 = vector.broadcast %sub3A_437 : i32 to vector<16xi32>
      %sub3A_439 = arith.subi %get3A_436, %sub3A_438 : vector<16xi32>
      %ge3A_440 = arith.constant 0 : i32
      %ge3A_441 = vector.broadcast %ge3A_440 : i32 to vector<16xi32>
      %ge3A_442 = arith.cmpi sge, %sub3A_439, %ge3A_441 : vector<16xi32>
      %lt3A_443 = arith.constant 5000 : i32
      %lt3A_444 = vector.broadcast %lt3A_443 : i32 to vector<16xi32>
      %lt3A_445 = arith.cmpi slt, %sub3A_439, %lt3A_444 : vector<16xi32>
      %and3A_446 = arith.andi %ge3A_442, %lt3A_445 : vector<16xi1>
      %jit3A_447 = arith.constant 5000 : i32
      %broadcast_in_dim3A_448 = vector.broadcast %jit3A_447 : i32 to vector<16xi32>
      %select_n3A_449 = arith.select %and3A_446, %sub3A_439, %broadcast_in_dim3A_448 : vector<16xi1>, vector<16xi32>
      %swap3A_450 = arith.constant 16 : index
      %swap3A_451 = tpu.vector_load %arg8[%swap3A_450] {strides = array<i32>} : memref<128xi32, #tpu.memory_space<vmem>>, vector<16xi32>,
      %swap3A_452 = vector.shape_cast %swap3A_451 : vector<16xi32> to vector<16xi32>
      %swap3A_453 = vector.shape_cast %select_n3A_449 : vector<16xi32> to vector<16xi32>
      tpu.vector_store %arg8[%swap3A_450], %swap3A_453 {strides = array<i32>} : memref<128xi32, #tpu.memory_space<vmem>>, vector<16xi32>,
      %get3A_454 = arith.constant 32 : index
      %get3A_455 = tpu.vector_load %arg8[%get3A_454] {strides = array<i32>} : memref<128xi32, #tpu.memory_space<vmem>>, vector<16xi32>,
      %get3A_456 = vector.shape_cast %get3A_455 : vector<16xi32> to vector<16xi32>
      %sub3A_457 = arith.constant 0 : i32
      %sub3A_458 = vector.broadcast %sub3A_457 : i32 to vector<16xi32>
      %sub3A_459 = arith.subi %get3A_456, %sub3A_458 : vector<16xi32>
      %ge3A_460 = arith.constant 0 : i32
      %ge3A_461 = vector.broadcast %ge3A_460 : i32 to vector<16xi32>
      %ge3A_462 = arith.cmpi sge, %sub3A_459, %ge3A_461 : vector<16xi32>
      %lt3A_463 = arith.constant 5000 : i32
      %lt3A_464 = vector.broadcast %lt3A_463 : i32 to vector<16xi32>
      %lt3A_465 = arith.cmpi slt, %sub3A_459, %lt3A_464 : vector<16xi32>
      %and3A_466 = arith.andi %ge3A_462, %lt3A_465 : vector<16xi1>
      %jit3A_467 = arith.constant 5000 : i32
      %broadcast_in_dim3A_468 = vector.broadcast %jit3A_467 : i32 to vector<16xi32>
      %select_n3A_469 = arith.select %and3A_466, %sub3A_459, %broadcast_in_dim3A_468 : vector<16xi1>, vector<16xi32>
      %swap3A_470 = arith.constant 32 : index
      %swap3A_471 = tpu.vector_load %arg8[%swap3A_470] {strides = array<i32>} : memref<128xi32, #tpu.memory_space<vmem>>, vector<16xi32>,
      %swap3A_472 = vector.shape_cast %swap3A_471 : vector<16xi32> to vector<16xi32>
      %swap3A_473 = vector.shape_cast %select_n3A_469 : vector<16xi32> to vector<16xi32>
      tpu.vector_store %arg8[%swap3A_470], %swap3A_473 {strides = array<i32>} : memref<128xi32, #tpu.memory_space<vmem>>, vector<16xi32>,
      %get3A_474 = arith.constant 48 : index
      %get3A_475 = tpu.vector_load %arg8[%get3A_474] {strides = array<i32>} : memref<128xi32, #tpu.memory_space<vmem>>, vector<16xi32>,
      %get3A_476 = vector.shape_cast %get3A_475 : vector<16xi32> to vector<16xi32>
      %sub3A_477 = arith.constant 0 : i32
      %sub3A_478 = vector.broadcast %sub3A_477 : i32 to vector<16xi32>
      %sub3A_479 = arith.subi %get3A_476, %sub3A_478 : vector<16xi32>
      %ge3A_480 = arith.constant 0 : i32
      %ge3A_481 = vector.broadcast %ge3A_480 : i32 to vector<16xi32>
      %ge3A_482 = arith.cmpi sge, %sub3A_479, %ge3A_481 : vector<16xi32>
      %lt3A_483 = arith.constant 5000 : i32
      %lt3A_484 = vector.broadcast %lt3A_483 : i32 to vector<16xi32>
      %lt3A_485 = arith.cmpi slt, %sub3A_479, %lt3A_484 : vector<16xi32>
      %and3A_486 = arith.andi %ge3A_482, %lt3A_485 : vector<16xi1>
      %jit3A_487 = arith.constant 5000 : i32
      %broadcast_in_dim3A_488 = vector.broadcast %jit3A_487 : i32 to vector<16xi32>
      %select_n3A_489 = arith.select %and3A_486, %sub3A_479, %broadcast_in_dim3A_488 : vector<16xi1>, vector<16xi32>
      %swap3A_490 = arith.constant 48 : index
      %swap3A_491 = tpu.vector_load %arg8[%swap3A_490] {strides = array<i32>} : memref<128xi32, #tpu.memory_space<vmem>>, vector<16xi32>,
      %swap3A_492 = vector.shape_cast %swap3A_491 : vector<16xi32> to vector<16xi32>
      %swap3A_493 = vector.shape_cast %select_n3A_489 : vector<16xi32> to vector<16xi32>
      tpu.vector_store %arg8[%swap3A_490], %swap3A_493 {strides = array<i32>} : memref<128xi32, #tpu.memory_space<vmem>>, vector<16xi32>,
      %get3A_494 = arith.constant 64 : index
      %get3A_495 = tpu.vector_load %arg8[%get3A_494] {strides = array<i32>} : memref<128xi32, #tpu.memory_space<vmem>>, vector<16xi32>,
      %get3A_496 = vector.shape_cast %get3A_495 : vector<16xi32> to vector<16xi32>
      %sub3A_497 = arith.constant 0 : i32
      %sub3A_498 = vector.broadcast %sub3A_497 : i32 to vector<16xi32>
      %sub3A_499 = arith.subi %get3A_496, %sub3A_498 : vector<16xi32>
      %ge3A_500 = arith.constant 0 : i32
      %ge3A_501 = vector.broadcast %ge3A_500 : i32 to vector<16xi32>
      %ge3A_502 = arith.cmpi sge, %sub3A_499, %ge3A_501 : vector<16xi32>
      %lt3A_503 = arith.constant 5000 : i32
      %lt3A_504 = vector.broadcast %lt3A_503 : i32 to vector<16xi32>
      %lt3A_505 = arith.cmpi slt, %sub3A_499, %lt3A_504 : vector<16xi32>
      %and3A_506 = arith.andi %ge3A_502, %lt3A_505 : vector<16xi1>
      %jit3A_507 = arith.constant 5000 : i32
      %broadcast_in_dim3A_508 = vector.broadcast %jit3A_507 : i32 to vector<16xi32>
      %select_n3A_509 = arith.select %and3A_506, %sub3A_499, %broadcast_in_dim3A_508 : vector<16xi1>, vector<16xi32>
      %swap3A_510 = arith.constant 64 : index
      %swap3A_511 = tpu.vector_load %arg8[%swap3A_510] {strides = array<i32>} : memref<128xi32, #tpu.memory_space<vmem>>, vector<16xi32>,
      %swap3A_512 = vector.shape_cast %swap3A_511 : vector<16xi32> to vector<16xi32>
      %swap3A_513 = vector.shape_cast %select_n3A_509 : vector<16xi32> to vector<16xi32>
      tpu.vector_store %arg8[%swap3A_510], %swap3A_513 {strides = array<i32>} : memref<128xi32, #tpu.memory_space<vmem>>, vector<16xi32>,
      %get3A_514 = arith.constant 80 : index
      %get3A_515 = tpu.vector_load %arg8[%get3A_514] {strides = array<i32>} : memref<128xi32, #tpu.memory_space<vmem>>, vector<16xi32>,
      %get3A_516 = vector.shape_cast %get3A_515 : vector<16xi32> to vector<16xi32>
      %sub3A_517 = arith.constant 0 : i32
      %sub3A_518 = vector.broadcast %sub3A_517 : i32 to vector<16xi32>
      %sub3A_519 = arith.subi %get3A_516, %sub3A_518 : vector<16xi32>
      %ge3A_520 = arith.constant 0 : i32
      %ge3A_521 = vector.broadcast %ge3A_520 : i32 to vector<16xi32>
      %ge3A_522 = arith.cmpi sge, %sub3A_519, %ge3A_521 : vector<16xi32>
      %lt3A_523 = arith.constant 5000 : i32
      %lt3A_524 = vector.broadcast %lt3A_523 : i32 to vector<16xi32>
      %lt3A_525 = arith.cmpi slt, %sub3A_519, %lt3A_524 : vector<16xi32>
      %and3A_526 = arith.andi %ge3A_522, %lt3A_525 : vector<16xi1>
      %jit3A_527 = arith.constant 5000 : i32
      %broadcast_in_dim3A_528 = vector.broadcast %jit3A_527 : i32 to vector<16xi32>
      %select_n3A_529 = arith.select %and3A_526, %sub3A_519, %broadcast_in_dim3A_528 : vector<16xi1>, vector<16xi32>
      %swap3A_530 = arith.constant 80 : index
      %swap3A_531 = tpu.vector_load %arg8[%swap3A_530] {strides = array<i32>} : memref<128xi32, #tpu.memory_space<vmem>>, vector<16xi32>,
      %swap3A_532 = vector.shape_cast %swap3A_531 : vector<16xi32> to vector<16xi32>
      %swap3A_533 = vector.shape_cast %select_n3A_529 : vector<16xi32> to vector<16xi32>
      tpu.vector_store %arg8[%swap3A_530], %swap3A_533 {strides = array<i32>} : memref<128xi32, #tpu.memory_space<vmem>>, vector<16xi32>,
      %get3A_534 = arith.constant 96 : index
      %get3A_535 = tpu.vector_load %arg8[%get3A_534] {strides = array<i32>} : memref<128xi32, #tpu.memory_space<vmem>>, vector<16xi32>,
      %get3A_536 = vector.shape_cast %get3A_535 : vector<16xi32> to vector<16xi32>
      %sub3A_537 = arith.constant 0 : i32
      %sub3A_538 = vector.broadcast %sub3A_537 : i32 to vector<16xi32>
      %sub3A_539 = arith.subi %get3A_536, %sub3A_538 : vector<16xi32>
      %ge3A_540 = arith.constant 0 : i32
      %ge3A_541 = vector.broadcast %ge3A_540 : i32 to vector<16xi32>
      %ge3A_542 = arith.cmpi sge, %sub3A_539, %ge3A_541 : vector<16xi32>
      %lt3A_543 = arith.constant 5000 : i32
      %lt3A_544 = vector.broadcast %lt3A_543 : i32 to vector<16xi32>
      %lt3A_545 = arith.cmpi slt, %sub3A_539, %lt3A_544 : vector<16xi32>
      %and3A_546 = arith.andi %ge3A_542, %lt3A_545 : vector<16xi1>
      %jit3A_547 = arith.constant 5000 : i32
      %broadcast_in_dim3A_548 = vector.broadcast %jit3A_547 : i32 to vector<16xi32>
      %select_n3A_549 = arith.select %and3A_546, %sub3A_539, %broadcast_in_dim3A_548 : vector<16xi1>, vector<16xi32>
      %swap3A_550 = arith.constant 96 : index
      %swap3A_551 = tpu.vector_load %arg8[%swap3A_550] {strides = array<i32>} : memref<128xi32, #tpu.memory_space<vmem>>, vector<16xi32>,
      %swap3A_552 = vector.shape_cast %swap3A_551 : vector<16xi32> to vector<16xi32>
      %swap3A_553 = vector.shape_cast %select_n3A_549 : vector<16xi32> to vector<16xi32>
      tpu.vector_store %arg8[%swap3A_550], %swap3A_553 {strides = array<i32>} : memref<128xi32, #tpu.memory_space<vmem>>, vector<16xi32>,
      %get3A_554 = arith.constant 112 : index
      %get3A_555 = tpu.vector_load %arg8[%get3A_554] {strides = array<i32>} : memref<128xi32, #tpu.memory_space<vmem>>, vector<16xi32>,
      %get3A_556 = vector.shape_cast %get3A_555 : vector<16xi32> to vector<16xi32>
      %sub3A_557 = arith.constant 0 : i32
      %sub3A_558 = vector.broadcast %sub3A_557 : i32 to vector<16xi32>
      %sub3A_559 = arith.subi %get3A_556, %sub3A_558 : vector<16xi32>
      %ge3A_560 = arith.constant 0 : i32
      %ge3A_561 = vector.broadcast %ge3A_560 : i32 to vector<16xi32>
      %ge3A_562 = arith.cmpi sge, %sub3A_559, %ge3A_561 : vector<16xi32>
      %lt3A_563 = arith.constant 5000 : i32
      %lt3A_564 = vector.broadcast %lt3A_563 : i32 to vector<16xi32>
      %lt3A_565 = arith.cmpi slt, %sub3A_559, %lt3A_564 : vector<16xi32>
      %and3A_566 = arith.andi %ge3A_562, %lt3A_565 : vector<16xi1>
      %jit3A_567 = arith.constant 5000 : i32
      %broadcast_in_dim3A_568 = vector.broadcast %jit3A_567 : i32 to vector<16xi32>
      %select_n3A_569 = arith.select %and3A_566, %sub3A_559, %broadcast_in_dim3A_568 : vector<16xi1>, vector<16xi32>
      %swap3A_570 = arith.constant 112 : index
      %swap3A_571 = tpu.vector_load %arg8[%swap3A_570] {strides = array<i32>} : memref<128xi32, #tpu.memory_space<vmem>>, vector<16xi32>,
      %swap3A_572 = vector.shape_cast %swap3A_571 : vector<16xi32> to vector<16xi32>
      %swap3A_573 = vector.shape_cast %select_n3A_569 : vector<16xi32> to vector<16xi32>
      tpu.vector_store %arg8[%swap3A_570], %swap3A_573 {strides = array<i32>} : memref<128xi32, #tpu.memory_space<vmem>>, vector<16xi32>,
      %dma_start3A_574 = arith.constant 0 : i32
      %dma_start3A_575 = arith.constant 0 : i32
      %dma_start3A_576 = tpu.memref_slice %arg13[%dma_start3A_574, %dma_start3A_575] : memref<5008x128xf32, #tpu.memory_space<vmem_shared>> -> memref<5008x128xf32, #tpu.memory_space<vmem_shared>>
      tpu.enqueue_indirect_dma source(%arg10 : memref<128x128xf32, #tpu.memory_space<vmem>>) target(%dma_start3A_576 : memref<5008x128xf32, #tpu.memory_space<vmem_shared>>) offsets(%arg8 : memref<128xi32, #tpu.memory_space<vmem>>) semaphore(%arg16 : memref<!tpu.dma_semaphore, #tpu.memory_space<semaphore_mem>>) {add = true}
      %add3A_577 = arith.constant 2 : i32
      %add3A_578 = arith.addi %add3A_409, %add3A_577 : i32
      %mul3A_579 = arith.constant 128 : i32
      %mul3A_580 = arith.muli %add3A_578, %mul3A_579 : i32
      %add3A_581 = arith.addi %mul3A_2, %mul3A_580 : i32
      %min3A_582 = arith.minsi %add3A_581, %sub3A_14 : i32
      %multiple_of3A_583 = tpu.assume_multiple %min3A_582, 8 : i32
      "tpu.region"() ({
        %run_scoped3A = tpu.sem_alloc : memref<!tpu.dma_semaphore, #tpu.memory_space<semaphore_mem>>
        %dma_start3A_922 = tpu.memref_slice %arg3[%multiple_of3A_583] : memref<160000xi32, #tpu.memory_space<hbm>> -> memref<128xi32, #tpu.memory_space<hbm>>
        %dma_start3A_923 = tpu.memref_slice %arg3[%multiple_of3A_583] : memref<160000xi32, #tpu.memory_space<hbm>> -> memref<128xi32, #tpu.memory_space<hbm>>
        tpu.enqueue_dma source(%dma_start3A_923 : memref<128xi32, #tpu.memory_space<hbm>>) target(%arg6 : memref<128xi32, #tpu.memory_space<vmem>>) target_semaphore(%run_scoped3A : memref<!tpu.dma_semaphore, #tpu.memory_space<semaphore_mem>>)
        %dma_wait3A_924 = tpu.memref_slice %arg3[%multiple_of3A_583] : memref<160000xi32, #tpu.memory_space<hbm>> -> memref<128xi32, #tpu.memory_space<hbm>>
        %dma_wait3A_925 = tpu.memref_slice %arg3[%multiple_of3A_583] : memref<160000xi32, #tpu.memory_space<hbm>> -> memref<128xi32, #tpu.memory_space<hbm>>
        tpu.wait_dma2 semaphore(%run_scoped3A : memref<!tpu.dma_semaphore, #tpu.memory_space<semaphore_mem>>) src(%dma_wait3A_925 : memref<128xi32, #tpu.memory_space<hbm>>) dst(%arg6 : memref<128xi32, #tpu.memory_space<vmem>>)
        tpu.yield
      }) : () -> ()
      %get3A_584 = arith.constant 0 : index
      %get3A_585 = tpu.vector_load %arg6[%get3A_584] {strides = array<i32>} : memref<128xi32, #tpu.memory_space<vmem>>, vector<16xi32>,
      %get3A_586 = vector.shape_cast %get3A_585 : vector<16xi32> to vector<16xi32>
      %add3A_587 = vector.broadcast %mul3A_0 : i32 to vector<16xi32>
      %add3A_588 = arith.addi %get3A_586, %add3A_587 : vector<16xi32>
      %swap3A_589 = arith.constant 0 : index
      %swap3A_590 = tpu.vector_load %arg6[%swap3A_589] {strides = array<i32>} : memref<128xi32, #tpu.memory_space<vmem>>, vector<16xi32>,
      %swap3A_591 = vector.shape_cast %swap3A_590 : vector<16xi32> to vector<16xi32>
      %swap3A_592 = vector.shape_cast %add3A_588 : vector<16xi32> to vector<16xi32>
      tpu.vector_store %arg6[%swap3A_589], %swap3A_592 {strides = array<i32>} : memref<128xi32, #tpu.memory_space<vmem>>, vector<16xi32>,
      %get3A_593 = arith.constant 16 : index
      %get3A_594 = tpu.vector_load %arg6[%get3A_593] {strides = array<i32>} : memref<128xi32, #tpu.memory_space<vmem>>, vector<16xi32>,
      %get3A_595 = vector.shape_cast %get3A_594 : vector<16xi32> to vector<16xi32>
      %add3A_596 = vector.broadcast %mul3A_0 : i32 to vector<16xi32>
      %add3A_597 = arith.addi %get3A_595, %add3A_596 : vector<16xi32>
      %swap3A_598 = arith.constant 16 : index
      %swap3A_599 = tpu.vector_load %arg6[%swap3A_598] {strides = array<i32>} : memref<128xi32, #tpu.memory_space<vmem>>, vector<16xi32>,
      %swap3A_600 = vector.shape_cast %swap3A_599 : vector<16xi32> to vector<16xi32>
      %swap3A_601 = vector.shape_cast %add3A_597 : vector<16xi32> to vector<16xi32>
      tpu.vector_store %arg6[%swap3A_598], %swap3A_601 {strides = array<i32>} : memref<128xi32, #tpu.memory_space<vmem>>, vector<16xi32>,
      %get3A_602 = arith.constant 32 : index
      %get3A_603 = tpu.vector_load %arg6[%get3A_602] {strides = array<i32>} : memref<128xi32, #tpu.memory_space<vmem>>, vector<16xi32>,
      %get3A_604 = vector.shape_cast %get3A_603 : vector<16xi32> to vector<16xi32>
      %add3A_605 = vector.broadcast %mul3A_0 : i32 to vector<16xi32>
      %add3A_606 = arith.addi %get3A_604, %add3A_605 : vector<16xi32>
      %swap3A_607 = arith.constant 32 : index
      %swap3A_608 = tpu.vector_load %arg6[%swap3A_607] {strides = array<i32>} : memref<128xi32, #tpu.memory_space<vmem>>, vector<16xi32>,
      %swap3A_609 = vector.shape_cast %swap3A_608 : vector<16xi32> to vector<16xi32>
      %swap3A_610 = vector.shape_cast %add3A_606 : vector<16xi32> to vector<16xi32>
      tpu.vector_store %arg6[%swap3A_607], %swap3A_610 {strides = array<i32>} : memref<128xi32, #tpu.memory_space<vmem>>, vector<16xi32>,
      %get3A_611 = arith.constant 48 : index
      %get3A_612 = tpu.vector_load %arg6[%get3A_611] {strides = array<i32>} : memref<128xi32, #tpu.memory_space<vmem>>, vector<16xi32>,
      %get3A_613 = vector.shape_cast %get3A_612 : vector<16xi32> to vector<16xi32>
      %add3A_614 = vector.broadcast %mul3A_0 : i32 to vector<16xi32>
      %add3A_615 = arith.addi %get3A_613, %add3A_614 : vector<16xi32>
      %swap3A_616 = arith.constant 48 : index
      %swap3A_617 = tpu.vector_load %arg6[%swap3A_616] {strides = array<i32>} : memref<128xi32, #tpu.memory_space<vmem>>, vector<16xi32>,
      %swap3A_618 = vector.shape_cast %swap3A_617 : vector<16xi32> to vector<16xi32>
      %swap3A_619 = vector.shape_cast %add3A_615 : vector<16xi32> to vector<16xi32>
      tpu.vector_store %arg6[%swap3A_616], %swap3A_619 {strides = array<i32>} : memref<128xi32, #tpu.memory_space<vmem>>, vector<16xi32>,
      %get3A_620 = arith.constant 64 : index
      %get3A_621 = tpu.vector_load %arg6[%get3A_620] {strides = array<i32>} : memref<128xi32, #tpu.memory_space<vmem>>, vector<16xi32>,
      %get3A_622 = vector.shape_cast %get3A_621 : vector<16xi32> to vector<16xi32>
      %add3A_623 = vector.broadcast %mul3A_0 : i32 to vector<16xi32>
      %add3A_624 = arith.addi %get3A_622, %add3A_623 : vector<16xi32>
      %swap3A_625 = arith.constant 64 : index
      %swap3A_626 = tpu.vector_load %arg6[%swap3A_625] {strides = array<i32>} : memref<128xi32, #tpu.memory_space<vmem>>, vector<16xi32>,
      %swap3A_627 = vector.shape_cast %swap3A_626 : vector<16xi32> to vector<16xi32>
      %swap3A_628 = vector.shape_cast %add3A_624 : vector<16xi32> to vector<16xi32>
      tpu.vector_store %arg6[%swap3A_625], %swap3A_628 {strides = array<i32>} : memref<128xi32, #tpu.memory_space<vmem>>, vector<16xi32>,
      %get3A_629 = arith.constant 80 : index
      %get3A_630 = tpu.vector_load %arg6[%get3A_629] {strides = array<i32>} : memref<128xi32, #tpu.memory_space<vmem>>, vector<16xi32>,
      %get3A_631 = vector.shape_cast %get3A_630 : vector<16xi32> to vector<16xi32>
      %add3A_632 = vector.broadcast %mul3A_0 : i32 to vector<16xi32>
      %add3A_633 = arith.addi %get3A_631, %add3A_632 : vector<16xi32>
      %swap3A_634 = arith.constant 80 : index
      %swap3A_635 = tpu.vector_load %arg6[%swap3A_634] {strides = array<i32>} : memref<128xi32, #tpu.memory_space<vmem>>, vector<16xi32>,
      %swap3A_636 = vector.shape_cast %swap3A_635 : vector<16xi32> to vector<16xi32>
      %swap3A_637 = vector.shape_cast %add3A_633 : vector<16xi32> to vector<16xi32>
      tpu.vector_store %arg6[%swap3A_634], %swap3A_637 {strides = array<i32>} : memref<128xi32, #tpu.memory_space<vmem>>, vector<16xi32>,
      %get3A_638 = arith.constant 96 : index
      %get3A_639 = tpu.vector_load %arg6[%get3A_638] {strides = array<i32>} : memref<128xi32, #tpu.memory_space<vmem>>, vector<16xi32>,
      %get3A_640 = vector.shape_cast %get3A_639 : vector<16xi32> to vector<16xi32>
      %add3A_641 = vector.broadcast %mul3A_0 : i32 to vector<16xi32>
      %add3A_642 = arith.addi %get3A_640, %add3A_641 : vector<16xi32>
      %swap3A_643 = arith.constant 96 : index
      %swap3A_644 = tpu.vector_load %arg6[%swap3A_643] {strides = array<i32>} : memref<128xi32, #tpu.memory_space<vmem>>, vector<16xi32>,
      %swap3A_645 = vector.shape_cast %swap3A_644 : vector<16xi32> to vector<16xi32>
      %swap3A_646 = vector.shape_cast %add3A_642 : vector<16xi32> to vector<16xi32>
      tpu.vector_store %arg6[%swap3A_643], %swap3A_646 {strides = array<i32>} : memref<128xi32, #tpu.memory_space<vmem>>, vector<16xi32>,
      %get3A_647 = arith.constant 112 : index
      %get3A_648 = tpu.vector_load %arg6[%get3A_647] {strides = array<i32>} : memref<128xi32, #tpu.memory_space<vmem>>, vector<16xi32>,
      %get3A_649 = vector.shape_cast %get3A_648 : vector<16xi32> to vector<16xi32>
      %add3A_650 = vector.broadcast %mul3A_0 : i32 to vector<16xi32>
      %add3A_651 = arith.addi %get3A_649, %add3A_650 : vector<16xi32>
      %swap3A_652 = arith.constant 112 : index
      %swap3A_653 = tpu.vector_load %arg6[%swap3A_652] {strides = array<i32>} : memref<128xi32, #tpu.memory_space<vmem>>, vector<16xi32>,
      %swap3A_654 = vector.shape_cast %swap3A_653 : vector<16xi32> to vector<16xi32>
      %swap3A_655 = vector.shape_cast %add3A_651 : vector<16xi32> to vector<16xi32>
      tpu.vector_store %arg6[%swap3A_652], %swap3A_655 {strides = array<i32>} : memref<128xi32, #tpu.memory_space<vmem>>, vector<16xi32>,
      %dma_wait3A_656 = arith.constant 0 : i32
      %dma_wait3A_657 = arith.constant 0 : i32
      %dma_wait3A_658 = tpu.memref_slice %arg13[%dma_wait3A_656, %dma_wait3A_657] : memref<5008x128xf32, #tpu.memory_space<vmem_shared>> -> memref<5008x128xf32, #tpu.memory_space<vmem_shared>>
      tpu.wait_indirect_dma semaphore(%arg16 : memref<!tpu.dma_semaphore, #tpu.memory_space<semaphore_mem>>) src(%arg10 : memref<128x128xf32, #tpu.memory_space<vmem>>) dst(%dma_wait3A_658 : memref<5008x128xf32, #tpu.memory_space<vmem_shared>>)
      %dma_start3A_659 = arith.constant 0 : i32
      %dma_start3A_660 = arith.constant 0 : i32
      %dma_start3A_661 = tpu.memref_slice %arg2[%dma_start3A_659, %dma_start3A_660] : memref<20000x128xf32, #tpu.memory_space<hbm>> -> memref<20000x128xf32, #tpu.memory_space<hbm>>
      tpu.enqueue_indirect_dma source(%dma_start3A_661 : memref<20000x128xf32, #tpu.memory_space<hbm>>) target(%arg10 : memref<128x128xf32, #tpu.memory_space<vmem>>) offsets(%arg6 : memref<128xi32, #tpu.memory_space<vmem>>) semaphore(%arg14 : memref<!tpu.dma_semaphore, #tpu.memory_space<semaphore_mem>>)
      %mul3A_662 = arith.constant 2 : i32
      %mul3A_663 = arith.muli %mul3A_662, %while3A_405 : i32
      %add3A_664 = arith.constant 1 : i32
      %add3A_665 = arith.addi %mul3A_663, %add3A_664 : i32
      %dma_wait3A_666 = arith.constant 0 : i32
      %dma_wait3A_667 = arith.constant 0 : i32
      %dma_wait3A_668 = tpu.memref_slice %arg2[%dma_wait3A_666, %dma_wait3A_667] : memref<20000x128xf32, #tpu.memory_space<hbm>> -> memref<20000x128xf32, #tpu.memory_space<hbm>>
      tpu.wait_indirect_dma semaphore(%arg15 : memref<!tpu.dma_semaphore, #tpu.memory_space<semaphore_mem>>) src(%dma_wait3A_668 : memref<20000x128xf32, #tpu.memory_space<hbm>>) dst(%arg11 : memref<128x128xf32, #tpu.memory_space<vmem>>)
      %mul3A_669 = arith.constant 128 : i32
      %mul3A_670 = arith.muli %add3A_665, %mul3A_669 : i32
      %add3A_671 = arith.addi %mul3A_2, %mul3A_670 : i32
      %min3A_672 = arith.minsi %add3A_671, %sub3A_14 : i32
      %multiple_of3A_673 = tpu.assume_multiple %min3A_672, 8 : i32
      "tpu.region"() ({
        %run_scoped3A = tpu.sem_alloc : memref<!tpu.dma_semaphore, #tpu.memory_space<semaphore_mem>>
        %dma_start3A_922 = tpu.memref_slice %arg4[%multiple_of3A_673] : memref<160000xi32, #tpu.memory_space<hbm>> -> memref<128xi32, #tpu.memory_space<hbm>>
        %dma_start3A_923 = tpu.memref_slice %arg4[%multiple_of3A_673] : memref<160000xi32, #tpu.memory_space<hbm>> -> memref<128xi32, #tpu.memory_space<hbm>>
        tpu.enqueue_dma source(%dma_start3A_923 : memref<128xi32, #tpu.memory_space<hbm>>) target(%arg9 : memref<128xi32, #tpu.memory_space<vmem>>) target_semaphore(%run_scoped3A : memref<!tpu.dma_semaphore, #tpu.memory_space<semaphore_mem>>)
        %dma_wait3A_924 = tpu.memref_slice %arg4[%multiple_of3A_673] : memref<160000xi32, #tpu.memory_space<hbm>> -> memref<128xi32, #tpu.memory_space<hbm>>
        %dma_wait3A_925 = tpu.memref_slice %arg4[%multiple_of3A_673] : memref<160000xi32, #tpu.memory_space<hbm>> -> memref<128xi32, #tpu.memory_space<hbm>>
        tpu.wait_dma2 semaphore(%run_scoped3A : memref<!tpu.dma_semaphore, #tpu.memory_space<semaphore_mem>>) src(%dma_wait3A_925 : memref<128xi32, #tpu.memory_space<hbm>>) dst(%arg9 : memref<128xi32, #tpu.memory_space<vmem>>)
        tpu.yield
      }) : () -> ()
      %get3A_674 = arith.constant 0 : index
      %get3A_675 = tpu.vector_load %arg9[%get3A_674] {strides = array<i32>} : memref<128xi32, #tpu.memory_space<vmem>>, vector<16xi32>,
      %get3A_676 = vector.shape_cast %get3A_675 : vector<16xi32> to vector<16xi32>
      %sub3A_677 = arith.constant 0 : i32
      %sub3A_678 = vector.broadcast %sub3A_677 : i32 to vector<16xi32>
      %sub3A_679 = arith.subi %get3A_676, %sub3A_678 : vector<16xi32>
      %ge3A_680 = arith.constant 0 : i32
      %ge3A_681 = vector.broadcast %ge3A_680 : i32 to vector<16xi32>
      %ge3A_682 = arith.cmpi sge, %sub3A_679, %ge3A_681 : vector<16xi32>
      %lt3A_683 = arith.constant 5000 : i32
      %lt3A_684 = vector.broadcast %lt3A_683 : i32 to vector<16xi32>
      %lt3A_685 = arith.cmpi slt, %sub3A_679, %lt3A_684 : vector<16xi32>
      %and3A_686 = arith.andi %ge3A_682, %lt3A_685 : vector<16xi1>
      %jit3A_687 = arith.constant 5000 : i32
      %broadcast_in_dim3A_688 = vector.broadcast %jit3A_687 : i32 to vector<16xi32>
      %select_n3A_689 = arith.select %and3A_686, %sub3A_679, %broadcast_in_dim3A_688 : vector<16xi1>, vector<16xi32>
      %swap3A_690 = arith.constant 0 : index
      %swap3A_691 = tpu.vector_load %arg9[%swap3A_690] {strides = array<i32>} : memref<128xi32, #tpu.memory_space<vmem>>, vector<16xi32>,
      %swap3A_692 = vector.shape_cast %swap3A_691 : vector<16xi32> to vector<16xi32>
      %swap3A_693 = vector.shape_cast %select_n3A_689 : vector<16xi32> to vector<16xi32>
      tpu.vector_store %arg9[%swap3A_690], %swap3A_693 {strides = array<i32>} : memref<128xi32, #tpu.memory_space<vmem>>, vector<16xi32>,
      %get3A_694 = arith.constant 16 : index
      %get3A_695 = tpu.vector_load %arg9[%get3A_694] {strides = array<i32>} : memref<128xi32, #tpu.memory_space<vmem>>, vector<16xi32>,
      %get3A_696 = vector.shape_cast %get3A_695 : vector<16xi32> to vector<16xi32>
      %sub3A_697 = arith.constant 0 : i32
      %sub3A_698 = vector.broadcast %sub3A_697 : i32 to vector<16xi32>
      %sub3A_699 = arith.subi %get3A_696, %sub3A_698 : vector<16xi32>
      %ge3A_700 = arith.constant 0 : i32
      %ge3A_701 = vector.broadcast %ge3A_700 : i32 to vector<16xi32>
      %ge3A_702 = arith.cmpi sge, %sub3A_699, %ge3A_701 : vector<16xi32>
      %lt3A_703 = arith.constant 5000 : i32
      %lt3A_704 = vector.broadcast %lt3A_703 : i32 to vector<16xi32>
      %lt3A_705 = arith.cmpi slt, %sub3A_699, %lt3A_704 : vector<16xi32>
      %and3A_706 = arith.andi %ge3A_702, %lt3A_705 : vector<16xi1>
      %jit3A_707 = arith.constant 5000 : i32
      %broadcast_in_dim3A_708 = vector.broadcast %jit3A_707 : i32 to vector<16xi32>
      %select_n3A_709 = arith.select %and3A_706, %sub3A_699, %broadcast_in_dim3A_708 : vector<16xi1>, vector<16xi32>
      %swap3A_710 = arith.constant 16 : index
      %swap3A_711 = tpu.vector_load %arg9[%swap3A_710] {strides = array<i32>} : memref<128xi32, #tpu.memory_space<vmem>>, vector<16xi32>,
      %swap3A_712 = vector.shape_cast %swap3A_711 : vector<16xi32> to vector<16xi32>
      %swap3A_713 = vector.shape_cast %select_n3A_709 : vector<16xi32> to vector<16xi32>
      tpu.vector_store %arg9[%swap3A_710], %swap3A_713 {strides = array<i32>} : memref<128xi32, #tpu.memory_space<vmem>>, vector<16xi32>,
      %get3A_714 = arith.constant 32 : index
      %get3A_715 = tpu.vector_load %arg9[%get3A_714] {strides = array<i32>} : memref<128xi32, #tpu.memory_space<vmem>>, vector<16xi32>,
      %get3A_716 = vector.shape_cast %get3A_715 : vector<16xi32> to vector<16xi32>
      %sub3A_717 = arith.constant 0 : i32
      %sub3A_718 = vector.broadcast %sub3A_717 : i32 to vector<16xi32>
      %sub3A_719 = arith.subi %get3A_716, %sub3A_718 : vector<16xi32>
      %ge3A_720 = arith.constant 0 : i32
      %ge3A_721 = vector.broadcast %ge3A_720 : i32 to vector<16xi32>
      %ge3A_722 = arith.cmpi sge, %sub3A_719, %ge3A_721 : vector<16xi32>
      %lt3A_723 = arith.constant 5000 : i32
      %lt3A_724 = vector.broadcast %lt3A_723 : i32 to vector<16xi32>
      %lt3A_725 = arith.cmpi slt, %sub3A_719, %lt3A_724 : vector<16xi32>
      %and3A_726 = arith.andi %ge3A_722, %lt3A_725 : vector<16xi1>
      %jit3A_727 = arith.constant 5000 : i32
      %broadcast_in_dim3A_728 = vector.broadcast %jit3A_727 : i32 to vector<16xi32>
      %select_n3A_729 = arith.select %and3A_726, %sub3A_719, %broadcast_in_dim3A_728 : vector<16xi1>, vector<16xi32>
      %swap3A_730 = arith.constant 32 : index
      %swap3A_731 = tpu.vector_load %arg9[%swap3A_730] {strides = array<i32>} : memref<128xi32, #tpu.memory_space<vmem>>, vector<16xi32>,
      %swap3A_732 = vector.shape_cast %swap3A_731 : vector<16xi32> to vector<16xi32>
      %swap3A_733 = vector.shape_cast %select_n3A_729 : vector<16xi32> to vector<16xi32>
      tpu.vector_store %arg9[%swap3A_730], %swap3A_733 {strides = array<i32>} : memref<128xi32, #tpu.memory_space<vmem>>, vector<16xi32>,
      %get3A_734 = arith.constant 48 : index
      %get3A_735 = tpu.vector_load %arg9[%get3A_734] {strides = array<i32>} : memref<128xi32, #tpu.memory_space<vmem>>, vector<16xi32>,
      %get3A_736 = vector.shape_cast %get3A_735 : vector<16xi32> to vector<16xi32>
      %sub3A_737 = arith.constant 0 : i32
      %sub3A_738 = vector.broadcast %sub3A_737 : i32 to vector<16xi32>
      %sub3A_739 = arith.subi %get3A_736, %sub3A_738 : vector<16xi32>
      %ge3A_740 = arith.constant 0 : i32
      %ge3A_741 = vector.broadcast %ge3A_740 : i32 to vector<16xi32>
      %ge3A_742 = arith.cmpi sge, %sub3A_739, %ge3A_741 : vector<16xi32>
      %lt3A_743 = arith.constant 5000 : i32
      %lt3A_744 = vector.broadcast %lt3A_743 : i32 to vector<16xi32>
      %lt3A_745 = arith.cmpi slt, %sub3A_739, %lt3A_744 : vector<16xi32>
      %and3A_746 = arith.andi %ge3A_742, %lt3A_745 : vector<16xi1>
      %jit3A_747 = arith.constant 5000 : i32
      %broadcast_in_dim3A_748 = vector.broadcast %jit3A_747 : i32 to vector<16xi32>
      %select_n3A_749 = arith.select %and3A_746, %sub3A_739, %broadcast_in_dim3A_748 : vector<16xi1>, vector<16xi32>
      %swap3A_750 = arith.constant 48 : index
      %swap3A_751 = tpu.vector_load %arg9[%swap3A_750] {strides = array<i32>} : memref<128xi32, #tpu.memory_space<vmem>>, vector<16xi32>,
      %swap3A_752 = vector.shape_cast %swap3A_751 : vector<16xi32> to vector<16xi32>
      %swap3A_753 = vector.shape_cast %select_n3A_749 : vector<16xi32> to vector<16xi32>
      tpu.vector_store %arg9[%swap3A_750], %swap3A_753 {strides = array<i32>} : memref<128xi32, #tpu.memory_space<vmem>>, vector<16xi32>,
      %get3A_754 = arith.constant 64 : index
      %get3A_755 = tpu.vector_load %arg9[%get3A_754] {strides = array<i32>} : memref<128xi32, #tpu.memory_space<vmem>>, vector<16xi32>,
      %get3A_756 = vector.shape_cast %get3A_755 : vector<16xi32> to vector<16xi32>
      %sub3A_757 = arith.constant 0 : i32
      %sub3A_758 = vector.broadcast %sub3A_757 : i32 to vector<16xi32>
      %sub3A_759 = arith.subi %get3A_756, %sub3A_758 : vector<16xi32>
      %ge3A_760 = arith.constant 0 : i32
      %ge3A_761 = vector.broadcast %ge3A_760 : i32 to vector<16xi32>
      %ge3A_762 = arith.cmpi sge, %sub3A_759, %ge3A_761 : vector<16xi32>
      %lt3A_763 = arith.constant 5000 : i32
      %lt3A_764 = vector.broadcast %lt3A_763 : i32 to vector<16xi32>
      %lt3A_765 = arith.cmpi slt, %sub3A_759, %lt3A_764 : vector<16xi32>
      %and3A_766 = arith.andi %ge3A_762, %lt3A_765 : vector<16xi1>
      %jit3A_767 = arith.constant 5000 : i32
      %broadcast_in_dim3A_768 = vector.broadcast %jit3A_767 : i32 to vector<16xi32>
      %select_n3A_769 = arith.select %and3A_766, %sub3A_759, %broadcast_in_dim3A_768 : vector<16xi1>, vector<16xi32>
      %swap3A_770 = arith.constant 64 : index
      %swap3A_771 = tpu.vector_load %arg9[%swap3A_770] {strides = array<i32>} : memref<128xi32, #tpu.memory_space<vmem>>, vector<16xi32>,
      %swap3A_772 = vector.shape_cast %swap3A_771 : vector<16xi32> to vector<16xi32>
      %swap3A_773 = vector.shape_cast %select_n3A_769 : vector<16xi32> to vector<16xi32>
      tpu.vector_store %arg9[%swap3A_770], %swap3A_773 {strides = array<i32>} : memref<128xi32, #tpu.memory_space<vmem>>, vector<16xi32>,
      %get3A_774 = arith.constant 80 : index
      %get3A_775 = tpu.vector_load %arg9[%get3A_774] {strides = array<i32>} : memref<128xi32, #tpu.memory_space<vmem>>, vector<16xi32>,
      %get3A_776 = vector.shape_cast %get3A_775 : vector<16xi32> to vector<16xi32>
      %sub3A_777 = arith.constant 0 : i32
      %sub3A_778 = vector.broadcast %sub3A_777 : i32 to vector<16xi32>
      %sub3A_779 = arith.subi %get3A_776, %sub3A_778 : vector<16xi32>
      %ge3A_780 = arith.constant 0 : i32
      %ge3A_781 = vector.broadcast %ge3A_780 : i32 to vector<16xi32>
      %ge3A_782 = arith.cmpi sge, %sub3A_779, %ge3A_781 : vector<16xi32>
      %lt3A_783 = arith.constant 5000 : i32
      %lt3A_784 = vector.broadcast %lt3A_783 : i32 to vector<16xi32>
      %lt3A_785 = arith.cmpi slt, %sub3A_779, %lt3A_784 : vector<16xi32>
      %and3A_786 = arith.andi %ge3A_782, %lt3A_785 : vector<16xi1>
      %jit3A_787 = arith.constant 5000 : i32
      %broadcast_in_dim3A_788 = vector.broadcast %jit3A_787 : i32 to vector<16xi32>
      %select_n3A_789 = arith.select %and3A_786, %sub3A_779, %broadcast_in_dim3A_788 : vector<16xi1>, vector<16xi32>
      %swap3A_790 = arith.constant 80 : index
      %swap3A_791 = tpu.vector_load %arg9[%swap3A_790] {strides = array<i32>} : memref<128xi32, #tpu.memory_space<vmem>>, vector<16xi32>,
      %swap3A_792 = vector.shape_cast %swap3A_791 : vector<16xi32> to vector<16xi32>
      %swap3A_793 = vector.shape_cast %select_n3A_789 : vector<16xi32> to vector<16xi32>
      tpu.vector_store %arg9[%swap3A_790], %swap3A_793 {strides = array<i32>} : memref<128xi32, #tpu.memory_space<vmem>>, vector<16xi32>,
      %get3A_794 = arith.constant 96 : index
      %get3A_795 = tpu.vector_load %arg9[%get3A_794] {strides = array<i32>} : memref<128xi32, #tpu.memory_space<vmem>>, vector<16xi32>,
      %get3A_796 = vector.shape_cast %get3A_795 : vector<16xi32> to vector<16xi32>
      %sub3A_797 = arith.constant 0 : i32
      %sub3A_798 = vector.broadcast %sub3A_797 : i32 to vector<16xi32>
      %sub3A_799 = arith.subi %get3A_796, %sub3A_798 : vector<16xi32>
      %ge3A_800 = arith.constant 0 : i32
      %ge3A_801 = vector.broadcast %ge3A_800 : i32 to vector<16xi32>
      %ge3A_802 = arith.cmpi sge, %sub3A_799, %ge3A_801 : vector<16xi32>
      %lt3A_803 = arith.constant 5000 : i32
      %lt3A_804 = vector.broadcast %lt3A_803 : i32 to vector<16xi32>
      %lt3A_805 = arith.cmpi slt, %sub3A_799, %lt3A_804 : vector<16xi32>
      %and3A_806 = arith.andi %ge3A_802, %lt3A_805 : vector<16xi1>
      %jit3A_807 = arith.constant 5000 : i32
      %broadcast_in_dim3A_808 = vector.broadcast %jit3A_807 : i32 to vector<16xi32>
      %select_n3A_809 = arith.select %and3A_806, %sub3A_799, %broadcast_in_dim3A_808 : vector<16xi1>, vector<16xi32>
      %swap3A_810 = arith.constant 96 : index
      %swap3A_811 = tpu.vector_load %arg9[%swap3A_810] {strides = array<i32>} : memref<128xi32, #tpu.memory_space<vmem>>, vector<16xi32>,
      %swap3A_812 = vector.shape_cast %swap3A_811 : vector<16xi32> to vector<16xi32>
      %swap3A_813 = vector.shape_cast %select_n3A_809 : vector<16xi32> to vector<16xi32>
      tpu.vector_store %arg9[%swap3A_810], %swap3A_813 {strides = array<i32>} : memref<128xi32, #tpu.memory_space<vmem>>, vector<16xi32>,
      %get3A_814 = arith.constant 112 : index
      %get3A_815 = tpu.vector_load %arg9[%get3A_814] {strides = array<i32>} : memref<128xi32, #tpu.memory_space<vmem>>, vector<16xi32>,
      %get3A_816 = vector.shape_cast %get3A_815 : vector<16xi32> to vector<16xi32>
      %sub3A_817 = arith.constant 0 : i32
      %sub3A_818 = vector.broadcast %sub3A_817 : i32 to vector<16xi32>
      %sub3A_819 = arith.subi %get3A_816, %sub3A_818 : vector<16xi32>
      %ge3A_820 = arith.constant 0 : i32
      %ge3A_821 = vector.broadcast %ge3A_820 : i32 to vector<16xi32>
      %ge3A_822 = arith.cmpi sge, %sub3A_819, %ge3A_821 : vector<16xi32>
      %lt3A_823 = arith.constant 5000 : i32
      %lt3A_824 = vector.broadcast %lt3A_823 : i32 to vector<16xi32>
      %lt3A_825 = arith.cmpi slt, %sub3A_819, %lt3A_824 : vector<16xi32>
      %and3A_826 = arith.andi %ge3A_822, %lt3A_825 : vector<16xi1>
      %jit3A_827 = arith.constant 5000 : i32
      %broadcast_in_dim3A_828 = vector.broadcast %jit3A_827 : i32 to vector<16xi32>
      %select_n3A_829 = arith.select %and3A_826, %sub3A_819, %broadcast_in_dim3A_828 : vector<16xi1>, vector<16xi32>
      %swap3A_830 = arith.constant 112 : index
      %swap3A_831 = tpu.vector_load %arg9[%swap3A_830] {strides = array<i32>} : memref<128xi32, #tpu.memory_space<vmem>>, vector<16xi32>,
      %swap3A_832 = vector.shape_cast %swap3A_831 : vector<16xi32> to vector<16xi32>
      %swap3A_833 = vector.shape_cast %select_n3A_829 : vector<16xi32> to vector<16xi32>
      tpu.vector_store %arg9[%swap3A_830], %swap3A_833 {strides = array<i32>} : memref<128xi32, #tpu.memory_space<vmem>>, vector<16xi32>,
      %dma_start3A_834 = arith.constant 0 : i32
      %dma_start3A_835 = arith.constant 0 : i32
      %dma_start3A_836 = tpu.memref_slice %arg13[%dma_start3A_834, %dma_start3A_835] : memref<5008x128xf32, #tpu.memory_space<vmem_shared>> -> memref<5008x128xf32, #tpu.memory_space<vmem_shared>>
      tpu.enqueue_indirect_dma source(%arg11 : memref<128x128xf32, #tpu.memory_space<vmem>>) target(%dma_start3A_836 : memref<5008x128xf32, #tpu.memory_space<vmem_shared>>) offsets(%arg9 : memref<128xi32, #tpu.memory_space<vmem>>) semaphore(%arg17 : memref<!tpu.dma_semaphore, #tpu.memory_space<semaphore_mem>>) {add = true}
      %add3A_837 = arith.constant 2 : i32
      %add3A_838 = arith.addi %add3A_665, %add3A_837 : i32
      %mul3A_839 = arith.constant 128 : i32
      %mul3A_840 = arith.muli %add3A_838, %mul3A_839 : i32
      %add3A_841 = arith.addi %mul3A_2, %mul3A_840 : i32
      %min3A_842 = arith.minsi %add3A_841, %sub3A_14 : i32
      %multiple_of3A_843 = tpu.assume_multiple %min3A_842, 8 : i32
      "tpu.region"() ({
        %run_scoped3A = tpu.sem_alloc : memref<!tpu.dma_semaphore, #tpu.memory_space<semaphore_mem>>
        %dma_start3A_922 = tpu.memref_slice %arg3[%multiple_of3A_843] : memref<160000xi32, #tpu.memory_space<hbm>> -> memref<128xi32, #tpu.memory_space<hbm>>
        %dma_start3A_923 = tpu.memref_slice %arg3[%multiple_of3A_843] : memref<160000xi32, #tpu.memory_space<hbm>> -> memref<128xi32, #tpu.memory_space<hbm>>
        tpu.enqueue_dma source(%dma_start3A_923 : memref<128xi32, #tpu.memory_space<hbm>>) target(%arg7 : memref<128xi32, #tpu.memory_space<vmem>>) target_semaphore(%run_scoped3A : memref<!tpu.dma_semaphore, #tpu.memory_space<semaphore_mem>>)
        %dma_wait3A_924 = tpu.memref_slice %arg3[%multiple_of3A_843] : memref<160000xi32, #tpu.memory_space<hbm>> -> memref<128xi32, #tpu.memory_space<hbm>>
        %dma_wait3A_925 = tpu.memref_slice %arg3[%multiple_of3A_843] : memref<160000xi32, #tpu.memory_space<hbm>> -> memref<128xi32, #tpu.memory_space<hbm>>
        tpu.wait_dma2 semaphore(%run_scoped3A : memref<!tpu.dma_semaphore, #tpu.memory_space<semaphore_mem>>) src(%dma_wait3A_925 : memref<128xi32, #tpu.memory_space<hbm>>) dst(%arg7 : memref<128xi32, #tpu.memory_space<vmem>>)
        tpu.yield
      }) : () -> ()
      %get3A_844 = arith.constant 0 : index
      %get3A_845 = tpu.vector_load %arg7[%get3A_844] {strides = array<i32>} : memref<128xi32, #tpu.memory_space<vmem>>, vector<16xi32>,
      %get3A_846 = vector.shape_cast %get3A_845 : vector<16xi32> to vector<16xi32>
      %add3A_847 = vector.broadcast %mul3A_0 : i32 to vector<16xi32>
      %add3A_848 = arith.addi %get3A_846, %add3A_847 : vector<16xi32>
      %swap3A_849 = arith.constant 0 : index
      %swap3A_850 = tpu.vector_load %arg7[%swap3A_849] {strides = array<i32>} : memref<128xi32, #tpu.memory_space<vmem>>, vector<16xi32>,
      %swap3A_851 = vector.shape_cast %swap3A_850 : vector<16xi32> to vector<16xi32>
      %swap3A_852 = vector.shape_cast %add3A_848 : vector<16xi32> to vector<16xi32>
      tpu.vector_store %arg7[%swap3A_849], %swap3A_852 {strides = array<i32>} : memref<128xi32, #tpu.memory_space<vmem>>, vector<16xi32>,
      %get3A_853 = arith.constant 16 : index
      %get3A_854 = tpu.vector_load %arg7[%get3A_853] {strides = array<i32>} : memref<128xi32, #tpu.memory_space<vmem>>, vector<16xi32>,
      %get3A_855 = vector.shape_cast %get3A_854 : vector<16xi32> to vector<16xi32>
      %add3A_856 = vector.broadcast %mul3A_0 : i32 to vector<16xi32>
      %add3A_857 = arith.addi %get3A_855, %add3A_856 : vector<16xi32>
      %swap3A_858 = arith.constant 16 : index
      %swap3A_859 = tpu.vector_load %arg7[%swap3A_858] {strides = array<i32>} : memref<128xi32, #tpu.memory_space<vmem>>, vector<16xi32>,
      %swap3A_860 = vector.shape_cast %swap3A_859 : vector<16xi32> to vector<16xi32>
      %swap3A_861 = vector.shape_cast %add3A_857 : vector<16xi32> to vector<16xi32>
      tpu.vector_store %arg7[%swap3A_858], %swap3A_861 {strides = array<i32>} : memref<128xi32, #tpu.memory_space<vmem>>, vector<16xi32>,
      %get3A_862 = arith.constant 32 : index
      %get3A_863 = tpu.vector_load %arg7[%get3A_862] {strides = array<i32>} : memref<128xi32, #tpu.memory_space<vmem>>, vector<16xi32>,
      %get3A_864 = vector.shape_cast %get3A_863 : vector<16xi32> to vector<16xi32>
      %add3A_865 = vector.broadcast %mul3A_0 : i32 to vector<16xi32>
      %add3A_866 = arith.addi %get3A_864, %add3A_865 : vector<16xi32>
      %swap3A_867 = arith.constant 32 : index
      %swap3A_868 = tpu.vector_load %arg7[%swap3A_867] {strides = array<i32>} : memref<128xi32, #tpu.memory_space<vmem>>, vector<16xi32>,
      %swap3A_869 = vector.shape_cast %swap3A_868 : vector<16xi32> to vector<16xi32>
      %swap3A_870 = vector.shape_cast %add3A_866 : vector<16xi32> to vector<16xi32>
      tpu.vector_store %arg7[%swap3A_867], %swap3A_870 {strides = array<i32>} : memref<128xi32, #tpu.memory_space<vmem>>, vector<16xi32>,
      %get3A_871 = arith.constant 48 : index
      %get3A_872 = tpu.vector_load %arg7[%get3A_871] {strides = array<i32>} : memref<128xi32, #tpu.memory_space<vmem>>, vector<16xi32>,
      %get3A_873 = vector.shape_cast %get3A_872 : vector<16xi32> to vector<16xi32>
      %add3A_874 = vector.broadcast %mul3A_0 : i32 to vector<16xi32>
      %add3A_875 = arith.addi %get3A_873, %add3A_874 : vector<16xi32>
      %swap3A_876 = arith.constant 48 : index
      %swap3A_877 = tpu.vector_load %arg7[%swap3A_876] {strides = array<i32>} : memref<128xi32, #tpu.memory_space<vmem>>, vector<16xi32>,
      %swap3A_878 = vector.shape_cast %swap3A_877 : vector<16xi32> to vector<16xi32>
      %swap3A_879 = vector.shape_cast %add3A_875 : vector<16xi32> to vector<16xi32>
      tpu.vector_store %arg7[%swap3A_876], %swap3A_879 {strides = array<i32>} : memref<128xi32, #tpu.memory_space<vmem>>, vector<16xi32>,
      %get3A_880 = arith.constant 64 : index
      %get3A_881 = tpu.vector_load %arg7[%get3A_880] {strides = array<i32>} : memref<128xi32, #tpu.memory_space<vmem>>, vector<16xi32>,
      %get3A_882 = vector.shape_cast %get3A_881 : vector<16xi32> to vector<16xi32>
      %add3A_883 = vector.broadcast %mul3A_0 : i32 to vector<16xi32>
      %add3A_884 = arith.addi %get3A_882, %add3A_883 : vector<16xi32>
      %swap3A_885 = arith.constant 64 : index
      %swap3A_886 = tpu.vector_load %arg7[%swap3A_885] {strides = array<i32>} : memref<128xi32, #tpu.memory_space<vmem>>, vector<16xi32>,
      %swap3A_887 = vector.shape_cast %swap3A_886 : vector<16xi32> to vector<16xi32>
      %swap3A_888 = vector.shape_cast %add3A_884 : vector<16xi32> to vector<16xi32>
      tpu.vector_store %arg7[%swap3A_885], %swap3A_888 {strides = array<i32>} : memref<128xi32, #tpu.memory_space<vmem>>, vector<16xi32>,
      %get3A_889 = arith.constant 80 : index
      %get3A_890 = tpu.vector_load %arg7[%get3A_889] {strides = array<i32>} : memref<128xi32, #tpu.memory_space<vmem>>, vector<16xi32>,
      %get3A_891 = vector.shape_cast %get3A_890 : vector<16xi32> to vector<16xi32>
      %add3A_892 = vector.broadcast %mul3A_0 : i32 to vector<16xi32>
      %add3A_893 = arith.addi %get3A_891, %add3A_892 : vector<16xi32>
      %swap3A_894 = arith.constant 80 : index
      %swap3A_895 = tpu.vector_load %arg7[%swap3A_894] {strides = array<i32>} : memref<128xi32, #tpu.memory_space<vmem>>, vector<16xi32>,
      %swap3A_896 = vector.shape_cast %swap3A_895 : vector<16xi32> to vector<16xi32>
      %swap3A_897 = vector.shape_cast %add3A_893 : vector<16xi32> to vector<16xi32>
      tpu.vector_store %arg7[%swap3A_894], %swap3A_897 {strides = array<i32>} : memref<128xi32, #tpu.memory_space<vmem>>, vector<16xi32>,
      %get3A_898 = arith.constant 96 : index
      %get3A_899 = tpu.vector_load %arg7[%get3A_898] {strides = array<i32>} : memref<128xi32, #tpu.memory_space<vmem>>, vector<16xi32>,
      %get3A_900 = vector.shape_cast %get3A_899 : vector<16xi32> to vector<16xi32>
      %add3A_901 = vector.broadcast %mul3A_0 : i32 to vector<16xi32>
      %add3A_902 = arith.addi %get3A_900, %add3A_901 : vector<16xi32>
      %swap3A_903 = arith.constant 96 : index
      %swap3A_904 = tpu.vector_load %arg7[%swap3A_903] {strides = array<i32>} : memref<128xi32, #tpu.memory_space<vmem>>, vector<16xi32>,
      %swap3A_905 = vector.shape_cast %swap3A_904 : vector<16xi32> to vector<16xi32>
      %swap3A_906 = vector.shape_cast %add3A_902 : vector<16xi32> to vector<16xi32>
      tpu.vector_store %arg7[%swap3A_903], %swap3A_906 {strides = array<i32>} : memref<128xi32, #tpu.memory_space<vmem>>, vector<16xi32>,
      %get3A_907 = arith.constant 112 : index
      %get3A_908 = tpu.vector_load %arg7[%get3A_907] {strides = array<i32>} : memref<128xi32, #tpu.memory_space<vmem>>, vector<16xi32>,
      %get3A_909 = vector.shape_cast %get3A_908 : vector<16xi32> to vector<16xi32>
      %add3A_910 = vector.broadcast %mul3A_0 : i32 to vector<16xi32>
      %add3A_911 = arith.addi %get3A_909, %add3A_910 : vector<16xi32>
      %swap3A_912 = arith.constant 112 : index
      %swap3A_913 = tpu.vector_load %arg7[%swap3A_912] {strides = array<i32>} : memref<128xi32, #tpu.memory_space<vmem>>, vector<16xi32>,
      %swap3A_914 = vector.shape_cast %swap3A_913 : vector<16xi32> to vector<16xi32>
      %swap3A_915 = vector.shape_cast %add3A_911 : vector<16xi32> to vector<16xi32>
      tpu.vector_store %arg7[%swap3A_912], %swap3A_915 {strides = array<i32>} : memref<128xi32, #tpu.memory_space<vmem>>, vector<16xi32>,
      %dma_wait3A_916 = arith.constant 0 : i32
      %dma_wait3A_917 = arith.constant 0 : i32
      %dma_wait3A_918 = tpu.memref_slice %arg13[%dma_wait3A_916, %dma_wait3A_917] : memref<5008x128xf32, #tpu.memory_space<vmem_shared>> -> memref<5008x128xf32, #tpu.memory_space<vmem_shared>>
      tpu.wait_indirect_dma semaphore(%arg17 : memref<!tpu.dma_semaphore, #tpu.memory_space<semaphore_mem>>) src(%arg11 : memref<128x128xf32, #tpu.memory_space<vmem>>) dst(%dma_wait3A_918 : memref<5008x128xf32, #tpu.memory_space<vmem_shared>>)
      %dma_start3A_919 = arith.constant 0 : i32
      %dma_start3A_920 = arith.constant 0 : i32
      %dma_start3A_921 = tpu.memref_slice %arg2[%dma_start3A_919, %dma_start3A_920] : memref<20000x128xf32, #tpu.memory_space<hbm>> -> memref<20000x128xf32, #tpu.memory_space<hbm>>
      tpu.enqueue_indirect_dma source(%dma_start3A_921 : memref<20000x128xf32, #tpu.memory_space<hbm>>) target(%arg11 : memref<128x128xf32, #tpu.memory_space<vmem>>) offsets(%arg7 : memref<128xi32, #tpu.memory_space<vmem>>) semaphore(%arg15 : memref<!tpu.dma_semaphore, #tpu.memory_space<semaphore_mem>>)
    }
    %while3A_190 = arith.constant 1 : i32
    scf.for %while3A_405 = %while3A_188 to %while3A_184 step %while3A_190  : i32 {
      %mul3A_406 = arith.constant 2 : i32
      %mul3A_407 = arith.muli %mul3A_406, %while3A_405 : i32
      %add3A_408 = arith.constant 0 : i32
      %add3A_409 = arith.addi %mul3A_407, %add3A_408 : i32
      %dma_wait3A_410 = arith.constant 0 : i32
      %dma_wait3A_411 = arith.constant 0 : i32
      %dma_wait3A_412 = tpu.memref_slice %arg2[%dma_wait3A_410, %dma_wait3A_411] : memref<20000x128xf32, #tpu.memory_space<hbm>> -> memref<20000x128xf32, #tpu.memory_space<hbm>>
      tpu.wait_indirect_dma semaphore(%arg14 : memref<!tpu.dma_semaphore, #tpu.memory_space<semaphore_mem>>) src(%dma_wait3A_412 : memref<20000x128xf32, #tpu.memory_space<hbm>>) dst(%arg10 : memref<128x128xf32, #tpu.memory_space<vmem>>)
      %mul3A_413 = arith.constant 128 : i32
      %mul3A_414 = arith.muli %add3A_409, %mul3A_413 : i32
      %add3A_415 = arith.addi %mul3A_2, %mul3A_414 : i32
      %min3A_416 = arith.minsi %add3A_415, %sub3A_14 : i32
      %multiple_of3A_417 = tpu.assume_multiple %min3A_416, 8 : i32
      "tpu.region"() ({
        %run_scoped3A = tpu.sem_alloc : memref<!tpu.dma_semaphore, #tpu.memory_space<semaphore_mem>>
        %dma_start3A_922 = tpu.memref_slice %arg4[%multiple_of3A_417] : memref<160000xi32, #tpu.memory_space<hbm>> -> memref<128xi32, #tpu.memory_space<hbm>>
        %dma_start3A_923 = tpu.memref_slice %arg4[%multiple_of3A_417] : memref<160000xi32, #tpu.memory_space<hbm>> -> memref<128xi32, #tpu.memory_space<hbm>>
        tpu.enqueue_dma source(%dma_start3A_923 : memref<128xi32, #tpu.memory_space<hbm>>) target(%arg8 : memref<128xi32, #tpu.memory_space<vmem>>) target_semaphore(%run_scoped3A : memref<!tpu.dma_semaphore, #tpu.memory_space<semaphore_mem>>)
        %dma_wait3A_924 = tpu.memref_slice %arg4[%multiple_of3A_417] : memref<160000xi32, #tpu.memory_space<hbm>> -> memref<128xi32, #tpu.memory_space<hbm>>
        %dma_wait3A_925 = tpu.memref_slice %arg4[%multiple_of3A_417] : memref<160000xi32, #tpu.memory_space<hbm>> -> memref<128xi32, #tpu.memory_space<hbm>>
        tpu.wait_dma2 semaphore(%run_scoped3A : memref<!tpu.dma_semaphore, #tpu.memory_space<semaphore_mem>>) src(%dma_wait3A_925 : memref<128xi32, #tpu.memory_space<hbm>>) dst(%arg8 : memref<128xi32, #tpu.memory_space<vmem>>)
        tpu.yield
      }) : () -> ()
      %get3A_418 = arith.constant 0 : index
      %get3A_419 = tpu.vector_load %arg8[%get3A_418] {strides = array<i32>} : memref<128xi32, #tpu.memory_space<vmem>>, vector<16xi32>,
      %get3A_420 = vector.shape_cast %get3A_419 : vector<16xi32> to vector<16xi32>
      %sub3A_421 = arith.constant 0 : i32
      %sub3A_422 = vector.broadcast %sub3A_421 : i32 to vector<16xi32>
      %sub3A_423 = arith.subi %get3A_420, %sub3A_422 : vector<16xi32>
      %ge3A = arith.constant 0 : i32
      %ge3A_424 = vector.broadcast %ge3A : i32 to vector<16xi32>
      %ge3A_425 = arith.cmpi sge, %sub3A_423, %ge3A_424 : vector<16xi32>
      %lt3A = arith.constant 5000 : i32
      %lt3A_426 = vector.broadcast %lt3A : i32 to vector<16xi32>
      %lt3A_427 = arith.cmpi slt, %sub3A_423, %lt3A_426 : vector<16xi32>
      %and3A = arith.andi %ge3A_425, %lt3A_427 : vector<16xi1>
      %jit3A_428 = arith.constant 5000 : i32
      %broadcast_in_dim3A = vector.broadcast %jit3A_428 : i32 to vector<16xi32>
      %select_n3A_429 = arith.select %and3A, %sub3A_423, %broadcast_in_dim3A : vector<16xi1>, vector<16xi32>
      %swap3A_430 = arith.constant 0 : index
      %swap3A_431 = tpu.vector_load %arg8[%swap3A_430] {strides = array<i32>} : memref<128xi32, #tpu.memory_space<vmem>>, vector<16xi32>,
      %swap3A_432 = vector.shape_cast %swap3A_431 : vector<16xi32> to vector<16xi32>
      %swap3A_433 = vector.shape_cast %select_n3A_429 : vector<16xi32> to vector<16xi32>
      tpu.vector_store %arg8[%swap3A_430], %swap3A_433 {strides = array<i32>} : memref<128xi32, #tpu.memory_space<vmem>>, vector<16xi32>,
      %get3A_434 = arith.constant 16 : index
      %get3A_435 = tpu.vector_load %arg8[%get3A_434] {strides = array<i32>} : memref<128xi32, #tpu.memory_space<vmem>>, vector<16xi32>,
      %get3A_436 = vector.shape_cast %get3A_435 : vector<16xi32> to vector<16xi32>
      %sub3A_437 = arith.constant 0 : i32
      %sub3A_438 = vector.broadcast %sub3A_437 : i32 to vector<16xi32>
      %sub3A_439 = arith.subi %get3A_436, %sub3A_438 : vector<16xi32>
      %ge3A_440 = arith.constant 0 : i32
      %ge3A_441 = vector.broadcast %ge3A_440 : i32 to vector<16xi32>
      %ge3A_442 = arith.cmpi sge, %sub3A_439, %ge3A_441 : vector<16xi32>
      %lt3A_443 = arith.constant 5000 : i32
      %lt3A_444 = vector.broadcast %lt3A_443 : i32 to vector<16xi32>
      %lt3A_445 = arith.cmpi slt, %sub3A_439, %lt3A_444 : vector<16xi32>
      %and3A_446 = arith.andi %ge3A_442, %lt3A_445 : vector<16xi1>
      %jit3A_447 = arith.constant 5000 : i32
      %broadcast_in_dim3A_448 = vector.broadcast %jit3A_447 : i32 to vector<16xi32>
      %select_n3A_449 = arith.select %and3A_446, %sub3A_439, %broadcast_in_dim3A_448 : vector<16xi1>, vector<16xi32>
      %swap3A_450 = arith.constant 16 : index
      %swap3A_451 = tpu.vector_load %arg8[%swap3A_450] {strides = array<i32>} : memref<128xi32, #tpu.memory_space<vmem>>, vector<16xi32>,
      %swap3A_452 = vector.shape_cast %swap3A_451 : vector<16xi32> to vector<16xi32>
      %swap3A_453 = vector.shape_cast %select_n3A_449 : vector<16xi32> to vector<16xi32>
      tpu.vector_store %arg8[%swap3A_450], %swap3A_453 {strides = array<i32>} : memref<128xi32, #tpu.memory_space<vmem>>, vector<16xi32>,
      %get3A_454 = arith.constant 32 : index
      %get3A_455 = tpu.vector_load %arg8[%get3A_454] {strides = array<i32>} : memref<128xi32, #tpu.memory_space<vmem>>, vector<16xi32>,
      %get3A_456 = vector.shape_cast %get3A_455 : vector<16xi32> to vector<16xi32>
      %sub3A_457 = arith.constant 0 : i32
      %sub3A_458 = vector.broadcast %sub3A_457 : i32 to vector<16xi32>
      %sub3A_459 = arith.subi %get3A_456, %sub3A_458 : vector<16xi32>
      %ge3A_460 = arith.constant 0 : i32
      %ge3A_461 = vector.broadcast %ge3A_460 : i32 to vector<16xi32>
      %ge3A_462 = arith.cmpi sge, %sub3A_459, %ge3A_461 : vector<16xi32>
      %lt3A_463 = arith.constant 5000 : i32
      %lt3A_464 = vector.broadcast %lt3A_463 : i32 to vector<16xi32>
      %lt3A_465 = arith.cmpi slt, %sub3A_459, %lt3A_464 : vector<16xi32>
      %and3A_466 = arith.andi %ge3A_462, %lt3A_465 : vector<16xi1>
      %jit3A_467 = arith.constant 5000 : i32
      %broadcast_in_dim3A_468 = vector.broadcast %jit3A_467 : i32 to vector<16xi32>
      %select_n3A_469 = arith.select %and3A_466, %sub3A_459, %broadcast_in_dim3A_468 : vector<16xi1>, vector<16xi32>
      %swap3A_470 = arith.constant 32 : index
      %swap3A_471 = tpu.vector_load %arg8[%swap3A_470] {strides = array<i32>} : memref<128xi32, #tpu.memory_space<vmem>>, vector<16xi32>,
      %swap3A_472 = vector.shape_cast %swap3A_471 : vector<16xi32> to vector<16xi32>
      %swap3A_473 = vector.shape_cast %select_n3A_469 : vector<16xi32> to vector<16xi32>
      tpu.vector_store %arg8[%swap3A_470], %swap3A_473 {strides = array<i32>} : memref<128xi32, #tpu.memory_space<vmem>>, vector<16xi32>,
      %get3A_474 = arith.constant 48 : index
      %get3A_475 = tpu.vector_load %arg8[%get3A_474] {strides = array<i32>} : memref<128xi32, #tpu.memory_space<vmem>>, vector<16xi32>,
      %get3A_476 = vector.shape_cast %get3A_475 : vector<16xi32> to vector<16xi32>
      %sub3A_477 = arith.constant 0 : i32
      %sub3A_478 = vector.broadcast %sub3A_477 : i32 to vector<16xi32>
      %sub3A_479 = arith.subi %get3A_476, %sub3A_478 : vector<16xi32>
      %ge3A_480 = arith.constant 0 : i32
      %ge3A_481 = vector.broadcast %ge3A_480 : i32 to vector<16xi32>
      %ge3A_482 = arith.cmpi sge, %sub3A_479, %ge3A_481 : vector<16xi32>
      %lt3A_483 = arith.constant 5000 : i32
      %lt3A_484 = vector.broadcast %lt3A_483 : i32 to vector<16xi32>
      %lt3A_485 = arith.cmpi slt, %sub3A_479, %lt3A_484 : vector<16xi32>
      %and3A_486 = arith.andi %ge3A_482, %lt3A_485 : vector<16xi1>
      %jit3A_487 = arith.constant 5000 : i32
      %broadcast_in_dim3A_488 = vector.broadcast %jit3A_487 : i32 to vector<16xi32>
      %select_n3A_489 = arith.select %and3A_486, %sub3A_479, %broadcast_in_dim3A_488 : vector<16xi1>, vector<16xi32>
      %swap3A_490 = arith.constant 48 : index
      %swap3A_491 = tpu.vector_load %arg8[%swap3A_490] {strides = array<i32>} : memref<128xi32, #tpu.memory_space<vmem>>, vector<16xi32>,
      %swap3A_492 = vector.shape_cast %swap3A_491 : vector<16xi32> to vector<16xi32>
      %swap3A_493 = vector.shape_cast %select_n3A_489 : vector<16xi32> to vector<16xi32>
      tpu.vector_store %arg8[%swap3A_490], %swap3A_493 {strides = array<i32>} : memref<128xi32, #tpu.memory_space<vmem>>, vector<16xi32>,
      %get3A_494 = arith.constant 64 : index
      %get3A_495 = tpu.vector_load %arg8[%get3A_494] {strides = array<i32>} : memref<128xi32, #tpu.memory_space<vmem>>, vector<16xi32>,
      %get3A_496 = vector.shape_cast %get3A_495 : vector<16xi32> to vector<16xi32>
      %sub3A_497 = arith.constant 0 : i32
      %sub3A_498 = vector.broadcast %sub3A_497 : i32 to vector<16xi32>
      %sub3A_499 = arith.subi %get3A_496, %sub3A_498 : vector<16xi32>
      %ge3A_500 = arith.constant 0 : i32
      %ge3A_501 = vector.broadcast %ge3A_500 : i32 to vector<16xi32>
      %ge3A_502 = arith.cmpi sge, %sub3A_499, %ge3A_501 : vector<16xi32>
      %lt3A_503 = arith.constant 5000 : i32
      %lt3A_504 = vector.broadcast %lt3A_503 : i32 to vector<16xi32>
      %lt3A_505 = arith.cmpi slt, %sub3A_499, %lt3A_504 : vector<16xi32>
      %and3A_506 = arith.andi %ge3A_502, %lt3A_505 : vector<16xi1>
      %jit3A_507 = arith.constant 5000 : i32
      %broadcast_in_dim3A_508 = vector.broadcast %jit3A_507 : i32 to vector<16xi32>
      %select_n3A_509 = arith.select %and3A_506, %sub3A_499, %broadcast_in_dim3A_508 : vector<16xi1>, vector<16xi32>
      %swap3A_510 = arith.constant 64 : index
      %swap3A_511 = tpu.vector_load %arg8[%swap3A_510] {strides = array<i32>} : memref<128xi32, #tpu.memory_space<vmem>>, vector<16xi32>,
      %swap3A_512 = vector.shape_cast %swap3A_511 : vector<16xi32> to vector<16xi32>
      %swap3A_513 = vector.shape_cast %select_n3A_509 : vector<16xi32> to vector<16xi32>
      tpu.vector_store %arg8[%swap3A_510], %swap3A_513 {strides = array<i32>} : memref<128xi32, #tpu.memory_space<vmem>>, vector<16xi32>,
      %get3A_514 = arith.constant 80 : index
      %get3A_515 = tpu.vector_load %arg8[%get3A_514] {strides = array<i32>} : memref<128xi32, #tpu.memory_space<vmem>>, vector<16xi32>,
      %get3A_516 = vector.shape_cast %get3A_515 : vector<16xi32> to vector<16xi32>
      %sub3A_517 = arith.constant 0 : i32
      %sub3A_518 = vector.broadcast %sub3A_517 : i32 to vector<16xi32>
      %sub3A_519 = arith.subi %get3A_516, %sub3A_518 : vector<16xi32>
      %ge3A_520 = arith.constant 0 : i32
      %ge3A_521 = vector.broadcast %ge3A_520 : i32 to vector<16xi32>
      %ge3A_522 = arith.cmpi sge, %sub3A_519, %ge3A_521 : vector<16xi32>
      %lt3A_523 = arith.constant 5000 : i32
      %lt3A_524 = vector.broadcast %lt3A_523 : i32 to vector<16xi32>
      %lt3A_525 = arith.cmpi slt, %sub3A_519, %lt3A_524 : vector<16xi32>
      %and3A_526 = arith.andi %ge3A_522, %lt3A_525 : vector<16xi1>
      %jit3A_527 = arith.constant 5000 : i32
      %broadcast_in_dim3A_528 = vector.broadcast %jit3A_527 : i32 to vector<16xi32>
      %select_n3A_529 = arith.select %and3A_526, %sub3A_519, %broadcast_in_dim3A_528 : vector<16xi1>, vector<16xi32>
      %swap3A_530 = arith.constant 80 : index
      %swap3A_531 = tpu.vector_load %arg8[%swap3A_530] {strides = array<i32>} : memref<128xi32, #tpu.memory_space<vmem>>, vector<16xi32>,
      %swap3A_532 = vector.shape_cast %swap3A_531 : vector<16xi32> to vector<16xi32>
      %swap3A_533 = vector.shape_cast %select_n3A_529 : vector<16xi32> to vector<16xi32>
      tpu.vector_store %arg8[%swap3A_530], %swap3A_533 {strides = array<i32>} : memref<128xi32, #tpu.memory_space<vmem>>, vector<16xi32>,
      %get3A_534 = arith.constant 96 : index
      %get3A_535 = tpu.vector_load %arg8[%get3A_534] {strides = array<i32>} : memref<128xi32, #tpu.memory_space<vmem>>, vector<16xi32>,
      %get3A_536 = vector.shape_cast %get3A_535 : vector<16xi32> to vector<16xi32>
      %sub3A_537 = arith.constant 0 : i32
      %sub3A_538 = vector.broadcast %sub3A_537 : i32 to vector<16xi32>
      %sub3A_539 = arith.subi %get3A_536, %sub3A_538 : vector<16xi32>
      %ge3A_540 = arith.constant 0 : i32
      %ge3A_541 = vector.broadcast %ge3A_540 : i32 to vector<16xi32>
      %ge3A_542 = arith.cmpi sge, %sub3A_539, %ge3A_541 : vector<16xi32>
      %lt3A_543 = arith.constant 5000 : i32
      %lt3A_544 = vector.broadcast %lt3A_543 : i32 to vector<16xi32>
      %lt3A_545 = arith.cmpi slt, %sub3A_539, %lt3A_544 : vector<16xi32>
      %and3A_546 = arith.andi %ge3A_542, %lt3A_545 : vector<16xi1>
      %jit3A_547 = arith.constant 5000 : i32
      %broadcast_in_dim3A_548 = vector.broadcast %jit3A_547 : i32 to vector<16xi32>
      %select_n3A_549 = arith.select %and3A_546, %sub3A_539, %broadcast_in_dim3A_548 : vector<16xi1>, vector<16xi32>
      %swap3A_550 = arith.constant 96 : index
      %swap3A_551 = tpu.vector_load %arg8[%swap3A_550] {strides = array<i32>} : memref<128xi32, #tpu.memory_space<vmem>>, vector<16xi32>,
      %swap3A_552 = vector.shape_cast %swap3A_551 : vector<16xi32> to vector<16xi32>
      %swap3A_553 = vector.shape_cast %select_n3A_549 : vector<16xi32> to vector<16xi32>
      tpu.vector_store %arg8[%swap3A_550], %swap3A_553 {strides = array<i32>} : memref<128xi32, #tpu.memory_space<vmem>>, vector<16xi32>,
      %get3A_554 = arith.constant 112 : index
      %get3A_555 = tpu.vector_load %arg8[%get3A_554] {strides = array<i32>} : memref<128xi32, #tpu.memory_space<vmem>>, vector<16xi32>,
      %get3A_556 = vector.shape_cast %get3A_555 : vector<16xi32> to vector<16xi32>
      %sub3A_557 = arith.constant 0 : i32
      %sub3A_558 = vector.broadcast %sub3A_557 : i32 to vector<16xi32>
      %sub3A_559 = arith.subi %get3A_556, %sub3A_558 : vector<16xi32>
      %ge3A_560 = arith.constant 0 : i32
      %ge3A_561 = vector.broadcast %ge3A_560 : i32 to vector<16xi32>
      %ge3A_562 = arith.cmpi sge, %sub3A_559, %ge3A_561 : vector<16xi32>
      %lt3A_563 = arith.constant 5000 : i32
      %lt3A_564 = vector.broadcast %lt3A_563 : i32 to vector<16xi32>
      %lt3A_565 = arith.cmpi slt, %sub3A_559, %lt3A_564 : vector<16xi32>
      %and3A_566 = arith.andi %ge3A_562, %lt3A_565 : vector<16xi1>
      %jit3A_567 = arith.constant 5000 : i32
      %broadcast_in_dim3A_568 = vector.broadcast %jit3A_567 : i32 to vector<16xi32>
      %select_n3A_569 = arith.select %and3A_566, %sub3A_559, %broadcast_in_dim3A_568 : vector<16xi1>, vector<16xi32>
      %swap3A_570 = arith.constant 112 : index
      %swap3A_571 = tpu.vector_load %arg8[%swap3A_570] {strides = array<i32>} : memref<128xi32, #tpu.memory_space<vmem>>, vector<16xi32>,
      %swap3A_572 = vector.shape_cast %swap3A_571 : vector<16xi32> to vector<16xi32>
      %swap3A_573 = vector.shape_cast %select_n3A_569 : vector<16xi32> to vector<16xi32>
      tpu.vector_store %arg8[%swap3A_570], %swap3A_573 {strides = array<i32>} : memref<128xi32, #tpu.memory_space<vmem>>, vector<16xi32>,
      %dma_start3A_574 = arith.constant 0 : i32
      %dma_start3A_575 = arith.constant 0 : i32
      %dma_start3A_576 = tpu.memref_slice %arg13[%dma_start3A_574, %dma_start3A_575] : memref<5008x128xf32, #tpu.memory_space<vmem_shared>> -> memref<5008x128xf32, #tpu.memory_space<vmem_shared>>
      tpu.enqueue_indirect_dma source(%arg10 : memref<128x128xf32, #tpu.memory_space<vmem>>) target(%dma_start3A_576 : memref<5008x128xf32, #tpu.memory_space<vmem_shared>>) offsets(%arg8 : memref<128xi32, #tpu.memory_space<vmem>>) semaphore(%arg16 : memref<!tpu.dma_semaphore, #tpu.memory_space<semaphore_mem>>) {add = true}
      %add3A_577 = arith.constant 2 : i32
      %add3A_578 = arith.addi %add3A_409, %add3A_577 : i32
      %mul3A_579 = arith.constant 128 : i32
      %mul3A_580 = arith.muli %add3A_578, %mul3A_579 : i32
      %add3A_581 = arith.addi %mul3A_2, %mul3A_580 : i32
      %min3A_582 = arith.minsi %add3A_581, %sub3A_14 : i32
      %multiple_of3A_583 = tpu.assume_multiple %min3A_582, 8 : i32
      "tpu.region"() ({
        %run_scoped3A = tpu.sem_alloc : memref<!tpu.dma_semaphore, #tpu.memory_space<semaphore_mem>>
        %dma_start3A_922 = tpu.memref_slice %arg3[%multiple_of3A_583] : memref<160000xi32, #tpu.memory_space<hbm>> -> memref<128xi32, #tpu.memory_space<hbm>>
        %dma_start3A_923 = tpu.memref_slice %arg3[%multiple_of3A_583] : memref<160000xi32, #tpu.memory_space<hbm>> -> memref<128xi32, #tpu.memory_space<hbm>>
        tpu.enqueue_dma source(%dma_start3A_923 : memref<128xi32, #tpu.memory_space<hbm>>) target(%arg6 : memref<128xi32, #tpu.memory_space<vmem>>) target_semaphore(%run_scoped3A : memref<!tpu.dma_semaphore, #tpu.memory_space<semaphore_mem>>)
        %dma_wait3A_924 = tpu.memref_slice %arg3[%multiple_of3A_583] : memref<160000xi32, #tpu.memory_space<hbm>> -> memref<128xi32, #tpu.memory_space<hbm>>
        %dma_wait3A_925 = tpu.memref_slice %arg3[%multiple_of3A_583] : memref<160000xi32, #tpu.memory_space<hbm>> -> memref<128xi32, #tpu.memory_space<hbm>>
        tpu.wait_dma2 semaphore(%run_scoped3A : memref<!tpu.dma_semaphore, #tpu.memory_space<semaphore_mem>>) src(%dma_wait3A_925 : memref<128xi32, #tpu.memory_space<hbm>>) dst(%arg6 : memref<128xi32, #tpu.memory_space<vmem>>)
        tpu.yield
      }) : () -> ()
      %get3A_584 = arith.constant 0 : index
      %get3A_585 = tpu.vector_load %arg6[%get3A_584] {strides = array<i32>} : memref<128xi32, #tpu.memory_space<vmem>>, vector<16xi32>,
      %get3A_586 = vector.shape_cast %get3A_585 : vector<16xi32> to vector<16xi32>
      %add3A_587 = vector.broadcast %mul3A_0 : i32 to vector<16xi32>
      %add3A_588 = arith.addi %get3A_586, %add3A_587 : vector<16xi32>
      %swap3A_589 = arith.constant 0 : index
      %swap3A_590 = tpu.vector_load %arg6[%swap3A_589] {strides = array<i32>} : memref<128xi32, #tpu.memory_space<vmem>>, vector<16xi32>,
      %swap3A_591 = vector.shape_cast %swap3A_590 : vector<16xi32> to vector<16xi32>
      %swap3A_592 = vector.shape_cast %add3A_588 : vector<16xi32> to vector<16xi32>
      tpu.vector_store %arg6[%swap3A_589], %swap3A_592 {strides = array<i32>} : memref<128xi32, #tpu.memory_space<vmem>>, vector<16xi32>,
      %get3A_593 = arith.constant 16 : index
      %get3A_594 = tpu.vector_load %arg6[%get3A_593] {strides = array<i32>} : memref<128xi32, #tpu.memory_space<vmem>>, vector<16xi32>,
      %get3A_595 = vector.shape_cast %get3A_594 : vector<16xi32> to vector<16xi32>
      %add3A_596 = vector.broadcast %mul3A_0 : i32 to vector<16xi32>
      %add3A_597 = arith.addi %get3A_595, %add3A_596 : vector<16xi32>
      %swap3A_598 = arith.constant 16 : index
      %swap3A_599 = tpu.vector_load %arg6[%swap3A_598] {strides = array<i32>} : memref<128xi32, #tpu.memory_space<vmem>>, vector<16xi32>,
      %swap3A_600 = vector.shape_cast %swap3A_599 : vector<16xi32> to vector<16xi32>
      %swap3A_601 = vector.shape_cast %add3A_597 : vector<16xi32> to vector<16xi32>
      tpu.vector_store %arg6[%swap3A_598], %swap3A_601 {strides = array<i32>} : memref<128xi32, #tpu.memory_space<vmem>>, vector<16xi32>,
      %get3A_602 = arith.constant 32 : index
      %get3A_603 = tpu.vector_load %arg6[%get3A_602] {strides = array<i32>} : memref<128xi32, #tpu.memory_space<vmem>>, vector<16xi32>,
      %get3A_604 = vector.shape_cast %get3A_603 : vector<16xi32> to vector<16xi32>
      %add3A_605 = vector.broadcast %mul3A_0 : i32 to vector<16xi32>
      %add3A_606 = arith.addi %get3A_604, %add3A_605 : vector<16xi32>
      %swap3A_607 = arith.constant 32 : index
      %swap3A_608 = tpu.vector_load %arg6[%swap3A_607] {strides = array<i32>} : memref<128xi32, #tpu.memory_space<vmem>>, vector<16xi32>,
      %swap3A_609 = vector.shape_cast %swap3A_608 : vector<16xi32> to vector<16xi32>
      %swap3A_610 = vector.shape_cast %add3A_606 : vector<16xi32> to vector<16xi32>
      tpu.vector_store %arg6[%swap3A_607], %swap3A_610 {strides = array<i32>} : memref<128xi32, #tpu.memory_space<vmem>>, vector<16xi32>,
      %get3A_611 = arith.constant 48 : index
      %get3A_612 = tpu.vector_load %arg6[%get3A_611] {strides = array<i32>} : memref<128xi32, #tpu.memory_space<vmem>>, vector<16xi32>,
      %get3A_613 = vector.shape_cast %get3A_612 : vector<16xi32> to vector<16xi32>
      %add3A_614 = vector.broadcast %mul3A_0 : i32 to vector<16xi32>
      %add3A_615 = arith.addi %get3A_613, %add3A_614 : vector<16xi32>
      %swap3A_616 = arith.constant 48 : index
      %swap3A_617 = tpu.vector_load %arg6[%swap3A_616] {strides = array<i32>} : memref<128xi32, #tpu.memory_space<vmem>>, vector<16xi32>,
      %swap3A_618 = vector.shape_cast %swap3A_617 : vector<16xi32> to vector<16xi32>
      %swap3A_619 = vector.shape_cast %add3A_615 : vector<16xi32> to vector<16xi32>
      tpu.vector_store %arg6[%swap3A_616], %swap3A_619 {strides = array<i32>} : memref<128xi32, #tpu.memory_space<vmem>>, vector<16xi32>,
      %get3A_620 = arith.constant 64 : index
      %get3A_621 = tpu.vector_load %arg6[%get3A_620] {strides = array<i32>} : memref<128xi32, #tpu.memory_space<vmem>>, vector<16xi32>,
      %get3A_622 = vector.shape_cast %get3A_621 : vector<16xi32> to vector<16xi32>
      %add3A_623 = vector.broadcast %mul3A_0 : i32 to vector<16xi32>
      %add3A_624 = arith.addi %get3A_622, %add3A_623 : vector<16xi32>
      %swap3A_625 = arith.constant 64 : index
      %swap3A_626 = tpu.vector_load %arg6[%swap3A_625] {strides = array<i32>} : memref<128xi32, #tpu.memory_space<vmem>>, vector<16xi32>,
      %swap3A_627 = vector.shape_cast %swap3A_626 : vector<16xi32> to vector<16xi32>
      %swap3A_628 = vector.shape_cast %add3A_624 : vector<16xi32> to vector<16xi32>
      tpu.vector_store %arg6[%swap3A_625], %swap3A_628 {strides = array<i32>} : memref<128xi32, #tpu.memory_space<vmem>>, vector<16xi32>,
      %get3A_629 = arith.constant 80 : index
      %get3A_630 = tpu.vector_load %arg6[%get3A_629] {strides = array<i32>} : memref<128xi32, #tpu.memory_space<vmem>>, vector<16xi32>,
      %get3A_631 = vector.shape_cast %get3A_630 : vector<16xi32> to vector<16xi32>
      %add3A_632 = vector.broadcast %mul3A_0 : i32 to vector<16xi32>
      %add3A_633 = arith.addi %get3A_631, %add3A_632 : vector<16xi32>
      %swap3A_634 = arith.constant 80 : index
      %swap3A_635 = tpu.vector_load %arg6[%swap3A_634] {strides = array<i32>} : memref<128xi32, #tpu.memory_space<vmem>>, vector<16xi32>,
      %swap3A_636 = vector.shape_cast %swap3A_635 : vector<16xi32> to vector<16xi32>
      %swap3A_637 = vector.shape_cast %add3A_633 : vector<16xi32> to vector<16xi32>
      tpu.vector_store %arg6[%swap3A_634], %swap3A_637 {strides = array<i32>} : memref<128xi32, #tpu.memory_space<vmem>>, vector<16xi32>,
      %get3A_638 = arith.constant 96 : index
      %get3A_639 = tpu.vector_load %arg6[%get3A_638] {strides = array<i32>} : memref<128xi32, #tpu.memory_space<vmem>>, vector<16xi32>,
      %get3A_640 = vector.shape_cast %get3A_639 : vector<16xi32> to vector<16xi32>
      %add3A_641 = vector.broadcast %mul3A_0 : i32 to vector<16xi32>
      %add3A_642 = arith.addi %get3A_640, %add3A_641 : vector<16xi32>
      %swap3A_643 = arith.constant 96 : index
      %swap3A_644 = tpu.vector_load %arg6[%swap3A_643] {strides = array<i32>} : memref<128xi32, #tpu.memory_space<vmem>>, vector<16xi32>,
      %swap3A_645 = vector.shape_cast %swap3A_644 : vector<16xi32> to vector<16xi32>
      %swap3A_646 = vector.shape_cast %add3A_642 : vector<16xi32> to vector<16xi32>
      tpu.vector_store %arg6[%swap3A_643], %swap3A_646 {strides = array<i32>} : memref<128xi32, #tpu.memory_space<vmem>>, vector<16xi32>,
      %get3A_647 = arith.constant 112 : index
      %get3A_648 = tpu.vector_load %arg6[%get3A_647] {strides = array<i32>} : memref<128xi32, #tpu.memory_space<vmem>>, vector<16xi32>,
      %get3A_649 = vector.shape_cast %get3A_648 : vector<16xi32> to vector<16xi32>
      %add3A_650 = vector.broadcast %mul3A_0 : i32 to vector<16xi32>
      %add3A_651 = arith.addi %get3A_649, %add3A_650 : vector<16xi32>
      %swap3A_652 = arith.constant 112 : index
      %swap3A_653 = tpu.vector_load %arg6[%swap3A_652] {strides = array<i32>} : memref<128xi32, #tpu.memory_space<vmem>>, vector<16xi32>,
      %swap3A_654 = vector.shape_cast %swap3A_653 : vector<16xi32> to vector<16xi32>
      %swap3A_655 = vector.shape_cast %add3A_651 : vector<16xi32> to vector<16xi32>
      tpu.vector_store %arg6[%swap3A_652], %swap3A_655 {strides = array<i32>} : memref<128xi32, #tpu.memory_space<vmem>>, vector<16xi32>,
      %dma_wait3A_656 = arith.constant 0 : i32
      %dma_wait3A_657 = arith.constant 0 : i32
      %dma_wait3A_658 = tpu.memref_slice %arg13[%dma_wait3A_656, %dma_wait3A_657] : memref<5008x128xf32, #tpu.memory_space<vmem_shared>> -> memref<5008x128xf32, #tpu.memory_space<vmem_shared>>
      tpu.wait_indirect_dma semaphore(%arg16 : memref<!tpu.dma_semaphore, #tpu.memory_space<semaphore_mem>>) src(%arg10 : memref<128x128xf32, #tpu.memory_space<vmem>>) dst(%dma_wait3A_658 : memref<5008x128xf32, #tpu.memory_space<vmem_shared>>)
      %dma_start3A_659 = arith.constant 0 : i32
      %dma_start3A_660 = arith.constant 0 : i32
      %dma_start3A_661 = tpu.memref_slice %arg2[%dma_start3A_659, %dma_start3A_660] : memref<20000x128xf32, #tpu.memory_space<hbm>> -> memref<20000x128xf32, #tpu.memory_space<hbm>>
      tpu.enqueue_indirect_dma source(%dma_start3A_661 : memref<20000x128xf32, #tpu.memory_space<hbm>>) target(%arg10 : memref<128x128xf32, #tpu.memory_space<vmem>>) offsets(%arg6 : memref<128xi32, #tpu.memory_space<vmem>>) semaphore(%arg14 : memref<!tpu.dma_semaphore, #tpu.memory_space<semaphore_mem>>)
      %mul3A_662 = arith.constant 2 : i32
      %mul3A_663 = arith.muli %mul3A_662, %while3A_405 : i32
      %add3A_664 = arith.constant 1 : i32
      %add3A_665 = arith.addi %mul3A_663, %add3A_664 : i32
      %dma_wait3A_666 = arith.constant 0 : i32
      %dma_wait3A_667 = arith.constant 0 : i32
      %dma_wait3A_668 = tpu.memref_slice %arg2[%dma_wait3A_666, %dma_wait3A_667] : memref<20000x128xf32, #tpu.memory_space<hbm>> -> memref<20000x128xf32, #tpu.memory_space<hbm>>
      tpu.wait_indirect_dma semaphore(%arg15 : memref<!tpu.dma_semaphore, #tpu.memory_space<semaphore_mem>>) src(%dma_wait3A_668 : memref<20000x128xf32, #tpu.memory_space<hbm>>) dst(%arg11 : memref<128x128xf32, #tpu.memory_space<vmem>>)
      %mul3A_669 = arith.constant 128 : i32
      %mul3A_670 = arith.muli %add3A_665, %mul3A_669 : i32
      %add3A_671 = arith.addi %mul3A_2, %mul3A_670 : i32
      %min3A_672 = arith.minsi %add3A_671, %sub3A_14 : i32
      %multiple_of3A_673 = tpu.assume_multiple %min3A_672, 8 : i32
      "tpu.region"() ({
        %run_scoped3A = tpu.sem_alloc : memref<!tpu.dma_semaphore, #tpu.memory_space<semaphore_mem>>
        %dma_start3A_922 = tpu.memref_slice %arg4[%multiple_of3A_673] : memref<160000xi32, #tpu.memory_space<hbm>> -> memref<128xi32, #tpu.memory_space<hbm>>
        %dma_start3A_923 = tpu.memref_slice %arg4[%multiple_of3A_673] : memref<160000xi32, #tpu.memory_space<hbm>> -> memref<128xi32, #tpu.memory_space<hbm>>
        tpu.enqueue_dma source(%dma_start3A_923 : memref<128xi32, #tpu.memory_space<hbm>>) target(%arg9 : memref<128xi32, #tpu.memory_space<vmem>>) target_semaphore(%run_scoped3A : memref<!tpu.dma_semaphore, #tpu.memory_space<semaphore_mem>>)
        %dma_wait3A_924 = tpu.memref_slice %arg4[%multiple_of3A_673] : memref<160000xi32, #tpu.memory_space<hbm>> -> memref<128xi32, #tpu.memory_space<hbm>>
        %dma_wait3A_925 = tpu.memref_slice %arg4[%multiple_of3A_673] : memref<160000xi32, #tpu.memory_space<hbm>> -> memref<128xi32, #tpu.memory_space<hbm>>
        tpu.wait_dma2 semaphore(%run_scoped3A : memref<!tpu.dma_semaphore, #tpu.memory_space<semaphore_mem>>) src(%dma_wait3A_925 : memref<128xi32, #tpu.memory_space<hbm>>) dst(%arg9 : memref<128xi32, #tpu.memory_space<vmem>>)
        tpu.yield
      }) : () -> ()
      %get3A_674 = arith.constant 0 : index
      %get3A_675 = tpu.vector_load %arg9[%get3A_674] {strides = array<i32>} : memref<128xi32, #tpu.memory_space<vmem>>, vector<16xi32>,
      %get3A_676 = vector.shape_cast %get3A_675 : vector<16xi32> to vector<16xi32>
      %sub3A_677 = arith.constant 0 : i32
      %sub3A_678 = vector.broadcast %sub3A_677 : i32 to vector<16xi32>
      %sub3A_679 = arith.subi %get3A_676, %sub3A_678 : vector<16xi32>
      %ge3A_680 = arith.constant 0 : i32
      %ge3A_681 = vector.broadcast %ge3A_680 : i32 to vector<16xi32>
      %ge3A_682 = arith.cmpi sge, %sub3A_679, %ge3A_681 : vector<16xi32>
      %lt3A_683 = arith.constant 5000 : i32
      %lt3A_684 = vector.broadcast %lt3A_683 : i32 to vector<16xi32>
      %lt3A_685 = arith.cmpi slt, %sub3A_679, %lt3A_684 : vector<16xi32>
      %and3A_686 = arith.andi %ge3A_682, %lt3A_685 : vector<16xi1>
      %jit3A_687 = arith.constant 5000 : i32
      %broadcast_in_dim3A_688 = vector.broadcast %jit3A_687 : i32 to vector<16xi32>
      %select_n3A_689 = arith.select %and3A_686, %sub3A_679, %broadcast_in_dim3A_688 : vector<16xi1>, vector<16xi32>
      %swap3A_690 = arith.constant 0 : index
      %swap3A_691 = tpu.vector_load %arg9[%swap3A_690] {strides = array<i32>} : memref<128xi32, #tpu.memory_space<vmem>>, vector<16xi32>,
      %swap3A_692 = vector.shape_cast %swap3A_691 : vector<16xi32> to vector<16xi32>
      %swap3A_693 = vector.shape_cast %select_n3A_689 : vector<16xi32> to vector<16xi32>
      tpu.vector_store %arg9[%swap3A_690], %swap3A_693 {strides = array<i32>} : memref<128xi32, #tpu.memory_space<vmem>>, vector<16xi32>,
      %get3A_694 = arith.constant 16 : index
      %get3A_695 = tpu.vector_load %arg9[%get3A_694] {strides = array<i32>} : memref<128xi32, #tpu.memory_space<vmem>>, vector<16xi32>,
      %get3A_696 = vector.shape_cast %get3A_695 : vector<16xi32> to vector<16xi32>
      %sub3A_697 = arith.constant 0 : i32
      %sub3A_698 = vector.broadcast %sub3A_697 : i32 to vector<16xi32>
      %sub3A_699 = arith.subi %get3A_696, %sub3A_698 : vector<16xi32>
      %ge3A_700 = arith.constant 0 : i32
      %ge3A_701 = vector.broadcast %ge3A_700 : i32 to vector<16xi32>
      %ge3A_702 = arith.cmpi sge, %sub3A_699, %ge3A_701 : vector<16xi32>
      %lt3A_703 = arith.constant 5000 : i32
      %lt3A_704 = vector.broadcast %lt3A_703 : i32 to vector<16xi32>
      %lt3A_705 = arith.cmpi slt, %sub3A_699, %lt3A_704 : vector<16xi32>
      %and3A_706 = arith.andi %ge3A_702, %lt3A_705 : vector<16xi1>
      %jit3A_707 = arith.constant 5000 : i32
      %broadcast_in_dim3A_708 = vector.broadcast %jit3A_707 : i32 to vector<16xi32>
      %select_n3A_709 = arith.select %and3A_706, %sub3A_699, %broadcast_in_dim3A_708 : vector<16xi1>, vector<16xi32>
      %swap3A_710 = arith.constant 16 : index
      %swap3A_711 = tpu.vector_load %arg9[%swap3A_710] {strides = array<i32>} : memref<128xi32, #tpu.memory_space<vmem>>, vector<16xi32>,
      %swap3A_712 = vector.shape_cast %swap3A_711 : vector<16xi32> to vector<16xi32>
      %swap3A_713 = vector.shape_cast %select_n3A_709 : vector<16xi32> to vector<16xi32>
      tpu.vector_store %arg9[%swap3A_710], %swap3A_713 {strides = array<i32>} : memref<128xi32, #tpu.memory_space<vmem>>, vector<16xi32>,
      %get3A_714 = arith.constant 32 : index
      %get3A_715 = tpu.vector_load %arg9[%get3A_714] {strides = array<i32>} : memref<128xi32, #tpu.memory_space<vmem>>, vector<16xi32>,
      %get3A_716 = vector.shape_cast %get3A_715 : vector<16xi32> to vector<16xi32>
      %sub3A_717 = arith.constant 0 : i32
      %sub3A_718 = vector.broadcast %sub3A_717 : i32 to vector<16xi32>
      %sub3A_719 = arith.subi %get3A_716, %sub3A_718 : vector<16xi32>
      %ge3A_720 = arith.constant 0 : i32
      %ge3A_721 = vector.broadcast %ge3A_720 : i32 to vector<16xi32>
      %ge3A_722 = arith.cmpi sge, %sub3A_719, %ge3A_721 : vector<16xi32>
      %lt3A_723 = arith.constant 5000 : i32
      %lt3A_724 = vector.broadcast %lt3A_723 : i32 to vector<16xi32>
      %lt3A_725 = arith.cmpi slt, %sub3A_719, %lt3A_724 : vector<16xi32>
      %and3A_726 = arith.andi %ge3A_722, %lt3A_725 : vector<16xi1>
      %jit3A_727 = arith.constant 5000 : i32
      %broadcast_in_dim3A_728 = vector.broadcast %jit3A_727 : i32 to vector<16xi32>
      %select_n3A_729 = arith.select %and3A_726, %sub3A_719, %broadcast_in_dim3A_728 : vector<16xi1>, vector<16xi32>
      %swap3A_730 = arith.constant 32 : index
      %swap3A_731 = tpu.vector_load %arg9[%swap3A_730] {strides = array<i32>} : memref<128xi32, #tpu.memory_space<vmem>>, vector<16xi32>,
      %swap3A_732 = vector.shape_cast %swap3A_731 : vector<16xi32> to vector<16xi32>
      %swap3A_733 = vector.shape_cast %select_n3A_729 : vector<16xi32> to vector<16xi32>
      tpu.vector_store %arg9[%swap3A_730], %swap3A_733 {strides = array<i32>} : memref<128xi32, #tpu.memory_space<vmem>>, vector<16xi32>,
      %get3A_734 = arith.constant 48 : index
      %get3A_735 = tpu.vector_load %arg9[%get3A_734] {strides = array<i32>} : memref<128xi32, #tpu.memory_space<vmem>>, vector<16xi32>,
      %get3A_736 = vector.shape_cast %get3A_735 : vector<16xi32> to vector<16xi32>
      %sub3A_737 = arith.constant 0 : i32
      %sub3A_738 = vector.broadcast %sub3A_737 : i32 to vector<16xi32>
      %sub3A_739 = arith.subi %get3A_736, %sub3A_738 : vector<16xi32>
      %ge3A_740 = arith.constant 0 : i32
      %ge3A_741 = vector.broadcast %ge3A_740 : i32 to vector<16xi32>
      %ge3A_742 = arith.cmpi sge, %sub3A_739, %ge3A_741 : vector<16xi32>
      %lt3A_743 = arith.constant 5000 : i32
      %lt3A_744 = vector.broadcast %lt3A_743 : i32 to vector<16xi32>
      %lt3A_745 = arith.cmpi slt, %sub3A_739, %lt3A_744 : vector<16xi32>
      %and3A_746 = arith.andi %ge3A_742, %lt3A_745 : vector<16xi1>
      %jit3A_747 = arith.constant 5000 : i32
      %broadcast_in_dim3A_748 = vector.broadcast %jit3A_747 : i32 to vector<16xi32>
      %select_n3A_749 = arith.select %and3A_746, %sub3A_739, %broadcast_in_dim3A_748 : vector<16xi1>, vector<16xi32>
      %swap3A_750 = arith.constant 48 : index
      %swap3A_751 = tpu.vector_load %arg9[%swap3A_750] {strides = array<i32>} : memref<128xi32, #tpu.memory_space<vmem>>, vector<16xi32>,
      %swap3A_752 = vector.shape_cast %swap3A_751 : vector<16xi32> to vector<16xi32>
      %swap3A_753 = vector.shape_cast %select_n3A_749 : vector<16xi32> to vector<16xi32>
      tpu.vector_store %arg9[%swap3A_750], %swap3A_753 {strides = array<i32>} : memref<128xi32, #tpu.memory_space<vmem>>, vector<16xi32>,
      %get3A_754 = arith.constant 64 : index
      %get3A_755 = tpu.vector_load %arg9[%get3A_754] {strides = array<i32>} : memref<128xi32, #tpu.memory_space<vmem>>, vector<16xi32>,
      %get3A_756 = vector.shape_cast %get3A_755 : vector<16xi32> to vector<16xi32>
      %sub3A_757 = arith.constant 0 : i32
      %sub3A_758 = vector.broadcast %sub3A_757 : i32 to vector<16xi32>
      %sub3A_759 = arith.subi %get3A_756, %sub3A_758 : vector<16xi32>
      %ge3A_760 = arith.constant 0 : i32
      %ge3A_761 = vector.broadcast %ge3A_760 : i32 to vector<16xi32>
      %ge3A_762 = arith.cmpi sge, %sub3A_759, %ge3A_761 : vector<16xi32>
      %lt3A_763 = arith.constant 5000 : i32
      %lt3A_764 = vector.broadcast %lt3A_763 : i32 to vector<16xi32>
      %lt3A_765 = arith.cmpi slt, %sub3A_759, %lt3A_764 : vector<16xi32>
      %and3A_766 = arith.andi %ge3A_762, %lt3A_765 : vector<16xi1>
      %jit3A_767 = arith.constant 5000 : i32
      %broadcast_in_dim3A_768 = vector.broadcast %jit3A_767 : i32 to vector<16xi32>
      %select_n3A_769 = arith.select %and3A_766, %sub3A_759, %broadcast_in_dim3A_768 : vector<16xi1>, vector<16xi32>
      %swap3A_770 = arith.constant 64 : index
      %swap3A_771 = tpu.vector_load %arg9[%swap3A_770] {strides = array<i32>} : memref<128xi32, #tpu.memory_space<vmem>>, vector<16xi32>,
      %swap3A_772 = vector.shape_cast %swap3A_771 : vector<16xi32> to vector<16xi32>
      %swap3A_773 = vector.shape_cast %select_n3A_769 : vector<16xi32> to vector<16xi32>
      tpu.vector_store %arg9[%swap3A_770], %swap3A_773 {strides = array<i32>} : memref<128xi32, #tpu.memory_space<vmem>>, vector<16xi32>,
      %get3A_774 = arith.constant 80 : index
      %get3A_775 = tpu.vector_load %arg9[%get3A_774] {strides = array<i32>} : memref<128xi32, #tpu.memory_space<vmem>>, vector<16xi32>,
      %get3A_776 = vector.shape_cast %get3A_775 : vector<16xi32> to vector<16xi32>
      %sub3A_777 = arith.constant 0 : i32
      %sub3A_778 = vector.broadcast %sub3A_777 : i32 to vector<16xi32>
      %sub3A_779 = arith.subi %get3A_776, %sub3A_778 : vector<16xi32>
      %ge3A_780 = arith.constant 0 : i32
      %ge3A_781 = vector.broadcast %ge3A_780 : i32 to vector<16xi32>
      %ge3A_782 = arith.cmpi sge, %sub3A_779, %ge3A_781 : vector<16xi32>
      %lt3A_783 = arith.constant 5000 : i32
      %lt3A_784 = vector.broadcast %lt3A_783 : i32 to vector<16xi32>
      %lt3A_785 = arith.cmpi slt, %sub3A_779, %lt3A_784 : vector<16xi32>
      %and3A_786 = arith.andi %ge3A_782, %lt3A_785 : vector<16xi1>
      %jit3A_787 = arith.constant 5000 : i32
      %broadcast_in_dim3A_788 = vector.broadcast %jit3A_787 : i32 to vector<16xi32>
      %select_n3A_789 = arith.select %and3A_786, %sub3A_779, %broadcast_in_dim3A_788 : vector<16xi1>, vector<16xi32>
      %swap3A_790 = arith.constant 80 : index
      %swap3A_791 = tpu.vector_load %arg9[%swap3A_790] {strides = array<i32>} : memref<128xi32, #tpu.memory_space<vmem>>, vector<16xi32>,
      %swap3A_792 = vector.shape_cast %swap3A_791 : vector<16xi32> to vector<16xi32>
      %swap3A_793 = vector.shape_cast %select_n3A_789 : vector<16xi32> to vector<16xi32>
      tpu.vector_store %arg9[%swap3A_790], %swap3A_793 {strides = array<i32>} : memref<128xi32, #tpu.memory_space<vmem>>, vector<16xi32>,
      %get3A_794 = arith.constant 96 : index
      %get3A_795 = tpu.vector_load %arg9[%get3A_794] {strides = array<i32>} : memref<128xi32, #tpu.memory_space<vmem>>, vector<16xi32>,
      %get3A_796 = vector.shape_cast %get3A_795 : vector<16xi32> to vector<16xi32>
      %sub3A_797 = arith.constant 0 : i32
      %sub3A_798 = vector.broadcast %sub3A_797 : i32 to vector<16xi32>
      %sub3A_799 = arith.subi %get3A_796, %sub3A_798 : vector<16xi32>
      %ge3A_800 = arith.constant 0 : i32
      %ge3A_801 = vector.broadcast %ge3A_800 : i32 to vector<16xi32>
      %ge3A_802 = arith.cmpi sge, %sub3A_799, %ge3A_801 : vector<16xi32>
      %lt3A_803 = arith.constant 5000 : i32
      %lt3A_804 = vector.broadcast %lt3A_803 : i32 to vector<16xi32>
      %lt3A_805 = arith.cmpi slt, %sub3A_799, %lt3A_804 : vector<16xi32>
      %and3A_806 = arith.andi %ge3A_802, %lt3A_805 : vector<16xi1>
      %jit3A_807 = arith.constant 5000 : i32
      %broadcast_in_dim3A_808 = vector.broadcast %jit3A_807 : i32 to vector<16xi32>
      %select_n3A_809 = arith.select %and3A_806, %sub3A_799, %broadcast_in_dim3A_808 : vector<16xi1>, vector<16xi32>
      %swap3A_810 = arith.constant 96 : index
      %swap3A_811 = tpu.vector_load %arg9[%swap3A_810] {strides = array<i32>} : memref<128xi32, #tpu.memory_space<vmem>>, vector<16xi32>,
      %swap3A_812 = vector.shape_cast %swap3A_811 : vector<16xi32> to vector<16xi32>
      %swap3A_813 = vector.shape_cast %select_n3A_809 : vector<16xi32> to vector<16xi32>
      tpu.vector_store %arg9[%swap3A_810], %swap3A_813 {strides = array<i32>} : memref<128xi32, #tpu.memory_space<vmem>>, vector<16xi32>,
      %get3A_814 = arith.constant 112 : index
      %get3A_815 = tpu.vector_load %arg9[%get3A_814] {strides = array<i32>} : memref<128xi32, #tpu.memory_space<vmem>>, vector<16xi32>,
      %get3A_816 = vector.shape_cast %get3A_815 : vector<16xi32> to vector<16xi32>
      %sub3A_817 = arith.constant 0 : i32
      %sub3A_818 = vector.broadcast %sub3A_817 : i32 to vector<16xi32>
      %sub3A_819 = arith.subi %get3A_816, %sub3A_818 : vector<16xi32>
      %ge3A_820 = arith.constant 0 : i32
      %ge3A_821 = vector.broadcast %ge3A_820 : i32 to vector<16xi32>
      %ge3A_822 = arith.cmpi sge, %sub3A_819, %ge3A_821 : vector<16xi32>
      %lt3A_823 = arith.constant 5000 : i32
      %lt3A_824 = vector.broadcast %lt3A_823 : i32 to vector<16xi32>
      %lt3A_825 = arith.cmpi slt, %sub3A_819, %lt3A_824 : vector<16xi32>
      %and3A_826 = arith.andi %ge3A_822, %lt3A_825 : vector<16xi1>
      %jit3A_827 = arith.constant 5000 : i32
      %broadcast_in_dim3A_828 = vector.broadcast %jit3A_827 : i32 to vector<16xi32>
      %select_n3A_829 = arith.select %and3A_826, %sub3A_819, %broadcast_in_dim3A_828 : vector<16xi1>, vector<16xi32>
      %swap3A_830 = arith.constant 112 : index
      %swap3A_831 = tpu.vector_load %arg9[%swap3A_830] {strides = array<i32>} : memref<128xi32, #tpu.memory_space<vmem>>, vector<16xi32>,
      %swap3A_832 = vector.shape_cast %swap3A_831 : vector<16xi32> to vector<16xi32>
      %swap3A_833 = vector.shape_cast %select_n3A_829 : vector<16xi32> to vector<16xi32>
      tpu.vector_store %arg9[%swap3A_830], %swap3A_833 {strides = array<i32>} : memref<128xi32, #tpu.memory_space<vmem>>, vector<16xi32>,
      %dma_start3A_834 = arith.constant 0 : i32
      %dma_start3A_835 = arith.constant 0 : i32
      %dma_start3A_836 = tpu.memref_slice %arg13[%dma_start3A_834, %dma_start3A_835] : memref<5008x128xf32, #tpu.memory_space<vmem_shared>> -> memref<5008x128xf32, #tpu.memory_space<vmem_shared>>
      tpu.enqueue_indirect_dma source(%arg11 : memref<128x128xf32, #tpu.memory_space<vmem>>) target(%dma_start3A_836 : memref<5008x128xf32, #tpu.memory_space<vmem_shared>>) offsets(%arg9 : memref<128xi32, #tpu.memory_space<vmem>>) semaphore(%arg17 : memref<!tpu.dma_semaphore, #tpu.memory_space<semaphore_mem>>) {add = true}
      %add3A_837 = arith.constant 2 : i32
      %add3A_838 = arith.addi %add3A_665, %add3A_837 : i32
      %mul3A_839 = arith.constant 128 : i32
      %mul3A_840 = arith.muli %add3A_838, %mul3A_839 : i32
      %add3A_841 = arith.addi %mul3A_2, %mul3A_840 : i32
      %min3A_842 = arith.minsi %add3A_841, %sub3A_14 : i32
      %multiple_of3A_843 = tpu.assume_multiple %min3A_842, 8 : i32
      "tpu.region"() ({
        %run_scoped3A = tpu.sem_alloc : memref<!tpu.dma_semaphore, #tpu.memory_space<semaphore_mem>>
        %dma_start3A_922 = tpu.memref_slice %arg3[%multiple_of3A_843] : memref<160000xi32, #tpu.memory_space<hbm>> -> memref<128xi32, #tpu.memory_space<hbm>>
        %dma_start3A_923 = tpu.memref_slice %arg3[%multiple_of3A_843] : memref<160000xi32, #tpu.memory_space<hbm>> -> memref<128xi32, #tpu.memory_space<hbm>>
        tpu.enqueue_dma source(%dma_start3A_923 : memref<128xi32, #tpu.memory_space<hbm>>) target(%arg7 : memref<128xi32, #tpu.memory_space<vmem>>) target_semaphore(%run_scoped3A : memref<!tpu.dma_semaphore, #tpu.memory_space<semaphore_mem>>)
        %dma_wait3A_924 = tpu.memref_slice %arg3[%multiple_of3A_843] : memref<160000xi32, #tpu.memory_space<hbm>> -> memref<128xi32, #tpu.memory_space<hbm>>
        %dma_wait3A_925 = tpu.memref_slice %arg3[%multiple_of3A_843] : memref<160000xi32, #tpu.memory_space<hbm>> -> memref<128xi32, #tpu.memory_space<hbm>>
        tpu.wait_dma2 semaphore(%run_scoped3A : memref<!tpu.dma_semaphore, #tpu.memory_space<semaphore_mem>>) src(%dma_wait3A_925 : memref<128xi32, #tpu.memory_space<hbm>>) dst(%arg7 : memref<128xi32, #tpu.memory_space<vmem>>)
        tpu.yield
      }) : () -> ()
      %get3A_844 = arith.constant 0 : index
      %get3A_845 = tpu.vector_load %arg7[%get3A_844] {strides = array<i32>} : memref<128xi32, #tpu.memory_space<vmem>>, vector<16xi32>,
      %get3A_846 = vector.shape_cast %get3A_845 : vector<16xi32> to vector<16xi32>
      %add3A_847 = vector.broadcast %mul3A_0 : i32 to vector<16xi32>
      %add3A_848 = arith.addi %get3A_846, %add3A_847 : vector<16xi32>
      %swap3A_849 = arith.constant 0 : index
      %swap3A_850 = tpu.vector_load %arg7[%swap3A_849] {strides = array<i32>} : memref<128xi32, #tpu.memory_space<vmem>>, vector<16xi32>,
      %swap3A_851 = vector.shape_cast %swap3A_850 : vector<16xi32> to vector<16xi32>
      %swap3A_852 = vector.shape_cast %add3A_848 : vector<16xi32> to vector<16xi32>
      tpu.vector_store %arg7[%swap3A_849], %swap3A_852 {strides = array<i32>} : memref<128xi32, #tpu.memory_space<vmem>>, vector<16xi32>,
      %get3A_853 = arith.constant 16 : index
      %get3A_854 = tpu.vector_load %arg7[%get3A_853] {strides = array<i32>} : memref<128xi32, #tpu.memory_space<vmem>>, vector<16xi32>,
      %get3A_855 = vector.shape_cast %get3A_854 : vector<16xi32> to vector<16xi32>
      %add3A_856 = vector.broadcast %mul3A_0 : i32 to vector<16xi32>
      %add3A_857 = arith.addi %get3A_855, %add3A_856 : vector<16xi32>
      %swap3A_858 = arith.constant 16 : index
      %swap3A_859 = tpu.vector_load %arg7[%swap3A_858] {strides = array<i32>} : memref<128xi32, #tpu.memory_space<vmem>>, vector<16xi32>,
      %swap3A_860 = vector.shape_cast %swap3A_859 : vector<16xi32> to vector<16xi32>
      %swap3A_861 = vector.shape_cast %add3A_857 : vector<16xi32> to vector<16xi32>
      tpu.vector_store %arg7[%swap3A_858], %swap3A_861 {strides = array<i32>} : memref<128xi32, #tpu.memory_space<vmem>>, vector<16xi32>,
      %get3A_862 = arith.constant 32 : index
      %get3A_863 = tpu.vector_load %arg7[%get3A_862] {strides = array<i32>} : memref<128xi32, #tpu.memory_space<vmem>>, vector<16xi32>,
      %get3A_864 = vector.shape_cast %get3A_863 : vector<16xi32> to vector<16xi32>
      %add3A_865 = vector.broadcast %mul3A_0 : i32 to vector<16xi32>
      %add3A_866 = arith.addi %get3A_864, %add3A_865 : vector<16xi32>
      %swap3A_867 = arith.constant 32 : index
      %swap3A_868 = tpu.vector_load %arg7[%swap3A_867] {strides = array<i32>} : memref<128xi32, #tpu.memory_space<vmem>>, vector<16xi32>,
      %swap3A_869 = vector.shape_cast %swap3A_868 : vector<16xi32> to vector<16xi32>
      %swap3A_870 = vector.shape_cast %add3A_866 : vector<16xi32> to vector<16xi32>
      tpu.vector_store %arg7[%swap3A_867], %swap3A_870 {strides = array<i32>} : memref<128xi32, #tpu.memory_space<vmem>>, vector<16xi32>,
      %get3A_871 = arith.constant 48 : index
      %get3A_872 = tpu.vector_load %arg7[%get3A_871] {strides = array<i32>} : memref<128xi32, #tpu.memory_space<vmem>>, vector<16xi32>,
      %get3A_873 = vector.shape_cast %get3A_872 : vector<16xi32> to vector<16xi32>
      %add3A_874 = vector.broadcast %mul3A_0 : i32 to vector<16xi32>
      %add3A_875 = arith.addi %get3A_873, %add3A_874 : vector<16xi32>
      %swap3A_876 = arith.constant 48 : index
      %swap3A_877 = tpu.vector_load %arg7[%swap3A_876] {strides = array<i32>} : memref<128xi32, #tpu.memory_space<vmem>>, vector<16xi32>,
      %swap3A_878 = vector.shape_cast %swap3A_877 : vector<16xi32> to vector<16xi32>
      %swap3A_879 = vector.shape_cast %add3A_875 : vector<16xi32> to vector<16xi32>
      tpu.vector_store %arg7[%swap3A_876], %swap3A_879 {strides = array<i32>} : memref<128xi32, #tpu.memory_space<vmem>>, vector<16xi32>,
      %get3A_880 = arith.constant 64 : index
      %get3A_881 = tpu.vector_load %arg7[%get3A_880] {strides = array<i32>} : memref<128xi32, #tpu.memory_space<vmem>>, vector<16xi32>,
      %get3A_882 = vector.shape_cast %get3A_881 : vector<16xi32> to vector<16xi32>
      %add3A_883 = vector.broadcast %mul3A_0 : i32 to vector<16xi32>
      %add3A_884 = arith.addi %get3A_882, %add3A_883 : vector<16xi32>
      %swap3A_885 = arith.constant 64 : index
      %swap3A_886 = tpu.vector_load %arg7[%swap3A_885] {strides = array<i32>} : memref<128xi32, #tpu.memory_space<vmem>>, vector<16xi32>,
      %swap3A_887 = vector.shape_cast %swap3A_886 : vector<16xi32> to vector<16xi32>
      %swap3A_888 = vector.shape_cast %add3A_884 : vector<16xi32> to vector<16xi32>
      tpu.vector_store %arg7[%swap3A_885], %swap3A_888 {strides = array<i32>} : memref<128xi32, #tpu.memory_space<vmem>>, vector<16xi32>,
      %get3A_889 = arith.constant 80 : index
      %get3A_890 = tpu.vector_load %arg7[%get3A_889] {strides = array<i32>} : memref<128xi32, #tpu.memory_space<vmem>>, vector<16xi32>,
      %get3A_891 = vector.shape_cast %get3A_890 : vector<16xi32> to vector<16xi32>
      %add3A_892 = vector.broadcast %mul3A_0 : i32 to vector<16xi32>
      %add3A_893 = arith.addi %get3A_891, %add3A_892 : vector<16xi32>
      %swap3A_894 = arith.constant 80 : index
      %swap3A_895 = tpu.vector_load %arg7[%swap3A_894] {strides = array<i32>} : memref<128xi32, #tpu.memory_space<vmem>>, vector<16xi32>,
      %swap3A_896 = vector.shape_cast %swap3A_895 : vector<16xi32> to vector<16xi32>
      %swap3A_897 = vector.shape_cast %add3A_893 : vector<16xi32> to vector<16xi32>
      tpu.vector_store %arg7[%swap3A_894], %swap3A_897 {strides = array<i32>} : memref<128xi32, #tpu.memory_space<vmem>>, vector<16xi32>,
      %get3A_898 = arith.constant 96 : index
      %get3A_899 = tpu.vector_load %arg7[%get3A_898] {strides = array<i32>} : memref<128xi32, #tpu.memory_space<vmem>>, vector<16xi32>,
      %get3A_900 = vector.shape_cast %get3A_899 : vector<16xi32> to vector<16xi32>
      %add3A_901 = vector.broadcast %mul3A_0 : i32 to vector<16xi32>
      %add3A_902 = arith.addi %get3A_900, %add3A_901 : vector<16xi32>
      %swap3A_903 = arith.constant 96 : index
      %swap3A_904 = tpu.vector_load %arg7[%swap3A_903] {strides = array<i32>} : memref<128xi32, #tpu.memory_space<vmem>>, vector<16xi32>,
      %swap3A_905 = vector.shape_cast %swap3A_904 : vector<16xi32> to vector<16xi32>
      %swap3A_906 = vector.shape_cast %add3A_902 : vector<16xi32> to vector<16xi32>
      tpu.vector_store %arg7[%swap3A_903], %swap3A_906 {strides = array<i32>} : memref<128xi32, #tpu.memory_space<vmem>>, vector<16xi32>,
      %get3A_907 = arith.constant 112 : index
      %get3A_908 = tpu.vector_load %arg7[%get3A_907] {strides = array<i32>} : memref<128xi32, #tpu.memory_space<vmem>>, vector<16xi32>,
      %get3A_909 = vector.shape_cast %get3A_908 : vector<16xi32> to vector<16xi32>
      %add3A_910 = vector.broadcast %mul3A_0 : i32 to vector<16xi32>
      %add3A_911 = arith.addi %get3A_909, %add3A_910 : vector<16xi32>
      %swap3A_912 = arith.constant 112 : index
      %swap3A_913 = tpu.vector_load %arg7[%swap3A_912] {strides = array<i32>} : memref<128xi32, #tpu.memory_space<vmem>>, vector<16xi32>,
      %swap3A_914 = vector.shape_cast %swap3A_913 : vector<16xi32> to vector<16xi32>
      %swap3A_915 = vector.shape_cast %add3A_911 : vector<16xi32> to vector<16xi32>
      tpu.vector_store %arg7[%swap3A_912], %swap3A_915 {strides = array<i32>} : memref<128xi32, #tpu.memory_space<vmem>>, vector<16xi32>,
      %dma_wait3A_916 = arith.constant 0 : i32
      %dma_wait3A_917 = arith.constant 0 : i32
      %dma_wait3A_918 = tpu.memref_slice %arg13[%dma_wait3A_916, %dma_wait3A_917] : memref<5008x128xf32, #tpu.memory_space<vmem_shared>> -> memref<5008x128xf32, #tpu.memory_space<vmem_shared>>
      tpu.wait_indirect_dma semaphore(%arg17 : memref<!tpu.dma_semaphore, #tpu.memory_space<semaphore_mem>>) src(%arg11 : memref<128x128xf32, #tpu.memory_space<vmem>>) dst(%dma_wait3A_918 : memref<5008x128xf32, #tpu.memory_space<vmem_shared>>)
      %dma_start3A_919 = arith.constant 0 : i32
      %dma_start3A_920 = arith.constant 0 : i32
      %dma_start3A_921 = tpu.memref_slice %arg2[%dma_start3A_919, %dma_start3A_920] : memref<20000x128xf32, #tpu.memory_space<hbm>> -> memref<20000x128xf32, #tpu.memory_space<hbm>>
      tpu.enqueue_indirect_dma source(%dma_start3A_921 : memref<20000x128xf32, #tpu.memory_space<hbm>>) target(%arg11 : memref<128x128xf32, #tpu.memory_space<vmem>>) offsets(%arg7 : memref<128xi32, #tpu.memory_space<vmem>>) semaphore(%arg15 : memref<!tpu.dma_semaphore, #tpu.memory_space<semaphore_mem>>)
    }
    %dma_wait3A = arith.constant 0 : i32
    %dma_wait3A_191 = arith.constant 0 : i32
    %dma_wait3A_192 = tpu.memref_slice %arg2[%dma_wait3A, %dma_wait3A_191] : memref<20000x128xf32, #tpu.memory_space<hbm>> -> memref<20000x128xf32, #tpu.memory_space<hbm>>
    tpu.wait_indirect_dma semaphore(%arg14 : memref<!tpu.dma_semaphore, #tpu.memory_space<semaphore_mem>>) src(%dma_wait3A_192 : memref<20000x128xf32, #tpu.memory_space<hbm>>) dst(%arg10 : memref<128x128xf32, #tpu.memory_space<vmem>>)
    %dma_wait3A_193 = arith.constant 0 : i32
    %dma_wait3A_194 = arith.constant 0 : i32
    %dma_wait3A_195 = tpu.memref_slice %arg2[%dma_wait3A_193, %dma_wait3A_194] : memref<20000x128xf32, #tpu.memory_space<hbm>> -> memref<20000x128xf32, #tpu.memory_space<hbm>>
    tpu.wait_indirect_dma semaphore(%arg15 : memref<!tpu.dma_semaphore, #tpu.memory_space<semaphore_mem>>) src(%dma_wait3A_195 : memref<20000x128xf32, #tpu.memory_space<hbm>>) dst(%arg11 : memref<128x128xf32, #tpu.memory_space<vmem>>)
    %barrier3A_196 = arith.constant 0 : index
    tpu.barrier barrier_id(%barrier3A_196)
    %mul3A_197 = arith.constant 312 : i32
    %mul3A_198 = arith.muli %arg1, %mul3A_197 : i32
    "tpu.region"() ({
      %run_scoped3A = tpu.sem_alloc : memref<!tpu.dma_semaphore, #tpu.memory_space<semaphore_mem>>
      %dma_start3A_405 = arith.constant 0 : i32
      %dma_start3A_406 = tpu.memref_slice %arg13[%mul3A_198, %dma_start3A_405] : memref<5008x128xf32, #tpu.memory_space<vmem_shared>> -> memref<312x128xf32, #tpu.memory_space<vmem_shared>>
      %dma_start3A_407 = arith.constant 0 : i32
      %dma_start3A_408 = tpu.memref_slice %arg13[%mul3A_198, %dma_start3A_407] : memref<5008x128xf32, #tpu.memory_space<vmem_shared>> -> memref<312x128xf32, #tpu.memory_space<vmem_shared>>
      tpu.enqueue_dma source(%dma_start3A_408 : memref<312x128xf32, #tpu.memory_space<vmem_shared>>) target(%arg12 : memref<312x128xf32, #tpu.memory_space<vmem>>) target_semaphore(%run_scoped3A : memref<!tpu.dma_semaphore, #tpu.memory_space<semaphore_mem>>)
      %dma_wait3A_409 = arith.constant 0 : i32
      %dma_wait3A_410 = tpu.memref_slice %arg13[%mul3A_198, %dma_wait3A_409] : memref<5008x128xf32, #tpu.memory_space<vmem_shared>> -> memref<312x128xf32, #tpu.memory_space<vmem_shared>>
      %dma_wait3A_411 = arith.constant 0 : i32
      %dma_wait3A_412 = tpu.memref_slice %arg13[%mul3A_198, %dma_wait3A_411] : memref<5008x128xf32, #tpu.memory_space<vmem_shared>> -> memref<312x128xf32, #tpu.memory_space<vmem_shared>>
      tpu.wait_dma2 semaphore(%run_scoped3A : memref<!tpu.dma_semaphore, #tpu.memory_space<semaphore_mem>>) src(%dma_wait3A_412 : memref<312x128xf32, #tpu.memory_space<vmem_shared>>) dst(%arg12 : memref<312x128xf32, #tpu.memory_space<vmem>>)
      tpu.yield
    }) : () -> ()
    "tpu.region"() ({
      %run_scoped3A = tpu.sem_alloc : memref<!tpu.dma_semaphore, #tpu.memory_space<semaphore_mem>>
      %dma_start3A_405 = arith.constant 0 : i32
      %dma_start3A_406 = tpu.memref_slice %arg5[%add3A_19, %dma_start3A_405] : memref<20000x128xf32, #tpu.memory_space<hbm>> -> memref<312x128xf32, #tpu.memory_space<hbm>>
      %dma_start3A_407 = arith.constant 0 : i32
      %dma_start3A_408 = tpu.memref_slice %arg5[%add3A_19, %dma_start3A_407] : memref<20000x128xf32, #tpu.memory_space<hbm>> -> memref<312x128xf32, #tpu.memory_space<hbm>>
      tpu.enqueue_dma source(%arg12 : memref<312x128xf32, #tpu.memory_space<vmem>>) target(%dma_start3A_408 : memref<312x128xf32, #tpu.memory_space<hbm>>) target_semaphore(%run_scoped3A : memref<!tpu.dma_semaphore, #tpu.memory_space<semaphore_mem>>)
      %dma_wait3A_409 = arith.constant 0 : i32
      %dma_wait3A_410 = tpu.memref_slice %arg5[%add3A_19, %dma_wait3A_409] : memref<20000x128xf32, #tpu.memory_space<hbm>> -> memref<312x128xf32, #tpu.memory_space<hbm>>
      %dma_wait3A_411 = arith.constant 0 : i32
      %dma_wait3A_412 = tpu.memref_slice %arg5[%add3A_19, %dma_wait3A_411] : memref<20000x128xf32, #tpu.memory_space<hbm>> -> memref<312x128xf32, #tpu.memory_space<hbm>>
      tpu.wait_dma2 semaphore(%run_scoped3A : memref<!tpu.dma_semaphore, #tpu.memory_space<semaphore_mem>>) src(%arg12 : memref<312x128xf32, #tpu.memory_space<vmem>>) dst(%dma_wait3A_412 : memref<312x128xf32, #tpu.memory_space<hbm>>)
      tpu.yield
    }) : () -> ()
    %eq3A_199 = arith.constant 0 : i32
    %eq3A_200 = arith.cmpi eq, %arg1, %eq3A_199 : i32
    %convert_element_type3A_201 = arith.extui %eq3A_200 : i1 to i32
    %cond3A_202 = arith.constant 0 : i32
    %cond3A_203 = arith.cmpi ne, %convert_element_type3A_201, %cond3A_202 : i32
    scf.if %cond3A_203 {
      "tpu.region"() ({
        %run_scoped3A = tpu.sem_alloc : memref<!tpu.dma_semaphore, #tpu.memory_space<semaphore_mem>>
        %dma_start3A_409 = arith.constant 0 : i32
        %dma_start3A_410 = arith.constant 0 : i32
        %dma_start3A_411 = tpu.memref_slice %arg12[%dma_start3A_409, %dma_start3A_410] : memref<312x128xf32, #tpu.memory_space<vmem>> -> memref<8x128xf32, #tpu.memory_space<vmem>>
        %dma_start3A_412 = arith.constant 4992 : i32
        %dma_start3A_413 = arith.constant 0 : i32
        %dma_start3A_414 = tpu.memref_slice %arg13[%dma_start3A_412, %dma_start3A_413] : memref<5008x128xf32, #tpu.memory_space<vmem_shared>> -> memref<8x128xf32, #tpu.memory_space<vmem_shared>>
        %dma_start3A_415 = arith.constant 0 : i32
        %dma_start3A_416 = arith.constant 0 : i32
        %dma_start3A_417 = tpu.memref_slice %arg12[%dma_start3A_415, %dma_start3A_416] : memref<312x128xf32, #tpu.memory_space<vmem>> -> memref<8x128xf32, #tpu.memory_space<vmem>>
        %dma_start3A_418 = arith.constant 4992 : i32
        %dma_start3A_419 = arith.constant 0 : i32
        %dma_start3A_420 = tpu.memref_slice %arg13[%dma_start3A_418, %dma_start3A_419] : memref<5008x128xf32, #tpu.memory_space<vmem_shared>> -> memref<8x128xf32, #tpu.memory_space<vmem_shared>>
        tpu.enqueue_dma source(%dma_start3A_420 : memref<8x128xf32, #tpu.memory_space<vmem_shared>>) target(%dma_start3A_417 : memref<8x128xf32, #tpu.memory_space<vmem>>) target_semaphore(%run_scoped3A : memref<!tpu.dma_semaphore, #tpu.memory_space<semaphore_mem>>)
        %dma_wait3A_421 = arith.constant 0 : i32
        %dma_wait3A_422 = arith.constant 0 : i32
        %dma_wait3A_423 = tpu.memref_slice %arg12[%dma_wait3A_421, %dma_wait3A_422] : memref<312x128xf32, #tpu.memory_space<vmem>> -> memref<8x128xf32, #tpu.memory_space<vmem>>
        %dma_wait3A_424 = arith.constant 4992 : i32
        %dma_wait3A_425 = arith.constant 0 : i32
        %dma_wait3A_426 = tpu.memref_slice %arg13[%dma_wait3A_424, %dma_wait3A_425] : memref<5008x128xf32, #tpu.memory_space<vmem_shared>> -> memref<8x128xf32, #tpu.memory_space<vmem_shared>>
        %dma_wait3A_427 = arith.constant 0 : i32
        %dma_wait3A_428 = arith.constant 0 : i32
        %dma_wait3A_429 = tpu.memref_slice %arg12[%dma_wait3A_427, %dma_wait3A_428] : memref<312x128xf32, #tpu.memory_space<vmem>> -> memref<8x128xf32, #tpu.memory_space<vmem>>
        %dma_wait3A_430 = arith.constant 4992 : i32
        %dma_wait3A_431 = arith.constant 0 : i32
        %dma_wait3A_432 = tpu.memref_slice %arg13[%dma_wait3A_430, %dma_wait3A_431] : memref<5008x128xf32, #tpu.memory_space<vmem_shared>> -> memref<8x128xf32, #tpu.memory_space<vmem_shared>>
        tpu.wait_dma2 semaphore(%run_scoped3A : memref<!tpu.dma_semaphore, #tpu.memory_space<semaphore_mem>>) src(%dma_wait3A_432 : memref<8x128xf32, #tpu.memory_space<vmem_shared>>) dst(%dma_wait3A_429 : memref<8x128xf32, #tpu.memory_space<vmem>>)
        tpu.yield
      }) : () -> ()
      %add3A_405 = arith.constant 0 : i32
      %add3A_406 = arith.addi %mul3A_0, %add3A_405 : i32
      %add3A_407 = arith.constant 4992 : i32
      %add3A_408 = arith.addi %add3A_406, %add3A_407 : i32
      "tpu.region"() ({
        %run_scoped3A = tpu.sem_alloc : memref<!tpu.dma_semaphore, #tpu.memory_space<semaphore_mem>>
        %dma_start3A_409 = arith.constant 0 : i32
        %dma_start3A_410 = arith.constant 0 : i32
        %dma_start3A_411 = tpu.memref_slice %arg12[%dma_start3A_409, %dma_start3A_410] : memref<312x128xf32, #tpu.memory_space<vmem>> -> memref<8x128xf32, #tpu.memory_space<vmem>>
        %dma_start3A_412 = arith.constant 0 : i32
        %dma_start3A_413 = tpu.memref_slice %arg5[%add3A_408, %dma_start3A_412] : memref<20000x128xf32, #tpu.memory_space<hbm>> -> memref<8x128xf32, #tpu.memory_space<hbm>>
        %dma_start3A_414 = arith.constant 0 : i32
        %dma_start3A_415 = tpu.memref_slice %arg5[%add3A_408, %dma_start3A_414] : memref<20000x128xf32, #tpu.memory_space<hbm>> -> memref<8x128xf32, #tpu.memory_space<hbm>>
        %dma_start3A_416 = arith.constant 0 : i32
        %dma_start3A_417 = arith.constant 0 : i32
        %dma_start3A_418 = tpu.memref_slice %arg12[%dma_start3A_416, %dma_start3A_417] : memref<312x128xf32, #tpu.memory_space<vmem>> -> memref<8x128xf32, #tpu.memory_space<vmem>>
        tpu.enqueue_dma source(%dma_start3A_418 : memref<8x128xf32, #tpu.memory_space<vmem>>) target(%dma_start3A_415 : memref<8x128xf32, #tpu.memory_space<hbm>>) target_semaphore(%run_scoped3A : memref<!tpu.dma_semaphore, #tpu.memory_space<semaphore_mem>>)
        %dma_wait3A_419 = arith.constant 0 : i32
        %dma_wait3A_420 = arith.constant 0 : i32
        %dma_wait3A_421 = tpu.memref_slice %arg12[%dma_wait3A_419, %dma_wait3A_420] : memref<312x128xf32, #tpu.memory_space<vmem>> -> memref<8x128xf32, #tpu.memory_space<vmem>>
        %dma_wait3A_422 = arith.constant 0 : i32
        %dma_wait3A_423 = tpu.memref_slice %arg5[%add3A_408, %dma_wait3A_422] : memref<20000x128xf32, #tpu.memory_space<hbm>> -> memref<8x128xf32, #tpu.memory_space<hbm>>
        %dma_wait3A_424 = arith.constant 0 : i32
        %dma_wait3A_425 = tpu.memref_slice %arg5[%add3A_408, %dma_wait3A_424] : memref<20000x128xf32, #tpu.memory_space<hbm>> -> memref<8x128xf32, #tpu.memory_space<hbm>>
        %dma_wait3A_426 = arith.constant 0 : i32
        %dma_wait3A_427 = arith.constant 0 : i32
        %dma_wait3A_428 = tpu.memref_slice %arg12[%dma_wait3A_426, %dma_wait3A_427] : memref<312x128xf32, #tpu.memory_space<vmem>> -> memref<8x128xf32, #tpu.memory_space<vmem>>
        tpu.wait_dma2 semaphore(%run_scoped3A : memref<!tpu.dma_semaphore, #tpu.memory_space<semaphore_mem>>) src(%dma_wait3A_428 : memref<8x128xf32, #tpu.memory_space<vmem>>) dst(%dma_wait3A_425 : memref<8x128xf32, #tpu.memory_space<hbm>>)
        tpu.yield
      }) : () -> ()
    } else {
    }
    %barrier3A_204 = arith.constant 0 : index
    tpu.barrier barrier_id(%barrier3A_204)
    %add3A_205 = arith.constant 5000 : i32
    %add3A_206 = arith.addi %mul3A_0, %add3A_205 : i32
    %mul3A_207 = arith.constant 312 : i32
    %mul3A_208 = arith.muli %arg1, %mul3A_207 : i32
    %add3A_209 = arith.addi %add3A_206, %mul3A_208 : i32
    "tpu.region"() ({
      %run_scoped3A = tpu.sem_alloc : memref<!tpu.dma_semaphore, #tpu.memory_space<semaphore_mem>>
      %dma_start3A_405 = arith.constant 0 : i32
      %dma_start3A_406 = tpu.memref_slice %arg2[%add3A_209, %dma_start3A_405] : memref<20000x128xf32, #tpu.memory_space<hbm>> -> memref<312x128xf32, #tpu.memory_space<hbm>>
      %dma_start3A_407 = arith.constant 0 : i32
      %dma_start3A_408 = tpu.memref_slice %arg2[%add3A_209, %dma_start3A_407] : memref<20000x128xf32, #tpu.memory_space<hbm>> -> memref<312x128xf32, #tpu.memory_space<hbm>>
      tpu.enqueue_dma source(%dma_start3A_408 : memref<312x128xf32, #tpu.memory_space<hbm>>) target(%arg12 : memref<312x128xf32, #tpu.memory_space<vmem>>) target_semaphore(%run_scoped3A : memref<!tpu.dma_semaphore, #tpu.memory_space<semaphore_mem>>)
      %dma_wait3A_409 = arith.constant 0 : i32
      %dma_wait3A_410 = tpu.memref_slice %arg2[%add3A_209, %dma_wait3A_409] : memref<20000x128xf32, #tpu.memory_space<hbm>> -> memref<312x128xf32, #tpu.memory_space<hbm>>
      %dma_wait3A_411 = arith.constant 0 : i32
      %dma_wait3A_412 = tpu.memref_slice %arg2[%add3A_209, %dma_wait3A_411] : memref<20000x128xf32, #tpu.memory_space<hbm>> -> memref<312x128xf32, #tpu.memory_space<hbm>>
      tpu.wait_dma2 semaphore(%run_scoped3A : memref<!tpu.dma_semaphore, #tpu.memory_space<semaphore_mem>>) src(%dma_wait3A_412 : memref<312x128xf32, #tpu.memory_space<hbm>>) dst(%arg12 : memref<312x128xf32, #tpu.memory_space<vmem>>)
      tpu.yield
    }) : () -> ()
    %mul3A_210 = arith.constant 312 : i32
    %mul3A_211 = arith.muli %arg1, %mul3A_210 : i32
    "tpu.region"() ({
      %run_scoped3A = tpu.sem_alloc : memref<!tpu.dma_semaphore, #tpu.memory_space<semaphore_mem>>
      %dma_start3A_405 = arith.constant 0 : i32
      %dma_start3A_406 = tpu.memref_slice %arg13[%mul3A_211, %dma_start3A_405] : memref<5008x128xf32, #tpu.memory_space<vmem_shared>> -> memref<312x128xf32, #tpu.memory_space<vmem_shared>>
      %dma_start3A_407 = arith.constant 0 : i32
      %dma_start3A_408 = tpu.memref_slice %arg13[%mul3A_211, %dma_start3A_407] : memref<5008x128xf32, #tpu.memory_space<vmem_shared>> -> memref<312x128xf32, #tpu.memory_space<vmem_shared>>
      tpu.enqueue_dma source(%arg12 : memref<312x128xf32, #tpu.memory_space<vmem>>) target(%dma_start3A_408 : memref<312x128xf32, #tpu.memory_space<vmem_shared>>) target_semaphore(%run_scoped3A : memref<!tpu.dma_semaphore, #tpu.memory_space<semaphore_mem>>)
      %dma_wait3A_409 = arith.constant 0 : i32
      %dma_wait3A_410 = tpu.memref_slice %arg13[%mul3A_211, %dma_wait3A_409] : memref<5008x128xf32, #tpu.memory_space<vmem_shared>> -> memref<312x128xf32, #tpu.memory_space<vmem_shared>>
      %dma_wait3A_411 = arith.constant 0 : i32
      %dma_wait3A_412 = tpu.memref_slice %arg13[%mul3A_211, %dma_wait3A_411] : memref<5008x128xf32, #tpu.memory_space<vmem_shared>> -> memref<312x128xf32, #tpu.memory_space<vmem_shared>>
      tpu.wait_dma2 semaphore(%run_scoped3A : memref<!tpu.dma_semaphore, #tpu.memory_space<semaphore_mem>>) src(%arg12 : memref<312x128xf32, #tpu.memory_space<vmem>>) dst(%dma_wait3A_412 : memref<312x128xf32, #tpu.memory_space<vmem_shared>>)
      tpu.yield
    }) : () -> ()
    %eq3A_212 = arith.constant 0 : i32
    %eq3A_213 = arith.cmpi eq, %arg1, %eq3A_212 : i32
    %convert_element_type3A_214 = arith.extui %eq3A_213 : i1 to i32
    %cond3A_215 = arith.constant 0 : i32
    %cond3A_216 = arith.cmpi ne, %convert_element_type3A_214, %cond3A_215 : i32
    scf.if %cond3A_216 {
      %add3A_405 = arith.constant 5000 : i32
      %add3A_406 = arith.addi %mul3A_0, %add3A_405 : i32
      %add3A_407 = arith.constant 4992 : i32
      %add3A_408 = arith.addi %add3A_406, %add3A_407 : i32
      "tpu.region"() ({
        %run_scoped3A = tpu.sem_alloc : memref<!tpu.dma_semaphore, #tpu.memory_space<semaphore_mem>>
        %dma_start3A_409 = arith.constant 0 : i32
        %dma_start3A_410 = arith.constant 0 : i32
        %dma_start3A_411 = tpu.memref_slice %arg12[%dma_start3A_409, %dma_start3A_410] : memref<312x128xf32, #tpu.memory_space<vmem>> -> memref<8x128xf32, #tpu.memory_space<vmem>>
        %dma_start3A_412 = arith.constant 0 : i32
        %dma_start3A_413 = tpu.memref_slice %arg2[%add3A_408, %dma_start3A_412] : memref<20000x128xf32, #tpu.memory_space<hbm>> -> memref<8x128xf32, #tpu.memory_space<hbm>>
        %dma_start3A_414 = arith.constant 0 : i32
        %dma_start3A_415 = arith.constant 0 : i32
        %dma_start3A_416 = tpu.memref_slice %arg12[%dma_start3A_414, %dma_start3A_415] : memref<312x128xf32, #tpu.memory_space<vmem>> -> memref<8x128xf32, #tpu.memory_space<vmem>>
        %dma_start3A_417 = arith.constant 0 : i32
        %dma_start3A_418 = tpu.memref_slice %arg2[%add3A_408, %dma_start3A_417] : memref<20000x128xf32, #tpu.memory_space<hbm>> -> memref<8x128xf32, #tpu.memory_space<hbm>>
        tpu.enqueue_dma source(%dma_start3A_418 : memref<8x128xf32, #tpu.memory_space<hbm>>) target(%dma_start3A_416 : memref<8x128xf32, #tpu.memory_space<vmem>>) target_semaphore(%run_scoped3A : memref<!tpu.dma_semaphore, #tpu.memory_space<semaphore_mem>>)
        %dma_wait3A_419 = arith.constant 0 : i32
        %dma_wait3A_420 = arith.constant 0 : i32
        %dma_wait3A_421 = tpu.memref_slice %arg12[%dma_wait3A_419, %dma_wait3A_420] : memref<312x128xf32, #tpu.memory_space<vmem>> -> memref<8x128xf32, #tpu.memory_space<vmem>>
        %dma_wait3A_422 = arith.constant 0 : i32
        %dma_wait3A_423 = tpu.memref_slice %arg2[%add3A_408, %dma_wait3A_422] : memref<20000x128xf32, #tpu.memory_space<hbm>> -> memref<8x128xf32, #tpu.memory_space<hbm>>
        %dma_wait3A_424 = arith.constant 0 : i32
        %dma_wait3A_425 = arith.constant 0 : i32
        %dma_wait3A_426 = tpu.memref_slice %arg12[%dma_wait3A_424, %dma_wait3A_425] : memref<312x128xf32, #tpu.memory_space<vmem>> -> memref<8x128xf32, #tpu.memory_space<vmem>>
        %dma_wait3A_427 = arith.constant 0 : i32
        %dma_wait3A_428 = tpu.memref_slice %arg2[%add3A_408, %dma_wait3A_427] : memref<20000x128xf32, #tpu.memory_space<hbm>> -> memref<8x128xf32, #tpu.memory_space<hbm>>
        tpu.wait_dma2 semaphore(%run_scoped3A : memref<!tpu.dma_semaphore, #tpu.memory_space<semaphore_mem>>) src(%dma_wait3A_428 : memref<8x128xf32, #tpu.memory_space<hbm>>) dst(%dma_wait3A_426 : memref<8x128xf32, #tpu.memory_space<vmem>>)
        tpu.yield
      }) : () -> ()
      "tpu.region"() ({
        %run_scoped3A = tpu.sem_alloc : memref<!tpu.dma_semaphore, #tpu.memory_space<semaphore_mem>>
        %dma_start3A_409 = arith.constant 0 : i32
        %dma_start3A_410 = arith.constant 0 : i32
        %dma_start3A_411 = tpu.memref_slice %arg12[%dma_start3A_409, %dma_start3A_410] : memref<312x128xf32, #tpu.memory_space<vmem>> -> memref<8x128xf32, #tpu.memory_space<vmem>>
        %dma_start3A_412 = arith.constant 4992 : i32
        %dma_start3A_413 = arith.constant 0 : i32
        %dma_start3A_414 = tpu.memref_slice %arg13[%dma_start3A_412, %dma_start3A_413] : memref<5008x128xf32, #tpu.memory_space<vmem_shared>> -> memref<8x128xf32, #tpu.memory_space<vmem_shared>>
        %dma_start3A_415 = arith.constant 4992 : i32
        %dma_start3A_416 = arith.constant 0 : i32
        %dma_start3A_417 = tpu.memref_slice %arg13[%dma_start3A_415, %dma_start3A_416] : memref<5008x128xf32, #tpu.memory_space<vmem_shared>> -> memref<8x128xf32, #tpu.memory_space<vmem_shared>>
        %dma_start3A_418 = arith.constant 0 : i32
        %dma_start3A_419 = arith.constant 0 : i32
        %dma_start3A_420 = tpu.memref_slice %arg12[%dma_start3A_418, %dma_start3A_419] : memref<312x128xf32, #tpu.memory_space<vmem>> -> memref<8x128xf32, #tpu.memory_space<vmem>>
        tpu.enqueue_dma source(%dma_start3A_420 : memref<8x128xf32, #tpu.memory_space<vmem>>) target(%dma_start3A_417 : memref<8x128xf32, #tpu.memory_space<vmem_shared>>) target_semaphore(%run_scoped3A : memref<!tpu.dma_semaphore, #tpu.memory_space<semaphore_mem>>)
        %dma_wait3A_421 = arith.constant 0 : i32
        %dma_wait3A_422 = arith.constant 0 : i32
        %dma_wait3A_423 = tpu.memref_slice %arg12[%dma_wait3A_421, %dma_wait3A_422] : memref<312x128xf32, #tpu.memory_space<vmem>> -> memref<8x128xf32, #tpu.memory_space<vmem>>
        %dma_wait3A_424 = arith.constant 4992 : i32
        %dma_wait3A_425 = arith.constant 0 : i32
        %dma_wait3A_426 = tpu.memref_slice %arg13[%dma_wait3A_424, %dma_wait3A_425] : memref<5008x128xf32, #tpu.memory_space<vmem_shared>> -> memref<8x128xf32, #tpu.memory_space<vmem_shared>>
        %dma_wait3A_427 = arith.constant 4992 : i32
        %dma_wait3A_428 = arith.constant 0 : i32
        %dma_wait3A_429 = tpu.memref_slice %arg13[%dma_wait3A_427, %dma_wait3A_428] : memref<5008x128xf32, #tpu.memory_space<vmem_shared>> -> memref<8x128xf32, #tpu.memory_space<vmem_shared>>
        %dma_wait3A_430 = arith.constant 0 : i32
        %dma_wait3A_431 = arith.constant 0 : i32
        %dma_wait3A_432 = tpu.memref_slice %arg12[%dma_wait3A_430, %dma_wait3A_431] : memref<312x128xf32, #tpu.memory_space<vmem>> -> memref<8x128xf32, #tpu.memory_space<vmem>>
        tpu.wait_dma2 semaphore(%run_scoped3A : memref<!tpu.dma_semaphore, #tpu.memory_space<semaphore_mem>>) src(%dma_wait3A_432 : memref<8x128xf32, #tpu.memory_space<vmem>>) dst(%dma_wait3A_429 : memref<8x128xf32, #tpu.memory_space<vmem_shared>>)
        tpu.yield
      }) : () -> ()
    } else {
    }
    %barrier3A_217 = arith.constant 0 : index
    tpu.barrier barrier_id(%barrier3A_217)
    %mul3A_218 = arith.constant 0 : i32
    %mul3A_219 = arith.constant 128 : i32
    %mul3A_220 = arith.muli %mul3A_218, %mul3A_219 : i32
    %add3A_221 = arith.addi %mul3A_2, %mul3A_220 : i32
    %min3A_222 = arith.minsi %add3A_221, %sub3A_14 : i32
    %multiple_of3A_223 = tpu.assume_multiple %min3A_222, 8 : i32
    "tpu.region"() ({
      %run_scoped3A = tpu.sem_alloc : memref<!tpu.dma_semaphore, #tpu.memory_space<semaphore_mem>>
      %dma_start3A_405 = tpu.memref_slice %arg3[%multiple_of3A_223] : memref<160000xi32, #tpu.memory_space<hbm>> -> memref<128xi32, #tpu.memory_space<hbm>>
      %dma_start3A_406 = tpu.memref_slice %arg3[%multiple_of3A_223] : memref<160000xi32, #tpu.memory_space<hbm>> -> memref<128xi32, #tpu.memory_space<hbm>>
      tpu.enqueue_dma source(%dma_start3A_406 : memref<128xi32, #tpu.memory_space<hbm>>) target(%arg6 : memref<128xi32, #tpu.memory_space<vmem>>) target_semaphore(%run_scoped3A : memref<!tpu.dma_semaphore, #tpu.memory_space<semaphore_mem>>)
      %dma_wait3A_407 = tpu.memref_slice %arg3[%multiple_of3A_223] : memref<160000xi32, #tpu.memory_space<hbm>> -> memref<128xi32, #tpu.memory_space<hbm>>
      %dma_wait3A_408 = tpu.memref_slice %arg3[%multiple_of3A_223] : memref<160000xi32, #tpu.memory_space<hbm>> -> memref<128xi32, #tpu.memory_space<hbm>>
      tpu.wait_dma2 semaphore(%run_scoped3A : memref<!tpu.dma_semaphore, #tpu.memory_space<semaphore_mem>>) src(%dma_wait3A_408 : memref<128xi32, #tpu.memory_space<hbm>>) dst(%arg6 : memref<128xi32, #tpu.memory_space<vmem>>)
      tpu.yield
    }) : () -> ()
    %get3A_224 = arith.constant 0 : index
    %get3A_225 = tpu.vector_load %arg6[%get3A_224] {strides = array<i32>} : memref<128xi32, #tpu.memory_space<vmem>>, vector<16xi32>,
    %get3A_226 = vector.shape_cast %get3A_225 : vector<16xi32> to vector<16xi32>
    %add3A_227 = vector.broadcast %mul3A_0 : i32 to vector<16xi32>
    %add3A_228 = arith.addi %get3A_226, %add3A_227 : vector<16xi32>
    %swap3A_229 = arith.constant 0 : index
    %swap3A_230 = tpu.vector_load %arg6[%swap3A_229] {strides = array<i32>} : memref<128xi32, #tpu.memory_space<vmem>>, vector<16xi32>,
    %swap3A_231 = vector.shape_cast %swap3A_230 : vector<16xi32> to vector<16xi32>
    %swap3A_232 = vector.shape_cast %add3A_228 : vector<16xi32> to vector<16xi32>
    tpu.vector_store %arg6[%swap3A_229], %swap3A_232 {strides = array<i32>} : memref<128xi32, #tpu.memory_space<vmem>>, vector<16xi32>,
    %get3A_233 = arith.constant 16 : index
    %get3A_234 = tpu.vector_load %arg6[%get3A_233] {strides = array<i32>} : memref<128xi32, #tpu.memory_space<vmem>>, vector<16xi32>,
    %get3A_235 = vector.shape_cast %get3A_234 : vector<16xi32> to vector<16xi32>
    %add3A_236 = vector.broadcast %mul3A_0 : i32 to vector<16xi32>
    %add3A_237 = arith.addi %get3A_235, %add3A_236 : vector<16xi32>
    %swap3A_238 = arith.constant 16 : index
    %swap3A_239 = tpu.vector_load %arg6[%swap3A_238] {strides = array<i32>} : memref<128xi32, #tpu.memory_space<vmem>>, vector<16xi32>,
    %swap3A_240 = vector.shape_cast %swap3A_239 : vector<16xi32> to vector<16xi32>
    %swap3A_241 = vector.shape_cast %add3A_237 : vector<16xi32> to vector<16xi32>
    tpu.vector_store %arg6[%swap3A_238], %swap3A_241 {strides = array<i32>} : memref<128xi32, #tpu.memory_space<vmem>>, vector<16xi32>,
    %get3A_242 = arith.constant 32 : index
    %get3A_243 = tpu.vector_load %arg6[%get3A_242] {strides = array<i32>} : memref<128xi32, #tpu.memory_space<vmem>>, vector<16xi32>,
    %get3A_244 = vector.shape_cast %get3A_243 : vector<16xi32> to vector<16xi32>
    %add3A_245 = vector.broadcast %mul3A_0 : i32 to vector<16xi32>
    %add3A_246 = arith.addi %get3A_244, %add3A_245 : vector<16xi32>
    %swap3A_247 = arith.constant 32 : index
    %swap3A_248 = tpu.vector_load %arg6[%swap3A_247] {strides = array<i32>} : memref<128xi32, #tpu.memory_space<vmem>>, vector<16xi32>,
    %swap3A_249 = vector.shape_cast %swap3A_248 : vector<16xi32> to vector<16xi32>
    %swap3A_250 = vector.shape_cast %add3A_246 : vector<16xi32> to vector<16xi32>
    tpu.vector_store %arg6[%swap3A_247], %swap3A_250 {strides = array<i32>} : memref<128xi32, #tpu.memory_space<vmem>>, vector<16xi32>,
    %get3A_251 = arith.constant 48 : index
    %get3A_252 = tpu.vector_load %arg6[%get3A_251] {strides = array<i32>} : memref<128xi32, #tpu.memory_space<vmem>>, vector<16xi32>,
    %get3A_253 = vector.shape_cast %get3A_252 : vector<16xi32> to vector<16xi32>
    %add3A_254 = vector.broadcast %mul3A_0 : i32 to vector<16xi32>
    %add3A_255 = arith.addi %get3A_253, %add3A_254 : vector<16xi32>
    %swap3A_256 = arith.constant 48 : index
    %swap3A_257 = tpu.vector_load %arg6[%swap3A_256] {strides = array<i32>} : memref<128xi32, #tpu.memory_space<vmem>>, vector<16xi32>,
    %swap3A_258 = vector.shape_cast %swap3A_257 : vector<16xi32> to vector<16xi32>
    %swap3A_259 = vector.shape_cast %add3A_255 : vector<16xi32> to vector<16xi32>
    tpu.vector_store %arg6[%swap3A_256], %swap3A_259 {strides = array<i32>} : memref<128xi32, #tpu.memory_space<vmem>>, vector<16xi32>,
    %get3A_260 = arith.constant 64 : index
    %get3A_261 = tpu.vector_load %arg6[%get3A_260] {strides = array<i32>} : memref<128xi32, #tpu.memory_space<vmem>>, vector<16xi32>,
    %get3A_262 = vector.shape_cast %get3A_261 : vector<16xi32> to vector<16xi32>
    %add3A_263 = vector.broadcast %mul3A_0 : i32 to vector<16xi32>
    %add3A_264 = arith.addi %get3A_262, %add3A_263 : vector<16xi32>
    %swap3A_265 = arith.constant 64 : index
    %swap3A_266 = tpu.vector_load %arg6[%swap3A_265] {strides = array<i32>} : memref<128xi32, #tpu.memory_space<vmem>>, vector<16xi32>,
    %swap3A_267 = vector.shape_cast %swap3A_266 : vector<16xi32> to vector<16xi32>
    %swap3A_268 = vector.shape_cast %add3A_264 : vector<16xi32> to vector<16xi32>
    tpu.vector_store %arg6[%swap3A_265], %swap3A_268 {strides = array<i32>} : memref<128xi32, #tpu.memory_space<vmem>>, vector<16xi32>,
    %get3A_269 = arith.constant 80 : index
    %get3A_270 = tpu.vector_load %arg6[%get3A_269] {strides = array<i32>} : memref<128xi32, #tpu.memory_space<vmem>>, vector<16xi32>,
    %get3A_271 = vector.shape_cast %get3A_270 : vector<16xi32> to vector<16xi32>
    %add3A_272 = vector.broadcast %mul3A_0 : i32 to vector<16xi32>
    %add3A_273 = arith.addi %get3A_271, %add3A_272 : vector<16xi32>
    %swap3A_274 = arith.constant 80 : index
    %swap3A_275 = tpu.vector_load %arg6[%swap3A_274] {strides = array<i32>} : memref<128xi32, #tpu.memory_space<vmem>>, vector<16xi32>,
    %swap3A_276 = vector.shape_cast %swap3A_275 : vector<16xi32> to vector<16xi32>
    %swap3A_277 = vector.shape_cast %add3A_273 : vector<16xi32> to vector<16xi32>
    tpu.vector_store %arg6[%swap3A_274], %swap3A_277 {strides = array<i32>} : memref<128xi32, #tpu.memory_space<vmem>>, vector<16xi32>,
    %get3A_278 = arith.constant 96 : index
    %get3A_279 = tpu.vector_load %arg6[%get3A_278] {strides = array<i32>} : memref<128xi32, #tpu.memory_space<vmem>>, vector<16xi32>,
    %get3A_280 = vector.shape_cast %get3A_279 : vector<16xi32> to vector<16xi32>
    %add3A_281 = vector.broadcast %mul3A_0 : i32 to vector<16xi32>
    %add3A_282 = arith.addi %get3A_280, %add3A_281 : vector<16xi32>
    %swap3A_283 = arith.constant 96 : index
    %swap3A_284 = tpu.vector_load %arg6[%swap3A_283] {strides = array<i32>} : memref<128xi32, #tpu.memory_space<vmem>>, vector<16xi32>,
    %swap3A_285 = vector.shape_cast %swap3A_284 : vector<16xi32> to vector<16xi32>
    %swap3A_286 = vector.shape_cast %add3A_282 : vector<16xi32> to vector<16xi32>
    tpu.vector_store %arg6[%swap3A_283], %swap3A_286 {strides = array<i32>} : memref<128xi32, #tpu.memory_space<vmem>>, vector<16xi32>,
    %get3A_287 = arith.constant 112 : index
    %get3A_288 = tpu.vector_load %arg6[%get3A_287] {strides = array<i32>} : memref<128xi32, #tpu.memory_space<vmem>>, vector<16xi32>,
    %get3A_289 = vector.shape_cast %get3A_288 : vector<16xi32> to vector<16xi32>
    %add3A_290 = vector.broadcast %mul3A_0 : i32 to vector<16xi32>
    %add3A_291 = arith.addi %get3A_289, %add3A_290 : vector<16xi32>
    %swap3A_292 = arith.constant 112 : index
    %swap3A_293 = tpu.vector_load %arg6[%swap3A_292] {strides = array<i32>} : memref<128xi32, #tpu.memory_space<vmem>>, vector<16xi32>,
    %swap3A_294 = vector.shape_cast %swap3A_293 : vector<16xi32> to vector<16xi32>
    %swap3A_295 = vector.shape_cast %add3A_291 : vector<16xi32> to vector<16xi32>
    tpu.vector_store %arg6[%swap3A_292], %swap3A_295 {strides = array<i32>} : memref<128xi32, #tpu.memory_space<vmem>>, vector<16xi32>,
    %dma_start3A_296 = arith.constant 0 : i32
    %dma_start3A_297 = arith.constant 0 : i32
    %dma_start3A_298 = tpu.memref_slice %arg2[%dma_start3A_296, %dma_start3A_297] : memref<20000x128xf32, #tpu.memory_space<hbm>> -> memref<20000x128xf32, #tpu.memory_space<hbm>>
    tpu.enqueue_indirect_dma source(%dma_start3A_298 : memref<20000x128xf32, #tpu.memory_space<hbm>>) target(%arg10 : memref<128x128xf32, #tpu.memory_space<vmem>>) offsets(%arg6 : memref<128xi32, #tpu.memory_space<vmem>>) semaphore(%arg14 : memref<!tpu.dma_semaphore, #tpu.memory_space<semaphore_mem>>)
    %mul3A_299 = arith.constant 1 : i32
    %mul3A_300 = arith.constant 128 : i32
    %mul3A_301 = arith.muli %mul3A_299, %mul3A_300 : i32
    %add3A_302 = arith.addi %mul3A_2, %mul3A_301 : i32
    %min3A_303 = arith.minsi %add3A_302, %sub3A_14 : i32
    %multiple_of3A_304 = tpu.assume_multiple %min3A_303, 8 : i32
    "tpu.region"() ({
      %run_scoped3A = tpu.sem_alloc : memref<!tpu.dma_semaphore, #tpu.memory_space<semaphore_mem>>
      %dma_start3A_405 = tpu.memref_slice %arg3[%multiple_of3A_304] : memref<160000xi32, #tpu.memory_space<hbm>> -> memref<128xi32, #tpu.memory_space<hbm>>
      %dma_start3A_406 = tpu.memref_slice %arg3[%multiple_of3A_304] : memref<160000xi32, #tpu.memory_space<hbm>> -> memref<128xi32, #tpu.memory_space<hbm>>
      tpu.enqueue_dma source(%dma_start3A_406 : memref<128xi32, #tpu.memory_space<hbm>>) target(%arg7 : memref<128xi32, #tpu.memory_space<vmem>>) target_semaphore(%run_scoped3A : memref<!tpu.dma_semaphore, #tpu.memory_space<semaphore_mem>>)
      %dma_wait3A_407 = tpu.memref_slice %arg3[%multiple_of3A_304] : memref<160000xi32, #tpu.memory_space<hbm>> -> memref<128xi32, #tpu.memory_space<hbm>>
      %dma_wait3A_408 = tpu.memref_slice %arg3[%multiple_of3A_304] : memref<160000xi32, #tpu.memory_space<hbm>> -> memref<128xi32, #tpu.memory_space<hbm>>
      tpu.wait_dma2 semaphore(%run_scoped3A : memref<!tpu.dma_semaphore, #tpu.memory_space<semaphore_mem>>) src(%dma_wait3A_408 : memref<128xi32, #tpu.memory_space<hbm>>) dst(%arg7 : memref<128xi32, #tpu.memory_space<vmem>>)
      tpu.yield
    }) : () -> ()
    %get3A_305 = arith.constant 0 : index
    %get3A_306 = tpu.vector_load %arg7[%get3A_305] {strides = array<i32>} : memref<128xi32, #tpu.memory_space<vmem>>, vector<16xi32>,
    %get3A_307 = vector.shape_cast %get3A_306 : vector<16xi32> to vector<16xi32>
    %add3A_308 = vector.broadcast %mul3A_0 : i32 to vector<16xi32>
    %add3A_309 = arith.addi %get3A_307, %add3A_308 : vector<16xi32>
    %swap3A_310 = arith.constant 0 : index
    %swap3A_311 = tpu.vector_load %arg7[%swap3A_310] {strides = array<i32>} : memref<128xi32, #tpu.memory_space<vmem>>, vector<16xi32>,
    %swap3A_312 = vector.shape_cast %swap3A_311 : vector<16xi32> to vector<16xi32>
    %swap3A_313 = vector.shape_cast %add3A_309 : vector<16xi32> to vector<16xi32>
    tpu.vector_store %arg7[%swap3A_310], %swap3A_313 {strides = array<i32>} : memref<128xi32, #tpu.memory_space<vmem>>, vector<16xi32>,
    %get3A_314 = arith.constant 16 : index
    %get3A_315 = tpu.vector_load %arg7[%get3A_314] {strides = array<i32>} : memref<128xi32, #tpu.memory_space<vmem>>, vector<16xi32>,
    %get3A_316 = vector.shape_cast %get3A_315 : vector<16xi32> to vector<16xi32>
    %add3A_317 = vector.broadcast %mul3A_0 : i32 to vector<16xi32>
    %add3A_318 = arith.addi %get3A_316, %add3A_317 : vector<16xi32>
    %swap3A_319 = arith.constant 16 : index
    %swap3A_320 = tpu.vector_load %arg7[%swap3A_319] {strides = array<i32>} : memref<128xi32, #tpu.memory_space<vmem>>, vector<16xi32>,
    %swap3A_321 = vector.shape_cast %swap3A_320 : vector<16xi32> to vector<16xi32>
    %swap3A_322 = vector.shape_cast %add3A_318 : vector<16xi32> to vector<16xi32>
    tpu.vector_store %arg7[%swap3A_319], %swap3A_322 {strides = array<i32>} : memref<128xi32, #tpu.memory_space<vmem>>, vector<16xi32>,
    %get3A_323 = arith.constant 32 : index
    %get3A_324 = tpu.vector_load %arg7[%get3A_323] {strides = array<i32>} : memref<128xi32, #tpu.memory_space<vmem>>, vector<16xi32>,
    %get3A_325 = vector.shape_cast %get3A_324 : vector<16xi32> to vector<16xi32>
    %add3A_326 = vector.broadcast %mul3A_0 : i32 to vector<16xi32>
    %add3A_327 = arith.addi %get3A_325, %add3A_326 : vector<16xi32>
    %swap3A_328 = arith.constant 32 : index
    %swap3A_329 = tpu.vector_load %arg7[%swap3A_328] {strides = array<i32>} : memref<128xi32, #tpu.memory_space<vmem>>, vector<16xi32>,
    %swap3A_330 = vector.shape_cast %swap3A_329 : vector<16xi32> to vector<16xi32>
    %swap3A_331 = vector.shape_cast %add3A_327 : vector<16xi32> to vector<16xi32>
    tpu.vector_store %arg7[%swap3A_328], %swap3A_331 {strides = array<i32>} : memref<128xi32, #tpu.memory_space<vmem>>, vector<16xi32>,
    %get3A_332 = arith.constant 48 : index
    %get3A_333 = tpu.vector_load %arg7[%get3A_332] {strides = array<i32>} : memref<128xi32, #tpu.memory_space<vmem>>, vector<16xi32>,
    %get3A_334 = vector.shape_cast %get3A_333 : vector<16xi32> to vector<16xi32>
    %add3A_335 = vector.broadcast %mul3A_0 : i32 to vector<16xi32>
    %add3A_336 = arith.addi %get3A_334, %add3A_335 : vector<16xi32>
    %swap3A_337 = arith.constant 48 : index
    %swap3A_338 = tpu.vector_load %arg7[%swap3A_337] {strides = array<i32>} : memref<128xi32, #tpu.memory_space<vmem>>, vector<16xi32>,
    %swap3A_339 = vector.shape_cast %swap3A_338 : vector<16xi32> to vector<16xi32>
    %swap3A_340 = vector.shape_cast %add3A_336 : vector<16xi32> to vector<16xi32>
    tpu.vector_store %arg7[%swap3A_337], %swap3A_340 {strides = array<i32>} : memref<128xi32, #tpu.memory_space<vmem>>, vector<16xi32>,
    %get3A_341 = arith.constant 64 : index
    %get3A_342 = tpu.vector_load %arg7[%get3A_341] {strides = array<i32>} : memref<128xi32, #tpu.memory_space<vmem>>, vector<16xi32>,
    %get3A_343 = vector.shape_cast %get3A_342 : vector<16xi32> to vector<16xi32>
    %add3A_344 = vector.broadcast %mul3A_0 : i32 to vector<16xi32>
    %add3A_345 = arith.addi %get3A_343, %add3A_344 : vector<16xi32>
    %swap3A_346 = arith.constant 64 : index
    %swap3A_347 = tpu.vector_load %arg7[%swap3A_346] {strides = array<i32>} : memref<128xi32, #tpu.memory_space<vmem>>, vector<16xi32>,
    %swap3A_348 = vector.shape_cast %swap3A_347 : vector<16xi32> to vector<16xi32>
    %swap3A_349 = vector.shape_cast %add3A_345 : vector<16xi32> to vector<16xi32>
    tpu.vector_store %arg7[%swap3A_346], %swap3A_349 {strides = array<i32>} : memref<128xi32, #tpu.memory_space<vmem>>, vector<16xi32>,
    %get3A_350 = arith.constant 80 : index
    %get3A_351 = tpu.vector_load %arg7[%get3A_350] {strides = array<i32>} : memref<128xi32, #tpu.memory_space<vmem>>, vector<16xi32>,
    %get3A_352 = vector.shape_cast %get3A_351 : vector<16xi32> to vector<16xi32>
    %add3A_353 = vector.broadcast %mul3A_0 : i32 to vector<16xi32>
    %add3A_354 = arith.addi %get3A_352, %add3A_353 : vector<16xi32>
    %swap3A_355 = arith.constant 80 : index
    %swap3A_356 = tpu.vector_load %arg7[%swap3A_355] {strides = array<i32>} : memref<128xi32, #tpu.memory_space<vmem>>, vector<16xi32>,
    %swap3A_357 = vector.shape_cast %swap3A_356 : vector<16xi32> to vector<16xi32>
    %swap3A_358 = vector.shape_cast %add3A_354 : vector<16xi32> to vector<16xi32>
    tpu.vector_store %arg7[%swap3A_355], %swap3A_358 {strides = array<i32>} : memref<128xi32, #tpu.memory_space<vmem>>, vector<16xi32>,
    %get3A_359 = arith.constant 96 : index
    %get3A_360 = tpu.vector_load %arg7[%get3A_359] {strides = array<i32>} : memref<128xi32, #tpu.memory_space<vmem>>, vector<16xi32>,
    %get3A_361 = vector.shape_cast %get3A_360 : vector<16xi32> to vector<16xi32>
    %add3A_362 = vector.broadcast %mul3A_0 : i32 to vector<16xi32>
    %add3A_363 = arith.addi %get3A_361, %add3A_362 : vector<16xi32>
    %swap3A_364 = arith.constant 96 : index
    %swap3A_365 = tpu.vector_load %arg7[%swap3A_364] {strides = array<i32>} : memref<128xi32, #tpu.memory_space<vmem>>, vector<16xi32>,
    %swap3A_366 = vector.shape_cast %swap3A_365 : vector<16xi32> to vector<16xi32>
    %swap3A_367 = vector.shape_cast %add3A_363 : vector<16xi32> to vector<16xi32>
    tpu.vector_store %arg7[%swap3A_364], %swap3A_367 {strides = array<i32>} : memref<128xi32, #tpu.memory_space<vmem>>, vector<16xi32>,
    %get3A_368 = arith.constant 112 : index
    %get3A_369 = tpu.vector_load %arg7[%get3A_368] {strides = array<i32>} : memref<128xi32, #tpu.memory_space<vmem>>, vector<16xi32>,
    %get3A_370 = vector.shape_cast %get3A_369 : vector<16xi32> to vector<16xi32>
    %add3A_371 = vector.broadcast %mul3A_0 : i32 to vector<16xi32>
    %add3A_372 = arith.addi %get3A_370, %add3A_371 : vector<16xi32>
    %swap3A_373 = arith.constant 112 : index
    %swap3A_374 = tpu.vector_load %arg7[%swap3A_373] {strides = array<i32>} : memref<128xi32, #tpu.memory_space<vmem>>, vector<16xi32>,
    %swap3A_375 = vector.shape_cast %swap3A_374 : vector<16xi32> to vector<16xi32>
    %swap3A_376 = vector.shape_cast %add3A_372 : vector<16xi32> to vector<16xi32>
    tpu.vector_store %arg7[%swap3A_373], %swap3A_376 {strides = array<i32>} : memref<128xi32, #tpu.memory_space<vmem>>, vector<16xi32>,
    %dma_start3A_377 = arith.constant 0 : i32
    %dma_start3A_378 = arith.constant 0 : i32
    %dma_start3A_379 = tpu.memref_slice %arg2[%dma_start3A_377, %dma_start3A_378] : memref<20000x128xf32, #tpu.memory_space<hbm>> -> memref<20000x128xf32, #tpu.memory_space<hbm>>
    tpu.enqueue_indirect_dma source(%dma_start3A_379 : memref<20000x128xf32, #tpu.memory_space<hbm>>) target(%arg11 : memref<128x128xf32, #tpu.memory_space<vmem>>) offsets(%arg7 : memref<128xi32, #tpu.memory_space<vmem>>) semaphore(%arg15 : memref<!tpu.dma_semaphore, #tpu.memory_space<semaphore_mem>>)
    %while3A_380 = arith.constant 0 : i32
    %while3A_381 = arith.constant 0 : i32
    %while3A_382 = arith.subi %add3A_12, %while3A_381 : i32
    %while3A_383 = arith.addi %while3A_381, %while3A_382 : i32
    %while3A_384 = arith.constant 1 : i32
    %while3A_385 = arith.divsi %while3A_382, %while3A_384 : i32
    %while3A_386 = arith.muli %while3A_385, %while3A_384 : i32
    %while3A_387 = arith.addi %while3A_381, %while3A_386 : i32
    %while3A_388 = arith.constant 1 : i32
    scf.for %while3A_405 = %while3A_381 to %while3A_387 step %while3A_388  : i32 {
      %mul3A_406 = arith.constant 2 : i32
      %mul3A_407 = arith.muli %mul3A_406, %while3A_405 : i32
      %add3A_408 = arith.constant 0 : i32
      %add3A_409 = arith.addi %mul3A_407, %add3A_408 : i32
      %dma_wait3A_410 = arith.constant 0 : i32
      %dma_wait3A_411 = arith.constant 0 : i32
      %dma_wait3A_412 = tpu.memref_slice %arg2[%dma_wait3A_410, %dma_wait3A_411] : memref<20000x128xf32, #tpu.memory_space<hbm>> -> memref<20000x128xf32, #tpu.memory_space<hbm>>
      tpu.wait_indirect_dma semaphore(%arg14 : memref<!tpu.dma_semaphore, #tpu.memory_space<semaphore_mem>>) src(%dma_wait3A_412 : memref<20000x128xf32, #tpu.memory_space<hbm>>) dst(%arg10 : memref<128x128xf32, #tpu.memory_space<vmem>>)
      %mul3A_413 = arith.constant 128 : i32
      %mul3A_414 = arith.muli %add3A_409, %mul3A_413 : i32
      %add3A_415 = arith.addi %mul3A_2, %mul3A_414 : i32
      %min3A_416 = arith.minsi %add3A_415, %sub3A_14 : i32
      %multiple_of3A_417 = tpu.assume_multiple %min3A_416, 8 : i32
      "tpu.region"() ({
        %run_scoped3A = tpu.sem_alloc : memref<!tpu.dma_semaphore, #tpu.memory_space<semaphore_mem>>
        %dma_start3A_922 = tpu.memref_slice %arg4[%multiple_of3A_417] : memref<160000xi32, #tpu.memory_space<hbm>> -> memref<128xi32, #tpu.memory_space<hbm>>
        %dma_start3A_923 = tpu.memref_slice %arg4[%multiple_of3A_417] : memref<160000xi32, #tpu.memory_space<hbm>> -> memref<128xi32, #tpu.memory_space<hbm>>
        tpu.enqueue_dma source(%dma_start3A_923 : memref<128xi32, #tpu.memory_space<hbm>>) target(%arg8 : memref<128xi32, #tpu.memory_space<vmem>>) target_semaphore(%run_scoped3A : memref<!tpu.dma_semaphore, #tpu.memory_space<semaphore_mem>>)
        %dma_wait3A_924 = tpu.memref_slice %arg4[%multiple_of3A_417] : memref<160000xi32, #tpu.memory_space<hbm>> -> memref<128xi32, #tpu.memory_space<hbm>>
        %dma_wait3A_925 = tpu.memref_slice %arg4[%multiple_of3A_417] : memref<160000xi32, #tpu.memory_space<hbm>> -> memref<128xi32, #tpu.memory_space<hbm>>
        tpu.wait_dma2 semaphore(%run_scoped3A : memref<!tpu.dma_semaphore, #tpu.memory_space<semaphore_mem>>) src(%dma_wait3A_925 : memref<128xi32, #tpu.memory_space<hbm>>) dst(%arg8 : memref<128xi32, #tpu.memory_space<vmem>>)
        tpu.yield
      }) : () -> ()
      %get3A_418 = arith.constant 0 : index
      %get3A_419 = tpu.vector_load %arg8[%get3A_418] {strides = array<i32>} : memref<128xi32, #tpu.memory_space<vmem>>, vector<16xi32>,
      %get3A_420 = vector.shape_cast %get3A_419 : vector<16xi32> to vector<16xi32>
      %sub3A_421 = arith.constant 5000 : i32
      %sub3A_422 = vector.broadcast %sub3A_421 : i32 to vector<16xi32>
      %sub3A_423 = arith.subi %get3A_420, %sub3A_422 : vector<16xi32>
      %ge3A = arith.constant 0 : i32
      %ge3A_424 = vector.broadcast %ge3A : i32 to vector<16xi32>
      %ge3A_425 = arith.cmpi sge, %sub3A_423, %ge3A_424 : vector<16xi32>
      %lt3A = arith.constant 5000 : i32
      %lt3A_426 = vector.broadcast %lt3A : i32 to vector<16xi32>
      %lt3A_427 = arith.cmpi slt, %sub3A_423, %lt3A_426 : vector<16xi32>
      %and3A = arith.andi %ge3A_425, %lt3A_427 : vector<16xi1>
      %jit3A_428 = arith.constant 5000 : i32
      %broadcast_in_dim3A = vector.broadcast %jit3A_428 : i32 to vector<16xi32>
      %select_n3A_429 = arith.select %and3A, %sub3A_423, %broadcast_in_dim3A : vector<16xi1>, vector<16xi32>
      %swap3A_430 = arith.constant 0 : index
      %swap3A_431 = tpu.vector_load %arg8[%swap3A_430] {strides = array<i32>} : memref<128xi32, #tpu.memory_space<vmem>>, vector<16xi32>,
      %swap3A_432 = vector.shape_cast %swap3A_431 : vector<16xi32> to vector<16xi32>
      %swap3A_433 = vector.shape_cast %select_n3A_429 : vector<16xi32> to vector<16xi32>
      tpu.vector_store %arg8[%swap3A_430], %swap3A_433 {strides = array<i32>} : memref<128xi32, #tpu.memory_space<vmem>>, vector<16xi32>,
      %get3A_434 = arith.constant 16 : index
      %get3A_435 = tpu.vector_load %arg8[%get3A_434] {strides = array<i32>} : memref<128xi32, #tpu.memory_space<vmem>>, vector<16xi32>,
      %get3A_436 = vector.shape_cast %get3A_435 : vector<16xi32> to vector<16xi32>
      %sub3A_437 = arith.constant 5000 : i32
      %sub3A_438 = vector.broadcast %sub3A_437 : i32 to vector<16xi32>
      %sub3A_439 = arith.subi %get3A_436, %sub3A_438 : vector<16xi32>
      %ge3A_440 = arith.constant 0 : i32
      %ge3A_441 = vector.broadcast %ge3A_440 : i32 to vector<16xi32>
      %ge3A_442 = arith.cmpi sge, %sub3A_439, %ge3A_441 : vector<16xi32>
      %lt3A_443 = arith.constant 5000 : i32
      %lt3A_444 = vector.broadcast %lt3A_443 : i32 to vector<16xi32>
      %lt3A_445 = arith.cmpi slt, %sub3A_439, %lt3A_444 : vector<16xi32>
      %and3A_446 = arith.andi %ge3A_442, %lt3A_445 : vector<16xi1>
      %jit3A_447 = arith.constant 5000 : i32
      %broadcast_in_dim3A_448 = vector.broadcast %jit3A_447 : i32 to vector<16xi32>
      %select_n3A_449 = arith.select %and3A_446, %sub3A_439, %broadcast_in_dim3A_448 : vector<16xi1>, vector<16xi32>
      %swap3A_450 = arith.constant 16 : index
      %swap3A_451 = tpu.vector_load %arg8[%swap3A_450] {strides = array<i32>} : memref<128xi32, #tpu.memory_space<vmem>>, vector<16xi32>,
      %swap3A_452 = vector.shape_cast %swap3A_451 : vector<16xi32> to vector<16xi32>
      %swap3A_453 = vector.shape_cast %select_n3A_449 : vector<16xi32> to vector<16xi32>
      tpu.vector_store %arg8[%swap3A_450], %swap3A_453 {strides = array<i32>} : memref<128xi32, #tpu.memory_space<vmem>>, vector<16xi32>,
      %get3A_454 = arith.constant 32 : index
      %get3A_455 = tpu.vector_load %arg8[%get3A_454] {strides = array<i32>} : memref<128xi32, #tpu.memory_space<vmem>>, vector<16xi32>,
      %get3A_456 = vector.shape_cast %get3A_455 : vector<16xi32> to vector<16xi32>
      %sub3A_457 = arith.constant 5000 : i32
      %sub3A_458 = vector.broadcast %sub3A_457 : i32 to vector<16xi32>
      %sub3A_459 = arith.subi %get3A_456, %sub3A_458 : vector<16xi32>
      %ge3A_460 = arith.constant 0 : i32
      %ge3A_461 = vector.broadcast %ge3A_460 : i32 to vector<16xi32>
      %ge3A_462 = arith.cmpi sge, %sub3A_459, %ge3A_461 : vector<16xi32>
      %lt3A_463 = arith.constant 5000 : i32
      %lt3A_464 = vector.broadcast %lt3A_463 : i32 to vector<16xi32>
      %lt3A_465 = arith.cmpi slt, %sub3A_459, %lt3A_464 : vector<16xi32>
      %and3A_466 = arith.andi %ge3A_462, %lt3A_465 : vector<16xi1>
      %jit3A_467 = arith.constant 5000 : i32
      %broadcast_in_dim3A_468 = vector.broadcast %jit3A_467 : i32 to vector<16xi32>
      %select_n3A_469 = arith.select %and3A_466, %sub3A_459, %broadcast_in_dim3A_468 : vector<16xi1>, vector<16xi32>
      %swap3A_470 = arith.constant 32 : index
      %swap3A_471 = tpu.vector_load %arg8[%swap3A_470] {strides = array<i32>} : memref<128xi32, #tpu.memory_space<vmem>>, vector<16xi32>,
      %swap3A_472 = vector.shape_cast %swap3A_471 : vector<16xi32> to vector<16xi32>
      %swap3A_473 = vector.shape_cast %select_n3A_469 : vector<16xi32> to vector<16xi32>
      tpu.vector_store %arg8[%swap3A_470], %swap3A_473 {strides = array<i32>} : memref<128xi32, #tpu.memory_space<vmem>>, vector<16xi32>,
      %get3A_474 = arith.constant 48 : index
      %get3A_475 = tpu.vector_load %arg8[%get3A_474] {strides = array<i32>} : memref<128xi32, #tpu.memory_space<vmem>>, vector<16xi32>,
      %get3A_476 = vector.shape_cast %get3A_475 : vector<16xi32> to vector<16xi32>
      %sub3A_477 = arith.constant 5000 : i32
      %sub3A_478 = vector.broadcast %sub3A_477 : i32 to vector<16xi32>
      %sub3A_479 = arith.subi %get3A_476, %sub3A_478 : vector<16xi32>
      %ge3A_480 = arith.constant 0 : i32
      %ge3A_481 = vector.broadcast %ge3A_480 : i32 to vector<16xi32>
      %ge3A_482 = arith.cmpi sge, %sub3A_479, %ge3A_481 : vector<16xi32>
      %lt3A_483 = arith.constant 5000 : i32
      %lt3A_484 = vector.broadcast %lt3A_483 : i32 to vector<16xi32>
      %lt3A_485 = arith.cmpi slt, %sub3A_479, %lt3A_484 : vector<16xi32>
      %and3A_486 = arith.andi %ge3A_482, %lt3A_485 : vector<16xi1>
      %jit3A_487 = arith.constant 5000 : i32
      %broadcast_in_dim3A_488 = vector.broadcast %jit3A_487 : i32 to vector<16xi32>
      %select_n3A_489 = arith.select %and3A_486, %sub3A_479, %broadcast_in_dim3A_488 : vector<16xi1>, vector<16xi32>
      %swap3A_490 = arith.constant 48 : index
      %swap3A_491 = tpu.vector_load %arg8[%swap3A_490] {strides = array<i32>} : memref<128xi32, #tpu.memory_space<vmem>>, vector<16xi32>,
      %swap3A_492 = vector.shape_cast %swap3A_491 : vector<16xi32> to vector<16xi32>
      %swap3A_493 = vector.shape_cast %select_n3A_489 : vector<16xi32> to vector<16xi32>
      tpu.vector_store %arg8[%swap3A_490], %swap3A_493 {strides = array<i32>} : memref<128xi32, #tpu.memory_space<vmem>>, vector<16xi32>,
      %get3A_494 = arith.constant 64 : index
      %get3A_495 = tpu.vector_load %arg8[%get3A_494] {strides = array<i32>} : memref<128xi32, #tpu.memory_space<vmem>>, vector<16xi32>,
      %get3A_496 = vector.shape_cast %get3A_495 : vector<16xi32> to vector<16xi32>
      %sub3A_497 = arith.constant 5000 : i32
      %sub3A_498 = vector.broadcast %sub3A_497 : i32 to vector<16xi32>
      %sub3A_499 = arith.subi %get3A_496, %sub3A_498 : vector<16xi32>
      %ge3A_500 = arith.constant 0 : i32
      %ge3A_501 = vector.broadcast %ge3A_500 : i32 to vector<16xi32>
      %ge3A_502 = arith.cmpi sge, %sub3A_499, %ge3A_501 : vector<16xi32>
      %lt3A_503 = arith.constant 5000 : i32
      %lt3A_504 = vector.broadcast %lt3A_503 : i32 to vector<16xi32>
      %lt3A_505 = arith.cmpi slt, %sub3A_499, %lt3A_504 : vector<16xi32>
      %and3A_506 = arith.andi %ge3A_502, %lt3A_505 : vector<16xi1>
      %jit3A_507 = arith.constant 5000 : i32
      %broadcast_in_dim3A_508 = vector.broadcast %jit3A_507 : i32 to vector<16xi32>
      %select_n3A_509 = arith.select %and3A_506, %sub3A_499, %broadcast_in_dim3A_508 : vector<16xi1>, vector<16xi32>
      %swap3A_510 = arith.constant 64 : index
      %swap3A_511 = tpu.vector_load %arg8[%swap3A_510] {strides = array<i32>} : memref<128xi32, #tpu.memory_space<vmem>>, vector<16xi32>,
      %swap3A_512 = vector.shape_cast %swap3A_511 : vector<16xi32> to vector<16xi32>
      %swap3A_513 = vector.shape_cast %select_n3A_509 : vector<16xi32> to vector<16xi32>
      tpu.vector_store %arg8[%swap3A_510], %swap3A_513 {strides = array<i32>} : memref<128xi32, #tpu.memory_space<vmem>>, vector<16xi32>,
      %get3A_514 = arith.constant 80 : index
      %get3A_515 = tpu.vector_load %arg8[%get3A_514] {strides = array<i32>} : memref<128xi32, #tpu.memory_space<vmem>>, vector<16xi32>,
      %get3A_516 = vector.shape_cast %get3A_515 : vector<16xi32> to vector<16xi32>
      %sub3A_517 = arith.constant 5000 : i32
      %sub3A_518 = vector.broadcast %sub3A_517 : i32 to vector<16xi32>
      %sub3A_519 = arith.subi %get3A_516, %sub3A_518 : vector<16xi32>
      %ge3A_520 = arith.constant 0 : i32
      %ge3A_521 = vector.broadcast %ge3A_520 : i32 to vector<16xi32>
      %ge3A_522 = arith.cmpi sge, %sub3A_519, %ge3A_521 : vector<16xi32>
      %lt3A_523 = arith.constant 5000 : i32
      %lt3A_524 = vector.broadcast %lt3A_523 : i32 to vector<16xi32>
      %lt3A_525 = arith.cmpi slt, %sub3A_519, %lt3A_524 : vector<16xi32>
      %and3A_526 = arith.andi %ge3A_522, %lt3A_525 : vector<16xi1>
      %jit3A_527 = arith.constant 5000 : i32
      %broadcast_in_dim3A_528 = vector.broadcast %jit3A_527 : i32 to vector<16xi32>
      %select_n3A_529 = arith.select %and3A_526, %sub3A_519, %broadcast_in_dim3A_528 : vector<16xi1>, vector<16xi32>
      %swap3A_530 = arith.constant 80 : index
      %swap3A_531 = tpu.vector_load %arg8[%swap3A_530] {strides = array<i32>} : memref<128xi32, #tpu.memory_space<vmem>>, vector<16xi32>,
      %swap3A_532 = vector.shape_cast %swap3A_531 : vector<16xi32> to vector<16xi32>
      %swap3A_533 = vector.shape_cast %select_n3A_529 : vector<16xi32> to vector<16xi32>
      tpu.vector_store %arg8[%swap3A_530], %swap3A_533 {strides = array<i32>} : memref<128xi32, #tpu.memory_space<vmem>>, vector<16xi32>,
      %get3A_534 = arith.constant 96 : index
      %get3A_535 = tpu.vector_load %arg8[%get3A_534] {strides = array<i32>} : memref<128xi32, #tpu.memory_space<vmem>>, vector<16xi32>,
      %get3A_536 = vector.shape_cast %get3A_535 : vector<16xi32> to vector<16xi32>
      %sub3A_537 = arith.constant 5000 : i32
      %sub3A_538 = vector.broadcast %sub3A_537 : i32 to vector<16xi32>
      %sub3A_539 = arith.subi %get3A_536, %sub3A_538 : vector<16xi32>
      %ge3A_540 = arith.constant 0 : i32
      %ge3A_541 = vector.broadcast %ge3A_540 : i32 to vector<16xi32>
      %ge3A_542 = arith.cmpi sge, %sub3A_539, %ge3A_541 : vector<16xi32>
      %lt3A_543 = arith.constant 5000 : i32
      %lt3A_544 = vector.broadcast %lt3A_543 : i32 to vector<16xi32>
      %lt3A_545 = arith.cmpi slt, %sub3A_539, %lt3A_544 : vector<16xi32>
      %and3A_546 = arith.andi %ge3A_542, %lt3A_545 : vector<16xi1>
      %jit3A_547 = arith.constant 5000 : i32
      %broadcast_in_dim3A_548 = vector.broadcast %jit3A_547 : i32 to vector<16xi32>
      %select_n3A_549 = arith.select %and3A_546, %sub3A_539, %broadcast_in_dim3A_548 : vector<16xi1>, vector<16xi32>
      %swap3A_550 = arith.constant 96 : index
      %swap3A_551 = tpu.vector_load %arg8[%swap3A_550] {strides = array<i32>} : memref<128xi32, #tpu.memory_space<vmem>>, vector<16xi32>,
      %swap3A_552 = vector.shape_cast %swap3A_551 : vector<16xi32> to vector<16xi32>
      %swap3A_553 = vector.shape_cast %select_n3A_549 : vector<16xi32> to vector<16xi32>
      tpu.vector_store %arg8[%swap3A_550], %swap3A_553 {strides = array<i32>} : memref<128xi32, #tpu.memory_space<vmem>>, vector<16xi32>,
      %get3A_554 = arith.constant 112 : index
      %get3A_555 = tpu.vector_load %arg8[%get3A_554] {strides = array<i32>} : memref<128xi32, #tpu.memory_space<vmem>>, vector<16xi32>,
      %get3A_556 = vector.shape_cast %get3A_555 : vector<16xi32> to vector<16xi32>
      %sub3A_557 = arith.constant 5000 : i32
      %sub3A_558 = vector.broadcast %sub3A_557 : i32 to vector<16xi32>
      %sub3A_559 = arith.subi %get3A_556, %sub3A_558 : vector<16xi32>
      %ge3A_560 = arith.constant 0 : i32
      %ge3A_561 = vector.broadcast %ge3A_560 : i32 to vector<16xi32>
      %ge3A_562 = arith.cmpi sge, %sub3A_559, %ge3A_561 : vector<16xi32>
      %lt3A_563 = arith.constant 5000 : i32
      %lt3A_564 = vector.broadcast %lt3A_563 : i32 to vector<16xi32>
      %lt3A_565 = arith.cmpi slt, %sub3A_559, %lt3A_564 : vector<16xi32>
      %and3A_566 = arith.andi %ge3A_562, %lt3A_565 : vector<16xi1>
      %jit3A_567 = arith.constant 5000 : i32
      %broadcast_in_dim3A_568 = vector.broadcast %jit3A_567 : i32 to vector<16xi32>
      %select_n3A_569 = arith.select %and3A_566, %sub3A_559, %broadcast_in_dim3A_568 : vector<16xi1>, vector<16xi32>
      %swap3A_570 = arith.constant 112 : index
      %swap3A_571 = tpu.vector_load %arg8[%swap3A_570] {strides = array<i32>} : memref<128xi32, #tpu.memory_space<vmem>>, vector<16xi32>,
      %swap3A_572 = vector.shape_cast %swap3A_571 : vector<16xi32> to vector<16xi32>
      %swap3A_573 = vector.shape_cast %select_n3A_569 : vector<16xi32> to vector<16xi32>
      tpu.vector_store %arg8[%swap3A_570], %swap3A_573 {strides = array<i32>} : memref<128xi32, #tpu.memory_space<vmem>>, vector<16xi32>,
      %dma_start3A_574 = arith.constant 0 : i32
      %dma_start3A_575 = arith.constant 0 : i32
      %dma_start3A_576 = tpu.memref_slice %arg13[%dma_start3A_574, %dma_start3A_575] : memref<5008x128xf32, #tpu.memory_space<vmem_shared>> -> memref<5008x128xf32, #tpu.memory_space<vmem_shared>>
      tpu.enqueue_indirect_dma source(%arg10 : memref<128x128xf32, #tpu.memory_space<vmem>>) target(%dma_start3A_576 : memref<5008x128xf32, #tpu.memory_space<vmem_shared>>) offsets(%arg8 : memref<128xi32, #tpu.memory_space<vmem>>) semaphore(%arg16 : memref<!tpu.dma_semaphore, #tpu.memory_space<semaphore_mem>>) {add = true}
      %add3A_577 = arith.constant 2 : i32
      %add3A_578 = arith.addi %add3A_409, %add3A_577 : i32
      %mul3A_579 = arith.constant 128 : i32
      %mul3A_580 = arith.muli %add3A_578, %mul3A_579 : i32
      %add3A_581 = arith.addi %mul3A_2, %mul3A_580 : i32
      %min3A_582 = arith.minsi %add3A_581, %sub3A_14 : i32
      %multiple_of3A_583 = tpu.assume_multiple %min3A_582, 8 : i32
      "tpu.region"() ({
        %run_scoped3A = tpu.sem_alloc : memref<!tpu.dma_semaphore, #tpu.memory_space<semaphore_mem>>
        %dma_start3A_922 = tpu.memref_slice %arg3[%multiple_of3A_583] : memref<160000xi32, #tpu.memory_space<hbm>> -> memref<128xi32, #tpu.memory_space<hbm>>
        %dma_start3A_923 = tpu.memref_slice %arg3[%multiple_of3A_583] : memref<160000xi32, #tpu.memory_space<hbm>> -> memref<128xi32, #tpu.memory_space<hbm>>
        tpu.enqueue_dma source(%dma_start3A_923 : memref<128xi32, #tpu.memory_space<hbm>>) target(%arg6 : memref<128xi32, #tpu.memory_space<vmem>>) target_semaphore(%run_scoped3A : memref<!tpu.dma_semaphore, #tpu.memory_space<semaphore_mem>>)
        %dma_wait3A_924 = tpu.memref_slice %arg3[%multiple_of3A_583] : memref<160000xi32, #tpu.memory_space<hbm>> -> memref<128xi32, #tpu.memory_space<hbm>>
        %dma_wait3A_925 = tpu.memref_slice %arg3[%multiple_of3A_583] : memref<160000xi32, #tpu.memory_space<hbm>> -> memref<128xi32, #tpu.memory_space<hbm>>
        tpu.wait_dma2 semaphore(%run_scoped3A : memref<!tpu.dma_semaphore, #tpu.memory_space<semaphore_mem>>) src(%dma_wait3A_925 : memref<128xi32, #tpu.memory_space<hbm>>) dst(%arg6 : memref<128xi32, #tpu.memory_space<vmem>>)
        tpu.yield
      }) : () -> ()
      %get3A_584 = arith.constant 0 : index
      %get3A_585 = tpu.vector_load %arg6[%get3A_584] {strides = array<i32>} : memref<128xi32, #tpu.memory_space<vmem>>, vector<16xi32>,
      %get3A_586 = vector.shape_cast %get3A_585 : vector<16xi32> to vector<16xi32>
      %add3A_587 = vector.broadcast %mul3A_0 : i32 to vector<16xi32>
      %add3A_588 = arith.addi %get3A_586, %add3A_587 : vector<16xi32>
      %swap3A_589 = arith.constant 0 : index
      %swap3A_590 = tpu.vector_load %arg6[%swap3A_589] {strides = array<i32>} : memref<128xi32, #tpu.memory_space<vmem>>, vector<16xi32>,
      %swap3A_591 = vector.shape_cast %swap3A_590 : vector<16xi32> to vector<16xi32>
      %swap3A_592 = vector.shape_cast %add3A_588 : vector<16xi32> to vector<16xi32>
      tpu.vector_store %arg6[%swap3A_589], %swap3A_592 {strides = array<i32>} : memref<128xi32, #tpu.memory_space<vmem>>, vector<16xi32>,
      %get3A_593 = arith.constant 16 : index
      %get3A_594 = tpu.vector_load %arg6[%get3A_593] {strides = array<i32>} : memref<128xi32, #tpu.memory_space<vmem>>, vector<16xi32>,
      %get3A_595 = vector.shape_cast %get3A_594 : vector<16xi32> to vector<16xi32>
      %add3A_596 = vector.broadcast %mul3A_0 : i32 to vector<16xi32>
      %add3A_597 = arith.addi %get3A_595, %add3A_596 : vector<16xi32>
      %swap3A_598 = arith.constant 16 : index
      %swap3A_599 = tpu.vector_load %arg6[%swap3A_598] {strides = array<i32>} : memref<128xi32, #tpu.memory_space<vmem>>, vector<16xi32>,
      %swap3A_600 = vector.shape_cast %swap3A_599 : vector<16xi32> to vector<16xi32>
      %swap3A_601 = vector.shape_cast %add3A_597 : vector<16xi32> to vector<16xi32>
      tpu.vector_store %arg6[%swap3A_598], %swap3A_601 {strides = array<i32>} : memref<128xi32, #tpu.memory_space<vmem>>, vector<16xi32>,
      %get3A_602 = arith.constant 32 : index
      %get3A_603 = tpu.vector_load %arg6[%get3A_602] {strides = array<i32>} : memref<128xi32, #tpu.memory_space<vmem>>, vector<16xi32>,
      %get3A_604 = vector.shape_cast %get3A_603 : vector<16xi32> to vector<16xi32>
      %add3A_605 = vector.broadcast %mul3A_0 : i32 to vector<16xi32>
      %add3A_606 = arith.addi %get3A_604, %add3A_605 : vector<16xi32>
      %swap3A_607 = arith.constant 32 : index
      %swap3A_608 = tpu.vector_load %arg6[%swap3A_607] {strides = array<i32>} : memref<128xi32, #tpu.memory_space<vmem>>, vector<16xi32>,
      %swap3A_609 = vector.shape_cast %swap3A_608 : vector<16xi32> to vector<16xi32>
      %swap3A_610 = vector.shape_cast %add3A_606 : vector<16xi32> to vector<16xi32>
      tpu.vector_store %arg6[%swap3A_607], %swap3A_610 {strides = array<i32>} : memref<128xi32, #tpu.memory_space<vmem>>, vector<16xi32>,
      %get3A_611 = arith.constant 48 : index
      %get3A_612 = tpu.vector_load %arg6[%get3A_611] {strides = array<i32>} : memref<128xi32, #tpu.memory_space<vmem>>, vector<16xi32>,
      %get3A_613 = vector.shape_cast %get3A_612 : vector<16xi32> to vector<16xi32>
      %add3A_614 = vector.broadcast %mul3A_0 : i32 to vector<16xi32>
      %add3A_615 = arith.addi %get3A_613, %add3A_614 : vector<16xi32>
      %swap3A_616 = arith.constant 48 : index
      %swap3A_617 = tpu.vector_load %arg6[%swap3A_616] {strides = array<i32>} : memref<128xi32, #tpu.memory_space<vmem>>, vector<16xi32>,
      %swap3A_618 = vector.shape_cast %swap3A_617 : vector<16xi32> to vector<16xi32>
      %swap3A_619 = vector.shape_cast %add3A_615 : vector<16xi32> to vector<16xi32>
      tpu.vector_store %arg6[%swap3A_616], %swap3A_619 {strides = array<i32>} : memref<128xi32, #tpu.memory_space<vmem>>, vector<16xi32>,
      %get3A_620 = arith.constant 64 : index
      %get3A_621 = tpu.vector_load %arg6[%get3A_620] {strides = array<i32>} : memref<128xi32, #tpu.memory_space<vmem>>, vector<16xi32>,
      %get3A_622 = vector.shape_cast %get3A_621 : vector<16xi32> to vector<16xi32>
      %add3A_623 = vector.broadcast %mul3A_0 : i32 to vector<16xi32>
      %add3A_624 = arith.addi %get3A_622, %add3A_623 : vector<16xi32>
      %swap3A_625 = arith.constant 64 : index
      %swap3A_626 = tpu.vector_load %arg6[%swap3A_625] {strides = array<i32>} : memref<128xi32, #tpu.memory_space<vmem>>, vector<16xi32>,
      %swap3A_627 = vector.shape_cast %swap3A_626 : vector<16xi32> to vector<16xi32>
      %swap3A_628 = vector.shape_cast %add3A_624 : vector<16xi32> to vector<16xi32>
      tpu.vector_store %arg6[%swap3A_625], %swap3A_628 {strides = array<i32>} : memref<128xi32, #tpu.memory_space<vmem>>, vector<16xi32>,
      %get3A_629 = arith.constant 80 : index
      %get3A_630 = tpu.vector_load %arg6[%get3A_629] {strides = array<i32>} : memref<128xi32, #tpu.memory_space<vmem>>, vector<16xi32>,
      %get3A_631 = vector.shape_cast %get3A_630 : vector<16xi32> to vector<16xi32>
      %add3A_632 = vector.broadcast %mul3A_0 : i32 to vector<16xi32>
      %add3A_633 = arith.addi %get3A_631, %add3A_632 : vector<16xi32>
      %swap3A_634 = arith.constant 80 : index
      %swap3A_635 = tpu.vector_load %arg6[%swap3A_634] {strides = array<i32>} : memref<128xi32, #tpu.memory_space<vmem>>, vector<16xi32>,
      %swap3A_636 = vector.shape_cast %swap3A_635 : vector<16xi32> to vector<16xi32>
      %swap3A_637 = vector.shape_cast %add3A_633 : vector<16xi32> to vector<16xi32>
      tpu.vector_store %arg6[%swap3A_634], %swap3A_637 {strides = array<i32>} : memref<128xi32, #tpu.memory_space<vmem>>, vector<16xi32>,
      %get3A_638 = arith.constant 96 : index
      %get3A_639 = tpu.vector_load %arg6[%get3A_638] {strides = array<i32>} : memref<128xi32, #tpu.memory_space<vmem>>, vector<16xi32>,
      %get3A_640 = vector.shape_cast %get3A_639 : vector<16xi32> to vector<16xi32>
      %add3A_641 = vector.broadcast %mul3A_0 : i32 to vector<16xi32>
      %add3A_642 = arith.addi %get3A_640, %add3A_641 : vector<16xi32>
      %swap3A_643 = arith.constant 96 : index
      %swap3A_644 = tpu.vector_load %arg6[%swap3A_643] {strides = array<i32>} : memref<128xi32, #tpu.memory_space<vmem>>, vector<16xi32>,
      %swap3A_645 = vector.shape_cast %swap3A_644 : vector<16xi32> to vector<16xi32>
      %swap3A_646 = vector.shape_cast %add3A_642 : vector<16xi32> to vector<16xi32>
      tpu.vector_store %arg6[%swap3A_643], %swap3A_646 {strides = array<i32>} : memref<128xi32, #tpu.memory_space<vmem>>, vector<16xi32>,
      %get3A_647 = arith.constant 112 : index
      %get3A_648 = tpu.vector_load %arg6[%get3A_647] {strides = array<i32>} : memref<128xi32, #tpu.memory_space<vmem>>, vector<16xi32>,
      %get3A_649 = vector.shape_cast %get3A_648 : vector<16xi32> to vector<16xi32>
      %add3A_650 = vector.broadcast %mul3A_0 : i32 to vector<16xi32>
      %add3A_651 = arith.addi %get3A_649, %add3A_650 : vector<16xi32>
      %swap3A_652 = arith.constant 112 : index
      %swap3A_653 = tpu.vector_load %arg6[%swap3A_652] {strides = array<i32>} : memref<128xi32, #tpu.memory_space<vmem>>, vector<16xi32>,
      %swap3A_654 = vector.shape_cast %swap3A_653 : vector<16xi32> to vector<16xi32>
      %swap3A_655 = vector.shape_cast %add3A_651 : vector<16xi32> to vector<16xi32>
      tpu.vector_store %arg6[%swap3A_652], %swap3A_655 {strides = array<i32>} : memref<128xi32, #tpu.memory_space<vmem>>, vector<16xi32>,
      %dma_wait3A_656 = arith.constant 0 : i32
      %dma_wait3A_657 = arith.constant 0 : i32
      %dma_wait3A_658 = tpu.memref_slice %arg13[%dma_wait3A_656, %dma_wait3A_657] : memref<5008x128xf32, #tpu.memory_space<vmem_shared>> -> memref<5008x128xf32, #tpu.memory_space<vmem_shared>>
      tpu.wait_indirect_dma semaphore(%arg16 : memref<!tpu.dma_semaphore, #tpu.memory_space<semaphore_mem>>) src(%arg10 : memref<128x128xf32, #tpu.memory_space<vmem>>) dst(%dma_wait3A_658 : memref<5008x128xf32, #tpu.memory_space<vmem_shared>>)
      %dma_start3A_659 = arith.constant 0 : i32
      %dma_start3A_660 = arith.constant 0 : i32
      %dma_start3A_661 = tpu.memref_slice %arg2[%dma_start3A_659, %dma_start3A_660] : memref<20000x128xf32, #tpu.memory_space<hbm>> -> memref<20000x128xf32, #tpu.memory_space<hbm>>
      tpu.enqueue_indirect_dma source(%dma_start3A_661 : memref<20000x128xf32, #tpu.memory_space<hbm>>) target(%arg10 : memref<128x128xf32, #tpu.memory_space<vmem>>) offsets(%arg6 : memref<128xi32, #tpu.memory_space<vmem>>) semaphore(%arg14 : memref<!tpu.dma_semaphore, #tpu.memory_space<semaphore_mem>>)
      %mul3A_662 = arith.constant 2 : i32
      %mul3A_663 = arith.muli %mul3A_662, %while3A_405 : i32
      %add3A_664 = arith.constant 1 : i32
      %add3A_665 = arith.addi %mul3A_663, %add3A_664 : i32
      %dma_wait3A_666 = arith.constant 0 : i32
      %dma_wait3A_667 = arith.constant 0 : i32
      %dma_wait3A_668 = tpu.memref_slice %arg2[%dma_wait3A_666, %dma_wait3A_667] : memref<20000x128xf32, #tpu.memory_space<hbm>> -> memref<20000x128xf32, #tpu.memory_space<hbm>>
      tpu.wait_indirect_dma semaphore(%arg15 : memref<!tpu.dma_semaphore, #tpu.memory_space<semaphore_mem>>) src(%dma_wait3A_668 : memref<20000x128xf32, #tpu.memory_space<hbm>>) dst(%arg11 : memref<128x128xf32, #tpu.memory_space<vmem>>)
      %mul3A_669 = arith.constant 128 : i32
      %mul3A_670 = arith.muli %add3A_665, %mul3A_669 : i32
      %add3A_671 = arith.addi %mul3A_2, %mul3A_670 : i32
      %min3A_672 = arith.minsi %add3A_671, %sub3A_14 : i32
      %multiple_of3A_673 = tpu.assume_multiple %min3A_672, 8 : i32
      "tpu.region"() ({
        %run_scoped3A = tpu.sem_alloc : memref<!tpu.dma_semaphore, #tpu.memory_space<semaphore_mem>>
        %dma_start3A_922 = tpu.memref_slice %arg4[%multiple_of3A_673] : memref<160000xi32, #tpu.memory_space<hbm>> -> memref<128xi32, #tpu.memory_space<hbm>>
        %dma_start3A_923 = tpu.memref_slice %arg4[%multiple_of3A_673] : memref<160000xi32, #tpu.memory_space<hbm>> -> memref<128xi32, #tpu.memory_space<hbm>>
        tpu.enqueue_dma source(%dma_start3A_923 : memref<128xi32, #tpu.memory_space<hbm>>) target(%arg9 : memref<128xi32, #tpu.memory_space<vmem>>) target_semaphore(%run_scoped3A : memref<!tpu.dma_semaphore, #tpu.memory_space<semaphore_mem>>)
        %dma_wait3A_924 = tpu.memref_slice %arg4[%multiple_of3A_673] : memref<160000xi32, #tpu.memory_space<hbm>> -> memref<128xi32, #tpu.memory_space<hbm>>
        %dma_wait3A_925 = tpu.memref_slice %arg4[%multiple_of3A_673] : memref<160000xi32, #tpu.memory_space<hbm>> -> memref<128xi32, #tpu.memory_space<hbm>>
        tpu.wait_dma2 semaphore(%run_scoped3A : memref<!tpu.dma_semaphore, #tpu.memory_space<semaphore_mem>>) src(%dma_wait3A_925 : memref<128xi32, #tpu.memory_space<hbm>>) dst(%arg9 : memref<128xi32, #tpu.memory_space<vmem>>)
        tpu.yield
      }) : () -> ()
      %get3A_674 = arith.constant 0 : index
      %get3A_675 = tpu.vector_load %arg9[%get3A_674] {strides = array<i32>} : memref<128xi32, #tpu.memory_space<vmem>>, vector<16xi32>,
      %get3A_676 = vector.shape_cast %get3A_675 : vector<16xi32> to vector<16xi32>
      %sub3A_677 = arith.constant 5000 : i32
      %sub3A_678 = vector.broadcast %sub3A_677 : i32 to vector<16xi32>
      %sub3A_679 = arith.subi %get3A_676, %sub3A_678 : vector<16xi32>
      %ge3A_680 = arith.constant 0 : i32
      %ge3A_681 = vector.broadcast %ge3A_680 : i32 to vector<16xi32>
      %ge3A_682 = arith.cmpi sge, %sub3A_679, %ge3A_681 : vector<16xi32>
      %lt3A_683 = arith.constant 5000 : i32
      %lt3A_684 = vector.broadcast %lt3A_683 : i32 to vector<16xi32>
      %lt3A_685 = arith.cmpi slt, %sub3A_679, %lt3A_684 : vector<16xi32>
      %and3A_686 = arith.andi %ge3A_682, %lt3A_685 : vector<16xi1>
      %jit3A_687 = arith.constant 5000 : i32
      %broadcast_in_dim3A_688 = vector.broadcast %jit3A_687 : i32 to vector<16xi32>
      %select_n3A_689 = arith.select %and3A_686, %sub3A_679, %broadcast_in_dim3A_688 : vector<16xi1>, vector<16xi32>
      %swap3A_690 = arith.constant 0 : index
      %swap3A_691 = tpu.vector_load %arg9[%swap3A_690] {strides = array<i32>} : memref<128xi32, #tpu.memory_space<vmem>>, vector<16xi32>,
      %swap3A_692 = vector.shape_cast %swap3A_691 : vector<16xi32> to vector<16xi32>
      %swap3A_693 = vector.shape_cast %select_n3A_689 : vector<16xi32> to vector<16xi32>
      tpu.vector_store %arg9[%swap3A_690], %swap3A_693 {strides = array<i32>} : memref<128xi32, #tpu.memory_space<vmem>>, vector<16xi32>,
      %get3A_694 = arith.constant 16 : index
      %get3A_695 = tpu.vector_load %arg9[%get3A_694] {strides = array<i32>} : memref<128xi32, #tpu.memory_space<vmem>>, vector<16xi32>,
      %get3A_696 = vector.shape_cast %get3A_695 : vector<16xi32> to vector<16xi32>
      %sub3A_697 = arith.constant 5000 : i32
      %sub3A_698 = vector.broadcast %sub3A_697 : i32 to vector<16xi32>
      %sub3A_699 = arith.subi %get3A_696, %sub3A_698 : vector<16xi32>
      %ge3A_700 = arith.constant 0 : i32
      %ge3A_701 = vector.broadcast %ge3A_700 : i32 to vector<16xi32>
      %ge3A_702 = arith.cmpi sge, %sub3A_699, %ge3A_701 : vector<16xi32>
      %lt3A_703 = arith.constant 5000 : i32
      %lt3A_704 = vector.broadcast %lt3A_703 : i32 to vector<16xi32>
      %lt3A_705 = arith.cmpi slt, %sub3A_699, %lt3A_704 : vector<16xi32>
      %and3A_706 = arith.andi %ge3A_702, %lt3A_705 : vector<16xi1>
      %jit3A_707 = arith.constant 5000 : i32
      %broadcast_in_dim3A_708 = vector.broadcast %jit3A_707 : i32 to vector<16xi32>
      %select_n3A_709 = arith.select %and3A_706, %sub3A_699, %broadcast_in_dim3A_708 : vector<16xi1>, vector<16xi32>
      %swap3A_710 = arith.constant 16 : index
      %swap3A_711 = tpu.vector_load %arg9[%swap3A_710] {strides = array<i32>} : memref<128xi32, #tpu.memory_space<vmem>>, vector<16xi32>,
      %swap3A_712 = vector.shape_cast %swap3A_711 : vector<16xi32> to vector<16xi32>
      %swap3A_713 = vector.shape_cast %select_n3A_709 : vector<16xi32> to vector<16xi32>
      tpu.vector_store %arg9[%swap3A_710], %swap3A_713 {strides = array<i32>} : memref<128xi32, #tpu.memory_space<vmem>>, vector<16xi32>,
      %get3A_714 = arith.constant 32 : index
      %get3A_715 = tpu.vector_load %arg9[%get3A_714] {strides = array<i32>} : memref<128xi32, #tpu.memory_space<vmem>>, vector<16xi32>,
      %get3A_716 = vector.shape_cast %get3A_715 : vector<16xi32> to vector<16xi32>
      %sub3A_717 = arith.constant 5000 : i32
      %sub3A_718 = vector.broadcast %sub3A_717 : i32 to vector<16xi32>
      %sub3A_719 = arith.subi %get3A_716, %sub3A_718 : vector<16xi32>
      %ge3A_720 = arith.constant 0 : i32
      %ge3A_721 = vector.broadcast %ge3A_720 : i32 to vector<16xi32>
      %ge3A_722 = arith.cmpi sge, %sub3A_719, %ge3A_721 : vector<16xi32>
      %lt3A_723 = arith.constant 5000 : i32
      %lt3A_724 = vector.broadcast %lt3A_723 : i32 to vector<16xi32>
      %lt3A_725 = arith.cmpi slt, %sub3A_719, %lt3A_724 : vector<16xi32>
      %and3A_726 = arith.andi %ge3A_722, %lt3A_725 : vector<16xi1>
      %jit3A_727 = arith.constant 5000 : i32
      %broadcast_in_dim3A_728 = vector.broadcast %jit3A_727 : i32 to vector<16xi32>
      %select_n3A_729 = arith.select %and3A_726, %sub3A_719, %broadcast_in_dim3A_728 : vector<16xi1>, vector<16xi32>
      %swap3A_730 = arith.constant 32 : index
      %swap3A_731 = tpu.vector_load %arg9[%swap3A_730] {strides = array<i32>} : memref<128xi32, #tpu.memory_space<vmem>>, vector<16xi32>,
      %swap3A_732 = vector.shape_cast %swap3A_731 : vector<16xi32> to vector<16xi32>
      %swap3A_733 = vector.shape_cast %select_n3A_729 : vector<16xi32> to vector<16xi32>
      tpu.vector_store %arg9[%swap3A_730], %swap3A_733 {strides = array<i32>} : memref<128xi32, #tpu.memory_space<vmem>>, vector<16xi32>,
      %get3A_734 = arith.constant 48 : index
      %get3A_735 = tpu.vector_load %arg9[%get3A_734] {strides = array<i32>} : memref<128xi32, #tpu.memory_space<vmem>>, vector<16xi32>,
      %get3A_736 = vector.shape_cast %get3A_735 : vector<16xi32> to vector<16xi32>
      %sub3A_737 = arith.constant 5000 : i32
      %sub3A_738 = vector.broadcast %sub3A_737 : i32 to vector<16xi32>
      %sub3A_739 = arith.subi %get3A_736, %sub3A_738 : vector<16xi32>
      %ge3A_740 = arith.constant 0 : i32
      %ge3A_741 = vector.broadcast %ge3A_740 : i32 to vector<16xi32>
      %ge3A_742 = arith.cmpi sge, %sub3A_739, %ge3A_741 : vector<16xi32>
      %lt3A_743 = arith.constant 5000 : i32
      %lt3A_744 = vector.broadcast %lt3A_743 : i32 to vector<16xi32>
      %lt3A_745 = arith.cmpi slt, %sub3A_739, %lt3A_744 : vector<16xi32>
      %and3A_746 = arith.andi %ge3A_742, %lt3A_745 : vector<16xi1>
      %jit3A_747 = arith.constant 5000 : i32
      %broadcast_in_dim3A_748 = vector.broadcast %jit3A_747 : i32 to vector<16xi32>
      %select_n3A_749 = arith.select %and3A_746, %sub3A_739, %broadcast_in_dim3A_748 : vector<16xi1>, vector<16xi32>
      %swap3A_750 = arith.constant 48 : index
      %swap3A_751 = tpu.vector_load %arg9[%swap3A_750] {strides = array<i32>} : memref<128xi32, #tpu.memory_space<vmem>>, vector<16xi32>,
      %swap3A_752 = vector.shape_cast %swap3A_751 : vector<16xi32> to vector<16xi32>
      %swap3A_753 = vector.shape_cast %select_n3A_749 : vector<16xi32> to vector<16xi32>
      tpu.vector_store %arg9[%swap3A_750], %swap3A_753 {strides = array<i32>} : memref<128xi32, #tpu.memory_space<vmem>>, vector<16xi32>,
      %get3A_754 = arith.constant 64 : index
      %get3A_755 = tpu.vector_load %arg9[%get3A_754] {strides = array<i32>} : memref<128xi32, #tpu.memory_space<vmem>>, vector<16xi32>,
      %get3A_756 = vector.shape_cast %get3A_755 : vector<16xi32> to vector<16xi32>
      %sub3A_757 = arith.constant 5000 : i32
      %sub3A_758 = vector.broadcast %sub3A_757 : i32 to vector<16xi32>
      %sub3A_759 = arith.subi %get3A_756, %sub3A_758 : vector<16xi32>
      %ge3A_760 = arith.constant 0 : i32
      %ge3A_761 = vector.broadcast %ge3A_760 : i32 to vector<16xi32>
      %ge3A_762 = arith.cmpi sge, %sub3A_759, %ge3A_761 : vector<16xi32>
      %lt3A_763 = arith.constant 5000 : i32
      %lt3A_764 = vector.broadcast %lt3A_763 : i32 to vector<16xi32>
      %lt3A_765 = arith.cmpi slt, %sub3A_759, %lt3A_764 : vector<16xi32>
      %and3A_766 = arith.andi %ge3A_762, %lt3A_765 : vector<16xi1>
      %jit3A_767 = arith.constant 5000 : i32
      %broadcast_in_dim3A_768 = vector.broadcast %jit3A_767 : i32 to vector<16xi32>
      %select_n3A_769 = arith.select %and3A_766, %sub3A_759, %broadcast_in_dim3A_768 : vector<16xi1>, vector<16xi32>
      %swap3A_770 = arith.constant 64 : index
      %swap3A_771 = tpu.vector_load %arg9[%swap3A_770] {strides = array<i32>} : memref<128xi32, #tpu.memory_space<vmem>>, vector<16xi32>,
      %swap3A_772 = vector.shape_cast %swap3A_771 : vector<16xi32> to vector<16xi32>
      %swap3A_773 = vector.shape_cast %select_n3A_769 : vector<16xi32> to vector<16xi32>
      tpu.vector_store %arg9[%swap3A_770], %swap3A_773 {strides = array<i32>} : memref<128xi32, #tpu.memory_space<vmem>>, vector<16xi32>,
      %get3A_774 = arith.constant 80 : index
      %get3A_775 = tpu.vector_load %arg9[%get3A_774] {strides = array<i32>} : memref<128xi32, #tpu.memory_space<vmem>>, vector<16xi32>,
      %get3A_776 = vector.shape_cast %get3A_775 : vector<16xi32> to vector<16xi32>
      %sub3A_777 = arith.constant 5000 : i32
      %sub3A_778 = vector.broadcast %sub3A_777 : i32 to vector<16xi32>
      %sub3A_779 = arith.subi %get3A_776, %sub3A_778 : vector<16xi32>
      %ge3A_780 = arith.constant 0 : i32
      %ge3A_781 = vector.broadcast %ge3A_780 : i32 to vector<16xi32>
      %ge3A_782 = arith.cmpi sge, %sub3A_779, %ge3A_781 : vector<16xi32>
      %lt3A_783 = arith.constant 5000 : i32
      %lt3A_784 = vector.broadcast %lt3A_783 : i32 to vector<16xi32>
      %lt3A_785 = arith.cmpi slt, %sub3A_779, %lt3A_784 : vector<16xi32>
      %and3A_786 = arith.andi %ge3A_782, %lt3A_785 : vector<16xi1>
      %jit3A_787 = arith.constant 5000 : i32
      %broadcast_in_dim3A_788 = vector.broadcast %jit3A_787 : i32 to vector<16xi32>
      %select_n3A_789 = arith.select %and3A_786, %sub3A_779, %broadcast_in_dim3A_788 : vector<16xi1>, vector<16xi32>
      %swap3A_790 = arith.constant 80 : index
      %swap3A_791 = tpu.vector_load %arg9[%swap3A_790] {strides = array<i32>} : memref<128xi32, #tpu.memory_space<vmem>>, vector<16xi32>,
      %swap3A_792 = vector.shape_cast %swap3A_791 : vector<16xi32> to vector<16xi32>
      %swap3A_793 = vector.shape_cast %select_n3A_789 : vector<16xi32> to vector<16xi32>
      tpu.vector_store %arg9[%swap3A_790], %swap3A_793 {strides = array<i32>} : memref<128xi32, #tpu.memory_space<vmem>>, vector<16xi32>,
      %get3A_794 = arith.constant 96 : index
      %get3A_795 = tpu.vector_load %arg9[%get3A_794] {strides = array<i32>} : memref<128xi32, #tpu.memory_space<vmem>>, vector<16xi32>,
      %get3A_796 = vector.shape_cast %get3A_795 : vector<16xi32> to vector<16xi32>
      %sub3A_797 = arith.constant 5000 : i32
      %sub3A_798 = vector.broadcast %sub3A_797 : i32 to vector<16xi32>
      %sub3A_799 = arith.subi %get3A_796, %sub3A_798 : vector<16xi32>
      %ge3A_800 = arith.constant 0 : i32
      %ge3A_801 = vector.broadcast %ge3A_800 : i32 to vector<16xi32>
      %ge3A_802 = arith.cmpi sge, %sub3A_799, %ge3A_801 : vector<16xi32>
      %lt3A_803 = arith.constant 5000 : i32
      %lt3A_804 = vector.broadcast %lt3A_803 : i32 to vector<16xi32>
      %lt3A_805 = arith.cmpi slt, %sub3A_799, %lt3A_804 : vector<16xi32>
      %and3A_806 = arith.andi %ge3A_802, %lt3A_805 : vector<16xi1>
      %jit3A_807 = arith.constant 5000 : i32
      %broadcast_in_dim3A_808 = vector.broadcast %jit3A_807 : i32 to vector<16xi32>
      %select_n3A_809 = arith.select %and3A_806, %sub3A_799, %broadcast_in_dim3A_808 : vector<16xi1>, vector<16xi32>
      %swap3A_810 = arith.constant 96 : index
      %swap3A_811 = tpu.vector_load %arg9[%swap3A_810] {strides = array<i32>} : memref<128xi32, #tpu.memory_space<vmem>>, vector<16xi32>,
      %swap3A_812 = vector.shape_cast %swap3A_811 : vector<16xi32> to vector<16xi32>
      %swap3A_813 = vector.shape_cast %select_n3A_809 : vector<16xi32> to vector<16xi32>
      tpu.vector_store %arg9[%swap3A_810], %swap3A_813 {strides = array<i32>} : memref<128xi32, #tpu.memory_space<vmem>>, vector<16xi32>,
      %get3A_814 = arith.constant 112 : index
      %get3A_815 = tpu.vector_load %arg9[%get3A_814] {strides = array<i32>} : memref<128xi32, #tpu.memory_space<vmem>>, vector<16xi32>,
      %get3A_816 = vector.shape_cast %get3A_815 : vector<16xi32> to vector<16xi32>
      %sub3A_817 = arith.constant 5000 : i32
      %sub3A_818 = vector.broadcast %sub3A_817 : i32 to vector<16xi32>
      %sub3A_819 = arith.subi %get3A_816, %sub3A_818 : vector<16xi32>
      %ge3A_820 = arith.constant 0 : i32
      %ge3A_821 = vector.broadcast %ge3A_820 : i32 to vector<16xi32>
      %ge3A_822 = arith.cmpi sge, %sub3A_819, %ge3A_821 : vector<16xi32>
      %lt3A_823 = arith.constant 5000 : i32
      %lt3A_824 = vector.broadcast %lt3A_823 : i32 to vector<16xi32>
      %lt3A_825 = arith.cmpi slt, %sub3A_819, %lt3A_824 : vector<16xi32>
      %and3A_826 = arith.andi %ge3A_822, %lt3A_825 : vector<16xi1>
      %jit3A_827 = arith.constant 5000 : i32
      %broadcast_in_dim3A_828 = vector.broadcast %jit3A_827 : i32 to vector<16xi32>
      %select_n3A_829 = arith.select %and3A_826, %sub3A_819, %broadcast_in_dim3A_828 : vector<16xi1>, vector<16xi32>
      %swap3A_830 = arith.constant 112 : index
      %swap3A_831 = tpu.vector_load %arg9[%swap3A_830] {strides = array<i32>} : memref<128xi32, #tpu.memory_space<vmem>>, vector<16xi32>,
      %swap3A_832 = vector.shape_cast %swap3A_831 : vector<16xi32> to vector<16xi32>
      %swap3A_833 = vector.shape_cast %select_n3A_829 : vector<16xi32> to vector<16xi32>
      tpu.vector_store %arg9[%swap3A_830], %swap3A_833 {strides = array<i32>} : memref<128xi32, #tpu.memory_space<vmem>>, vector<16xi32>,
      %dma_start3A_834 = arith.constant 0 : i32
      %dma_start3A_835 = arith.constant 0 : i32
      %dma_start3A_836 = tpu.memref_slice %arg13[%dma_start3A_834, %dma_start3A_835] : memref<5008x128xf32, #tpu.memory_space<vmem_shared>> -> memref<5008x128xf32, #tpu.memory_space<vmem_shared>>
      tpu.enqueue_indirect_dma source(%arg11 : memref<128x128xf32, #tpu.memory_space<vmem>>) target(%dma_start3A_836 : memref<5008x128xf32, #tpu.memory_space<vmem_shared>>) offsets(%arg9 : memref<128xi32, #tpu.memory_space<vmem>>) semaphore(%arg17 : memref<!tpu.dma_semaphore, #tpu.memory_space<semaphore_mem>>) {add = true}
      %add3A_837 = arith.constant 2 : i32
      %add3A_838 = arith.addi %add3A_665, %add3A_837 : i32
      %mul3A_839 = arith.constant 128 : i32
      %mul3A_840 = arith.muli %add3A_838, %mul3A_839 : i32
      %add3A_841 = arith.addi %mul3A_2, %mul3A_840 : i32
      %min3A_842 = arith.minsi %add3A_841, %sub3A_14 : i32
      %multiple_of3A_843 = tpu.assume_multiple %min3A_842, 8 : i32
      "tpu.region"() ({
        %run_scoped3A = tpu.sem_alloc : memref<!tpu.dma_semaphore, #tpu.memory_space<semaphore_mem>>
        %dma_start3A_922 = tpu.memref_slice %arg3[%multiple_of3A_843] : memref<160000xi32, #tpu.memory_space<hbm>> -> memref<128xi32, #tpu.memory_space<hbm>>
        %dma_start3A_923 = tpu.memref_slice %arg3[%multiple_of3A_843] : memref<160000xi32, #tpu.memory_space<hbm>> -> memref<128xi32, #tpu.memory_space<hbm>>
        tpu.enqueue_dma source(%dma_start3A_923 : memref<128xi32, #tpu.memory_space<hbm>>) target(%arg7 : memref<128xi32, #tpu.memory_space<vmem>>) target_semaphore(%run_scoped3A : memref<!tpu.dma_semaphore, #tpu.memory_space<semaphore_mem>>)
        %dma_wait3A_924 = tpu.memref_slice %arg3[%multiple_of3A_843] : memref<160000xi32, #tpu.memory_space<hbm>> -> memref<128xi32, #tpu.memory_space<hbm>>
        %dma_wait3A_925 = tpu.memref_slice %arg3[%multiple_of3A_843] : memref<160000xi32, #tpu.memory_space<hbm>> -> memref<128xi32, #tpu.memory_space<hbm>>
        tpu.wait_dma2 semaphore(%run_scoped3A : memref<!tpu.dma_semaphore, #tpu.memory_space<semaphore_mem>>) src(%dma_wait3A_925 : memref<128xi32, #tpu.memory_space<hbm>>) dst(%arg7 : memref<128xi32, #tpu.memory_space<vmem>>)
        tpu.yield
      }) : () -> ()
      %get3A_844 = arith.constant 0 : index
      %get3A_845 = tpu.vector_load %arg7[%get3A_844] {strides = array<i32>} : memref<128xi32, #tpu.memory_space<vmem>>, vector<16xi32>,
      %get3A_846 = vector.shape_cast %get3A_845 : vector<16xi32> to vector<16xi32>
      %add3A_847 = vector.broadcast %mul3A_0 : i32 to vector<16xi32>
      %add3A_848 = arith.addi %get3A_846, %add3A_847 : vector<16xi32>
      %swap3A_849 = arith.constant 0 : index
      %swap3A_850 = tpu.vector_load %arg7[%swap3A_849] {strides = array<i32>} : memref<128xi32, #tpu.memory_space<vmem>>, vector<16xi32>,
      %swap3A_851 = vector.shape_cast %swap3A_850 : vector<16xi32> to vector<16xi32>
      %swap3A_852 = vector.shape_cast %add3A_848 : vector<16xi32> to vector<16xi32>
      tpu.vector_store %arg7[%swap3A_849], %swap3A_852 {strides = array<i32>} : memref<128xi32, #tpu.memory_space<vmem>>, vector<16xi32>,
      %get3A_853 = arith.constant 16 : index
      %get3A_854 = tpu.vector_load %arg7[%get3A_853] {strides = array<i32>} : memref<128xi32, #tpu.memory_space<vmem>>, vector<16xi32>,
      %get3A_855 = vector.shape_cast %get3A_854 : vector<16xi32> to vector<16xi32>
      %add3A_856 = vector.broadcast %mul3A_0 : i32 to vector<16xi32>
      %add3A_857 = arith.addi %get3A_855, %add3A_856 : vector<16xi32>
      %swap3A_858 = arith.constant 16 : index
      %swap3A_859 = tpu.vector_load %arg7[%swap3A_858] {strides = array<i32>} : memref<128xi32, #tpu.memory_space<vmem>>, vector<16xi32>,
      %swap3A_860 = vector.shape_cast %swap3A_859 : vector<16xi32> to vector<16xi32>
      %swap3A_861 = vector.shape_cast %add3A_857 : vector<16xi32> to vector<16xi32>
      tpu.vector_store %arg7[%swap3A_858], %swap3A_861 {strides = array<i32>} : memref<128xi32, #tpu.memory_space<vmem>>, vector<16xi32>,
      %get3A_862 = arith.constant 32 : index
      %get3A_863 = tpu.vector_load %arg7[%get3A_862] {strides = array<i32>} : memref<128xi32, #tpu.memory_space<vmem>>, vector<16xi32>,
      %get3A_864 = vector.shape_cast %get3A_863 : vector<16xi32> to vector<16xi32>
      %add3A_865 = vector.broadcast %mul3A_0 : i32 to vector<16xi32>
      %add3A_866 = arith.addi %get3A_864, %add3A_865 : vector<16xi32>
      %swap3A_867 = arith.constant 32 : index
      %swap3A_868 = tpu.vector_load %arg7[%swap3A_867] {strides = array<i32>} : memref<128xi32, #tpu.memory_space<vmem>>, vector<16xi32>,
      %swap3A_869 = vector.shape_cast %swap3A_868 : vector<16xi32> to vector<16xi32>
      %swap3A_870 = vector.shape_cast %add3A_866 : vector<16xi32> to vector<16xi32>
      tpu.vector_store %arg7[%swap3A_867], %swap3A_870 {strides = array<i32>} : memref<128xi32, #tpu.memory_space<vmem>>, vector<16xi32>,
      %get3A_871 = arith.constant 48 : index
      %get3A_872 = tpu.vector_load %arg7[%get3A_871] {strides = array<i32>} : memref<128xi32, #tpu.memory_space<vmem>>, vector<16xi32>,
      %get3A_873 = vector.shape_cast %get3A_872 : vector<16xi32> to vector<16xi32>
      %add3A_874 = vector.broadcast %mul3A_0 : i32 to vector<16xi32>
      %add3A_875 = arith.addi %get3A_873, %add3A_874 : vector<16xi32>
      %swap3A_876 = arith.constant 48 : index
      %swap3A_877 = tpu.vector_load %arg7[%swap3A_876] {strides = array<i32>} : memref<128xi32, #tpu.memory_space<vmem>>, vector<16xi32>,
      %swap3A_878 = vector.shape_cast %swap3A_877 : vector<16xi32> to vector<16xi32>
      %swap3A_879 = vector.shape_cast %add3A_875 : vector<16xi32> to vector<16xi32>
      tpu.vector_store %arg7[%swap3A_876], %swap3A_879 {strides = array<i32>} : memref<128xi32, #tpu.memory_space<vmem>>, vector<16xi32>,
      %get3A_880 = arith.constant 64 : index
      %get3A_881 = tpu.vector_load %arg7[%get3A_880] {strides = array<i32>} : memref<128xi32, #tpu.memory_space<vmem>>, vector<16xi32>,
      %get3A_882 = vector.shape_cast %get3A_881 : vector<16xi32> to vector<16xi32>
      %add3A_883 = vector.broadcast %mul3A_0 : i32 to vector<16xi32>
      %add3A_884 = arith.addi %get3A_882, %add3A_883 : vector<16xi32>
      %swap3A_885 = arith.constant 64 : index
      %swap3A_886 = tpu.vector_load %arg7[%swap3A_885] {strides = array<i32>} : memref<128xi32, #tpu.memory_space<vmem>>, vector<16xi32>,
      %swap3A_887 = vector.shape_cast %swap3A_886 : vector<16xi32> to vector<16xi32>
      %swap3A_888 = vector.shape_cast %add3A_884 : vector<16xi32> to vector<16xi32>
      tpu.vector_store %arg7[%swap3A_885], %swap3A_888 {strides = array<i32>} : memref<128xi32, #tpu.memory_space<vmem>>, vector<16xi32>,
      %get3A_889 = arith.constant 80 : index
      %get3A_890 = tpu.vector_load %arg7[%get3A_889] {strides = array<i32>} : memref<128xi32, #tpu.memory_space<vmem>>, vector<16xi32>,
      %get3A_891 = vector.shape_cast %get3A_890 : vector<16xi32> to vector<16xi32>
      %add3A_892 = vector.broadcast %mul3A_0 : i32 to vector<16xi32>
      %add3A_893 = arith.addi %get3A_891, %add3A_892 : vector<16xi32>
      %swap3A_894 = arith.constant 80 : index
      %swap3A_895 = tpu.vector_load %arg7[%swap3A_894] {strides = array<i32>} : memref<128xi32, #tpu.memory_space<vmem>>, vector<16xi32>,
      %swap3A_896 = vector.shape_cast %swap3A_895 : vector<16xi32> to vector<16xi32>
      %swap3A_897 = vector.shape_cast %add3A_893 : vector<16xi32> to vector<16xi32>
      tpu.vector_store %arg7[%swap3A_894], %swap3A_897 {strides = array<i32>} : memref<128xi32, #tpu.memory_space<vmem>>, vector<16xi32>,
      %get3A_898 = arith.constant 96 : index
      %get3A_899 = tpu.vector_load %arg7[%get3A_898] {strides = array<i32>} : memref<128xi32, #tpu.memory_space<vmem>>, vector<16xi32>,
      %get3A_900 = vector.shape_cast %get3A_899 : vector<16xi32> to vector<16xi32>
      %add3A_901 = vector.broadcast %mul3A_0 : i32 to vector<16xi32>
      %add3A_902 = arith.addi %get3A_900, %add3A_901 : vector<16xi32>
      %swap3A_903 = arith.constant 96 : index
      %swap3A_904 = tpu.vector_load %arg7[%swap3A_903] {strides = array<i32>} : memref<128xi32, #tpu.memory_space<vmem>>, vector<16xi32>,
      %swap3A_905 = vector.shape_cast %swap3A_904 : vector<16xi32> to vector<16xi32>
      %swap3A_906 = vector.shape_cast %add3A_902 : vector<16xi32> to vector<16xi32>
      tpu.vector_store %arg7[%swap3A_903], %swap3A_906 {strides = array<i32>} : memref<128xi32, #tpu.memory_space<vmem>>, vector<16xi32>,
      %get3A_907 = arith.constant 112 : index
      %get3A_908 = tpu.vector_load %arg7[%get3A_907] {strides = array<i32>} : memref<128xi32, #tpu.memory_space<vmem>>, vector<16xi32>,
      %get3A_909 = vector.shape_cast %get3A_908 : vector<16xi32> to vector<16xi32>
      %add3A_910 = vector.broadcast %mul3A_0 : i32 to vector<16xi32>
      %add3A_911 = arith.addi %get3A_909, %add3A_910 : vector<16xi32>
      %swap3A_912 = arith.constant 112 : index
      %swap3A_913 = tpu.vector_load %arg7[%swap3A_912] {strides = array<i32>} : memref<128xi32, #tpu.memory_space<vmem>>, vector<16xi32>,
      %swap3A_914 = vector.shape_cast %swap3A_913 : vector<16xi32> to vector<16xi32>
      %swap3A_915 = vector.shape_cast %add3A_911 : vector<16xi32> to vector<16xi32>
      tpu.vector_store %arg7[%swap3A_912], %swap3A_915 {strides = array<i32>} : memref<128xi32, #tpu.memory_space<vmem>>, vector<16xi32>,
      %dma_wait3A_916 = arith.constant 0 : i32
      %dma_wait3A_917 = arith.constant 0 : i32
      %dma_wait3A_918 = tpu.memref_slice %arg13[%dma_wait3A_916, %dma_wait3A_917] : memref<5008x128xf32, #tpu.memory_space<vmem_shared>> -> memref<5008x128xf32, #tpu.memory_space<vmem_shared>>
      tpu.wait_indirect_dma semaphore(%arg17 : memref<!tpu.dma_semaphore, #tpu.memory_space<semaphore_mem>>) src(%arg11 : memref<128x128xf32, #tpu.memory_space<vmem>>) dst(%dma_wait3A_918 : memref<5008x128xf32, #tpu.memory_space<vmem_shared>>)
      %dma_start3A_919 = arith.constant 0 : i32
      %dma_start3A_920 = arith.constant 0 : i32
      %dma_start3A_921 = tpu.memref_slice %arg2[%dma_start3A_919, %dma_start3A_920] : memref<20000x128xf32, #tpu.memory_space<hbm>> -> memref<20000x128xf32, #tpu.memory_space<hbm>>
      tpu.enqueue_indirect_dma source(%dma_start3A_921 : memref<20000x128xf32, #tpu.memory_space<hbm>>) target(%arg11 : memref<128x128xf32, #tpu.memory_space<vmem>>) offsets(%arg7 : memref<128xi32, #tpu.memory_space<vmem>>) semaphore(%arg15 : memref<!tpu.dma_semaphore, #tpu.memory_space<semaphore_mem>>)
    }
    %while3A_389 = arith.constant 1 : i32
    scf.for %while3A_405 = %while3A_387 to %while3A_383 step %while3A_389  : i32 {
      %mul3A_406 = arith.constant 2 : i32
      %mul3A_407 = arith.muli %mul3A_406, %while3A_405 : i32
      %add3A_408 = arith.constant 0 : i32
      %add3A_409 = arith.addi %mul3A_407, %add3A_408 : i32
      %dma_wait3A_410 = arith.constant 0 : i32
      %dma_wait3A_411 = arith.constant 0 : i32
      %dma_wait3A_412 = tpu.memref_slice %arg2[%dma_wait3A_410, %dma_wait3A_411] : memref<20000x128xf32, #tpu.memory_space<hbm>> -> memref<20000x128xf32, #tpu.memory_space<hbm>>
      tpu.wait_indirect_dma semaphore(%arg14 : memref<!tpu.dma_semaphore, #tpu.memory_space<semaphore_mem>>) src(%dma_wait3A_412 : memref<20000x128xf32, #tpu.memory_space<hbm>>) dst(%arg10 : memref<128x128xf32, #tpu.memory_space<vmem>>)
      %mul3A_413 = arith.constant 128 : i32
      %mul3A_414 = arith.muli %add3A_409, %mul3A_413 : i32
      %add3A_415 = arith.addi %mul3A_2, %mul3A_414 : i32
      %min3A_416 = arith.minsi %add3A_415, %sub3A_14 : i32
      %multiple_of3A_417 = tpu.assume_multiple %min3A_416, 8 : i32
      "tpu.region"() ({
        %run_scoped3A = tpu.sem_alloc : memref<!tpu.dma_semaphore, #tpu.memory_space<semaphore_mem>>
        %dma_start3A_922 = tpu.memref_slice %arg4[%multiple_of3A_417] : memref<160000xi32, #tpu.memory_space<hbm>> -> memref<128xi32, #tpu.memory_space<hbm>>
        %dma_start3A_923 = tpu.memref_slice %arg4[%multiple_of3A_417] : memref<160000xi32, #tpu.memory_space<hbm>> -> memref<128xi32, #tpu.memory_space<hbm>>
        tpu.enqueue_dma source(%dma_start3A_923 : memref<128xi32, #tpu.memory_space<hbm>>) target(%arg8 : memref<128xi32, #tpu.memory_space<vmem>>) target_semaphore(%run_scoped3A : memref<!tpu.dma_semaphore, #tpu.memory_space<semaphore_mem>>)
        %dma_wait3A_924 = tpu.memref_slice %arg4[%multiple_of3A_417] : memref<160000xi32, #tpu.memory_space<hbm>> -> memref<128xi32, #tpu.memory_space<hbm>>
        %dma_wait3A_925 = tpu.memref_slice %arg4[%multiple_of3A_417] : memref<160000xi32, #tpu.memory_space<hbm>> -> memref<128xi32, #tpu.memory_space<hbm>>
        tpu.wait_dma2 semaphore(%run_scoped3A : memref<!tpu.dma_semaphore, #tpu.memory_space<semaphore_mem>>) src(%dma_wait3A_925 : memref<128xi32, #tpu.memory_space<hbm>>) dst(%arg8 : memref<128xi32, #tpu.memory_space<vmem>>)
        tpu.yield
      }) : () -> ()
      %get3A_418 = arith.constant 0 : index
      %get3A_419 = tpu.vector_load %arg8[%get3A_418] {strides = array<i32>} : memref<128xi32, #tpu.memory_space<vmem>>, vector<16xi32>,
      %get3A_420 = vector.shape_cast %get3A_419 : vector<16xi32> to vector<16xi32>
      %sub3A_421 = arith.constant 5000 : i32
      %sub3A_422 = vector.broadcast %sub3A_421 : i32 to vector<16xi32>
      %sub3A_423 = arith.subi %get3A_420, %sub3A_422 : vector<16xi32>
      %ge3A = arith.constant 0 : i32
      %ge3A_424 = vector.broadcast %ge3A : i32 to vector<16xi32>
      %ge3A_425 = arith.cmpi sge, %sub3A_423, %ge3A_424 : vector<16xi32>
      %lt3A = arith.constant 5000 : i32
      %lt3A_426 = vector.broadcast %lt3A : i32 to vector<16xi32>
      %lt3A_427 = arith.cmpi slt, %sub3A_423, %lt3A_426 : vector<16xi32>
      %and3A = arith.andi %ge3A_425, %lt3A_427 : vector<16xi1>
      %jit3A_428 = arith.constant 5000 : i32
      %broadcast_in_dim3A = vector.broadcast %jit3A_428 : i32 to vector<16xi32>
      %select_n3A_429 = arith.select %and3A, %sub3A_423, %broadcast_in_dim3A : vector<16xi1>, vector<16xi32>
      %swap3A_430 = arith.constant 0 : index
      %swap3A_431 = tpu.vector_load %arg8[%swap3A_430] {strides = array<i32>} : memref<128xi32, #tpu.memory_space<vmem>>, vector<16xi32>,
      %swap3A_432 = vector.shape_cast %swap3A_431 : vector<16xi32> to vector<16xi32>
      %swap3A_433 = vector.shape_cast %select_n3A_429 : vector<16xi32> to vector<16xi32>
      tpu.vector_store %arg8[%swap3A_430], %swap3A_433 {strides = array<i32>} : memref<128xi32, #tpu.memory_space<vmem>>, vector<16xi32>,
      %get3A_434 = arith.constant 16 : index
      %get3A_435 = tpu.vector_load %arg8[%get3A_434] {strides = array<i32>} : memref<128xi32, #tpu.memory_space<vmem>>, vector<16xi32>,
      %get3A_436 = vector.shape_cast %get3A_435 : vector<16xi32> to vector<16xi32>
      %sub3A_437 = arith.constant 5000 : i32
      %sub3A_438 = vector.broadcast %sub3A_437 : i32 to vector<16xi32>
      %sub3A_439 = arith.subi %get3A_436, %sub3A_438 : vector<16xi32>
      %ge3A_440 = arith.constant 0 : i32
      %ge3A_441 = vector.broadcast %ge3A_440 : i32 to vector<16xi32>
      %ge3A_442 = arith.cmpi sge, %sub3A_439, %ge3A_441 : vector<16xi32>
      %lt3A_443 = arith.constant 5000 : i32
      %lt3A_444 = vector.broadcast %lt3A_443 : i32 to vector<16xi32>
      %lt3A_445 = arith.cmpi slt, %sub3A_439, %lt3A_444 : vector<16xi32>
      %and3A_446 = arith.andi %ge3A_442, %lt3A_445 : vector<16xi1>
      %jit3A_447 = arith.constant 5000 : i32
      %broadcast_in_dim3A_448 = vector.broadcast %jit3A_447 : i32 to vector<16xi32>
      %select_n3A_449 = arith.select %and3A_446, %sub3A_439, %broadcast_in_dim3A_448 : vector<16xi1>, vector<16xi32>
      %swap3A_450 = arith.constant 16 : index
      %swap3A_451 = tpu.vector_load %arg8[%swap3A_450] {strides = array<i32>} : memref<128xi32, #tpu.memory_space<vmem>>, vector<16xi32>,
      %swap3A_452 = vector.shape_cast %swap3A_451 : vector<16xi32> to vector<16xi32>
      %swap3A_453 = vector.shape_cast %select_n3A_449 : vector<16xi32> to vector<16xi32>
      tpu.vector_store %arg8[%swap3A_450], %swap3A_453 {strides = array<i32>} : memref<128xi32, #tpu.memory_space<vmem>>, vector<16xi32>,
      %get3A_454 = arith.constant 32 : index
      %get3A_455 = tpu.vector_load %arg8[%get3A_454] {strides = array<i32>} : memref<128xi32, #tpu.memory_space<vmem>>, vector<16xi32>,
      %get3A_456 = vector.shape_cast %get3A_455 : vector<16xi32> to vector<16xi32>
      %sub3A_457 = arith.constant 5000 : i32
      %sub3A_458 = vector.broadcast %sub3A_457 : i32 to vector<16xi32>
      %sub3A_459 = arith.subi %get3A_456, %sub3A_458 : vector<16xi32>
      %ge3A_460 = arith.constant 0 : i32
      %ge3A_461 = vector.broadcast %ge3A_460 : i32 to vector<16xi32>
      %ge3A_462 = arith.cmpi sge, %sub3A_459, %ge3A_461 : vector<16xi32>
      %lt3A_463 = arith.constant 5000 : i32
      %lt3A_464 = vector.broadcast %lt3A_463 : i32 to vector<16xi32>
      %lt3A_465 = arith.cmpi slt, %sub3A_459, %lt3A_464 : vector<16xi32>
      %and3A_466 = arith.andi %ge3A_462, %lt3A_465 : vector<16xi1>
      %jit3A_467 = arith.constant 5000 : i32
      %broadcast_in_dim3A_468 = vector.broadcast %jit3A_467 : i32 to vector<16xi32>
      %select_n3A_469 = arith.select %and3A_466, %sub3A_459, %broadcast_in_dim3A_468 : vector<16xi1>, vector<16xi32>
      %swap3A_470 = arith.constant 32 : index
      %swap3A_471 = tpu.vector_load %arg8[%swap3A_470] {strides = array<i32>} : memref<128xi32, #tpu.memory_space<vmem>>, vector<16xi32>,
      %swap3A_472 = vector.shape_cast %swap3A_471 : vector<16xi32> to vector<16xi32>
      %swap3A_473 = vector.shape_cast %select_n3A_469 : vector<16xi32> to vector<16xi32>
      tpu.vector_store %arg8[%swap3A_470], %swap3A_473 {strides = array<i32>} : memref<128xi32, #tpu.memory_space<vmem>>, vector<16xi32>,
      %get3A_474 = arith.constant 48 : index
      %get3A_475 = tpu.vector_load %arg8[%get3A_474] {strides = array<i32>} : memref<128xi32, #tpu.memory_space<vmem>>, vector<16xi32>,
      %get3A_476 = vector.shape_cast %get3A_475 : vector<16xi32> to vector<16xi32>
      %sub3A_477 = arith.constant 5000 : i32
      %sub3A_478 = vector.broadcast %sub3A_477 : i32 to vector<16xi32>
      %sub3A_479 = arith.subi %get3A_476, %sub3A_478 : vector<16xi32>
      %ge3A_480 = arith.constant 0 : i32
      %ge3A_481 = vector.broadcast %ge3A_480 : i32 to vector<16xi32>
      %ge3A_482 = arith.cmpi sge, %sub3A_479, %ge3A_481 : vector<16xi32>
      %lt3A_483 = arith.constant 5000 : i32
      %lt3A_484 = vector.broadcast %lt3A_483 : i32 to vector<16xi32>
      %lt3A_485 = arith.cmpi slt, %sub3A_479, %lt3A_484 : vector<16xi32>
      %and3A_486 = arith.andi %ge3A_482, %lt3A_485 : vector<16xi1>
      %jit3A_487 = arith.constant 5000 : i32
      %broadcast_in_dim3A_488 = vector.broadcast %jit3A_487 : i32 to vector<16xi32>
      %select_n3A_489 = arith.select %and3A_486, %sub3A_479, %broadcast_in_dim3A_488 : vector<16xi1>, vector<16xi32>
      %swap3A_490 = arith.constant 48 : index
      %swap3A_491 = tpu.vector_load %arg8[%swap3A_490] {strides = array<i32>} : memref<128xi32, #tpu.memory_space<vmem>>, vector<16xi32>,
      %swap3A_492 = vector.shape_cast %swap3A_491 : vector<16xi32> to vector<16xi32>
      %swap3A_493 = vector.shape_cast %select_n3A_489 : vector<16xi32> to vector<16xi32>
      tpu.vector_store %arg8[%swap3A_490], %swap3A_493 {strides = array<i32>} : memref<128xi32, #tpu.memory_space<vmem>>, vector<16xi32>,
      %get3A_494 = arith.constant 64 : index
      %get3A_495 = tpu.vector_load %arg8[%get3A_494] {strides = array<i32>} : memref<128xi32, #tpu.memory_space<vmem>>, vector<16xi32>,
      %get3A_496 = vector.shape_cast %get3A_495 : vector<16xi32> to vector<16xi32>
      %sub3A_497 = arith.constant 5000 : i32
      %sub3A_498 = vector.broadcast %sub3A_497 : i32 to vector<16xi32>
      %sub3A_499 = arith.subi %get3A_496, %sub3A_498 : vector<16xi32>
      %ge3A_500 = arith.constant 0 : i32
      %ge3A_501 = vector.broadcast %ge3A_500 : i32 to vector<16xi32>
      %ge3A_502 = arith.cmpi sge, %sub3A_499, %ge3A_501 : vector<16xi32>
      %lt3A_503 = arith.constant 5000 : i32
      %lt3A_504 = vector.broadcast %lt3A_503 : i32 to vector<16xi32>
      %lt3A_505 = arith.cmpi slt, %sub3A_499, %lt3A_504 : vector<16xi32>
      %and3A_506 = arith.andi %ge3A_502, %lt3A_505 : vector<16xi1>
      %jit3A_507 = arith.constant 5000 : i32
      %broadcast_in_dim3A_508 = vector.broadcast %jit3A_507 : i32 to vector<16xi32>
      %select_n3A_509 = arith.select %and3A_506, %sub3A_499, %broadcast_in_dim3A_508 : vector<16xi1>, vector<16xi32>
      %swap3A_510 = arith.constant 64 : index
      %swap3A_511 = tpu.vector_load %arg8[%swap3A_510] {strides = array<i32>} : memref<128xi32, #tpu.memory_space<vmem>>, vector<16xi32>,
      %swap3A_512 = vector.shape_cast %swap3A_511 : vector<16xi32> to vector<16xi32>
      %swap3A_513 = vector.shape_cast %select_n3A_509 : vector<16xi32> to vector<16xi32>
      tpu.vector_store %arg8[%swap3A_510], %swap3A_513 {strides = array<i32>} : memref<128xi32, #tpu.memory_space<vmem>>, vector<16xi32>,
      %get3A_514 = arith.constant 80 : index
      %get3A_515 = tpu.vector_load %arg8[%get3A_514] {strides = array<i32>} : memref<128xi32, #tpu.memory_space<vmem>>, vector<16xi32>,
      %get3A_516 = vector.shape_cast %get3A_515 : vector<16xi32> to vector<16xi32>
      %sub3A_517 = arith.constant 5000 : i32
      %sub3A_518 = vector.broadcast %sub3A_517 : i32 to vector<16xi32>
      %sub3A_519 = arith.subi %get3A_516, %sub3A_518 : vector<16xi32>
      %ge3A_520 = arith.constant 0 : i32
      %ge3A_521 = vector.broadcast %ge3A_520 : i32 to vector<16xi32>
      %ge3A_522 = arith.cmpi sge, %sub3A_519, %ge3A_521 : vector<16xi32>
      %lt3A_523 = arith.constant 5000 : i32
      %lt3A_524 = vector.broadcast %lt3A_523 : i32 to vector<16xi32>
      %lt3A_525 = arith.cmpi slt, %sub3A_519, %lt3A_524 : vector<16xi32>
      %and3A_526 = arith.andi %ge3A_522, %lt3A_525 : vector<16xi1>
      %jit3A_527 = arith.constant 5000 : i32
      %broadcast_in_dim3A_528 = vector.broadcast %jit3A_527 : i32 to vector<16xi32>
      %select_n3A_529 = arith.select %and3A_526, %sub3A_519, %broadcast_in_dim3A_528 : vector<16xi1>, vector<16xi32>
      %swap3A_530 = arith.constant 80 : index
      %swap3A_531 = tpu.vector_load %arg8[%swap3A_530] {strides = array<i32>} : memref<128xi32, #tpu.memory_space<vmem>>, vector<16xi32>,
      %swap3A_532 = vector.shape_cast %swap3A_531 : vector<16xi32> to vector<16xi32>
      %swap3A_533 = vector.shape_cast %select_n3A_529 : vector<16xi32> to vector<16xi32>
      tpu.vector_store %arg8[%swap3A_530], %swap3A_533 {strides = array<i32>} : memref<128xi32, #tpu.memory_space<vmem>>, vector<16xi32>,
      %get3A_534 = arith.constant 96 : index
      %get3A_535 = tpu.vector_load %arg8[%get3A_534] {strides = array<i32>} : memref<128xi32, #tpu.memory_space<vmem>>, vector<16xi32>,
      %get3A_536 = vector.shape_cast %get3A_535 : vector<16xi32> to vector<16xi32>
      %sub3A_537 = arith.constant 5000 : i32
      %sub3A_538 = vector.broadcast %sub3A_537 : i32 to vector<16xi32>
      %sub3A_539 = arith.subi %get3A_536, %sub3A_538 : vector<16xi32>
      %ge3A_540 = arith.constant 0 : i32
      %ge3A_541 = vector.broadcast %ge3A_540 : i32 to vector<16xi32>
      %ge3A_542 = arith.cmpi sge, %sub3A_539, %ge3A_541 : vector<16xi32>
      %lt3A_543 = arith.constant 5000 : i32
      %lt3A_544 = vector.broadcast %lt3A_543 : i32 to vector<16xi32>
      %lt3A_545 = arith.cmpi slt, %sub3A_539, %lt3A_544 : vector<16xi32>
      %and3A_546 = arith.andi %ge3A_542, %lt3A_545 : vector<16xi1>
      %jit3A_547 = arith.constant 5000 : i32
      %broadcast_in_dim3A_548 = vector.broadcast %jit3A_547 : i32 to vector<16xi32>
      %select_n3A_549 = arith.select %and3A_546, %sub3A_539, %broadcast_in_dim3A_548 : vector<16xi1>, vector<16xi32>
      %swap3A_550 = arith.constant 96 : index
      %swap3A_551 = tpu.vector_load %arg8[%swap3A_550] {strides = array<i32>} : memref<128xi32, #tpu.memory_space<vmem>>, vector<16xi32>,
      %swap3A_552 = vector.shape_cast %swap3A_551 : vector<16xi32> to vector<16xi32>
      %swap3A_553 = vector.shape_cast %select_n3A_549 : vector<16xi32> to vector<16xi32>
      tpu.vector_store %arg8[%swap3A_550], %swap3A_553 {strides = array<i32>} : memref<128xi32, #tpu.memory_space<vmem>>, vector<16xi32>,
      %get3A_554 = arith.constant 112 : index
      %get3A_555 = tpu.vector_load %arg8[%get3A_554] {strides = array<i32>} : memref<128xi32, #tpu.memory_space<vmem>>, vector<16xi32>,
      %get3A_556 = vector.shape_cast %get3A_555 : vector<16xi32> to vector<16xi32>
      %sub3A_557 = arith.constant 5000 : i32
      %sub3A_558 = vector.broadcast %sub3A_557 : i32 to vector<16xi32>
      %sub3A_559 = arith.subi %get3A_556, %sub3A_558 : vector<16xi32>
      %ge3A_560 = arith.constant 0 : i32
      %ge3A_561 = vector.broadcast %ge3A_560 : i32 to vector<16xi32>
      %ge3A_562 = arith.cmpi sge, %sub3A_559, %ge3A_561 : vector<16xi32>
      %lt3A_563 = arith.constant 5000 : i32
      %lt3A_564 = vector.broadcast %lt3A_563 : i32 to vector<16xi32>
      %lt3A_565 = arith.cmpi slt, %sub3A_559, %lt3A_564 : vector<16xi32>
      %and3A_566 = arith.andi %ge3A_562, %lt3A_565 : vector<16xi1>
      %jit3A_567 = arith.constant 5000 : i32
      %broadcast_in_dim3A_568 = vector.broadcast %jit3A_567 : i32 to vector<16xi32>
      %select_n3A_569 = arith.select %and3A_566, %sub3A_559, %broadcast_in_dim3A_568 : vector<16xi1>, vector<16xi32>
      %swap3A_570 = arith.constant 112 : index
      %swap3A_571 = tpu.vector_load %arg8[%swap3A_570] {strides = array<i32>} : memref<128xi32, #tpu.memory_space<vmem>>, vector<16xi32>,
      %swap3A_572 = vector.shape_cast %swap3A_571 : vector<16xi32> to vector<16xi32>
      %swap3A_573 = vector.shape_cast %select_n3A_569 : vector<16xi32> to vector<16xi32>
      tpu.vector_store %arg8[%swap3A_570], %swap3A_573 {strides = array<i32>} : memref<128xi32, #tpu.memory_space<vmem>>, vector<16xi32>,
      %dma_start3A_574 = arith.constant 0 : i32
      %dma_start3A_575 = arith.constant 0 : i32
      %dma_start3A_576 = tpu.memref_slice %arg13[%dma_start3A_574, %dma_start3A_575] : memref<5008x128xf32, #tpu.memory_space<vmem_shared>> -> memref<5008x128xf32, #tpu.memory_space<vmem_shared>>
      tpu.enqueue_indirect_dma source(%arg10 : memref<128x128xf32, #tpu.memory_space<vmem>>) target(%dma_start3A_576 : memref<5008x128xf32, #tpu.memory_space<vmem_shared>>) offsets(%arg8 : memref<128xi32, #tpu.memory_space<vmem>>) semaphore(%arg16 : memref<!tpu.dma_semaphore, #tpu.memory_space<semaphore_mem>>) {add = true}
      %add3A_577 = arith.constant 2 : i32
      %add3A_578 = arith.addi %add3A_409, %add3A_577 : i32
      %mul3A_579 = arith.constant 128 : i32
      %mul3A_580 = arith.muli %add3A_578, %mul3A_579 : i32
      %add3A_581 = arith.addi %mul3A_2, %mul3A_580 : i32
      %min3A_582 = arith.minsi %add3A_581, %sub3A_14 : i32
      %multiple_of3A_583 = tpu.assume_multiple %min3A_582, 8 : i32
      "tpu.region"() ({
        %run_scoped3A = tpu.sem_alloc : memref<!tpu.dma_semaphore, #tpu.memory_space<semaphore_mem>>
        %dma_start3A_922 = tpu.memref_slice %arg3[%multiple_of3A_583] : memref<160000xi32, #tpu.memory_space<hbm>> -> memref<128xi32, #tpu.memory_space<hbm>>
        %dma_start3A_923 = tpu.memref_slice %arg3[%multiple_of3A_583] : memref<160000xi32, #tpu.memory_space<hbm>> -> memref<128xi32, #tpu.memory_space<hbm>>
        tpu.enqueue_dma source(%dma_start3A_923 : memref<128xi32, #tpu.memory_space<hbm>>) target(%arg6 : memref<128xi32, #tpu.memory_space<vmem>>) target_semaphore(%run_scoped3A : memref<!tpu.dma_semaphore, #tpu.memory_space<semaphore_mem>>)
        %dma_wait3A_924 = tpu.memref_slice %arg3[%multiple_of3A_583] : memref<160000xi32, #tpu.memory_space<hbm>> -> memref<128xi32, #tpu.memory_space<hbm>>
        %dma_wait3A_925 = tpu.memref_slice %arg3[%multiple_of3A_583] : memref<160000xi32, #tpu.memory_space<hbm>> -> memref<128xi32, #tpu.memory_space<hbm>>
        tpu.wait_dma2 semaphore(%run_scoped3A : memref<!tpu.dma_semaphore, #tpu.memory_space<semaphore_mem>>) src(%dma_wait3A_925 : memref<128xi32, #tpu.memory_space<hbm>>) dst(%arg6 : memref<128xi32, #tpu.memory_space<vmem>>)
        tpu.yield
      }) : () -> ()
      %get3A_584 = arith.constant 0 : index
      %get3A_585 = tpu.vector_load %arg6[%get3A_584] {strides = array<i32>} : memref<128xi32, #tpu.memory_space<vmem>>, vector<16xi32>,
      %get3A_586 = vector.shape_cast %get3A_585 : vector<16xi32> to vector<16xi32>
      %add3A_587 = vector.broadcast %mul3A_0 : i32 to vector<16xi32>
      %add3A_588 = arith.addi %get3A_586, %add3A_587 : vector<16xi32>
      %swap3A_589 = arith.constant 0 : index
      %swap3A_590 = tpu.vector_load %arg6[%swap3A_589] {strides = array<i32>} : memref<128xi32, #tpu.memory_space<vmem>>, vector<16xi32>,
      %swap3A_591 = vector.shape_cast %swap3A_590 : vector<16xi32> to vector<16xi32>
      %swap3A_592 = vector.shape_cast %add3A_588 : vector<16xi32> to vector<16xi32>
      tpu.vector_store %arg6[%swap3A_589], %swap3A_592 {strides = array<i32>} : memref<128xi32, #tpu.memory_space<vmem>>, vector<16xi32>,
      %get3A_593 = arith.constant 16 : index
      %get3A_594 = tpu.vector_load %arg6[%get3A_593] {strides = array<i32>} : memref<128xi32, #tpu.memory_space<vmem>>, vector<16xi32>,
      %get3A_595 = vector.shape_cast %get3A_594 : vector<16xi32> to vector<16xi32>
      %add3A_596 = vector.broadcast %mul3A_0 : i32 to vector<16xi32>
      %add3A_597 = arith.addi %get3A_595, %add3A_596 : vector<16xi32>
      %swap3A_598 = arith.constant 16 : index
      %swap3A_599 = tpu.vector_load %arg6[%swap3A_598] {strides = array<i32>} : memref<128xi32, #tpu.memory_space<vmem>>, vector<16xi32>,
      %swap3A_600 = vector.shape_cast %swap3A_599 : vector<16xi32> to vector<16xi32>
      %swap3A_601 = vector.shape_cast %add3A_597 : vector<16xi32> to vector<16xi32>
      tpu.vector_store %arg6[%swap3A_598], %swap3A_601 {strides = array<i32>} : memref<128xi32, #tpu.memory_space<vmem>>, vector<16xi32>,
      %get3A_602 = arith.constant 32 : index
      %get3A_603 = tpu.vector_load %arg6[%get3A_602] {strides = array<i32>} : memref<128xi32, #tpu.memory_space<vmem>>, vector<16xi32>,
      %get3A_604 = vector.shape_cast %get3A_603 : vector<16xi32> to vector<16xi32>
      %add3A_605 = vector.broadcast %mul3A_0 : i32 to vector<16xi32>
      %add3A_606 = arith.addi %get3A_604, %add3A_605 : vector<16xi32>
      %swap3A_607 = arith.constant 32 : index
      %swap3A_608 = tpu.vector_load %arg6[%swap3A_607] {strides = array<i32>} : memref<128xi32, #tpu.memory_space<vmem>>, vector<16xi32>,
      %swap3A_609 = vector.shape_cast %swap3A_608 : vector<16xi32> to vector<16xi32>
      %swap3A_610 = vector.shape_cast %add3A_606 : vector<16xi32> to vector<16xi32>
      tpu.vector_store %arg6[%swap3A_607], %swap3A_610 {strides = array<i32>} : memref<128xi32, #tpu.memory_space<vmem>>, vector<16xi32>,
      %get3A_611 = arith.constant 48 : index
      %get3A_612 = tpu.vector_load %arg6[%get3A_611] {strides = array<i32>} : memref<128xi32, #tpu.memory_space<vmem>>, vector<16xi32>,
      %get3A_613 = vector.shape_cast %get3A_612 : vector<16xi32> to vector<16xi32>
      %add3A_614 = vector.broadcast %mul3A_0 : i32 to vector<16xi32>
      %add3A_615 = arith.addi %get3A_613, %add3A_614 : vector<16xi32>
      %swap3A_616 = arith.constant 48 : index
      %swap3A_617 = tpu.vector_load %arg6[%swap3A_616] {strides = array<i32>} : memref<128xi32, #tpu.memory_space<vmem>>, vector<16xi32>,
      %swap3A_618 = vector.shape_cast %swap3A_617 : vector<16xi32> to vector<16xi32>
      %swap3A_619 = vector.shape_cast %add3A_615 : vector<16xi32> to vector<16xi32>
      tpu.vector_store %arg6[%swap3A_616], %swap3A_619 {strides = array<i32>} : memref<128xi32, #tpu.memory_space<vmem>>, vector<16xi32>,
      %get3A_620 = arith.constant 64 : index
      %get3A_621 = tpu.vector_load %arg6[%get3A_620] {strides = array<i32>} : memref<128xi32, #tpu.memory_space<vmem>>, vector<16xi32>,
      %get3A_622 = vector.shape_cast %get3A_621 : vector<16xi32> to vector<16xi32>
      %add3A_623 = vector.broadcast %mul3A_0 : i32 to vector<16xi32>
      %add3A_624 = arith.addi %get3A_622, %add3A_623 : vector<16xi32>
      %swap3A_625 = arith.constant 64 : index
      %swap3A_626 = tpu.vector_load %arg6[%swap3A_625] {strides = array<i32>} : memref<128xi32, #tpu.memory_space<vmem>>, vector<16xi32>,
      %swap3A_627 = vector.shape_cast %swap3A_626 : vector<16xi32> to vector<16xi32>
      %swap3A_628 = vector.shape_cast %add3A_624 : vector<16xi32> to vector<16xi32>
      tpu.vector_store %arg6[%swap3A_625], %swap3A_628 {strides = array<i32>} : memref<128xi32, #tpu.memory_space<vmem>>, vector<16xi32>,
      %get3A_629 = arith.constant 80 : index
      %get3A_630 = tpu.vector_load %arg6[%get3A_629] {strides = array<i32>} : memref<128xi32, #tpu.memory_space<vmem>>, vector<16xi32>,
      %get3A_631 = vector.shape_cast %get3A_630 : vector<16xi32> to vector<16xi32>
      %add3A_632 = vector.broadcast %mul3A_0 : i32 to vector<16xi32>
      %add3A_633 = arith.addi %get3A_631, %add3A_632 : vector<16xi32>
      %swap3A_634 = arith.constant 80 : index
      %swap3A_635 = tpu.vector_load %arg6[%swap3A_634] {strides = array<i32>} : memref<128xi32, #tpu.memory_space<vmem>>, vector<16xi32>,
      %swap3A_636 = vector.shape_cast %swap3A_635 : vector<16xi32> to vector<16xi32>
      %swap3A_637 = vector.shape_cast %add3A_633 : vector<16xi32> to vector<16xi32>
      tpu.vector_store %arg6[%swap3A_634], %swap3A_637 {strides = array<i32>} : memref<128xi32, #tpu.memory_space<vmem>>, vector<16xi32>,
      %get3A_638 = arith.constant 96 : index
      %get3A_639 = tpu.vector_load %arg6[%get3A_638] {strides = array<i32>} : memref<128xi32, #tpu.memory_space<vmem>>, vector<16xi32>,
      %get3A_640 = vector.shape_cast %get3A_639 : vector<16xi32> to vector<16xi32>
      %add3A_641 = vector.broadcast %mul3A_0 : i32 to vector<16xi32>
      %add3A_642 = arith.addi %get3A_640, %add3A_641 : vector<16xi32>
      %swap3A_643 = arith.constant 96 : index
      %swap3A_644 = tpu.vector_load %arg6[%swap3A_643] {strides = array<i32>} : memref<128xi32, #tpu.memory_space<vmem>>, vector<16xi32>,
      %swap3A_645 = vector.shape_cast %swap3A_644 : vector<16xi32> to vector<16xi32>
      %swap3A_646 = vector.shape_cast %add3A_642 : vector<16xi32> to vector<16xi32>
      tpu.vector_store %arg6[%swap3A_643], %swap3A_646 {strides = array<i32>} : memref<128xi32, #tpu.memory_space<vmem>>, vector<16xi32>,
      %get3A_647 = arith.constant 112 : index
      %get3A_648 = tpu.vector_load %arg6[%get3A_647] {strides = array<i32>} : memref<128xi32, #tpu.memory_space<vmem>>, vector<16xi32>,
      %get3A_649 = vector.shape_cast %get3A_648 : vector<16xi32> to vector<16xi32>
      %add3A_650 = vector.broadcast %mul3A_0 : i32 to vector<16xi32>
      %add3A_651 = arith.addi %get3A_649, %add3A_650 : vector<16xi32>
      %swap3A_652 = arith.constant 112 : index
      %swap3A_653 = tpu.vector_load %arg6[%swap3A_652] {strides = array<i32>} : memref<128xi32, #tpu.memory_space<vmem>>, vector<16xi32>,
      %swap3A_654 = vector.shape_cast %swap3A_653 : vector<16xi32> to vector<16xi32>
      %swap3A_655 = vector.shape_cast %add3A_651 : vector<16xi32> to vector<16xi32>
      tpu.vector_store %arg6[%swap3A_652], %swap3A_655 {strides = array<i32>} : memref<128xi32, #tpu.memory_space<vmem>>, vector<16xi32>,
      %dma_wait3A_656 = arith.constant 0 : i32
      %dma_wait3A_657 = arith.constant 0 : i32
      %dma_wait3A_658 = tpu.memref_slice %arg13[%dma_wait3A_656, %dma_wait3A_657] : memref<5008x128xf32, #tpu.memory_space<vmem_shared>> -> memref<5008x128xf32, #tpu.memory_space<vmem_shared>>
      tpu.wait_indirect_dma semaphore(%arg16 : memref<!tpu.dma_semaphore, #tpu.memory_space<semaphore_mem>>) src(%arg10 : memref<128x128xf32, #tpu.memory_space<vmem>>) dst(%dma_wait3A_658 : memref<5008x128xf32, #tpu.memory_space<vmem_shared>>)
      %dma_start3A_659 = arith.constant 0 : i32
      %dma_start3A_660 = arith.constant 0 : i32
      %dma_start3A_661 = tpu.memref_slice %arg2[%dma_start3A_659, %dma_start3A_660] : memref<20000x128xf32, #tpu.memory_space<hbm>> -> memref<20000x128xf32, #tpu.memory_space<hbm>>
      tpu.enqueue_indirect_dma source(%dma_start3A_661 : memref<20000x128xf32, #tpu.memory_space<hbm>>) target(%arg10 : memref<128x128xf32, #tpu.memory_space<vmem>>) offsets(%arg6 : memref<128xi32, #tpu.memory_space<vmem>>) semaphore(%arg14 : memref<!tpu.dma_semaphore, #tpu.memory_space<semaphore_mem>>)
      %mul3A_662 = arith.constant 2 : i32
      %mul3A_663 = arith.muli %mul3A_662, %while3A_405 : i32
      %add3A_664 = arith.constant 1 : i32
      %add3A_665 = arith.addi %mul3A_663, %add3A_664 : i32
      %dma_wait3A_666 = arith.constant 0 : i32
      %dma_wait3A_667 = arith.constant 0 : i32
      %dma_wait3A_668 = tpu.memref_slice %arg2[%dma_wait3A_666, %dma_wait3A_667] : memref<20000x128xf32, #tpu.memory_space<hbm>> -> memref<20000x128xf32, #tpu.memory_space<hbm>>
      tpu.wait_indirect_dma semaphore(%arg15 : memref<!tpu.dma_semaphore, #tpu.memory_space<semaphore_mem>>) src(%dma_wait3A_668 : memref<20000x128xf32, #tpu.memory_space<hbm>>) dst(%arg11 : memref<128x128xf32, #tpu.memory_space<vmem>>)
      %mul3A_669 = arith.constant 128 : i32
      %mul3A_670 = arith.muli %add3A_665, %mul3A_669 : i32
      %add3A_671 = arith.addi %mul3A_2, %mul3A_670 : i32
      %min3A_672 = arith.minsi %add3A_671, %sub3A_14 : i32
      %multiple_of3A_673 = tpu.assume_multiple %min3A_672, 8 : i32
      "tpu.region"() ({
        %run_scoped3A = tpu.sem_alloc : memref<!tpu.dma_semaphore, #tpu.memory_space<semaphore_mem>>
        %dma_start3A_922 = tpu.memref_slice %arg4[%multiple_of3A_673] : memref<160000xi32, #tpu.memory_space<hbm>> -> memref<128xi32, #tpu.memory_space<hbm>>
        %dma_start3A_923 = tpu.memref_slice %arg4[%multiple_of3A_673] : memref<160000xi32, #tpu.memory_space<hbm>> -> memref<128xi32, #tpu.memory_space<hbm>>
        tpu.enqueue_dma source(%dma_start3A_923 : memref<128xi32, #tpu.memory_space<hbm>>) target(%arg9 : memref<128xi32, #tpu.memory_space<vmem>>) target_semaphore(%run_scoped3A : memref<!tpu.dma_semaphore, #tpu.memory_space<semaphore_mem>>)
        %dma_wait3A_924 = tpu.memref_slice %arg4[%multiple_of3A_673] : memref<160000xi32, #tpu.memory_space<hbm>> -> memref<128xi32, #tpu.memory_space<hbm>>
        %dma_wait3A_925 = tpu.memref_slice %arg4[%multiple_of3A_673] : memref<160000xi32, #tpu.memory_space<hbm>> -> memref<128xi32, #tpu.memory_space<hbm>>
        tpu.wait_dma2 semaphore(%run_scoped3A : memref<!tpu.dma_semaphore, #tpu.memory_space<semaphore_mem>>) src(%dma_wait3A_925 : memref<128xi32, #tpu.memory_space<hbm>>) dst(%arg9 : memref<128xi32, #tpu.memory_space<vmem>>)
        tpu.yield
      }) : () -> ()
      %get3A_674 = arith.constant 0 : index
      %get3A_675 = tpu.vector_load %arg9[%get3A_674] {strides = array<i32>} : memref<128xi32, #tpu.memory_space<vmem>>, vector<16xi32>,
      %get3A_676 = vector.shape_cast %get3A_675 : vector<16xi32> to vector<16xi32>
      %sub3A_677 = arith.constant 5000 : i32
      %sub3A_678 = vector.broadcast %sub3A_677 : i32 to vector<16xi32>
      %sub3A_679 = arith.subi %get3A_676, %sub3A_678 : vector<16xi32>
      %ge3A_680 = arith.constant 0 : i32
      %ge3A_681 = vector.broadcast %ge3A_680 : i32 to vector<16xi32>
      %ge3A_682 = arith.cmpi sge, %sub3A_679, %ge3A_681 : vector<16xi32>
      %lt3A_683 = arith.constant 5000 : i32
      %lt3A_684 = vector.broadcast %lt3A_683 : i32 to vector<16xi32>
      %lt3A_685 = arith.cmpi slt, %sub3A_679, %lt3A_684 : vector<16xi32>
      %and3A_686 = arith.andi %ge3A_682, %lt3A_685 : vector<16xi1>
      %jit3A_687 = arith.constant 5000 : i32
      %broadcast_in_dim3A_688 = vector.broadcast %jit3A_687 : i32 to vector<16xi32>
      %select_n3A_689 = arith.select %and3A_686, %sub3A_679, %broadcast_in_dim3A_688 : vector<16xi1>, vector<16xi32>
      %swap3A_690 = arith.constant 0 : index
      %swap3A_691 = tpu.vector_load %arg9[%swap3A_690] {strides = array<i32>} : memref<128xi32, #tpu.memory_space<vmem>>, vector<16xi32>,
      %swap3A_692 = vector.shape_cast %swap3A_691 : vector<16xi32> to vector<16xi32>
      %swap3A_693 = vector.shape_cast %select_n3A_689 : vector<16xi32> to vector<16xi32>
      tpu.vector_store %arg9[%swap3A_690], %swap3A_693 {strides = array<i32>} : memref<128xi32, #tpu.memory_space<vmem>>, vector<16xi32>,
      %get3A_694 = arith.constant 16 : index
      %get3A_695 = tpu.vector_load %arg9[%get3A_694] {strides = array<i32>} : memref<128xi32, #tpu.memory_space<vmem>>, vector<16xi32>,
      %get3A_696 = vector.shape_cast %get3A_695 : vector<16xi32> to vector<16xi32>
      %sub3A_697 = arith.constant 5000 : i32
      %sub3A_698 = vector.broadcast %sub3A_697 : i32 to vector<16xi32>
      %sub3A_699 = arith.subi %get3A_696, %sub3A_698 : vector<16xi32>
      %ge3A_700 = arith.constant 0 : i32
      %ge3A_701 = vector.broadcast %ge3A_700 : i32 to vector<16xi32>
      %ge3A_702 = arith.cmpi sge, %sub3A_699, %ge3A_701 : vector<16xi32>
      %lt3A_703 = arith.constant 5000 : i32
      %lt3A_704 = vector.broadcast %lt3A_703 : i32 to vector<16xi32>
      %lt3A_705 = arith.cmpi slt, %sub3A_699, %lt3A_704 : vector<16xi32>
      %and3A_706 = arith.andi %ge3A_702, %lt3A_705 : vector<16xi1>
      %jit3A_707 = arith.constant 5000 : i32
      %broadcast_in_dim3A_708 = vector.broadcast %jit3A_707 : i32 to vector<16xi32>
      %select_n3A_709 = arith.select %and3A_706, %sub3A_699, %broadcast_in_dim3A_708 : vector<16xi1>, vector<16xi32>
      %swap3A_710 = arith.constant 16 : index
      %swap3A_711 = tpu.vector_load %arg9[%swap3A_710] {strides = array<i32>} : memref<128xi32, #tpu.memory_space<vmem>>, vector<16xi32>,
      %swap3A_712 = vector.shape_cast %swap3A_711 : vector<16xi32> to vector<16xi32>
      %swap3A_713 = vector.shape_cast %select_n3A_709 : vector<16xi32> to vector<16xi32>
      tpu.vector_store %arg9[%swap3A_710], %swap3A_713 {strides = array<i32>} : memref<128xi32, #tpu.memory_space<vmem>>, vector<16xi32>,
      %get3A_714 = arith.constant 32 : index
      %get3A_715 = tpu.vector_load %arg9[%get3A_714] {strides = array<i32>} : memref<128xi32, #tpu.memory_space<vmem>>, vector<16xi32>,
      %get3A_716 = vector.shape_cast %get3A_715 : vector<16xi32> to vector<16xi32>
      %sub3A_717 = arith.constant 5000 : i32
      %sub3A_718 = vector.broadcast %sub3A_717 : i32 to vector<16xi32>
      %sub3A_719 = arith.subi %get3A_716, %sub3A_718 : vector<16xi32>
      %ge3A_720 = arith.constant 0 : i32
      %ge3A_721 = vector.broadcast %ge3A_720 : i32 to vector<16xi32>
      %ge3A_722 = arith.cmpi sge, %sub3A_719, %ge3A_721 : vector<16xi32>
      %lt3A_723 = arith.constant 5000 : i32
      %lt3A_724 = vector.broadcast %lt3A_723 : i32 to vector<16xi32>
      %lt3A_725 = arith.cmpi slt, %sub3A_719, %lt3A_724 : vector<16xi32>
      %and3A_726 = arith.andi %ge3A_722, %lt3A_725 : vector<16xi1>
      %jit3A_727 = arith.constant 5000 : i32
      %broadcast_in_dim3A_728 = vector.broadcast %jit3A_727 : i32 to vector<16xi32>
      %select_n3A_729 = arith.select %and3A_726, %sub3A_719, %broadcast_in_dim3A_728 : vector<16xi1>, vector<16xi32>
      %swap3A_730 = arith.constant 32 : index
      %swap3A_731 = tpu.vector_load %arg9[%swap3A_730] {strides = array<i32>} : memref<128xi32, #tpu.memory_space<vmem>>, vector<16xi32>,
      %swap3A_732 = vector.shape_cast %swap3A_731 : vector<16xi32> to vector<16xi32>
      %swap3A_733 = vector.shape_cast %select_n3A_729 : vector<16xi32> to vector<16xi32>
      tpu.vector_store %arg9[%swap3A_730], %swap3A_733 {strides = array<i32>} : memref<128xi32, #tpu.memory_space<vmem>>, vector<16xi32>,
      %get3A_734 = arith.constant 48 : index
      %get3A_735 = tpu.vector_load %arg9[%get3A_734] {strides = array<i32>} : memref<128xi32, #tpu.memory_space<vmem>>, vector<16xi32>,
      %get3A_736 = vector.shape_cast %get3A_735 : vector<16xi32> to vector<16xi32>
      %sub3A_737 = arith.constant 5000 : i32
      %sub3A_738 = vector.broadcast %sub3A_737 : i32 to vector<16xi32>
      %sub3A_739 = arith.subi %get3A_736, %sub3A_738 : vector<16xi32>
      %ge3A_740 = arith.constant 0 : i32
      %ge3A_741 = vector.broadcast %ge3A_740 : i32 to vector<16xi32>
      %ge3A_742 = arith.cmpi sge, %sub3A_739, %ge3A_741 : vector<16xi32>
      %lt3A_743 = arith.constant 5000 : i32
      %lt3A_744 = vector.broadcast %lt3A_743 : i32 to vector<16xi32>
      %lt3A_745 = arith.cmpi slt, %sub3A_739, %lt3A_744 : vector<16xi32>
      %and3A_746 = arith.andi %ge3A_742, %lt3A_745 : vector<16xi1>
      %jit3A_747 = arith.constant 5000 : i32
      %broadcast_in_dim3A_748 = vector.broadcast %jit3A_747 : i32 to vector<16xi32>
      %select_n3A_749 = arith.select %and3A_746, %sub3A_739, %broadcast_in_dim3A_748 : vector<16xi1>, vector<16xi32>
      %swap3A_750 = arith.constant 48 : index
      %swap3A_751 = tpu.vector_load %arg9[%swap3A_750] {strides = array<i32>} : memref<128xi32, #tpu.memory_space<vmem>>, vector<16xi32>,
      %swap3A_752 = vector.shape_cast %swap3A_751 : vector<16xi32> to vector<16xi32>
      %swap3A_753 = vector.shape_cast %select_n3A_749 : vector<16xi32> to vector<16xi32>
      tpu.vector_store %arg9[%swap3A_750], %swap3A_753 {strides = array<i32>} : memref<128xi32, #tpu.memory_space<vmem>>, vector<16xi32>,
      %get3A_754 = arith.constant 64 : index
      %get3A_755 = tpu.vector_load %arg9[%get3A_754] {strides = array<i32>} : memref<128xi32, #tpu.memory_space<vmem>>, vector<16xi32>,
      %get3A_756 = vector.shape_cast %get3A_755 : vector<16xi32> to vector<16xi32>
      %sub3A_757 = arith.constant 5000 : i32
      %sub3A_758 = vector.broadcast %sub3A_757 : i32 to vector<16xi32>
      %sub3A_759 = arith.subi %get3A_756, %sub3A_758 : vector<16xi32>
      %ge3A_760 = arith.constant 0 : i32
      %ge3A_761 = vector.broadcast %ge3A_760 : i32 to vector<16xi32>
      %ge3A_762 = arith.cmpi sge, %sub3A_759, %ge3A_761 : vector<16xi32>
      %lt3A_763 = arith.constant 5000 : i32
      %lt3A_764 = vector.broadcast %lt3A_763 : i32 to vector<16xi32>
      %lt3A_765 = arith.cmpi slt, %sub3A_759, %lt3A_764 : vector<16xi32>
      %and3A_766 = arith.andi %ge3A_762, %lt3A_765 : vector<16xi1>
      %jit3A_767 = arith.constant 5000 : i32
      %broadcast_in_dim3A_768 = vector.broadcast %jit3A_767 : i32 to vector<16xi32>
      %select_n3A_769 = arith.select %and3A_766, %sub3A_759, %broadcast_in_dim3A_768 : vector<16xi1>, vector<16xi32>
      %swap3A_770 = arith.constant 64 : index
      %swap3A_771 = tpu.vector_load %arg9[%swap3A_770] {strides = array<i32>} : memref<128xi32, #tpu.memory_space<vmem>>, vector<16xi32>,
      %swap3A_772 = vector.shape_cast %swap3A_771 : vector<16xi32> to vector<16xi32>
      %swap3A_773 = vector.shape_cast %select_n3A_769 : vector<16xi32> to vector<16xi32>
      tpu.vector_store %arg9[%swap3A_770], %swap3A_773 {strides = array<i32>} : memref<128xi32, #tpu.memory_space<vmem>>, vector<16xi32>,
      %get3A_774 = arith.constant 80 : index
      %get3A_775 = tpu.vector_load %arg9[%get3A_774] {strides = array<i32>} : memref<128xi32, #tpu.memory_space<vmem>>, vector<16xi32>,
      %get3A_776 = vector.shape_cast %get3A_775 : vector<16xi32> to vector<16xi32>
      %sub3A_777 = arith.constant 5000 : i32
      %sub3A_778 = vector.broadcast %sub3A_777 : i32 to vector<16xi32>
      %sub3A_779 = arith.subi %get3A_776, %sub3A_778 : vector<16xi32>
      %ge3A_780 = arith.constant 0 : i32
      %ge3A_781 = vector.broadcast %ge3A_780 : i32 to vector<16xi32>
      %ge3A_782 = arith.cmpi sge, %sub3A_779, %ge3A_781 : vector<16xi32>
      %lt3A_783 = arith.constant 5000 : i32
      %lt3A_784 = vector.broadcast %lt3A_783 : i32 to vector<16xi32>
      %lt3A_785 = arith.cmpi slt, %sub3A_779, %lt3A_784 : vector<16xi32>
      %and3A_786 = arith.andi %ge3A_782, %lt3A_785 : vector<16xi1>
      %jit3A_787 = arith.constant 5000 : i32
      %broadcast_in_dim3A_788 = vector.broadcast %jit3A_787 : i32 to vector<16xi32>
      %select_n3A_789 = arith.select %and3A_786, %sub3A_779, %broadcast_in_dim3A_788 : vector<16xi1>, vector<16xi32>
      %swap3A_790 = arith.constant 80 : index
      %swap3A_791 = tpu.vector_load %arg9[%swap3A_790] {strides = array<i32>} : memref<128xi32, #tpu.memory_space<vmem>>, vector<16xi32>,
      %swap3A_792 = vector.shape_cast %swap3A_791 : vector<16xi32> to vector<16xi32>
      %swap3A_793 = vector.shape_cast %select_n3A_789 : vector<16xi32> to vector<16xi32>
      tpu.vector_store %arg9[%swap3A_790], %swap3A_793 {strides = array<i32>} : memref<128xi32, #tpu.memory_space<vmem>>, vector<16xi32>,
      %get3A_794 = arith.constant 96 : index
      %get3A_795 = tpu.vector_load %arg9[%get3A_794] {strides = array<i32>} : memref<128xi32, #tpu.memory_space<vmem>>, vector<16xi32>,
      %get3A_796 = vector.shape_cast %get3A_795 : vector<16xi32> to vector<16xi32>
      %sub3A_797 = arith.constant 5000 : i32
      %sub3A_798 = vector.broadcast %sub3A_797 : i32 to vector<16xi32>
      %sub3A_799 = arith.subi %get3A_796, %sub3A_798 : vector<16xi32>
      %ge3A_800 = arith.constant 0 : i32
      %ge3A_801 = vector.broadcast %ge3A_800 : i32 to vector<16xi32>
      %ge3A_802 = arith.cmpi sge, %sub3A_799, %ge3A_801 : vector<16xi32>
      %lt3A_803 = arith.constant 5000 : i32
      %lt3A_804 = vector.broadcast %lt3A_803 : i32 to vector<16xi32>
      %lt3A_805 = arith.cmpi slt, %sub3A_799, %lt3A_804 : vector<16xi32>
      %and3A_806 = arith.andi %ge3A_802, %lt3A_805 : vector<16xi1>
      %jit3A_807 = arith.constant 5000 : i32
      %broadcast_in_dim3A_808 = vector.broadcast %jit3A_807 : i32 to vector<16xi32>
      %select_n3A_809 = arith.select %and3A_806, %sub3A_799, %broadcast_in_dim3A_808 : vector<16xi1>, vector<16xi32>
      %swap3A_810 = arith.constant 96 : index
      %swap3A_811 = tpu.vector_load %arg9[%swap3A_810] {strides = array<i32>} : memref<128xi32, #tpu.memory_space<vmem>>, vector<16xi32>,
      %swap3A_812 = vector.shape_cast %swap3A_811 : vector<16xi32> to vector<16xi32>
      %swap3A_813 = vector.shape_cast %select_n3A_809 : vector<16xi32> to vector<16xi32>
      tpu.vector_store %arg9[%swap3A_810], %swap3A_813 {strides = array<i32>} : memref<128xi32, #tpu.memory_space<vmem>>, vector<16xi32>,
      %get3A_814 = arith.constant 112 : index
      %get3A_815 = tpu.vector_load %arg9[%get3A_814] {strides = array<i32>} : memref<128xi32, #tpu.memory_space<vmem>>, vector<16xi32>,
      %get3A_816 = vector.shape_cast %get3A_815 : vector<16xi32> to vector<16xi32>
      %sub3A_817 = arith.constant 5000 : i32
      %sub3A_818 = vector.broadcast %sub3A_817 : i32 to vector<16xi32>
      %sub3A_819 = arith.subi %get3A_816, %sub3A_818 : vector<16xi32>
      %ge3A_820 = arith.constant 0 : i32
      %ge3A_821 = vector.broadcast %ge3A_820 : i32 to vector<16xi32>
      %ge3A_822 = arith.cmpi sge, %sub3A_819, %ge3A_821 : vector<16xi32>
      %lt3A_823 = arith.constant 5000 : i32
      %lt3A_824 = vector.broadcast %lt3A_823 : i32 to vector<16xi32>
      %lt3A_825 = arith.cmpi slt, %sub3A_819, %lt3A_824 : vector<16xi32>
      %and3A_826 = arith.andi %ge3A_822, %lt3A_825 : vector<16xi1>
      %jit3A_827 = arith.constant 5000 : i32
      %broadcast_in_dim3A_828 = vector.broadcast %jit3A_827 : i32 to vector<16xi32>
      %select_n3A_829 = arith.select %and3A_826, %sub3A_819, %broadcast_in_dim3A_828 : vector<16xi1>, vector<16xi32>
      %swap3A_830 = arith.constant 112 : index
      %swap3A_831 = tpu.vector_load %arg9[%swap3A_830] {strides = array<i32>} : memref<128xi32, #tpu.memory_space<vmem>>, vector<16xi32>,
      %swap3A_832 = vector.shape_cast %swap3A_831 : vector<16xi32> to vector<16xi32>
      %swap3A_833 = vector.shape_cast %select_n3A_829 : vector<16xi32> to vector<16xi32>
      tpu.vector_store %arg9[%swap3A_830], %swap3A_833 {strides = array<i32>} : memref<128xi32, #tpu.memory_space<vmem>>, vector<16xi32>,
      %dma_start3A_834 = arith.constant 0 : i32
      %dma_start3A_835 = arith.constant 0 : i32
      %dma_start3A_836 = tpu.memref_slice %arg13[%dma_start3A_834, %dma_start3A_835] : memref<5008x128xf32, #tpu.memory_space<vmem_shared>> -> memref<5008x128xf32, #tpu.memory_space<vmem_shared>>
      tpu.enqueue_indirect_dma source(%arg11 : memref<128x128xf32, #tpu.memory_space<vmem>>) target(%dma_start3A_836 : memref<5008x128xf32, #tpu.memory_space<vmem_shared>>) offsets(%arg9 : memref<128xi32, #tpu.memory_space<vmem>>) semaphore(%arg17 : memref<!tpu.dma_semaphore, #tpu.memory_space<semaphore_mem>>) {add = true}
      %add3A_837 = arith.constant 2 : i32
      %add3A_838 = arith.addi %add3A_665, %add3A_837 : i32
      %mul3A_839 = arith.constant 128 : i32
      %mul3A_840 = arith.muli %add3A_838, %mul3A_839 : i32
      %add3A_841 = arith.addi %mul3A_2, %mul3A_840 : i32
      %min3A_842 = arith.minsi %add3A_841, %sub3A_14 : i32
      %multiple_of3A_843 = tpu.assume_multiple %min3A_842, 8 : i32
      "tpu.region"() ({
        %run_scoped3A = tpu.sem_alloc : memref<!tpu.dma_semaphore, #tpu.memory_space<semaphore_mem>>
        %dma_start3A_922 = tpu.memref_slice %arg3[%multiple_of3A_843] : memref<160000xi32, #tpu.memory_space<hbm>> -> memref<128xi32, #tpu.memory_space<hbm>>
        %dma_start3A_923 = tpu.memref_slice %arg3[%multiple_of3A_843] : memref<160000xi32, #tpu.memory_space<hbm>> -> memref<128xi32, #tpu.memory_space<hbm>>
        tpu.enqueue_dma source(%dma_start3A_923 : memref<128xi32, #tpu.memory_space<hbm>>) target(%arg7 : memref<128xi32, #tpu.memory_space<vmem>>) target_semaphore(%run_scoped3A : memref<!tpu.dma_semaphore, #tpu.memory_space<semaphore_mem>>)
        %dma_wait3A_924 = tpu.memref_slice %arg3[%multiple_of3A_843] : memref<160000xi32, #tpu.memory_space<hbm>> -> memref<128xi32, #tpu.memory_space<hbm>>
        %dma_wait3A_925 = tpu.memref_slice %arg3[%multiple_of3A_843] : memref<160000xi32, #tpu.memory_space<hbm>> -> memref<128xi32, #tpu.memory_space<hbm>>
        tpu.wait_dma2 semaphore(%run_scoped3A : memref<!tpu.dma_semaphore, #tpu.memory_space<semaphore_mem>>) src(%dma_wait3A_925 : memref<128xi32, #tpu.memory_space<hbm>>) dst(%arg7 : memref<128xi32, #tpu.memory_space<vmem>>)
        tpu.yield
      }) : () -> ()
      %get3A_844 = arith.constant 0 : index
      %get3A_845 = tpu.vector_load %arg7[%get3A_844] {strides = array<i32>} : memref<128xi32, #tpu.memory_space<vmem>>, vector<16xi32>,
      %get3A_846 = vector.shape_cast %get3A_845 : vector<16xi32> to vector<16xi32>
      %add3A_847 = vector.broadcast %mul3A_0 : i32 to vector<16xi32>
      %add3A_848 = arith.addi %get3A_846, %add3A_847 : vector<16xi32>
      %swap3A_849 = arith.constant 0 : index
      %swap3A_850 = tpu.vector_load %arg7[%swap3A_849] {strides = array<i32>} : memref<128xi32, #tpu.memory_space<vmem>>, vector<16xi32>,
      %swap3A_851 = vector.shape_cast %swap3A_850 : vector<16xi32> to vector<16xi32>
      %swap3A_852 = vector.shape_cast %add3A_848 : vector<16xi32> to vector<16xi32>
      tpu.vector_store %arg7[%swap3A_849], %swap3A_852 {strides = array<i32>} : memref<128xi32, #tpu.memory_space<vmem>>, vector<16xi32>,
      %get3A_853 = arith.constant 16 : index
      %get3A_854 = tpu.vector_load %arg7[%get3A_853] {strides = array<i32>} : memref<128xi32, #tpu.memory_space<vmem>>, vector<16xi32>,
      %get3A_855 = vector.shape_cast %get3A_854 : vector<16xi32> to vector<16xi32>
      %add3A_856 = vector.broadcast %mul3A_0 : i32 to vector<16xi32>
      %add3A_857 = arith.addi %get3A_855, %add3A_856 : vector<16xi32>
      %swap3A_858 = arith.constant 16 : index
      %swap3A_859 = tpu.vector_load %arg7[%swap3A_858] {strides = array<i32>} : memref<128xi32, #tpu.memory_space<vmem>>, vector<16xi32>,
      %swap3A_860 = vector.shape_cast %swap3A_859 : vector<16xi32> to vector<16xi32>
      %swap3A_861 = vector.shape_cast %add3A_857 : vector<16xi32> to vector<16xi32>
      tpu.vector_store %arg7[%swap3A_858], %swap3A_861 {strides = array<i32>} : memref<128xi32, #tpu.memory_space<vmem>>, vector<16xi32>,
      %get3A_862 = arith.constant 32 : index
      %get3A_863 = tpu.vector_load %arg7[%get3A_862] {strides = array<i32>} : memref<128xi32, #tpu.memory_space<vmem>>, vector<16xi32>,
      %get3A_864 = vector.shape_cast %get3A_863 : vector<16xi32> to vector<16xi32>
      %add3A_865 = vector.broadcast %mul3A_0 : i32 to vector<16xi32>
      %add3A_866 = arith.addi %get3A_864, %add3A_865 : vector<16xi32>
      %swap3A_867 = arith.constant 32 : index
      %swap3A_868 = tpu.vector_load %arg7[%swap3A_867] {strides = array<i32>} : memref<128xi32, #tpu.memory_space<vmem>>, vector<16xi32>,
      %swap3A_869 = vector.shape_cast %swap3A_868 : vector<16xi32> to vector<16xi32>
      %swap3A_870 = vector.shape_cast %add3A_866 : vector<16xi32> to vector<16xi32>
      tpu.vector_store %arg7[%swap3A_867], %swap3A_870 {strides = array<i32>} : memref<128xi32, #tpu.memory_space<vmem>>, vector<16xi32>,
      %get3A_871 = arith.constant 48 : index
      %get3A_872 = tpu.vector_load %arg7[%get3A_871] {strides = array<i32>} : memref<128xi32, #tpu.memory_space<vmem>>, vector<16xi32>,
      %get3A_873 = vector.shape_cast %get3A_872 : vector<16xi32> to vector<16xi32>
      %add3A_874 = vector.broadcast %mul3A_0 : i32 to vector<16xi32>
      %add3A_875 = arith.addi %get3A_873, %add3A_874 : vector<16xi32>
      %swap3A_876 = arith.constant 48 : index
      %swap3A_877 = tpu.vector_load %arg7[%swap3A_876] {strides = array<i32>} : memref<128xi32, #tpu.memory_space<vmem>>, vector<16xi32>,
      %swap3A_878 = vector.shape_cast %swap3A_877 : vector<16xi32> to vector<16xi32>
      %swap3A_879 = vector.shape_cast %add3A_875 : vector<16xi32> to vector<16xi32>
      tpu.vector_store %arg7[%swap3A_876], %swap3A_879 {strides = array<i32>} : memref<128xi32, #tpu.memory_space<vmem>>, vector<16xi32>,
      %get3A_880 = arith.constant 64 : index
      %get3A_881 = tpu.vector_load %arg7[%get3A_880] {strides = array<i32>} : memref<128xi32, #tpu.memory_space<vmem>>, vector<16xi32>,
      %get3A_882 = vector.shape_cast %get3A_881 : vector<16xi32> to vector<16xi32>
      %add3A_883 = vector.broadcast %mul3A_0 : i32 to vector<16xi32>
      %add3A_884 = arith.addi %get3A_882, %add3A_883 : vector<16xi32>
      %swap3A_885 = arith.constant 64 : index
      %swap3A_886 = tpu.vector_load %arg7[%swap3A_885] {strides = array<i32>} : memref<128xi32, #tpu.memory_space<vmem>>, vector<16xi32>,
      %swap3A_887 = vector.shape_cast %swap3A_886 : vector<16xi32> to vector<16xi32>
      %swap3A_888 = vector.shape_cast %add3A_884 : vector<16xi32> to vector<16xi32>
      tpu.vector_store %arg7[%swap3A_885], %swap3A_888 {strides = array<i32>} : memref<128xi32, #tpu.memory_space<vmem>>, vector<16xi32>,
      %get3A_889 = arith.constant 80 : index
      %get3A_890 = tpu.vector_load %arg7[%get3A_889] {strides = array<i32>} : memref<128xi32, #tpu.memory_space<vmem>>, vector<16xi32>,
      %get3A_891 = vector.shape_cast %get3A_890 : vector<16xi32> to vector<16xi32>
      %add3A_892 = vector.broadcast %mul3A_0 : i32 to vector<16xi32>
      %add3A_893 = arith.addi %get3A_891, %add3A_892 : vector<16xi32>
      %swap3A_894 = arith.constant 80 : index
      %swap3A_895 = tpu.vector_load %arg7[%swap3A_894] {strides = array<i32>} : memref<128xi32, #tpu.memory_space<vmem>>, vector<16xi32>,
      %swap3A_896 = vector.shape_cast %swap3A_895 : vector<16xi32> to vector<16xi32>
      %swap3A_897 = vector.shape_cast %add3A_893 : vector<16xi32> to vector<16xi32>
      tpu.vector_store %arg7[%swap3A_894], %swap3A_897 {strides = array<i32>} : memref<128xi32, #tpu.memory_space<vmem>>, vector<16xi32>,
      %get3A_898 = arith.constant 96 : index
      %get3A_899 = tpu.vector_load %arg7[%get3A_898] {strides = array<i32>} : memref<128xi32, #tpu.memory_space<vmem>>, vector<16xi32>,
      %get3A_900 = vector.shape_cast %get3A_899 : vector<16xi32> to vector<16xi32>
      %add3A_901 = vector.broadcast %mul3A_0 : i32 to vector<16xi32>
      %add3A_902 = arith.addi %get3A_900, %add3A_901 : vector<16xi32>
      %swap3A_903 = arith.constant 96 : index
      %swap3A_904 = tpu.vector_load %arg7[%swap3A_903] {strides = array<i32>} : memref<128xi32, #tpu.memory_space<vmem>>, vector<16xi32>,
      %swap3A_905 = vector.shape_cast %swap3A_904 : vector<16xi32> to vector<16xi32>
      %swap3A_906 = vector.shape_cast %add3A_902 : vector<16xi32> to vector<16xi32>
      tpu.vector_store %arg7[%swap3A_903], %swap3A_906 {strides = array<i32>} : memref<128xi32, #tpu.memory_space<vmem>>, vector<16xi32>,
      %get3A_907 = arith.constant 112 : index
      %get3A_908 = tpu.vector_load %arg7[%get3A_907] {strides = array<i32>} : memref<128xi32, #tpu.memory_space<vmem>>, vector<16xi32>,
      %get3A_909 = vector.shape_cast %get3A_908 : vector<16xi32> to vector<16xi32>
      %add3A_910 = vector.broadcast %mul3A_0 : i32 to vector<16xi32>
      %add3A_911 = arith.addi %get3A_909, %add3A_910 : vector<16xi32>
      %swap3A_912 = arith.constant 112 : index
      %swap3A_913 = tpu.vector_load %arg7[%swap3A_912] {strides = array<i32>} : memref<128xi32, #tpu.memory_space<vmem>>, vector<16xi32>,
      %swap3A_914 = vector.shape_cast %swap3A_913 : vector<16xi32> to vector<16xi32>
      %swap3A_915 = vector.shape_cast %add3A_911 : vector<16xi32> to vector<16xi32>
      tpu.vector_store %arg7[%swap3A_912], %swap3A_915 {strides = array<i32>} : memref<128xi32, #tpu.memory_space<vmem>>, vector<16xi32>,
      %dma_wait3A_916 = arith.constant 0 : i32
      %dma_wait3A_917 = arith.constant 0 : i32
      %dma_wait3A_918 = tpu.memref_slice %arg13[%dma_wait3A_916, %dma_wait3A_917] : memref<5008x128xf32, #tpu.memory_space<vmem_shared>> -> memref<5008x128xf32, #tpu.memory_space<vmem_shared>>
      tpu.wait_indirect_dma semaphore(%arg17 : memref<!tpu.dma_semaphore, #tpu.memory_space<semaphore_mem>>) src(%arg11 : memref<128x128xf32, #tpu.memory_space<vmem>>) dst(%dma_wait3A_918 : memref<5008x128xf32, #tpu.memory_space<vmem_shared>>)
      %dma_start3A_919 = arith.constant 0 : i32
      %dma_start3A_920 = arith.constant 0 : i32
      %dma_start3A_921 = tpu.memref_slice %arg2[%dma_start3A_919, %dma_start3A_920] : memref<20000x128xf32, #tpu.memory_space<hbm>> -> memref<20000x128xf32, #tpu.memory_space<hbm>>
      tpu.enqueue_indirect_dma source(%dma_start3A_921 : memref<20000x128xf32, #tpu.memory_space<hbm>>) target(%arg11 : memref<128x128xf32, #tpu.memory_space<vmem>>) offsets(%arg7 : memref<128xi32, #tpu.memory_space<vmem>>) semaphore(%arg15 : memref<!tpu.dma_semaphore, #tpu.memory_space<semaphore_mem>>)
    }
    %dma_wait3A_390 = arith.constant 0 : i32
    %dma_wait3A_391 = arith.constant 0 : i32
    %dma_wait3A_392 = tpu.memref_slice %arg2[%dma_wait3A_390, %dma_wait3A_391] : memref<20000x128xf32, #tpu.memory_space<hbm>> -> memref<20000x128xf32, #tpu.memory_space<hbm>>
    tpu.wait_indirect_dma semaphore(%arg14 : memref<!tpu.dma_semaphore, #tpu.memory_space<semaphore_mem>>) src(%dma_wait3A_392 : memref<20000x128xf32, #tpu.memory_space<hbm>>) dst(%arg10 : memref<128x128xf32, #tpu.memory_space<vmem>>)
    %dma_wait3A_393 = arith.constant 0 : i32
    %dma_wait3A_394 = arith.constant 0 : i32
    %dma_wait3A_395 = tpu.memref_slice %arg2[%dma_wait3A_393, %dma_wait3A_394] : memref<20000x128xf32, #tpu.memory_space<hbm>> -> memref<20000x128xf32, #tpu.memory_space<hbm>>
    tpu.wait_indirect_dma semaphore(%arg15 : memref<!tpu.dma_semaphore, #tpu.memory_space<semaphore_mem>>) src(%dma_wait3A_395 : memref<20000x128xf32, #tpu.memory_space<hbm>>) dst(%arg11 : memref<128x128xf32, #tpu.memory_space<vmem>>)
    %barrier3A_396 = arith.constant 0 : index
    tpu.barrier barrier_id(%barrier3A_396)
    %mul3A_397 = arith.constant 312 : i32
    %mul3A_398 = arith.muli %arg1, %mul3A_397 : i32
    "tpu.region"() ({
      %run_scoped3A = tpu.sem_alloc : memref<!tpu.dma_semaphore, #tpu.memory_space<semaphore_mem>>
      %dma_start3A_405 = arith.constant 0 : i32
      %dma_start3A_406 = tpu.memref_slice %arg13[%mul3A_398, %dma_start3A_405] : memref<5008x128xf32, #tpu.memory_space<vmem_shared>> -> memref<312x128xf32, #tpu.memory_space<vmem_shared>>
      %dma_start3A_407 = arith.constant 0 : i32
      %dma_start3A_408 = tpu.memref_slice %arg13[%mul3A_398, %dma_start3A_407] : memref<5008x128xf32, #tpu.memory_space<vmem_shared>> -> memref<312x128xf32, #tpu.memory_space<vmem_shared>>
      tpu.enqueue_dma source(%dma_start3A_408 : memref<312x128xf32, #tpu.memory_space<vmem_shared>>) target(%arg12 : memref<312x128xf32, #tpu.memory_space<vmem>>) target_semaphore(%run_scoped3A : memref<!tpu.dma_semaphore, #tpu.memory_space<semaphore_mem>>)
      %dma_wait3A_409 = arith.constant 0 : i32
      %dma_wait3A_410 = tpu.memref_slice %arg13[%mul3A_398, %dma_wait3A_409] : memref<5008x128xf32, #tpu.memory_space<vmem_shared>> -> memref<312x128xf32, #tpu.memory_space<vmem_shared>>
      %dma_wait3A_411 = arith.constant 0 : i32
      %dma_wait3A_412 = tpu.memref_slice %arg13[%mul3A_398, %dma_wait3A_411] : memref<5008x128xf32, #tpu.memory_space<vmem_shared>> -> memref<312x128xf32, #tpu.memory_space<vmem_shared>>
      tpu.wait_dma2 semaphore(%run_scoped3A : memref<!tpu.dma_semaphore, #tpu.memory_space<semaphore_mem>>) src(%dma_wait3A_412 : memref<312x128xf32, #tpu.memory_space<vmem_shared>>) dst(%arg12 : memref<312x128xf32, #tpu.memory_space<vmem>>)
      tpu.yield
    }) : () -> ()
    "tpu.region"() ({
      %run_scoped3A = tpu.sem_alloc : memref<!tpu.dma_semaphore, #tpu.memory_space<semaphore_mem>>
      %dma_start3A_405 = arith.constant 0 : i32
      %dma_start3A_406 = tpu.memref_slice %arg5[%add3A_209, %dma_start3A_405] : memref<20000x128xf32, #tpu.memory_space<hbm>> -> memref<312x128xf32, #tpu.memory_space<hbm>>
      %dma_start3A_407 = arith.constant 0 : i32
      %dma_start3A_408 = tpu.memref_slice %arg5[%add3A_209, %dma_start3A_407] : memref<20000x128xf32, #tpu.memory_space<hbm>> -> memref<312x128xf32, #tpu.memory_space<hbm>>
      tpu.enqueue_dma source(%arg12 : memref<312x128xf32, #tpu.memory_space<vmem>>) target(%dma_start3A_408 : memref<312x128xf32, #tpu.memory_space<hbm>>) target_semaphore(%run_scoped3A : memref<!tpu.dma_semaphore, #tpu.memory_space<semaphore_mem>>)
      %dma_wait3A_409 = arith.constant 0 : i32
      %dma_wait3A_410 = tpu.memref_slice %arg5[%add3A_209, %dma_wait3A_409] : memref<20000x128xf32, #tpu.memory_space<hbm>> -> memref<312x128xf32, #tpu.memory_space<hbm>>
      %dma_wait3A_411 = arith.constant 0 : i32
      %dma_wait3A_412 = tpu.memref_slice %arg5[%add3A_209, %dma_wait3A_411] : memref<20000x128xf32, #tpu.memory_space<hbm>> -> memref<312x128xf32, #tpu.memory_space<hbm>>
      tpu.wait_dma2 semaphore(%run_scoped3A : memref<!tpu.dma_semaphore, #tpu.memory_space<semaphore_mem>>) src(%arg12 : memref<312x128xf32, #tpu.memory_space<vmem>>) dst(%dma_wait3A_412 : memref<312x128xf32, #tpu.memory_space<hbm>>)
      tpu.yield
    }) : () -> ()
    %eq3A_399 = arith.constant 0 : i32
    %eq3A_400 = arith.cmpi eq, %arg1, %eq3A_399 : i32
    %convert_element_type3A_401 = arith.extui %eq3A_400 : i1 to i32
    %cond3A_402 = arith.constant 0 : i32
    %cond3A_403 = arith.cmpi ne, %convert_element_type3A_401, %cond3A_402 : i32
    scf.if %cond3A_403 {
      "tpu.region"() ({
        %run_scoped3A = tpu.sem_alloc : memref<!tpu.dma_semaphore, #tpu.memory_space<semaphore_mem>>
        %dma_start3A_409 = arith.constant 0 : i32
        %dma_start3A_410 = arith.constant 0 : i32
        %dma_start3A_411 = tpu.memref_slice %arg12[%dma_start3A_409, %dma_start3A_410] : memref<312x128xf32, #tpu.memory_space<vmem>> -> memref<8x128xf32, #tpu.memory_space<vmem>>
        %dma_start3A_412 = arith.constant 4992 : i32
        %dma_start3A_413 = arith.constant 0 : i32
        %dma_start3A_414 = tpu.memref_slice %arg13[%dma_start3A_412, %dma_start3A_413] : memref<5008x128xf32, #tpu.memory_space<vmem_shared>> -> memref<8x128xf32, #tpu.memory_space<vmem_shared>>
        %dma_start3A_415 = arith.constant 0 : i32
        %dma_start3A_416 = arith.constant 0 : i32
        %dma_start3A_417 = tpu.memref_slice %arg12[%dma_start3A_415, %dma_start3A_416] : memref<312x128xf32, #tpu.memory_space<vmem>> -> memref<8x128xf32, #tpu.memory_space<vmem>>
        %dma_start3A_418 = arith.constant 4992 : i32
        %dma_start3A_419 = arith.constant 0 : i32
        %dma_start3A_420 = tpu.memref_slice %arg13[%dma_start3A_418, %dma_start3A_419] : memref<5008x128xf32, #tpu.memory_space<vmem_shared>> -> memref<8x128xf32, #tpu.memory_space<vmem_shared>>
        tpu.enqueue_dma source(%dma_start3A_420 : memref<8x128xf32, #tpu.memory_space<vmem_shared>>) target(%dma_start3A_417 : memref<8x128xf32, #tpu.memory_space<vmem>>) target_semaphore(%run_scoped3A : memref<!tpu.dma_semaphore, #tpu.memory_space<semaphore_mem>>)
        %dma_wait3A_421 = arith.constant 0 : i32
        %dma_wait3A_422 = arith.constant 0 : i32
        %dma_wait3A_423 = tpu.memref_slice %arg12[%dma_wait3A_421, %dma_wait3A_422] : memref<312x128xf32, #tpu.memory_space<vmem>> -> memref<8x128xf32, #tpu.memory_space<vmem>>
        %dma_wait3A_424 = arith.constant 4992 : i32
        %dma_wait3A_425 = arith.constant 0 : i32
        %dma_wait3A_426 = tpu.memref_slice %arg13[%dma_wait3A_424, %dma_wait3A_425] : memref<5008x128xf32, #tpu.memory_space<vmem_shared>> -> memref<8x128xf32, #tpu.memory_space<vmem_shared>>
        %dma_wait3A_427 = arith.constant 0 : i32
        %dma_wait3A_428 = arith.constant 0 : i32
        %dma_wait3A_429 = tpu.memref_slice %arg12[%dma_wait3A_427, %dma_wait3A_428] : memref<312x128xf32, #tpu.memory_space<vmem>> -> memref<8x128xf32, #tpu.memory_space<vmem>>
        %dma_wait3A_430 = arith.constant 4992 : i32
        %dma_wait3A_431 = arith.constant 0 : i32
        %dma_wait3A_432 = tpu.memref_slice %arg13[%dma_wait3A_430, %dma_wait3A_431] : memref<5008x128xf32, #tpu.memory_space<vmem_shared>> -> memref<8x128xf32, #tpu.memory_space<vmem_shared>>
        tpu.wait_dma2 semaphore(%run_scoped3A : memref<!tpu.dma_semaphore, #tpu.memory_space<semaphore_mem>>) src(%dma_wait3A_432 : memref<8x128xf32, #tpu.memory_space<vmem_shared>>) dst(%dma_wait3A_429 : memref<8x128xf32, #tpu.memory_space<vmem>>)
        tpu.yield
      }) : () -> ()
      %add3A_405 = arith.constant 5000 : i32
      %add3A_406 = arith.addi %mul3A_0, %add3A_405 : i32
      %add3A_407 = arith.constant 4992 : i32
      %add3A_408 = arith.addi %add3A_406, %add3A_407 : i32
      "tpu.region"() ({
        %run_scoped3A = tpu.sem_alloc : memref<!tpu.dma_semaphore, #tpu.memory_space<semaphore_mem>>
        %dma_start3A_409 = arith.constant 0 : i32
        %dma_start3A_410 = arith.constant 0 : i32
        %dma_start3A_411 = tpu.memref_slice %arg12[%dma_start3A_409, %dma_start3A_410] : memref<312x128xf32, #tpu.memory_space<vmem>> -> memref<8x128xf32, #tpu.memory_space<vmem>>
        %dma_start3A_412 = arith.constant 0 : i32
        %dma_start3A_413 = tpu.memref_slice %arg5[%add3A_408, %dma_start3A_412] : memref<20000x128xf32, #tpu.memory_space<hbm>> -> memref<8x128xf32, #tpu.memory_space<hbm>>
        %dma_start3A_414 = arith.constant 0 : i32
        %dma_start3A_415 = tpu.memref_slice %arg5[%add3A_408, %dma_start3A_414] : memref<20000x128xf32, #tpu.memory_space<hbm>> -> memref<8x128xf32, #tpu.memory_space<hbm>>
        %dma_start3A_416 = arith.constant 0 : i32
        %dma_start3A_417 = arith.constant 0 : i32
        %dma_start3A_418 = tpu.memref_slice %arg12[%dma_start3A_416, %dma_start3A_417] : memref<312x128xf32, #tpu.memory_space<vmem>> -> memref<8x128xf32, #tpu.memory_space<vmem>>
        tpu.enqueue_dma source(%dma_start3A_418 : memref<8x128xf32, #tpu.memory_space<vmem>>) target(%dma_start3A_415 : memref<8x128xf32, #tpu.memory_space<hbm>>) target_semaphore(%run_scoped3A : memref<!tpu.dma_semaphore, #tpu.memory_space<semaphore_mem>>)
        %dma_wait3A_419 = arith.constant 0 : i32
        %dma_wait3A_420 = arith.constant 0 : i32
        %dma_wait3A_421 = tpu.memref_slice %arg12[%dma_wait3A_419, %dma_wait3A_420] : memref<312x128xf32, #tpu.memory_space<vmem>> -> memref<8x128xf32, #tpu.memory_space<vmem>>
        %dma_wait3A_422 = arith.constant 0 : i32
        %dma_wait3A_423 = tpu.memref_slice %arg5[%add3A_408, %dma_wait3A_422] : memref<20000x128xf32, #tpu.memory_space<hbm>> -> memref<8x128xf32, #tpu.memory_space<hbm>>
        %dma_wait3A_424 = arith.constant 0 : i32
        %dma_wait3A_425 = tpu.memref_slice %arg5[%add3A_408, %dma_wait3A_424] : memref<20000x128xf32, #tpu.memory_space<hbm>> -> memref<8x128xf32, #tpu.memory_space<hbm>>
        %dma_wait3A_426 = arith.constant 0 : i32
        %dma_wait3A_427 = arith.constant 0 : i32
        %dma_wait3A_428 = tpu.memref_slice %arg12[%dma_wait3A_426, %dma_wait3A_427] : memref<312x128xf32, #tpu.memory_space<vmem>> -> memref<8x128xf32, #tpu.memory_space<vmem>>
        tpu.wait_dma2 semaphore(%run_scoped3A : memref<!tpu.dma_semaphore, #tpu.memory_space<semaphore_mem>>) src(%dma_wait3A_428 : memref<8x128xf32, #tpu.memory_space<vmem>>) dst(%dma_wait3A_425 : memref<8x128xf32, #tpu.memory_space<hbm>>)
        tpu.yield
      }) : () -> ()
    } else {
    }
    %barrier3A_404 = arith.constant 0 : index
    tpu.barrier barrier_id(%barrier3A_404)
    return
  }
}

module attributes {stable_mosaic.version = 14 : i64} {
  func.func @_mm1_body(%arg0: i32, %arg1: i32, %arg2: memref<1000x256xf32, #tpu.memory_space<vmem>>, %arg3: memref<256x128xf32, #tpu.memory_space<vmem>>, %arg4: memref<1000x2xf32, #tpu.memory_space<vmem>>, %arg5: memref<1x1000x128xf32, #tpu.memory_space<vmem>>) attributes {dimension_semantics = [#tpu.dimension_semantics<arbitrary>, #tpu.dimension_semantics<arbitrary>], iteration_bounds = array<i64: 2, 10>, scalar_prefetch = 0 : i64, scratch_operands = 0 : i64, tpu.core_type = #tpu.core_type<tc>, window_params = [{transform_indices = @transform_0, window_bounds = array<i64: 1000, 256>}, {transform_indices = @transform_1, window_bounds = array<i64: 256, 128>}, {transform_indices = @transform_2, window_bounds = array<i64: 1000, 2>}, {transform_indices = @transform_3, window_bounds = array<i64: 1, 1000, 128>}]} {
    %get3A = arith.constant 0 : index
    %get3A_0 = arith.constant 0 : index
    %get3A_1 = vector.load %arg4[%get3A, %get3A_0] : memref<1000x2xf32, #tpu.memory_space<vmem>>, vector<1000x1xf32>
    %get3A_2 = vector.shape_cast %get3A_1 : vector<1000x1xf32> to vector<1000xf32>
    %get3A_3 = arith.constant 0 : index
    %get3A_4 = arith.constant 1 : index
    %get3A_5 = vector.load %arg4[%get3A_3, %get3A_4] : memref<1000x2xf32, #tpu.memory_space<vmem>>, vector<1000x1xf32>
    %get3A_6 = vector.shape_cast %get3A_5 : vector<1000x1xf32> to vector<1000xf32>
    %add3A = arith.addf %get3A_2, %get3A_6 : vector<1000xf32>
    %add3A_7 = arith.constant 1.000000e+00 : f32
    %add3A_8 = vector.broadcast %add3A_7 : f32 to vector<1000xf32>
    %add3A_9 = arith.addf %add3A, %add3A_8 : vector<1000xf32>
    %rsqrt3A = math.rsqrt %add3A_9 : vector<1000xf32>
    %broadcast_in_dim3A = vector.shape_cast %rsqrt3A : vector<1000xf32> to vector<1000x1xf32>
    %get3A_10 = arith.constant 0 : index
    %get3A_11 = arith.constant 0 : index
    %get3A_12 = vector.load %arg2[%get3A_10, %get3A_11] : memref<1000x256xf32, #tpu.memory_space<vmem>>, vector<1000x256xf32>
    %get3A_13 = arith.constant 0 : index
    %get3A_14 = arith.constant 0 : index
    %get3A_15 = vector.load %arg3[%get3A_13, %get3A_14] : memref<256x128xf32, #tpu.memory_space<vmem>>, vector<256x128xf32>
    %dot_general3A = arith.constant dense<0.000000e+00> : vector<1000x128xf32>
    %dot_general3A_16 = tpu.matmul %get3A_12, %get3A_15, %dot_general3A {dimension_numbers = #tpu.dot_dimension_numbers<[1], [0], [0], [1], [0, 0, 1, 1], [], []>, precision = #tpu.contract_precision<fp32>, transpose_lhs_hint = false} : vector<1000x256xf32>, vector<256x128xf32>, vector<1000x128xf32> -> vector<1000x128xf32>
    %mul3A = vector.broadcast %broadcast_in_dim3A : vector<1000x1xf32> to vector<1000x128xf32>
    %mul3A_17 = arith.mulf %dot_general3A_16, %mul3A : vector<1000x128xf32>
    %swap3A = arith.constant 0 : index
    %swap3A_18 = arith.constant 0 : index
    %swap3A_19 = arith.constant 0 : index
    %swap3A_20 = vector.load %arg5[%swap3A, %swap3A_18, %swap3A_19] : memref<1x1000x128xf32, #tpu.memory_space<vmem>>, vector<1x1000x128xf32>
    %swap3A_21 = vector.shape_cast %swap3A_20 : vector<1x1000x128xf32> to vector<1000x128xf32>
    %swap3A_22 = vector.shape_cast %mul3A_17 : vector<1000x128xf32> to vector<1x1000x128xf32>
    tpu.vector_store %arg5[%swap3A, %swap3A_18, %swap3A_19], %swap3A_22 {strides = array<i32>} : memref<1x1000x128xf32, #tpu.memory_space<vmem>>, vector<1x1000x128xf32>,
    return
  }
  func.func @transform_0(%arg0: i32, %arg1: i32) -> (i32, i32) {
    %c0_i32 = arith.constant 0 : i32
    %c0_i32_0 = arith.constant 0 : i32
    return %arg1, %c0_i32 : i32, i32
  }
  func.func @transform_1(%arg0: i32, %arg1: i32) -> (i32, i32) {
    %c0_i32 = arith.constant 0 : i32
    %c0_i32_0 = arith.constant 0 : i32
    return %c0_i32, %arg0 : i32, i32
  }
  func.func @transform_2(%arg0: i32, %arg1: i32) -> (i32, i32) {
    %c0_i32 = arith.constant 0 : i32
    %c0_i32_0 = arith.constant 0 : i32
    return %arg1, %c0_i32 : i32, i32
  }
  func.func @transform_3(%arg0: i32, %arg1: i32) -> (i32, i32, i32) {
    %c0_i32 = arith.constant 0 : i32
    %c0_i32_0 = arith.constant 0 : i32
    return %arg0, %arg1, %c0_i32 : i32, i32, i32
  }
}

module attributes {stable_mosaic.version = 14 : i64} {
  func.func @_ln_mm_body(%arg0: i32, %arg1: i32, %arg2: memref<2x1000x128xf32, #tpu.memory_space<vmem>>, %arg3: memref<1000x2xf32, #tpu.memory_space<vmem>>, %arg4: memref<2x128xf32, #tpu.memory_space<vmem>>, %arg5: memref<2x128xf32, #tpu.memory_space<vmem>>, %arg6: memref<2x128xf32, #tpu.memory_space<vmem>>, %arg7: memref<256x128xf32, #tpu.memory_space<vmem>>, %arg8: memref<1x1000x128xf32, #tpu.memory_space<vmem>>) attributes {dimension_semantics = [#tpu.dimension_semantics<arbitrary>, #tpu.dimension_semantics<arbitrary>], iteration_bounds = array<i64: 2, 10>, scalar_prefetch = 0 : i64, scratch_operands = 0 : i64, tpu.core_type = #tpu.core_type<tc>, window_params = [{transform_indices = @transform_0, window_bounds = array<i64: 2, 1000, 128>}, {transform_indices = @transform_1, window_bounds = array<i64: 1000, 2>}, {pipeline_mode = #tpu.pipeline_mode<synchronous>, transform_indices = @transform_2, window_bounds = array<i64: 2, 128>}, {pipeline_mode = #tpu.pipeline_mode<synchronous>, transform_indices = @transform_3, window_bounds = array<i64: 2, 128>}, {pipeline_mode = #tpu.pipeline_mode<synchronous>, transform_indices = @transform_4, window_bounds = array<i64: 2, 128>}, {transform_indices = @transform_5, window_bounds = array<i64: 256, 128>}, {transform_indices = @transform_6, window_bounds = array<i64: 1, 1000, 128>}]} {
    %get3A = arith.constant 0 : index
    %get3A_0 = arith.constant 0 : index
    %get3A_1 = vector.load %arg3[%get3A, %get3A_0] : memref<1000x2xf32, #tpu.memory_space<vmem>>, vector<1000x1xf32>
    %get3A_2 = vector.shape_cast %get3A_1 : vector<1000x1xf32> to vector<1000xf32>
    %get3A_3 = arith.constant 0 : index
    %get3A_4 = arith.constant 1 : index
    %get3A_5 = vector.load %arg3[%get3A_3, %get3A_4] : memref<1000x2xf32, #tpu.memory_space<vmem>>, vector<1000x1xf32>
    %get3A_6 = vector.shape_cast %get3A_5 : vector<1000x1xf32> to vector<1000xf32>
    %add3A = arith.addf %get3A_2, %get3A_6 : vector<1000xf32>
    %add3A_7 = arith.constant 1.000000e+00 : f32
    %add3A_8 = vector.broadcast %add3A_7 : f32 to vector<1000xf32>
    %add3A_9 = arith.addf %add3A, %add3A_8 : vector<1000xf32>
    %rsqrt3A = math.rsqrt %add3A_9 : vector<1000xf32>
    %broadcast_in_dim3A = vector.shape_cast %rsqrt3A : vector<1000xf32> to vector<1000x1xf32>
    %get3A_10 = arith.constant 0 : index
    %get3A_11 = arith.constant 0 : index
    %get3A_12 = arith.constant 0 : index
    %get3A_13 = vector.load %arg2[%get3A_10, %get3A_11, %get3A_12] : memref<2x1000x128xf32, #tpu.memory_space<vmem>>, vector<1x1000x128xf32>
    %get3A_14 = vector.shape_cast %get3A_13 : vector<1x1000x128xf32> to vector<1000x128xf32>
    %mul3A = vector.broadcast %broadcast_in_dim3A : vector<1000x1xf32> to vector<1000x128xf32>
    %mul3A_15 = arith.mulf %get3A_14, %mul3A : vector<1000x128xf32>
    %get3A_16 = arith.constant 0 : index
    %get3A_17 = arith.constant 0 : index
    %get3A_18 = vector.load %arg4[%get3A_16, %get3A_17] : memref<2x128xf32, #tpu.memory_space<vmem>>, vector<1x128xf32>
    %get3A_19 = vector.shape_cast %get3A_18 : vector<1x128xf32> to vector<128xf32>
    %broadcast_in_dim3A_20 = vector.shape_cast %get3A_19 : vector<128xf32> to vector<1x128xf32>
    %add3A_21 = vector.broadcast %broadcast_in_dim3A_20 : vector<1x128xf32> to vector<1000x128xf32>
    %add3A_22 = arith.addf %mul3A_15, %add3A_21 : vector<1000x128xf32>
    %get3A_23 = arith.constant 1 : index
    %get3A_24 = arith.constant 0 : index
    %get3A_25 = arith.constant 0 : index
    %get3A_26 = vector.load %arg2[%get3A_23, %get3A_24, %get3A_25] : memref<2x1000x128xf32, #tpu.memory_space<vmem>>, vector<1x1000x128xf32>
    %get3A_27 = vector.shape_cast %get3A_26 : vector<1x1000x128xf32> to vector<1000x128xf32>
    %mul3A_28 = vector.broadcast %broadcast_in_dim3A : vector<1000x1xf32> to vector<1000x128xf32>
    %mul3A_29 = arith.mulf %get3A_27, %mul3A_28 : vector<1000x128xf32>
    %get3A_30 = arith.constant 1 : index
    %get3A_31 = arith.constant 0 : index
    %get3A_32 = vector.load %arg4[%get3A_30, %get3A_31] : memref<2x128xf32, #tpu.memory_space<vmem>>, vector<1x128xf32>
    %get3A_33 = vector.shape_cast %get3A_32 : vector<1x128xf32> to vector<128xf32>
    %broadcast_in_dim3A_34 = vector.shape_cast %get3A_33 : vector<128xf32> to vector<1x128xf32>
    %add3A_35 = vector.broadcast %broadcast_in_dim3A_34 : vector<1x128xf32> to vector<1000x128xf32>
    %add3A_36 = arith.addf %mul3A_29, %add3A_35 : vector<1000x128xf32>
    %reduce_sum3A = arith.constant dense<0.000000e+00> : vector<1000xf32>
    %reduce_sum3A_37 = vector.multi_reduction <add>, %add3A_22, %reduce_sum3A [1] : vector<1000x128xf32> to vector<1000xf32>
    %reduce_sum3A_38 = arith.constant dense<0.000000e+00> : vector<1000xf32>
    %reduce_sum3A_39 = vector.multi_reduction <add>, %add3A_36, %reduce_sum3A_38 [1] : vector<1000x128xf32> to vector<1000xf32>
    %add3A_40 = arith.addf %reduce_sum3A_37, %reduce_sum3A_39 : vector<1000xf32>
    %mul3A_41 = arith.constant 3.906250e-03 : f32
    %mul3A_42 = vector.broadcast %mul3A_41 : f32 to vector<1000xf32>
    %mul3A_43 = arith.mulf %add3A_40, %mul3A_42 : vector<1000xf32>
    %broadcast_in_dim3A_44 = vector.shape_cast %mul3A_43 : vector<1000xf32> to vector<1000x1xf32>
    %sub3A = vector.broadcast %broadcast_in_dim3A_44 : vector<1000x1xf32> to vector<1000x128xf32>
    %sub3A_45 = arith.subf %add3A_22, %sub3A : vector<1000x128xf32>
    %broadcast_in_dim3A_46 = vector.shape_cast %mul3A_43 : vector<1000xf32> to vector<1000x1xf32>
    %sub3A_47 = vector.broadcast %broadcast_in_dim3A_46 : vector<1000x1xf32> to vector<1000x128xf32>
    %sub3A_48 = arith.subf %add3A_36, %sub3A_47 : vector<1000x128xf32>
    %mul3A_49 = arith.mulf %sub3A_45, %sub3A_45 : vector<1000x128xf32>
    %reduce_sum3A_50 = arith.constant dense<0.000000e+00> : vector<1000xf32>
    %reduce_sum3A_51 = vector.multi_reduction <add>, %mul3A_49, %reduce_sum3A_50 [1] : vector<1000x128xf32> to vector<1000xf32>
    %mul3A_52 = arith.mulf %sub3A_48, %sub3A_48 : vector<1000x128xf32>
    %reduce_sum3A_53 = arith.constant dense<0.000000e+00> : vector<1000xf32>
    %reduce_sum3A_54 = vector.multi_reduction <add>, %mul3A_52, %reduce_sum3A_53 [1] : vector<1000x128xf32> to vector<1000xf32>
    %add3A_55 = arith.addf %reduce_sum3A_51, %reduce_sum3A_54 : vector<1000xf32>
    %mul3A_56 = arith.constant 3.906250e-03 : f32
    %mul3A_57 = vector.broadcast %mul3A_56 : f32 to vector<1000xf32>
    %mul3A_58 = arith.mulf %add3A_55, %mul3A_57 : vector<1000xf32>
    %add3A_59 = arith.constant 9.99999974E-6 : f32
    %add3A_60 = vector.broadcast %add3A_59 : f32 to vector<1000xf32>
    %add3A_61 = arith.addf %mul3A_58, %add3A_60 : vector<1000xf32>
    %rsqrt3A_62 = math.rsqrt %add3A_61 : vector<1000xf32>
    %broadcast_in_dim3A_63 = vector.shape_cast %rsqrt3A_62 : vector<1000xf32> to vector<1000x1xf32>
    %mul3A_64 = vector.broadcast %broadcast_in_dim3A_63 : vector<1000x1xf32> to vector<1000x128xf32>
    %mul3A_65 = arith.mulf %sub3A_45, %mul3A_64 : vector<1000x128xf32>
    %get3A_66 = arith.constant 0 : index
    %get3A_67 = arith.constant 0 : index
    %get3A_68 = vector.load %arg5[%get3A_66, %get3A_67] : memref<2x128xf32, #tpu.memory_space<vmem>>, vector<1x128xf32>
    %get3A_69 = vector.shape_cast %get3A_68 : vector<1x128xf32> to vector<128xf32>
    %broadcast_in_dim3A_70 = vector.shape_cast %get3A_69 : vector<128xf32> to vector<1x128xf32>
    %mul3A_71 = vector.broadcast %broadcast_in_dim3A_70 : vector<1x128xf32> to vector<1000x128xf32>
    %mul3A_72 = arith.mulf %mul3A_65, %mul3A_71 : vector<1000x128xf32>
    %get3A_73 = arith.constant 0 : index
    %get3A_74 = arith.constant 0 : index
    %get3A_75 = vector.load %arg6[%get3A_73, %get3A_74] : memref<2x128xf32, #tpu.memory_space<vmem>>, vector<1x128xf32>
    %get3A_76 = vector.shape_cast %get3A_75 : vector<1x128xf32> to vector<128xf32>
    %broadcast_in_dim3A_77 = vector.shape_cast %get3A_76 : vector<128xf32> to vector<1x128xf32>
    %add3A_78 = vector.broadcast %broadcast_in_dim3A_77 : vector<1x128xf32> to vector<1000x128xf32>
    %add3A_79 = arith.addf %mul3A_72, %add3A_78 : vector<1000x128xf32>
    %max3A = arith.constant 0.000000e+00 : f32
    %max3A_80 = vector.broadcast %max3A : f32 to vector<1000x128xf32>
    %max3A_81 = arith.maximumf %add3A_79, %max3A_80 : vector<1000x128xf32>
    %mul3A_82 = vector.broadcast %broadcast_in_dim3A_63 : vector<1000x1xf32> to vector<1000x128xf32>
    %mul3A_83 = arith.mulf %sub3A_48, %mul3A_82 : vector<1000x128xf32>
    %get3A_84 = arith.constant 1 : index
    %get3A_85 = arith.constant 0 : index
    %get3A_86 = vector.load %arg5[%get3A_84, %get3A_85] : memref<2x128xf32, #tpu.memory_space<vmem>>, vector<1x128xf32>
    %get3A_87 = vector.shape_cast %get3A_86 : vector<1x128xf32> to vector<128xf32>
    %broadcast_in_dim3A_88 = vector.shape_cast %get3A_87 : vector<128xf32> to vector<1x128xf32>
    %mul3A_89 = vector.broadcast %broadcast_in_dim3A_88 : vector<1x128xf32> to vector<1000x128xf32>
    %mul3A_90 = arith.mulf %mul3A_83, %mul3A_89 : vector<1000x128xf32>
    %get3A_91 = arith.constant 1 : index
    %get3A_92 = arith.constant 0 : index
    %get3A_93 = vector.load %arg6[%get3A_91, %get3A_92] : memref<2x128xf32, #tpu.memory_space<vmem>>, vector<1x128xf32>
    %get3A_94 = vector.shape_cast %get3A_93 : vector<1x128xf32> to vector<128xf32>
    %broadcast_in_dim3A_95 = vector.shape_cast %get3A_94 : vector<128xf32> to vector<1x128xf32>
    %add3A_96 = vector.broadcast %broadcast_in_dim3A_95 : vector<1x128xf32> to vector<1000x128xf32>
    %add3A_97 = arith.addf %mul3A_90, %add3A_96 : vector<1000x128xf32>
    %max3A_98 = arith.constant 0.000000e+00 : f32
    %max3A_99 = vector.broadcast %max3A_98 : f32 to vector<1000x128xf32>
    %max3A_100 = arith.maximumf %add3A_97, %max3A_99 : vector<1000x128xf32>
    %concatenate3A = tpu.concatenate %max3A_81, %max3A_100 in 1 : vector<1000x128xf32>, vector<1000x128xf32> -> vector<1000x256xf32>
    %get3A_101 = arith.constant 0 : index
    %get3A_102 = arith.constant 0 : index
    %get3A_103 = vector.load %arg7[%get3A_101, %get3A_102] : memref<256x128xf32, #tpu.memory_space<vmem>>, vector<256x128xf32>
    %dot_general3A = arith.constant dense<0.000000e+00> : vector<1000x128xf32>
    %dot_general3A_104 = tpu.matmul %concatenate3A, %get3A_103, %dot_general3A {dimension_numbers = #tpu.dot_dimension_numbers<[1], [0], [0], [1], [0, 0, 1, 1], [], []>, precision = #tpu.contract_precision<fp32>, transpose_lhs_hint = false} : vector<1000x256xf32>, vector<256x128xf32>, vector<1000x128xf32> -> vector<1000x128xf32>
    %mul3A_105 = vector.broadcast %broadcast_in_dim3A : vector<1000x1xf32> to vector<1000x128xf32>
    %mul3A_106 = arith.mulf %dot_general3A_104, %mul3A_105 : vector<1000x128xf32>
    %swap3A = arith.constant 0 : index
    %swap3A_107 = arith.constant 0 : index
    %swap3A_108 = arith.constant 0 : index
    %swap3A_109 = vector.load %arg8[%swap3A, %swap3A_107, %swap3A_108] : memref<1x1000x128xf32, #tpu.memory_space<vmem>>, vector<1x1000x128xf32>
    %swap3A_110 = vector.shape_cast %swap3A_109 : vector<1x1000x128xf32> to vector<1000x128xf32>
    %swap3A_111 = vector.shape_cast %mul3A_106 : vector<1000x128xf32> to vector<1x1000x128xf32>
    tpu.vector_store %arg8[%swap3A, %swap3A_107, %swap3A_108], %swap3A_111 {strides = array<i32>} : memref<1x1000x128xf32, #tpu.memory_space<vmem>>, vector<1x1000x128xf32>,
    return
  }
  func.func @transform_0(%arg0: i32, %arg1: i32) -> (i32, i32, i32) {
    %c0_i32 = arith.constant 0 : i32
    %c0_i32_0 = arith.constant 0 : i32
    %c0_i32_1 = arith.constant 0 : i32
    return %c0_i32, %arg1, %c0_i32_0 : i32, i32, i32
  }
  func.func @transform_1(%arg0: i32, %arg1: i32) -> (i32, i32) {
    %c0_i32 = arith.constant 0 : i32
    %c0_i32_0 = arith.constant 0 : i32
    return %arg1, %c0_i32 : i32, i32
  }
  func.func @transform_2(%arg0: i32, %arg1: i32) -> (i32, i32) {
    %c0_i32 = arith.constant 0 : i32
    %c0_i32_0 = arith.constant 0 : i32
    %c0_i32_1 = arith.constant 0 : i32
    return %c0_i32, %c0_i32_0 : i32, i32
  }
  func.func @transform_3(%arg0: i32, %arg1: i32) -> (i32, i32) {
    %c0_i32 = arith.constant 0 : i32
    %c0_i32_0 = arith.constant 0 : i32
    %c0_i32_1 = arith.constant 0 : i32
    return %c0_i32, %c0_i32_0 : i32, i32
  }
  func.func @transform_4(%arg0: i32, %arg1: i32) -> (i32, i32) {
    %c0_i32 = arith.constant 0 : i32
    %c0_i32_0 = arith.constant 0 : i32
    %c0_i32_1 = arith.constant 0 : i32
    return %c0_i32, %c0_i32_0 : i32, i32
  }
  func.func @transform_5(%arg0: i32, %arg1: i32) -> (i32, i32) {
    %c0_i32 = arith.constant 0 : i32
    %c0_i32_0 = arith.constant 0 : i32
    return %c0_i32, %arg0 : i32, i32
  }
  func.func @transform_6(%arg0: i32, %arg1: i32) -> (i32, i32, i32) {
    %c0_i32 = arith.constant 0 : i32
    %c0_i32_0 = arith.constant 0 : i32
    return %arg0, %arg1, %c0_i32 : i32, i32, i32
  }
}

module attributes {stable_mosaic.version = 14 : i64} {
  func.func @_head_body(%arg0: i32, %arg1: memref<2x1000x128xf32, #tpu.memory_space<vmem>>, %arg2: memref<1000x2xf32, #tpu.memory_space<vmem>>, %arg3: memref<2x128xf32, #tpu.memory_space<vmem>>, %arg4: memref<2x128xf32, #tpu.memory_space<vmem>>, %arg5: memref<2x128xf32, #tpu.memory_space<vmem>>, %arg6: memref<256x128xf32, #tpu.memory_space<vmem>>, %arg7: memref<1x128xf32, #tpu.memory_space<vmem>>, %arg8: memref<128x128xf32, #tpu.memory_space<vmem>>, %arg9: memref<1x128xf32, #tpu.memory_space<vmem>>, %arg10: memref<1000x128xf32, #tpu.memory_space<vmem>>) attributes {dimension_semantics = [#tpu.dimension_semantics<arbitrary>], iteration_bounds = array<i64: 10>, scalar_prefetch = 0 : i64, scratch_operands = 0 : i64, tpu.core_type = #tpu.core_type<tc>, window_params = [{transform_indices = @transform_0, window_bounds = array<i64: 2, 1000, 128>}, {transform_indices = @transform_1, window_bounds = array<i64: 1000, 2>}, {pipeline_mode = #tpu.pipeline_mode<synchronous>, transform_indices = @transform_2, window_bounds = array<i64: 2, 128>}, {pipeline_mode = #tpu.pipeline_mode<synchronous>, transform_indices = @transform_3, window_bounds = array<i64: 2, 128>}, {pipeline_mode = #tpu.pipeline_mode<synchronous>, transform_indices = @transform_4, window_bounds = array<i64: 2, 128>}, {pipeline_mode = #tpu.pipeline_mode<synchronous>, transform_indices = @transform_5, window_bounds = array<i64: 256, 128>}, {pipeline_mode = #tpu.pipeline_mode<synchronous>, transform_indices = @transform_6, window_bounds = array<i64: 1, 128>}, {pipeline_mode = #tpu.pipeline_mode<synchronous>, transform_indices = @transform_7, window_bounds = array<i64: 128, 128>}, {pipeline_mode = #tpu.pipeline_mode<synchronous>, transform_indices = @transform_8, window_bounds = array<i64: 1, 128>}, {transform_indices = @transform_9, window_bounds = array<i64: 1000, 128>}]} {
    %get3A = arith.constant 0 : index
    %get3A_0 = arith.constant 0 : index
    %get3A_1 = vector.load %arg2[%get3A, %get3A_0] : memref<1000x2xf32, #tpu.memory_space<vmem>>, vector<1000x1xf32>
    %get3A_2 = vector.shape_cast %get3A_1 : vector<1000x1xf32> to vector<1000xf32>
    %get3A_3 = arith.constant 0 : index
    %get3A_4 = arith.constant 1 : index
    %get3A_5 = vector.load %arg2[%get3A_3, %get3A_4] : memref<1000x2xf32, #tpu.memory_space<vmem>>, vector<1000x1xf32>
    %get3A_6 = vector.shape_cast %get3A_5 : vector<1000x1xf32> to vector<1000xf32>
    %add3A = arith.addf %get3A_2, %get3A_6 : vector<1000xf32>
    %add3A_7 = arith.constant 1.000000e+00 : f32
    %add3A_8 = vector.broadcast %add3A_7 : f32 to vector<1000xf32>
    %add3A_9 = arith.addf %add3A, %add3A_8 : vector<1000xf32>
    %rsqrt3A = math.rsqrt %add3A_9 : vector<1000xf32>
    %broadcast_in_dim3A = vector.shape_cast %rsqrt3A : vector<1000xf32> to vector<1000x1xf32>
    %get3A_10 = arith.constant 0 : index
    %get3A_11 = arith.constant 0 : index
    %get3A_12 = arith.constant 0 : index
    %get3A_13 = vector.load %arg1[%get3A_10, %get3A_11, %get3A_12] : memref<2x1000x128xf32, #tpu.memory_space<vmem>>, vector<1x1000x128xf32>
    %get3A_14 = vector.shape_cast %get3A_13 : vector<1x1000x128xf32> to vector<1000x128xf32>
    %mul3A = vector.broadcast %broadcast_in_dim3A : vector<1000x1xf32> to vector<1000x128xf32>
    %mul3A_15 = arith.mulf %get3A_14, %mul3A : vector<1000x128xf32>
    %get3A_16 = arith.constant 0 : index
    %get3A_17 = arith.constant 0 : index
    %get3A_18 = vector.load %arg3[%get3A_16, %get3A_17] : memref<2x128xf32, #tpu.memory_space<vmem>>, vector<1x128xf32>
    %get3A_19 = vector.shape_cast %get3A_18 : vector<1x128xf32> to vector<128xf32>
    %broadcast_in_dim3A_20 = vector.shape_cast %get3A_19 : vector<128xf32> to vector<1x128xf32>
    %add3A_21 = vector.broadcast %broadcast_in_dim3A_20 : vector<1x128xf32> to vector<1000x128xf32>
    %add3A_22 = arith.addf %mul3A_15, %add3A_21 : vector<1000x128xf32>
    %get3A_23 = arith.constant 1 : index
    %get3A_24 = arith.constant 0 : index
    %get3A_25 = arith.constant 0 : index
    %get3A_26 = vector.load %arg1[%get3A_23, %get3A_24, %get3A_25] : memref<2x1000x128xf32, #tpu.memory_space<vmem>>, vector<1x1000x128xf32>
    %get3A_27 = vector.shape_cast %get3A_26 : vector<1x1000x128xf32> to vector<1000x128xf32>
    %mul3A_28 = vector.broadcast %broadcast_in_dim3A : vector<1000x1xf32> to vector<1000x128xf32>
    %mul3A_29 = arith.mulf %get3A_27, %mul3A_28 : vector<1000x128xf32>
    %get3A_30 = arith.constant 1 : index
    %get3A_31 = arith.constant 0 : index
    %get3A_32 = vector.load %arg3[%get3A_30, %get3A_31] : memref<2x128xf32, #tpu.memory_space<vmem>>, vector<1x128xf32>
    %get3A_33 = vector.shape_cast %get3A_32 : vector<1x128xf32> to vector<128xf32>
    %broadcast_in_dim3A_34 = vector.shape_cast %get3A_33 : vector<128xf32> to vector<1x128xf32>
    %add3A_35 = vector.broadcast %broadcast_in_dim3A_34 : vector<1x128xf32> to vector<1000x128xf32>
    %add3A_36 = arith.addf %mul3A_29, %add3A_35 : vector<1000x128xf32>
    %reduce_sum3A = arith.constant dense<0.000000e+00> : vector<1000xf32>
    %reduce_sum3A_37 = vector.multi_reduction <add>, %add3A_22, %reduce_sum3A [1] : vector<1000x128xf32> to vector<1000xf32>
    %reduce_sum3A_38 = arith.constant dense<0.000000e+00> : vector<1000xf32>
    %reduce_sum3A_39 = vector.multi_reduction <add>, %add3A_36, %reduce_sum3A_38 [1] : vector<1000x128xf32> to vector<1000xf32>
    %add3A_40 = arith.addf %reduce_sum3A_37, %reduce_sum3A_39 : vector<1000xf32>
    %mul3A_41 = arith.constant 3.906250e-03 : f32
    %mul3A_42 = vector.broadcast %mul3A_41 : f32 to vector<1000xf32>
    %mul3A_43 = arith.mulf %add3A_40, %mul3A_42 : vector<1000xf32>
    %broadcast_in_dim3A_44 = vector.shape_cast %mul3A_43 : vector<1000xf32> to vector<1000x1xf32>
    %sub3A = vector.broadcast %broadcast_in_dim3A_44 : vector<1000x1xf32> to vector<1000x128xf32>
    %sub3A_45 = arith.subf %add3A_22, %sub3A : vector<1000x128xf32>
    %broadcast_in_dim3A_46 = vector.shape_cast %mul3A_43 : vector<1000xf32> to vector<1000x1xf32>
    %sub3A_47 = vector.broadcast %broadcast_in_dim3A_46 : vector<1000x1xf32> to vector<1000x128xf32>
    %sub3A_48 = arith.subf %add3A_36, %sub3A_47 : vector<1000x128xf32>
    %mul3A_49 = arith.mulf %sub3A_45, %sub3A_45 : vector<1000x128xf32>
    %reduce_sum3A_50 = arith.constant dense<0.000000e+00> : vector<1000xf32>
    %reduce_sum3A_51 = vector.multi_reduction <add>, %mul3A_49, %reduce_sum3A_50 [1] : vector<1000x128xf32> to vector<1000xf32>
    %mul3A_52 = arith.mulf %sub3A_48, %sub3A_48 : vector<1000x128xf32>
    %reduce_sum3A_53 = arith.constant dense<0.000000e+00> : vector<1000xf32>
    %reduce_sum3A_54 = vector.multi_reduction <add>, %mul3A_52, %reduce_sum3A_53 [1] : vector<1000x128xf32> to vector<1000xf32>
    %add3A_55 = arith.addf %reduce_sum3A_51, %reduce_sum3A_54 : vector<1000xf32>
    %mul3A_56 = arith.constant 3.906250e-03 : f32
    %mul3A_57 = vector.broadcast %mul3A_56 : f32 to vector<1000xf32>
    %mul3A_58 = arith.mulf %add3A_55, %mul3A_57 : vector<1000xf32>
    %add3A_59 = arith.constant 9.99999974E-6 : f32
    %add3A_60 = vector.broadcast %add3A_59 : f32 to vector<1000xf32>
    %add3A_61 = arith.addf %mul3A_58, %add3A_60 : vector<1000xf32>
    %rsqrt3A_62 = math.rsqrt %add3A_61 : vector<1000xf32>
    %broadcast_in_dim3A_63 = vector.shape_cast %rsqrt3A_62 : vector<1000xf32> to vector<1000x1xf32>
    %mul3A_64 = vector.broadcast %broadcast_in_dim3A_63 : vector<1000x1xf32> to vector<1000x128xf32>
    %mul3A_65 = arith.mulf %sub3A_45, %mul3A_64 : vector<1000x128xf32>
    %get3A_66 = arith.constant 0 : index
    %get3A_67 = arith.constant 0 : index
    %get3A_68 = vector.load %arg4[%get3A_66, %get3A_67] : memref<2x128xf32, #tpu.memory_space<vmem>>, vector<1x128xf32>
    %get3A_69 = vector.shape_cast %get3A_68 : vector<1x128xf32> to vector<128xf32>
    %broadcast_in_dim3A_70 = vector.shape_cast %get3A_69 : vector<128xf32> to vector<1x128xf32>
    %mul3A_71 = vector.broadcast %broadcast_in_dim3A_70 : vector<1x128xf32> to vector<1000x128xf32>
    %mul3A_72 = arith.mulf %mul3A_65, %mul3A_71 : vector<1000x128xf32>
    %get3A_73 = arith.constant 0 : index
    %get3A_74 = arith.constant 0 : index
    %get3A_75 = vector.load %arg5[%get3A_73, %get3A_74] : memref<2x128xf32, #tpu.memory_space<vmem>>, vector<1x128xf32>
    %get3A_76 = vector.shape_cast %get3A_75 : vector<1x128xf32> to vector<128xf32>
    %broadcast_in_dim3A_77 = vector.shape_cast %get3A_76 : vector<128xf32> to vector<1x128xf32>
    %add3A_78 = vector.broadcast %broadcast_in_dim3A_77 : vector<1x128xf32> to vector<1000x128xf32>
    %add3A_79 = arith.addf %mul3A_72, %add3A_78 : vector<1000x128xf32>
    %max3A = arith.constant 0.000000e+00 : f32
    %max3A_80 = vector.broadcast %max3A : f32 to vector<1000x128xf32>
    %max3A_81 = arith.maximumf %add3A_79, %max3A_80 : vector<1000x128xf32>
    %mul3A_82 = vector.broadcast %broadcast_in_dim3A_63 : vector<1000x1xf32> to vector<1000x128xf32>
    %mul3A_83 = arith.mulf %sub3A_48, %mul3A_82 : vector<1000x128xf32>
    %get3A_84 = arith.constant 1 : index
    %get3A_85 = arith.constant 0 : index
    %get3A_86 = vector.load %arg4[%get3A_84, %get3A_85] : memref<2x128xf32, #tpu.memory_space<vmem>>, vector<1x128xf32>
    %get3A_87 = vector.shape_cast %get3A_86 : vector<1x128xf32> to vector<128xf32>
    %broadcast_in_dim3A_88 = vector.shape_cast %get3A_87 : vector<128xf32> to vector<1x128xf32>
    %mul3A_89 = vector.broadcast %broadcast_in_dim3A_88 : vector<1x128xf32> to vector<1000x128xf32>
    %mul3A_90 = arith.mulf %mul3A_83, %mul3A_89 : vector<1000x128xf32>
    %get3A_91 = arith.constant 1 : index
    %get3A_92 = arith.constant 0 : index
    %get3A_93 = vector.load %arg5[%get3A_91, %get3A_92] : memref<2x128xf32, #tpu.memory_space<vmem>>, vector<1x128xf32>
    %get3A_94 = vector.shape_cast %get3A_93 : vector<1x128xf32> to vector<128xf32>
    %broadcast_in_dim3A_95 = vector.shape_cast %get3A_94 : vector<128xf32> to vector<1x128xf32>
    %add3A_96 = vector.broadcast %broadcast_in_dim3A_95 : vector<1x128xf32> to vector<1000x128xf32>
    %add3A_97 = arith.addf %mul3A_90, %add3A_96 : vector<1000x128xf32>
    %max3A_98 = arith.constant 0.000000e+00 : f32
    %max3A_99 = vector.broadcast %max3A_98 : f32 to vector<1000x128xf32>
    %max3A_100 = arith.maximumf %add3A_97, %max3A_99 : vector<1000x128xf32>
    %concatenate3A = tpu.concatenate %max3A_81, %max3A_100 in 1 : vector<1000x128xf32>, vector<1000x128xf32> -> vector<1000x256xf32>
    %get3A_101 = arith.constant 0 : index
    %get3A_102 = arith.constant 0 : index
    %get3A_103 = vector.load %arg6[%get3A_101, %get3A_102] : memref<256x128xf32, #tpu.memory_space<vmem>>, vector<256x128xf32>
    %dot_general3A = arith.constant dense<0.000000e+00> : vector<1000x128xf32>
    %dot_general3A_104 = tpu.matmul %concatenate3A, %get3A_103, %dot_general3A {dimension_numbers = #tpu.dot_dimension_numbers<[1], [0], [0], [1], [0, 0, 1, 1], [], []>, precision = #tpu.contract_precision<fp32>, transpose_lhs_hint = false} : vector<1000x256xf32>, vector<256x128xf32>, vector<1000x128xf32> -> vector<1000x128xf32>
    %get3A_105 = arith.constant 0 : index
    %get3A_106 = arith.constant 0 : index
    %get3A_107 = vector.load %arg7[%get3A_105, %get3A_106] : memref<1x128xf32, #tpu.memory_space<vmem>>, vector<1x128xf32>
    %get3A_108 = vector.shape_cast %get3A_107 : vector<1x128xf32> to vector<128xf32>
    %broadcast_in_dim3A_109 = vector.shape_cast %get3A_108 : vector<128xf32> to vector<1x128xf32>
    %add3A_110 = vector.broadcast %broadcast_in_dim3A_109 : vector<1x128xf32> to vector<1000x128xf32>
    %add3A_111 = arith.addf %dot_general3A_104, %add3A_110 : vector<1000x128xf32>
    %max3A_112 = arith.constant 0.000000e+00 : f32
    %max3A_113 = vector.broadcast %max3A_112 : f32 to vector<1000x128xf32>
    %max3A_114 = arith.maximumf %add3A_111, %max3A_113 : vector<1000x128xf32>
    %get3A_115 = arith.constant 0 : index
    %get3A_116 = arith.constant 0 : index
    %get3A_117 = vector.load %arg8[%get3A_115, %get3A_116] : memref<128x128xf32, #tpu.memory_space<vmem>>, vector<128x128xf32>
    %dot_general3A_118 = arith.constant dense<0.000000e+00> : vector<1000x128xf32>
    %dot_general3A_119 = tpu.matmul %max3A_114, %get3A_117, %dot_general3A_118 {dimension_numbers = #tpu.dot_dimension_numbers<[1], [0], [0], [1], [0, 0, 1, 1], [], []>, precision = #tpu.contract_precision<fp32>, transpose_lhs_hint = false} : vector<1000x128xf32>, vector<128x128xf32>, vector<1000x128xf32> -> vector<1000x128xf32>
    %get3A_120 = arith.constant 0 : index
    %get3A_121 = arith.constant 0 : index
    %get3A_122 = vector.load %arg9[%get3A_120, %get3A_121] : memref<1x128xf32, #tpu.memory_space<vmem>>, vector<1x128xf32>
    %get3A_123 = vector.shape_cast %get3A_122 : vector<1x128xf32> to vector<128xf32>
    %broadcast_in_dim3A_124 = vector.shape_cast %get3A_123 : vector<128xf32> to vector<1x128xf32>
    %add3A_125 = vector.broadcast %broadcast_in_dim3A_124 : vector<1x128xf32> to vector<1000x128xf32>
    %add3A_126 = arith.addf %dot_general3A_119, %add3A_125 : vector<1000x128xf32>
    %tanh3A = math.tanh %add3A_126 : vector<1000x128xf32>
    %swap3A = arith.constant 0 : index
    %swap3A_127 = arith.constant 0 : index
    %swap3A_128 = vector.load %arg10[%swap3A, %swap3A_127] : memref<1000x128xf32, #tpu.memory_space<vmem>>, vector<1000x128xf32>
    tpu.vector_store %arg10[%swap3A, %swap3A_127], %tanh3A {strides = array<i32>} : memref<1000x128xf32, #tpu.memory_space<vmem>>, vector<1000x128xf32>,
    return
  }
  func.func @transform_0(%arg0: i32) -> (i32, i32, i32) {
    %c0_i32 = arith.constant 0 : i32
    %c0_i32_0 = arith.constant 0 : i32
    %c0_i32_1 = arith.constant 0 : i32
    return %c0_i32, %arg0, %c0_i32_0 : i32, i32, i32
  }
  func.func @transform_1(%arg0: i32) -> (i32, i32) {
    %c0_i32 = arith.constant 0 : i32
    %c0_i32_0 = arith.constant 0 : i32
    return %arg0, %c0_i32 : i32, i32
  }
  func.func @transform_2(%arg0: i32) -> (i32, i32) {
    %c0_i32 = arith.constant 0 : i32
    %c0_i32_0 = arith.constant 0 : i32
    %c0_i32_1 = arith.constant 0 : i32
    return %c0_i32, %c0_i32_0 : i32, i32
  }
  func.func @transform_3(%arg0: i32) -> (i32, i32) {
    %c0_i32 = arith.constant 0 : i32
    %c0_i32_0 = arith.constant 0 : i32
    %c0_i32_1 = arith.constant 0 : i32
    return %c0_i32, %c0_i32_0 : i32, i32
  }
  func.func @transform_4(%arg0: i32) -> (i32, i32) {
    %c0_i32 = arith.constant 0 : i32
    %c0_i32_0 = arith.constant 0 : i32
    %c0_i32_1 = arith.constant 0 : i32
    return %c0_i32, %c0_i32_0 : i32, i32
  }
  func.func @transform_5(%arg0: i32) -> (i32, i32) {
    %c0_i32 = arith.constant 0 : i32
    %c0_i32_0 = arith.constant 0 : i32
    %c0_i32_1 = arith.constant 0 : i32
    return %c0_i32, %c0_i32_0 : i32, i32
  }
  func.func @transform_6(%arg0: i32) -> (i32, i32) {
    %c0_i32 = arith.constant 0 : i32
    %c0_i32_0 = arith.constant 0 : i32
    %c0_i32_1 = arith.constant 0 : i32
    return %c0_i32, %c0_i32_0 : i32, i32
  }
  func.func @transform_7(%arg0: i32) -> (i32, i32) {
    %c0_i32 = arith.constant 0 : i32
    %c0_i32_0 = arith.constant 0 : i32
    %c0_i32_1 = arith.constant 0 : i32
    return %c0_i32, %c0_i32_0 : i32, i32
  }
  func.func @transform_8(%arg0: i32) -> (i32, i32) {
    %c0_i32 = arith.constant 0 : i32
    %c0_i32_0 = arith.constant 0 : i32
    %c0_i32_1 = arith.constant 0 : i32
    return %c0_i32, %c0_i32_0 : i32, i32
  }
  func.func @transform_9(%arg0: i32) -> (i32, i32) {
    %c0_i32 = arith.constant 0 : i32
    %c0_i32_0 = arith.constant 0 : i32
    return %arg0, %c0_i32 : i32, i32
  }
}

</mosaic_0001>

<sc_bundles>
// kernel: closed_call.11.cloned.1.call-start
scs
__scs_entry_jumppad:
0x0: {  	(pc) =	sbr.rel $0x88, $3  }
0x1: {  	(tag) =	ssettag $0x0;
	lr =	simm.s32 $0x1  }
0x2: {  	[smem:$0x3F93] =	sst lr;
	_ =	strace $0xD0000000  }
0x3: {  	_ = 	snop  }
0x4: {  	_ = 	snop  }
0x5: {  	_ = 	snop  }
0x6: {  	_ = 	snop  }
0x7: {  	_ = 	snop  }
__scs_overlays_trampoline_lowered:
0x8: {  	[smem:$0x3FA2] =	sst s0  }
0x9: {  	[smem:$0x3FA3] =	sst s1  }
0xa: {  	[smem:$0x3FA4] =	sst s2  }
0xb: {  	[smem:$0x3FA5] =	sst s3  }
0xc: {  	[smem:$0x3FA6] =	sst s4  }
0xd: {  	[smem:$0x3FA7] =	sst s5  }
0xe: {  	[smem:$0x3FA8] =	sst s6  }
0xf: {  	[smem:$0x3FA9] =	sst s7  }
0x10: {  	[smem:$0x3FAA] =	sst s8  }
0x11: {  	[smem:$0x3FAB] =	sst s9;
	s0 =	simm.s32 @!p0 $0x0  }
0x12: {  	s1 =	sld [smem:$0x3F91];
	s0 =	simm.s32 @p0 $0x1  }
0x13: {  	[smem:$0x3FAC] =	sst s0;
	s0 =	simm.s32 @!p1 $0x0  }
0x14: {  	s2 =	sld [smem:$0x3F90];
	s0 =	simm.s32 @p1 $0x1  }
0x15: {  	[smem:$0x3FAD] =	sst s0;
	s0 =	simm.s32 @!p2 $0x0  }
0x16: {  	s3 =	sld [smem:$0x3FDB];
	s0 =	simm.s32 @p2 $0x1  }
0x17: {  	s4 =	simm.s32 $0x1BF5;
	[smem:$0x3FAF] =	sst s0  }
0x18: {  	s0 =	sld [smem:$0x3F92];
	_ =	swait.ge [sflag:s4], $0x0  }
0x19: {  	s7 =	sld [smem:$0x3F93]  }
0x1a: {  	s8 =	sadd.s32 $0xFFFFE003, lr  }
0x1b: {  	s9 =	sadd.s32 $0xFFFFFEF7, lr;
	s5 =	simm.s32 $0xFFFFFFFF;
	p2 =	slt.u32 s8, $0xFFFFF086  }
0x1c: {  	p1 =	slt.u32 s9, $0xF7A;
	s5 =	simm.s32 @!p2 $0x0  }
0x1d: {  	s5 =	simm.s32 @p1 $0x1;
	p0 =	seq.s32 s7, s2  }
0x1e: {  	s7 =	smul.u32 @!p0 $0xF7A, s2;
	p2 =	seq.s32 @!p0 s5, $0x0  }
0x1f: {  	s9 =	smul.u32 $0xF7A, s1;
	s8 =	simm.s32 @!p0 $0x1BF5;
	p2 =	por !p2, p0  }
0x20: {  	[sflag:s8] =	ssyncset.s32 @!p0 $0xFFFFF086;
	s6 =	sadd.s32 @!p0 s3, s7;
	s7 =	simm.s32 @!p0 $0x108  }
0x21: {  	s3 =	sadd.s32 s3, s9;
	s6 =	sadd.s32 @!p0 $0x88, s6;
	s7 =	simm.s32 @p2 $0x1082  }
0x22: {  	[simem:s7], [sflag:s8] =	dma.local @!p0 [hbm:s6], $0xF7A  }
0x23: {  	s9 =	sor.u32 $0xD0000000, s2;
	s6 =	simm.s32 $0x108;
	_ =	swait.ge @!p0 [sflag:s8], $0x0  }
0x24: {  	s3 =	sadd.s32 $0x88, s3;
	s6 =	simm.s32 @!p1 $0x1082;
	[sflag:s4] =	ssyncset.s32 $0xFFFFF086  }
0x25: {  	[simem:s6], [sflag:s4] =	dma.local [hbm:s3], $0xF7A  }
0x26: {  	[smem:$0x3F93] =	sst s1;
	(tag) =	ssettag s2;
	_ =	strace s9  }
0x27: {  	s1 =	sld [smem:$0x3FA3]  }
0x28: {  	s2 =	sld [smem:$0x3FA4]  }
0x29: {  	s4 =	sld [smem:$0x3FA6]  }
0x2a: {  	p0 =	seq.s32 s5, $0x0;
	s5 =	sld [smem:$0x3FA7]  }
0x2b: {  	s6 =	sld [smem:$0x3FA8]  }
0x2c: {  	s7 =	sld [smem:$0x3FA9]  }
0x2d: {  	s3 =	simm.s32 $0x108;
	s8 =	sld [smem:$0x3FAA]  }
0x2e: {  	s3 =	simm.s32 @!p0 $0x1082;
	s9 =	sld [smem:$0x3FAB]  }
0x2f: {  	lr =	sadd.s32 s0, s3;
	s0 =	sld [smem:$0x3FA2]  }
0x30: {  	s3 =	sld [smem:$0x3FA5]  }
0x31: {  	[smem:$0x3FAE] =	sst s10  }
0x32: {  	s10 =	sld [smem:$0x3FAC];
	_ =	sdelay $0x3  }
0x33: {  	p0 =	seq.s32 s10, $0x1;
	s10 =	sld [smem:$0x3FAE];
	_ =	sdelay $0x3  }
0x34: {  	[smem:$0x3FAE] =	sst s10  }
0x35: {  	s10 =	sld [smem:$0x3FAD];
	_ =	sdelay $0x3  }
0x36: {  	p1 =	seq.s32 s10, $0x1;
	s10 =	sld [smem:$0x3FAE];
	_ =	sdelay $0x3  }
0x37: {  	[smem:$0x3FAE] =	sst s10  }
0x38: {  	s10 =	sld [smem:$0x3FAF]  }
0x39: {  	_ = 	snop;
	(pc) =	sbr.ind lr, $3  }
0x3a: {  	_ = 	snop  }
0x3b: {  	_ = 	snop  }
0x3c: {  	p2 =	seq.s32 s10, $0x1;
	s10 =	sld [smem:$0x3FAE]  }
0x3d: {  	_ =	shalt  }
0x3e: {  	_ =	shalt  }
0x3f: {  	_ =	shalt  }
0x40: {  	_ =	shalt  }
0x41: {  	_ =	shalt  }
0x42: {  	_ =	shalt  }
0x43: {  	_ =	shalt  }
0x44: {  	_ =	shalt  }
0x45: {  	_ =	shalt  }
0x46: {  	_ =	shalt  }
0x47: {  	_ =	shalt  }
0x48: {  	_ =	shalt  }
0x49: {  	_ =	shalt  }
0x4a: {  	_ =	shalt  }
0x4b: {  	_ =	shalt  }
0x4c: {  	_ =	shalt  }
0x4d: {  	_ =	shalt  }
0x4e: {  	_ =	shalt  }
0x4f: {  	_ =	shalt  }
0x50: {  	_ =	shalt  }
0x51: {  	_ =	shalt  }
0x52: {  	_ =	shalt  }
0x53: {  	_ =	shalt  }
0x54: {  	_ =	shalt  }
0x55: {  	_ =	shalt  }
0x56: {  	_ =	shalt  }
0x57: {  	_ =	shalt  }
0x58: {  	_ =	shalt  }
0x59: {  	_ =	shalt  }
0x5a: {  	_ =	shalt  }
0x5b: {  	_ =	shalt  }
0x5c: {  	_ =	shalt  }
0x5d: {  	_ =	shalt  }
0x5e: {  	_ =	shalt  }
0x5f: {  	_ =	shalt  }
0x60: {  	_ =	shalt  }
0x61: {  	_ =	shalt  }
0x62: {  	_ =	shalt  }
0x63: {  	_ =	shalt  }
0x64: {  	_ =	shalt  }
0x65: {  	_ =	shalt  }
0x66: {  	_ =	shalt  }
0x67: {  	_ =	shalt  }
0x68: {  	_ =	shalt  }
0x69: {  	_ =	shalt  }
0x6a: {  	_ =	shalt  }
0x6b: {  	_ =	shalt  }
0x6c: {  	_ =	shalt  }
0x6d: {  	_ =	shalt  }
0x6e: {  	_ =	shalt  }
0x6f: {  	_ =	shalt  }
0x70: {  	_ =	shalt  }
0x71: {  	_ =	shalt  }
0x72: {  	_ =	shalt  }
0x73: {  	_ =	shalt  }
0x74: {  	_ =	shalt  }
0x75: {  	_ =	shalt  }
0x76: {  	_ =	shalt  }
0x77: {  	_ =	shalt  }
0x78: {  	_ =	shalt  }
0x79: {  	_ =	shalt  }
0x7a: {  	_ =	shalt  }
0x7b: {  	_ =	shalt  }
0x7c: {  	_ =	shalt  }
0x7d: {  	_ =	shalt  }
0x7e: {  	_ =	shalt  }
0x7f: {  	_ =	shalt  }
0x80: {  	_ =	shalt  }
0x81: {  	_ =	shalt  }
0x82: {  	_ =	shalt  }
0x83: {  	_ =	shalt  }
0x84: {  	_ =	shalt  }
0x85: {  	_ =	shalt  }
0x86: {  	_ =	shalt  }
0x87: {  	_ =	shalt  }
.Lfunc_end0:
.L_simem_size_0:
called_computation_lowered:
.L_overlay_start_0:
0x88: {  	s2 =	sld [smem:$0x3FD9]  }
0x89: {  	s3 =	sld [smem:$0x3FFE];
	_ =	sdelay $0x1  }
0x8a: {  	s1 =	srdreg.scid  }
0x8b: {  	s0 =	sand.u32 $0x1, s1  }
0x8c: {  	s16 =	sshll.u32 s0, $0xA;
	s2 =	sadd.s32 s3, s2  }
0x8d: {  	s2 =	sadd.s32 s2, s16  }
0x8e: {  	[smem:$0x3FBA] =	sst s2  }
0x8f: {  	_ = 	snop  }
0x90: {  	(tm) =	ssettm $0x1  }
0x91: {  	s17 =	sld [smem:$0x3FFB];
	_ =	sdelay $0x3  }
0x92: {  	_ =	strace s17  }
0x93: {  	s2 =	sld [smem:$0x3FFC];
	_ =	sdelay $0x3  }
0x94: {  	_ =	strace s2  }
0x95: {  	s2 =	sld [smem:$0x3FFD];
	_ =	sdelay $0x3  }
0x96: {  	_ =	strace s2  }
0x97: {  	_ =	strace $0x8FFFFFFF  }
0x98: {  	s18 =	sld [smem:$0x3FDB];
	_ =	sdelay $0x1  }
0x99: {  	s19 =	simm.s32 $_scs_section_size  }
0x9a: {  	s4 =	simm.s32 $_size__tile_overlayer_lowered;
	s5 =	simm.s32 $_tile_overlayer_lowered  }
0x9b: {  	s22 =	simm.s32 $0x1BFF;
	s21 =	sshll.u32 s5, $0x1;
	s2 =	sadd.s32 s19, s18  }
0x9c: {  	s6 =	simm.s32 $0x0;
	s20 =	sshll.u32 s4, $0x1;
	s4 =	sadd.s32 s21, s2  }
0x9d: {  	[timem:s6], [sflag:s22] =	dma.local [hbm:s4], s20  }
0x9e: {  	_ =	swait.ge [sflag:s22], s20  }
0x9f: {  	s3 =	ssub.s32 $0x0, s20;
	[sflag:s22] =	ssyncset.done $0x0  }
0xa0: {  	[sflag:s22] =	ssyncadd.s32 s3;
	_ =	sdelay $0x1  }
0xa1: {  	s23 =	simm.s32 $0x1B8B  }
0xa2: {  	_ =	swait.ge [sflag:s23], $0x1  }
0xa3: {  	[sflag:s23] =	ssyncset.done $0x0  }
0xa4: {  	s25 =	simm.s32 $0x1B8E;
	s24 =	sld [smem:$0x3FFE];
	[sflag:s23] =	ssyncadd.s32 $0xFFFFFFFF  }
0xa5: {  	s26 =	simm.s32 $execute0_lowered;
	[smem:$0x3FD2] =	sst s25  }
0xa6: {  	s4 =	sshll.u32 s26, $0x1;
	_ =	strace $0x80000049;
	[dreg:$0x1] =	wrdreg $0xFFFFFFFF  }
0xa7: {  	s28 =	simm.s32 $_size_execute0_lowered;
	s2 =	sadd.s32 s2, s4;
	[dreg:$0x0] =	wrdreg $0x0  }
0xa8: {  	s4 =	sshll.u32 s28, $0x1;
	[dreg:$0x2] =	wrdreg s2  }
0xa9: {  	[dreg:$0x3] =	wrdreg s4  }
0xaa: {  	[dreg:$0x4] =	wrdreg $0xC0  }
0xab: {  	_ =	task [dreg:s6], $0x5FFFF  }
0xac: {  	[dreg:$0x1] =	wrdreg $0xFFFFFFFF  }
0xad: {  	[dreg:$0x0] =	wrdreg $0x60  }
0xae: {  	[dreg:$0x2] =	wrdreg s24  }
0xaf: {  	[dreg:$0x3] =	wrdreg $0x11E000  }
0xb0: {  	[dreg:$0x4] =	wrdreg $0x9  }
0xb1: {  	_ =	task.clear_ibuf [dreg:s6], $0x5FFFF;
	_ =	strace $0x90000049  }
0xb2: {  	s29 =	simm.s32 $0x9;
	_ =	strace $0x8000004B  }
0xb3: {  	_ =	swait.ge [sflag:s29], $0x1  }
0xb4: {  	[sflag:s29] =	ssyncadd.s32 $0xFFFFFFFF  }
0xb5: {  	_ =	strace $0x9000004B  }
0xb6: {  	_ =	sfence  }
0xb7: {  	s30 =	sld [smem:$0x0];
	_ =	sdelay $0x2  }
0xb8: {  	s31 =	sshll.u32 s1, $0xD;
	s1 =	sshrl.u32 s1, $0x2  }
0xb9: {  	s3 =	sand.u32 $0x4000, s31;
	s1 =	sadd.s32 s1, s30  }
0xba: {  	s0 =	sor.u32 s3, s0;
	s1 =	sshll.u32 s1, $0x11  }
0xbb: {  	s0 =	sor.u32 s1, s0  }
0xbc: {  	s0 =	sadd.s32 $0x8F2B, s0  }
0xbd: {  	[sflag:s0] =	ssyncadd.remote.s32 $0x1  }
0xbe: {  	_ =	sfence.sel $0xFFFF  }
0xbf: {  	[dreg:$0x0] =	wrdreg $0xFFFFFFFF;
	(pc) =	sbr.abs _section_cstart, $3  }
0xc0: {  	[dreg:$0x1] =	wrdreg $0xFFFFFFFF  }
0xc1: {  	_ =	task.clear_ibuf [dreg:s6], $0x2FFFF;
	_ =	strace $0x9FFFFFFF  }
0xc2: {  	(tm) =	ssettm $0x7FFFFFFF  }
0xc3: {  	_ =	shalt  }
tec
execute0_lowered:
.L_overlay_start_1:
0x0: {  	(tag) =	ssettag $0x1  }
0x1: {  	s0 =	rddreg [dreg:$0x0]  }
0x2: {  	s1 =	rddreg [dreg:$0x1];
	s2 =	simm.s32 $0x0;
	s5 =	srdreg.scid  }
0x3: {  	s10 =	stileid.u32;
	s11 =	simm.s32 $0x2800;
	s6 =	simm.s32 $0x28  }
0x4: {  	s28 =	simm.s32 $0x1;
	s29 =	simm.s32 $0x100;
	s30 =	simm.s32 $0x3  }
0x5: {  	s31 =	simm.s32 $0x2;
	[smem:$0x7FF] =	sst s2;
	s3 =	sadd.s32 $0xA4000, s0  }
0x6: {  	s4 =	sadd.s32 $0xF2200, s0;
	s7 =	sand.u32 $0x1, s5;
	s15 =	smul.u32 $0x2700, s10  }
0x7: {  	s5 =	sadd.s32 $0x2000, s0;
	s0 =	sadd.s32 $0xF7200, s0;
	s12 =	smul.u32 $0x138, s10  }
0x8: {  	p0 =	seq.s32 s10, $0xF;
	s23 =	smul.u32 $0x27000, s10;
	_ =	strace $0x8000004A  }
0x9: {  	s8 =	ssub.s32 $0x2, s7;
	s14 =	smul.u32 $0x2710, s7;
	s11 =	simm.s32 @!p0 $0x2700  }
0xa: {  	s6 =	simm.s32 @!p0 $0x27;
	s13 =	smul.u32 $0x138800, s7;
	p0 =	sne.s32 s10, $0x0  }
0xb: {  	s10 =	simm.s32 $0x0;
	s9 =	sshrl.u32 s8, $0x1;
	s11 =	sadd.s32 s11, s15  }
0xc: {  	s25 =	sor.u32 $0x80, s15;
	s8 =	ssub.s32 s8, s9;
	s12 =	sadd.s32 s12, s14  }
0xd: {  	s20 =	sadd.s32 $0xFFFFFF80, s11;
	s9 =	sshrl.u32 s23, $0x2;
	s17 =	sshrl.u32 s13, $0x3  }
0xe: {  	s16 =	sshll.u32 s12, $0x4;
	s9 =	sadd.s32 s9, s1;
	s18 =	sadd.s32 $0x13800, s17  }
0xf: {  	s11 =	smin.u32 s15, s20;
	s19 =	smin.u32 s25, s20;
	s24 =	sadd.s32 s3, s16  }
0x10: {  	s17 =	sadd.s32 $0x27080, s17;
	s26 =	sadd.s32 s3, s18;
	[dreg:$0x3] =	wrdreg s24  }
0x11: {  	s12 =	sshrl.u32 s19, $0x3;
	s19 =	sadd.s32 s0, s16;
	[dreg:$0x4] =	wrdreg s26  }
0x12: {  	s7 =	sshrl.u32 s11, $0x3;
	s22 =	sadd.s32 s0, s18;
	[dreg:$0x6] =	wrdreg s19  }
0x13: {  	s16 =	sadd.s32 $0x13880, s16;
	s13 =	sadd.s32 s4, s12;
	[dreg:$0x7] =	wrdreg s22  }
0x14: {  	s11 =	sadd.s32 $0x9C000, s1;
	s23 =	sadd.s32 s3, s16;
	[dreg:$0x5] =	wrdreg s13  }
0x15: {  	s21 =	sadd.s32 s4, s7;
	s24 =	sadd.s32 s3, s17;
	[dreg:$0x8] =	wrdreg s23  }
0x16: {  	s25 =	sadd.s32 s0, s16;
	s0 =	sadd.s32 s0, s17;
	[dreg:$0x9] =	wrdreg s24  }
0x17: {  	s26 =	smax.u32 s8, $0x1;
	s19 =	sadd.s32 $0x180, s15;
	[dreg:$0xa] =	wrdreg s25  }
0x18: {  	s22 =	simm.s32 $0x8200;
	s8 =	simm.s32 $0x4;
	[dreg:$0xb] =	wrdreg s0  }
0x19: {  	[dreg:$0xc] =	wrdreg s26;
	s23 =	simm.s32 $0x5;
	s24 =	simm.s32 $0x80  }
0x1a: {  	v0 =	vmov s14;
	s25 =	simm.s32 $0x200;
	s26 =	simm.s32 $0x4200;
	s0 =	simm.s32 $0x180  }
.LBB2_1:
0x1b: {  	s7 =	rddreg [dreg:$0x3]  }
0x1c: {  	[tilespmem:s22], [sflag:$0x5] =	stream.linear.gather [hbm4b:s7+s2], $0x9C00, $0x38;
	[tilespmem:$0x1BA80] =	vst v63  }
0x1d: {  	_ =	swait.ge [sflag:s23], $0x9C00  }
0x1e: {  	[sflag:s23] =	ssyncset.done $0x0  }
0x1f: {  	[sflag:s23] =	ssyncadd.s32 $0xFFFF6400  }
0x20: {  	[spmem:s9] =	stream.linear.scatter [tilespmem:s22], [sflag:$0x5], $0x9C00, $0x38;
	[tilespmem:$0x1BA80] =	vst v63  }
0x21: {  	_ =	swait.ge [sflag:s23], $0x9C00  }
0x22: {  	s16 =	simm.s32 @!p0 $0x0;
	s15 =	simm.s32 @!p0 $0x8200;
	[sflag:s23] =	ssyncset.done $0x0  }
0x23: {  	s14 =	simm.s32 @!p0 $0x5;
	s7 =	rddreg [dreg:$0x4];
	[sflag:s23] =	ssyncadd.s32 $0xFFFF6400  }
0x24: {  	[tilespmem:s15], [sflag:$0x5] =	stream.linear.gather @!p0 [hbm4b:s7+s16], $0x400, $0x38;
	[tilespmem:$0x1BA80] =	vst v63  }
0x25: {  	_ =	swait.ge @!p0 [sflag:s14], $0x400  }
0x26: {  	[sflag:s14] =	ssyncset.done @!p0 $0x0  }
0x27: {  	[sflag:s14] =	ssyncadd.s32 @!p0 $0xFFFFFC00  }
0x28: {  	[spmem:s11] =	stream.linear.scatter @!p0 [tilespmem:s15], [sflag:$0x5], $0x400, $0x38;
	[tilespmem:$0x1BA80] =	vst v63  }
0x29: {  	_ =	swait.ge @!p0 [sflag:s14], $0x400  }
0x2a: {  	[sflag:s14] =	ssyncset.done @!p0 $0x0  }
0x2b: {  	[sflag:s14] =	ssyncadd.s32 @!p0 $0xFFFFFC00  }
0x2c: {  	[bflag:$0x0] =	sbarrier.arrive $0xFFFF  }
0x2d: {  	[tilespmem:s2], [sflag:$0x5] =	stream.linear.gather [hbm4b:s21+s2], $0x80, $0x38;
	[tilespmem:$0x1BA80] =	vst v63  }
0x2e: {  	_ =	swait.ge [sflag:s23], $0x80  }
0x2f: {  	[sflag:s23] =	ssyncset.done $0x0  }
0x30: {  	[sflag:s23] =	ssyncadd.s32 $0xFFFFFF80  }
0x31: {  	v1 =	vld [tilespmem:$0x0]  }
0x32: {  	v2 =	vld [tilespmem:$0x10]  }
0x33: {  	v3 =	vld [tilespmem:$0x20]  }
0x34: {  	v4 =	vld [tilespmem:$0x30]  }
0x35: {  	v5 =	vld [tilespmem:$0x40]  }
0x36: {  	v6 =	vld [tilespmem:$0x50];
	v1 =	vadd.s32 v0, v1  }
0x37: {  	[tilespmem:$0x0] =	vst v1;
	v1 =	vadd.s32 v0, v2;
	v2 =	vld [tilespmem:$0x60]  }
0x38: {  	[tilespmem:$0x10] =	vst v1;
	v1 =	vadd.s32 v0, v3;
	v3 =	vld [tilespmem:$0x70]  }
0x39: {  	[tilespmem:$0x20] =	vst v1;
	v1 =	vadd.s32 v0, v4  }
0x3a: {  	[tilespmem:$0x30] =	vst v1;
	v1 =	vadd.s32 v0, v5  }
0x3b: {  	[tilespmem:$0x40] =	vst v1;
	v1 =	vadd.s32 v0, v6  }
0x3c: {  	[tilespmem:$0x50] =	vst v1;
	v1 =	vadd.s32 v0, v2  }
0x3d: {  	[tilespmem:$0x60] =	vst v1;
	v1 =	vadd.s32 v0, v3  }
0x3e: {  	[tilespmem:$0x70] =	vst v1  }
0x3f: {  	[tilespmem:s25], [sflag:$0x1] =	stream.indirect.gather [hbm4b:s3+s24], $0x80, s2, s24, $0xb8;
	[tilespmem:$0x1BA80] =	vst v63  }
0x40: {  	s13 =	smov.u32 s21;
	s21 =	rddreg [dreg:$0x5]  }
0x41: {  	[tilespmem:s24], [sflag:$0x5] =	stream.linear.gather [hbm4b:s21+s2], $0x80, $0x38;
	[tilespmem:$0x1BA80] =	vst v63  }
0x42: {  	_ =	swait.ge [sflag:s23], $0x80  }
0x43: {  	[sflag:s23] =	ssyncset.done $0x0  }
0x44: {  	[sflag:s23] =	ssyncadd.s32 $0xFFFFFF80  }
0x45: {  	v1 =	vld [tilespmem:$0x80]  }
0x46: {  	v2 =	vld [tilespmem:$0x90]  }
0x47: {  	v3 =	vld [tilespmem:$0xA0]  }
0x48: {  	v54 =	vld [tilespmem:$0xB0]  }
0x49: {  	v55 =	vld [tilespmem:$0xC0]  }
0x4a: {  	v56 =	vld [tilespmem:$0xD0];
	v1 =	vadd.s32 v0, v1  }
0x4b: {  	[tilespmem:$0x80] =	vst v1;
	v1 =	vadd.s32 v0, v2;
	v2 =	vld [tilespmem:$0xE0]  }
0x4c: {  	[tilespmem:$0x90] =	vst v1;
	v1 =	vadd.s32 v0, v3;
	v3 =	vld [tilespmem:$0xF0]  }
0x4d: {  	[tilespmem:$0xA0] =	vst v1;
	v1 =	vadd.s32 v0, v54  }
0x4e: {  	[tilespmem:$0xB0] =	vst v1;
	v1 =	vadd.s32 v0, v55  }
0x4f: {  	[tilespmem:$0xC0] =	vst v1;
	v1 =	vadd.s32 v0, v56  }
0x50: {  	[tilespmem:$0xD0] =	vst v1;
	v1 =	vadd.s32 v0, v2  }
0x51: {  	s17 =	sadd.s32 $0xFFFFFE80, s19;
	[tilespmem:$0xE0] =	vst v1;
	v1 =	vadd.s32 v0, v3  }
0x52: {  	s18 =	smov.u32 s20;
	p1 =	slt.s32 s17, s20;
	[tilespmem:$0xF0] =	vst v1  }
0x53: {  	[tilespmem:s26], [sflag:$0x2] =	stream.indirect.gather [hbm4b:s3+s24], $0x80, s24, s24, $0xb8;
	[tilespmem:$0x1BA80] =	vst v63  }
0x54: {  	s18 =	smov.u32 @p1 s17;
	_ =	swait.ge [sflag:s28], $0x4000  }
0x55: {  	s17 =	sshrl.u32 s18, $0x3;
	[sflag:s28] =	ssyncset.done $0x0  }
0x56: {  	s17 =	sadd.s32 s5, s17;
	[sflag:s28] =	ssyncadd.s32 $0xFFFFC000  }
0x57: {  	[tilespmem:s29], [sflag:$0x5] =	stream.linear.gather [hbm4b:s17+s2], $0x80, $0x38;
	[tilespmem:$0x1BA80] =	vst v63  }
0x58: {  	_ =	swait.ge [sflag:s23], $0x80  }
0x59: {  	[sflag:s23] =	ssyncset.done $0x0  }
0x5a: {  	[sflag:s23] =	ssyncadd.s32 $0xFFFFFF80  }
0x5b: {  	v1 =	vld [tilespmem:$0x170]  }
0x5c: {  	v2 =	vld [tilespmem:$0x150]  }
0x5d: {  	v3 =	vld [tilespmem:$0x130]  }
0x5e: {  	v57 =	vld [tilespmem:$0x160]  }
0x5f: {  	v58 =	vld [tilespmem:$0x120]  }
0x60: {  	v59 =	vld [tilespmem:$0x110];
	v1 =	vmin.u32 v1, $0x1388  }
0x61: {  	v7 =	vld [tilespmem:$0x140];
	v2 =	vmin.u32 v2, $0x1388;
	[tilespmem:$0x170] =	vst v1  }
0x62: {  	v3 =	vmin.u32 v3, $0x1388;
	v1 =	vld [tilespmem:$0x100];
	[tilespmem:$0x150] =	vst v2  }
0x63: {  	[tilespmem:$0x130] =	vst v3;
	v2 =	vmin.u32 v57, $0x1388  }
0x64: {  	v3 =	vmin.u32 v58, $0x1388;
	[tilespmem:$0x160] =	vst v2  }
0x65: {  	s17 =	sadd.s32 $0xFFFFFF80, s19;
	v2 =	vmin.u32 v59, $0x1388;
	[tilespmem:$0x120] =	vst v3  }
0x66: {  	s18 =	smov.u32 s20;
	p1 =	slt.s32 s17, s20;
	[tilespmem:$0x110] =	vst v2;
	v2 =	vmin.u32 v7, $0x1388  }
0x67: {  	s18 =	smov.u32 @p1 s17;
	[tilespmem:$0x140] =	vst v2;
	v1 =	vmin.u32 v1, $0x1388  }
0x68: {  	s17 =	sshrl.u32 s18, $0x3;
	[tilespmem:$0x100] =	vst v1  }
0x69: {  	[spmem:s1] =	stream.indirect.scatter.add.f32 [tilespmem:s25], [sflag:$0x3], $0x80, s29, s24, $0xb8;
	[tilespmem:$0x1BA80] =	vst v63  }
0x6a: {  	s17 =	sadd.s32 s4, s17  }
0x6b: {  	[tilespmem:s2], [sflag:$0x5] =	stream.linear.gather [hbm4b:s17+s2], $0x80, $0x38;
	[tilespmem:$0x1BA80] =	vst v63  }
0x6c: {  	_ =	swait.ge [sflag:s23], $0x80  }
0x6d: {  	[sflag:s23] =	ssyncset.done $0x0  }
0x6e: {  	[sflag:s23] =	ssyncadd.s32 $0xFFFFFF80  }
0x6f: {  	v1 =	vld [tilespmem:$0x50]  }
0x70: {  	v2 =	vld [tilespmem:$0x10]  }
0x71: {  	v3 =	vld [tilespmem:$0x30]  }
0x72: {  	v62 =	vld [tilespmem:$0x20]  }
0x73: {  	v60 =	vld [tilespmem:$0x40]  }
0x74: {  	v61 =	vld [tilespmem:$0x60];
	v1 =	vadd.s32 v0, v1  }
0x75: {  	v63 =	vld [tilespmem:$0x0];
	v2 =	vadd.s32 v0, v2;
	[tilespmem:$0x50] =	vst v1  }
0x76: {  	v1 =	vld [tilespmem:$0x70];
	[tilespmem:$0x10] =	vst v2;
	v2 =	vadd.s32 v0, v3  }
0x77: {  	v3 =	vadd.s32 v0, v62;
	[tilespmem:$0x30] =	vst v2  }
0x78: {  	v2 =	vadd.s32 v0, v60;
	[tilespmem:$0x20] =	vst v3  }
0x79: {  	[tilespmem:$0x40] =	vst v2;
	v2 =	vadd.s32 v0, v61  }
0x7a: {  	[tilespmem:$0x60] =	vst v2;
	v2 =	vadd.s32 v0, v63  }
0x7b: {  	[tilespmem:$0x0] =	vst v2;
	v1 =	vadd.s32 v0, v1  }
0x7c: {  	[tilespmem:$0x70] =	vst v1  }
0x7d: {  	_ =	swait.ge [sflag:s30], $0x4000  }
0x7e: {  	s17 =	sadd.s32 $0xFFFFFF00, s19;
	[sflag:s30] =	ssyncset.done $0x0  }
0x7f: {  	s18 =	smov.u32 s20;
	p1 =	slt.s32 s17, s20;
	[sflag:s30] =	ssyncadd.s32 $0xFFFFC000  }
0x80: {  	[tilespmem:s25], [sflag:$0x1] =	stream.indirect.gather [hbm4b:s3+s24], $0x80, s2, s24, $0xb8;
	[tilespmem:$0x1BA80] =	vst v63  }
0x81: {  	s18 =	smov.u32 @p1 s17;
	_ =	swait.ge [sflag:s31], $0x4000  }
0x82: {  	p2 =	sne.s32 s6, $0x1;
	s17 =	sshrl.u32 s18, $0x3;
	[sflag:s31] =	ssyncset.done $0x0  }
.Ltmp0:
0x83: {  	s17 =	sadd.s32 s5, s17;
	[sflag:s31] =	ssyncadd.s32 $0xFFFFC000;
	(pc) =	sbr.rel @!p2 .LBB2_3-.Ltmp0, $4  }
0x84: {  	[tilespmem:s0], [sflag:$0x5] =	stream.linear.gather [hbm4b:s17+s2], $0x80, $0x38;
	[tilespmem:$0x1BA80] =	vst v63  }
0x85: {  	p1 =	slt.s32 s19, s20;
	s17 =	smov.u32 s20;
	_ =	swait.ge [sflag:s23], $0x80  }
0x86: {  	s21 =	smov.u32 s19;
	s17 =	smov.u32 @p1 s19;
	[sflag:s23] =	ssyncset.done $0x0  }
0x87: {  	s18 =	sadd.s32 $0xFFFFFFFF, s6;
	s17 =	sshrl.u32 s17, $0x3;
	[sflag:s23] =	ssyncadd.s32 $0xFFFFFF80  }
.LBB2_2:
0x88: {  	p1 =	sne.s32 s18, $0x1;
	s18 =	sadd.s32 $0xFFFFFFFF, s18;
	v1 =	vld [tilespmem:$0x180];
	s21 =	sadd.s32 $0x100, s21  }
0x89: {  	s7 =	smov.u32 s20;
	p2 =	slt.s32 s21, s20;
	v2 =	vld [tilespmem:$0x190]  }
0x8a: {  	s7 =	smov.u32 @p2 s21;
	v3 =	vld [tilespmem:$0x1A0]  }
0x8b: {  	s7 =	sshrl.u32 s7, $0x3;
	v4 =	vld [tilespmem:$0x1D0]  }
0x8c: {  	v5 =	vld [tilespmem:$0x1E0]  }
0x8d: {  	v1 =	vmin.u32 v1, $0x1388;
	v6 =	vld [tilespmem:$0x1C0]  }
0x8e: {  	[tilespmem:$0x180] =	vst v1  }
0x8f: {  	v1 =	vmin.u32 v3, $0x1388  }
0x90: {  	v2 =	vmin.u32 v2, $0x1388;
	[tilespmem:$0x1A0] =	vst v1;
	v1 =	vmin.u32 v4, $0x1388;
	v3 =	vld [tilespmem:$0x1F0]  }
0x91: {  	[tilespmem:$0x190] =	vst v2;
	v2 =	vld [tilespmem:$0x1B0];
	v4 =	vmin.u32 v5, $0x1388  }
0x92: {  	v5 =	vmin.u32 v6, $0x1388;
	[tilespmem:$0x1E0] =	vst v4  }
0x93: {  	[tilespmem:$0x1C0] =	vst v5  }
0x94: {  	[tilespmem:$0x1D0] =	vst v1  }
0x95: {  	v1 =	vmin.u32 v3, $0x1388  }
0x96: {  	v2 =	vmin.u32 v2, $0x1388;
	[tilespmem:$0x1F0] =	vst v1  }
0x97: {  	[tilespmem:$0x1B0] =	vst v2  }
0x98: {  	[spmem:s1] =	stream.indirect.scatter.add.f32 [tilespmem:s26], [sflag:$0x4], $0x80, s0, s24, $0xb8;
	[tilespmem:$0x1BA80] =	vst v63  }
0x99: {  	s12 =	sadd.s32 s4, s17;
	s17 =	smov.u32 s7  }
0x9a: {  	[tilespmem:s24], [sflag:$0x5] =	stream.linear.gather [hbm4b:s12+s2], $0x80, $0x38;
	[tilespmem:$0x1BA80] =	vst v63  }
0x9b: {  	_ =	swait.ge [sflag:s23], $0x80  }
0x9c: {  	[sflag:s23] =	ssyncset.done $0x0  }
0x9d: {  	[sflag:s23] =	ssyncadd.s32 $0xFFFFFF80  }
0x9e: {  	v1 =	vld [tilespmem:$0x80]  }
0x9f: {  	v2 =	vld [tilespmem:$0x90]  }
0xa0: {  	v3 =	vld [tilespmem:$0xA0]  }
0xa1: {  	v4 =	vld [tilespmem:$0xB0]  }
0xa2: {  	v5 =	vld [tilespmem:$0xC0]  }
0xa3: {  	v1 =	vadd.s32 v0, v1;
	v6 =	vld [tilespmem:$0xD0]  }
0xa4: {  	[tilespmem:$0x80] =	vst v1;
	v1 =	vadd.s32 v0, v2;
	v2 =	vld [tilespmem:$0xF0]  }
0xa5: {  	[tilespmem:$0x90] =	vst v1;
	v1 =	vadd.s32 v0, v3;
	v3 =	vld [tilespmem:$0xE0]  }
0xa6: {  	[tilespmem:$0xA0] =	vst v1;
	v1 =	vadd.s32 v0, v4  }
0xa7: {  	[tilespmem:$0xB0] =	vst v1;
	v1 =	vadd.s32 v0, v5  }
0xa8: {  	[tilespmem:$0xC0] =	vst v1;
	v1 =	vadd.s32 v0, v6  }
0xa9: {  	[tilespmem:$0xD0] =	vst v1;
	v1 =	vadd.s32 v0, v2  }
0xaa: {  	v2 =	vadd.s32 v0, v3;
	[tilespmem:$0xF0] =	vst v1  }
0xab: {  	[tilespmem:$0xE0] =	vst v2  }
0xac: {  	s7 =	sadd.s32 $0xFFFFFE80, s21;
	_ =	swait.ge [sflag:s8], $0x4000  }
0xad: {  	p2 =	slt.s32 s7, s20;
	s12 =	smov.u32 s20;
	[sflag:s8] =	ssyncset.done $0x0  }
0xae: {  	s12 =	smov.u32 @p2 s7;
	[sflag:s8] =	ssyncadd.s32 $0xFFFFC000  }
0xaf: {  	[tilespmem:s26], [sflag:$0x2] =	stream.indirect.gather [hbm4b:s3+s24], $0x80, s24, s24, $0xb8;
	[tilespmem:$0x1BA80] =	vst v63  }
0xb0: {  	s7 =	sshrl.u32 s12, $0x3;
	_ =	swait.ge [sflag:s28], $0x4000  }
0xb1: {  	s7 =	sadd.s32 s5, s7;
	[sflag:s28] =	ssyncset.done $0x0  }
0xb2: {  	[sflag:s28] =	ssyncadd.s32 $0xFFFFC000  }
0xb3: {  	[tilespmem:s29], [sflag:$0x5] =	stream.linear.gather [hbm4b:s7+s2], $0x80, $0x38;
	[tilespmem:$0x1BA80] =	vst v63  }
0xb4: {  	_ =	swait.ge [sflag:s23], $0x80  }
0xb5: {  	[sflag:s23] =	ssyncset.done $0x0  }
0xb6: {  	[sflag:s23] =	ssyncadd.s32 $0xFFFFFF80  }
0xb7: {  	v1 =	vld [tilespmem:$0x170]  }
0xb8: {  	v2 =	vld [tilespmem:$0x150]  }
0xb9: {  	v3 =	vld [tilespmem:$0x130]  }
0xba: {  	v4 =	vld [tilespmem:$0x160]  }
0xbb: {  	v5 =	vld [tilespmem:$0x120]  }
0xbc: {  	v6 =	vld [tilespmem:$0x110];
	v1 =	vmin.u32 v1, $0x1388  }
0xbd: {  	v7 =	vld [tilespmem:$0x140];
	v2 =	vmin.u32 v2, $0x1388;
	[tilespmem:$0x170] =	vst v1  }
0xbe: {  	v1 =	vld [tilespmem:$0x100];
	v3 =	vmin.u32 v3, $0x1388;
	[tilespmem:$0x150] =	vst v2  }
0xbf: {  	[tilespmem:$0x130] =	vst v3;
	v2 =	vmin.u32 v4, $0x1388  }
0xc0: {  	v3 =	vmin.u32 v5, $0x1388;
	[tilespmem:$0x160] =	vst v2  }
0xc1: {  	s7 =	sadd.s32 $0xFFFFFF80, s21;
	v2 =	vmin.u32 v6, $0x1388;
	[tilespmem:$0x120] =	vst v3  }
0xc2: {  	s12 =	smov.u32 s20;
	p2 =	slt.s32 s7, s20;
	[tilespmem:$0x110] =	vst v2;
	v2 =	vmin.u32 v7, $0x1388  }
0xc3: {  	s12 =	smov.u32 @p2 s7;
	v1 =	vmin.u32 v1, $0x1388;
	[tilespmem:$0x140] =	vst v2  }
0xc4: {  	[tilespmem:$0x100] =	vst v1  }
0xc5: {  	s7 =	sshrl.u32 s12, $0x3  }
0xc6: {  	s7 =	sadd.s32 s4, s7  }
0xc7: {  	[spmem:s1] =	stream.indirect.scatter.add.f32 [tilespmem:s25], [sflag:$0x3], $0x80, s29, s24, $0xb8;
	[tilespmem:$0x1BA80] =	vst v63  }
0xc8: {  	_ = 	snop  }
0xc9: {  	[tilespmem:s2], [sflag:$0x5] =	stream.linear.gather [hbm4b:s7+s2], $0x80, $0x38;
	[tilespmem:$0x1BA80] =	vst v63  }
0xca: {  	_ =	swait.ge [sflag:s23], $0x80  }
0xcb: {  	[sflag:s23] =	ssyncset.done $0x0  }
0xcc: {  	[sflag:s23] =	ssyncadd.s32 $0xFFFFFF80  }
0xcd: {  	v1 =	vld [tilespmem:$0x50]  }
0xce: {  	v2 =	vld [tilespmem:$0x10]  }
0xcf: {  	v3 =	vld [tilespmem:$0x30]  }
0xd0: {  	v4 =	vld [tilespmem:$0x0]  }
0xd1: {  	v5 =	vld [tilespmem:$0x40]  }
0xd2: {  	v1 =	vadd.s32 v0, v1;
	v6 =	vld [tilespmem:$0x60]  }
0xd3: {  	v2 =	vadd.s32 v0, v2;
	v7 =	vld [tilespmem:$0x20];
	[tilespmem:$0x50] =	vst v1  }
0xd4: {  	[tilespmem:$0x10] =	vst v2;
	v1 =	vld [tilespmem:$0x70]  }
0xd5: {  	v3 =	vadd.s32 v0, v3;
	v2 =	vadd.s32 v0, v4  }
0xd6: {  	[tilespmem:$0x30] =	vst v3;
	v3 =	vadd.s32 v0, v5  }
0xd7: {  	[tilespmem:$0x40] =	vst v3;
	v3 =	vadd.s32 v0, v6  }
0xd8: {  	v4 =	vadd.s32 v0, v7;
	[tilespmem:$0x60] =	vst v3  }
0xd9: {  	[tilespmem:$0x20] =	vst v4;
	v1 =	vadd.s32 v0, v1  }
0xda: {  	[tilespmem:$0x70] =	vst v1  }
0xdb: {  	s7 =	sadd.s32 $0xFFFFFF00, s21;
	[tilespmem:$0x0] =	vst v2  }
0xdc: {  	_ =	swait.ge [sflag:s30], $0x4000  }
0xdd: {  	s12 =	smov.u32 s20;
	p2 =	slt.s32 s7, s20;
	[sflag:s30] =	ssyncset.done $0x0  }
0xde: {  	s12 =	smov.u32 @p2 s7;
	[sflag:s30] =	ssyncadd.s32 $0xFFFFC000  }
0xdf: {  	s7 =	sshrl.u32 s12, $0x3  }
0xe0: {  	[tilespmem:s25], [sflag:$0x1] =	stream.indirect.gather [hbm4b:s3+s24], $0x80, s2, s24, $0xb8;
	[tilespmem:$0x1BA80] =	vst v63  }
0xe1: {  	_ =	swait.ge [sflag:s31], $0x4000  }
0xe2: {  	[sflag:s31] =	ssyncset.done $0x0  }
.Ltmp1:
0xe3: {  	s7 =	sadd.s32 s5, s7;
	[sflag:s31] =	ssyncadd.s32 $0xFFFFC000;
	(pc) =	sbr.rel @p1 .LBB2_2-.Ltmp1, $4  }
0xe4: {  	[tilespmem:s0], [sflag:$0x5] =	stream.linear.gather [hbm4b:s7+s2], $0x80, $0x38;
	[tilespmem:$0x1BA80] =	vst v63  }
0xe5: {  	_ =	swait.ge [sflag:s23], $0x80  }
0xe6: {  	[sflag:s23] =	ssyncset.done $0x0  }
0xe7: {  	[sflag:s23] =	ssyncadd.s32 $0xFFFFFF80  }
.LBB2_3:
0xe8: {  	v1 =	vld [tilespmem:$0x180]  }
0xe9: {  	v2 =	vld [tilespmem:$0x1A0]  }
0xea: {  	v3 =	vld [tilespmem:$0x190]  }
0xeb: {  	v5 =	vld [tilespmem:$0x1C0]  }
0xec: {  	v4 =	vld [tilespmem:$0x1E0]  }
0xed: {  	v6 =	vld [tilespmem:$0x1D0];
	v1 =	vmin.u32 v1, $0x1388  }
0xee: {  	[tilespmem:$0x180] =	vst v1;
	v1 =	vmin.u32 v2, $0x1388;
	v2 =	vld [tilespmem:$0x1F0]  }
0xef: {  	v3 =	vmin.u32 v3, $0x1388;
	[tilespmem:$0x1A0] =	vst v1;
	v1 =	vld [tilespmem:$0x1B0]  }
0xf0: {  	v54 =	vmin.u32 v5, $0x1388;
	[tilespmem:$0x190] =	vst v3  }
0xf1: {  	v3 =	vmin.u32 v4, $0x1388;
	[tilespmem:$0x1C0] =	vst v54  }
0xf2: {  	[tilespmem:$0x1E0] =	vst v3;
	v3 =	vmin.u32 v6, $0x1388  }
0xf3: {  	[tilespmem:$0x1D0] =	vst v3;
	v2 =	vmin.u32 v2, $0x1388  }
0xf4: {  	v1 =	vmin.u32 v1, $0x1388;
	[tilespmem:$0x1F0] =	vst v2  }
0xf5: {  	[tilespmem:$0x1B0] =	vst v1  }
0xf6: {  	[spmem:s1] =	stream.indirect.scatter.add.f32 [tilespmem:s26], [sflag:$0x4], $0x80, s0, s24, $0xb8;
	[tilespmem:$0x1BA80] =	vst v63  }
0xf7: {  	s7 =	sadd.s32 s4, s17  }
0xf8: {  	[tilespmem:s24], [sflag:$0x5] =	stream.linear.gather [hbm4b:s7+s2], $0x80, $0x38;
	[tilespmem:$0x1BA80] =	vst v63  }
0xf9: {  	_ =	swait.ge [sflag:s23], $0x80  }
0xfa: {  	[sflag:s23] =	ssyncset.done $0x0  }
0xfb: {  	[sflag:s23] =	ssyncadd.s32 $0xFFFFFF80  }
0xfc: {  	v1 =	vld [tilespmem:$0x80]  }
0xfd: {  	v2 =	vld [tilespmem:$0x90]  }
0xfe: {  	v3 =	vld [tilespmem:$0xA0]  }
0xff: {  	v55 =	vld [tilespmem:$0xB0]  }
0x100: {  	v56 =	vld [tilespmem:$0xC0]  }
0x101: {  	v57 =	vld [tilespmem:$0xD0];
	v1 =	vadd.s32 v0, v1  }
0x102: {  	[tilespmem:$0x80] =	vst v1;
	v1 =	vadd.s32 v0, v2;
	v2 =	vld [tilespmem:$0xF0]  }
0x103: {  	[tilespmem:$0x90] =	vst v1;
	v1 =	vadd.s32 v0, v3;
	v3 =	vld [tilespmem:$0xE0]  }
0x104: {  	[tilespmem:$0xA0] =	vst v1;
	v1 =	vadd.s32 v0, v55  }
0x105: {  	[tilespmem:$0xB0] =	vst v1;
	v1 =	vadd.s32 v0, v56  }
0x106: {  	[tilespmem:$0xC0] =	vst v1;
	v1 =	vadd.s32 v0, v57  }
0x107: {  	[tilespmem:$0xD0] =	vst v1;
	v1 =	vadd.s32 v0, v2  }
0x108: {  	v2 =	vadd.s32 v0, v3;
	[tilespmem:$0xF0] =	vst v1  }
0x109: {  	[tilespmem:$0xE0] =	vst v2  }
0x10a: {  	_ =	swait.ge [sflag:s8], $0x4000  }
0x10b: {  	[sflag:s8] =	ssyncset.done $0x0  }
0x10c: {  	[sflag:s8] =	ssyncadd.s32 $0xFFFFC000  }
0x10d: {  	[tilespmem:s26], [sflag:$0x2] =	stream.indirect.gather [hbm4b:s3+s24], $0x80, s24, s24, $0xb8;
	[tilespmem:$0x1BA80] =	vst v63  }
0x10e: {  	_ =	swait.ge [sflag:s28], $0x4000  }
0x10f: {  	[sflag:s28] =	ssyncset.done $0x0  }
0x110: {  	[sflag:s28] =	ssyncadd.s32 $0xFFFFC000  }
0x111: {  	_ =	swait.ge [sflag:s31], $0x4000  }
0x112: {  	[sflag:s31] =	ssyncset.done $0x0  }
0x113: {  	[sflag:s31] =	ssyncadd.s32 $0xFFFFC000  }
0x114: {  	[bflag:$0x0] =	sbarrier.arrive $0xFFFF  }
0x115: {  	[tilespmem:s22], [sflag:$0x5] =	stream.linear.gather [spmem:s9], $0x9C00, $0x38;
	[tilespmem:$0x1BA80] =	vst v63  }
0x116: {  	_ =	swait.ge [sflag:s23], $0x9C00  }
0x117: {  	[sflag:s23] =	ssyncset.done $0x0  }
0x118: {  	s12 =	rddreg [dreg:$0x6];
	[sflag:s23] =	ssyncadd.s32 $0xFFFF6400  }
0x119: {  	[hbm4b:s12+s2] =	stream.linear.scatter [tilespmem:s22], [sflag:$0x5], $0x9C00, $0x38;
	[tilespmem:$0x1BA80] =	vst v63  }
0x11a: {  	_ =	swait.ge [sflag:s23], $0x9C00  }
0x11b: {  	[sflag:s23] =	ssyncset.done $0x0  }
0x11c: {  	[sflag:s23] =	ssyncadd.s32 $0xFFFF6400  }
0x11d: {  	[tilespmem:s15], [sflag:$0x5] =	stream.linear.gather @!p0 [spmem:s11], $0x400, $0x38;
	[tilespmem:$0x1BA80] =	vst v63  }
0x11e: {  	_ =	swait.ge @!p0 [sflag:s14], $0x400  }
0x11f: {  	[sflag:s14] =	ssyncset.done @!p0 $0x0  }
0x120: {  	s7 =	rddreg [dreg:$0x7];
	[sflag:s14] =	ssyncadd.s32 @!p0 $0xFFFFFC00  }
0x121: {  	[hbm4b:s7+s16] =	stream.linear.scatter @!p0 [tilespmem:s15], [sflag:$0x5], $0x400, $0x38;
	[tilespmem:$0x1BA80] =	vst v63  }
0x122: {  	_ =	swait.ge @!p0 [sflag:s14], $0x400  }
0x123: {  	[sflag:s14] =	ssyncset.done @!p0 $0x0  }
0x124: {  	[sflag:s14] =	ssyncadd.s32 @!p0 $0xFFFFFC00  }
0x125: {  	[bflag:$0x0] =	sbarrier.arrive $0xFFFF  }
0x126: {  	s17 =	rddreg [dreg:$0x8]  }
0x127: {  	[tilespmem:s22], [sflag:$0x5] =	stream.linear.gather [hbm4b:s17+s2], $0x9C00, $0x38;
	[tilespmem:$0x1BA80] =	vst v63  }
0x128: {  	_ =	swait.ge [sflag:s23], $0x9C00  }
0x129: {  	[sflag:s23] =	ssyncset.done $0x0  }
0x12a: {  	[sflag:s23] =	ssyncadd.s32 $0xFFFF6400  }
0x12b: {  	[spmem:s9] =	stream.linear.scatter [tilespmem:s22], [sflag:$0x5], $0x9C00, $0x38;
	[tilespmem:$0x1BA80] =	vst v63  }
0x12c: {  	_ =	swait.ge [sflag:s23], $0x9C00  }
0x12d: {  	[sflag:s23] =	ssyncset.done $0x0  }
0x12e: {  	s7 =	rddreg [dreg:$0x9];
	[sflag:s23] =	ssyncadd.s32 $0xFFFF6400  }
0x12f: {  	[tilespmem:s15], [sflag:$0x5] =	stream.linear.gather @!p0 [hbm4b:s7+s16], $0x400, $0x38;
	[tilespmem:$0x1BA80] =	vst v63  }
0x130: {  	_ =	swait.ge @!p0 [sflag:s14], $0x400  }
0x131: {  	[sflag:s14] =	ssyncset.done @!p0 $0x0  }
0x132: {  	[sflag:s14] =	ssyncadd.s32 @!p0 $0xFFFFFC00  }
0x133: {  	[spmem:s11] =	stream.linear.scatter @!p0 [tilespmem:s15], [sflag:$0x5], $0x400, $0x38;
	[tilespmem:$0x1BA80] =	vst v63  }
0x134: {  	_ =	swait.ge @!p0 [sflag:s14], $0x400  }
0x135: {  	[sflag:s14] =	ssyncset.done @!p0 $0x0  }
0x136: {  	[sflag:s14] =	ssyncadd.s32 @!p0 $0xFFFFFC00  }
0x137: {  	[bflag:$0x0] =	sbarrier.arrive $0xFFFF  }
0x138: {  	[tilespmem:s2], [sflag:$0x5] =	stream.linear.gather [hbm4b:s13+s2], $0x80, $0x38;
	[tilespmem:$0x1BA80] =	vst v63  }
0x139: {  	_ =	swait.ge [sflag:s23], $0x80  }
0x13a: {  	[sflag:s23] =	ssyncset.done $0x0  }
0x13b: {  	[sflag:s23] =	ssyncadd.s32 $0xFFFFFF80  }
0x13c: {  	v1 =	vld [tilespmem:$0x0]  }
0x13d: {  	v2 =	vld [tilespmem:$0x10]  }
0x13e: {  	v3 =	vld [tilespmem:$0x20]  }
0x13f: {  	v58 =	vld [tilespmem:$0x30]  }
0x140: {  	v59 =	vld [tilespmem:$0x40]  }
0x141: {  	v60 =	vld [tilespmem:$0x50];
	v1 =	vadd.s32 v0, v1  }
0x142: {  	[tilespmem:$0x0] =	vst v1;
	v1 =	vadd.s32 v0, v2;
	v2 =	vld [tilespmem:$0x60]  }
0x143: {  	[tilespmem:$0x10] =	vst v1;
	v1 =	vadd.s32 v0, v3;
	v3 =	vld [tilespmem:$0x70]  }
0x144: {  	[tilespmem:$0x20] =	vst v1;
	v1 =	vadd.s32 v0, v58  }
0x145: {  	[tilespmem:$0x30] =	vst v1;
	v1 =	vadd.s32 v0, v59  }
0x146: {  	[tilespmem:$0x40] =	vst v1;
	v1 =	vadd.s32 v0, v60  }
0x147: {  	[tilespmem:$0x50] =	vst v1;
	v1 =	vadd.s32 v0, v2  }
0x148: {  	[tilespmem:$0x60] =	vst v1;
	v1 =	vadd.s32 v0, v3  }
0x149: {  	[tilespmem:$0x70] =	vst v1  }
0x14a: {  	[tilespmem:s25], [sflag:$0x1] =	stream.indirect.gather [hbm4b:s3+s24], $0x80, s2, s24, $0xb8;
	[tilespmem:$0x1BA80] =	vst v63  }
0x14b: {  	s18 =	rddreg [dreg:$0x5]  }
0x14c: {  	[tilespmem:s24], [sflag:$0x5] =	stream.linear.gather [hbm4b:s18+s2], $0x80, $0x38;
	[tilespmem:$0x1BA80] =	vst v63  }
0x14d: {  	_ =	swait.ge [sflag:s23], $0x80  }
0x14e: {  	[sflag:s23] =	ssyncset.done $0x0  }
0x14f: {  	[sflag:s23] =	ssyncadd.s32 $0xFFFFFF80  }
0x150: {  	v1 =	vld [tilespmem:$0x80]  }
0x151: {  	v2 =	vld [tilespmem:$0x90]  }
0x152: {  	v3 =	vld [tilespmem:$0xA0]  }
0x153: {  	v61 =	vld [tilespmem:$0xB0]  }
0x154: {  	v62 =	vld [tilespmem:$0xC0]  }
0x155: {  	v63 =	vld [tilespmem:$0xD0];
	v1 =	vadd.s32 v0, v1  }
0x156: {  	[tilespmem:$0x80] =	vst v1;
	v1 =	vadd.s32 v0, v2;
	v2 =	vld [tilespmem:$0xE0]  }
0x157: {  	[tilespmem:$0x90] =	vst v1;
	v1 =	vadd.s32 v0, v3;
	v3 =	vld [tilespmem:$0xF0]  }
0x158: {  	[tilespmem:$0xA0] =	vst v1;
	v1 =	vadd.s32 v0, v61  }
0x159: {  	[tilespmem:$0xB0] =	vst v1;
	v1 =	vadd.s32 v0, v62  }
0x15a: {  	[tilespmem:$0xC0] =	vst v1;
	v1 =	vadd.s32 v0, v63  }
0x15b: {  	[tilespmem:$0xD0] =	vst v1;
	v1 =	vadd.s32 v0, v2  }
0x15c: {  	[tilespmem:$0xE0] =	vst v1;
	v1 =	vadd.s32 v0, v3  }
0x15d: {  	s21 =	smov.u32 s13;
	s15 =	smov.u32 s6;
	s14 =	smov.u32 s19;
	[tilespmem:$0xF0] =	vst v1  }
0x15e: {  	[tilespmem:s26], [sflag:$0x2] =	stream.indirect.gather [hbm4b:s3+s24], $0x80, s24, s24, $0xb8;
	[tilespmem:$0x1BA80] =	vst v63  }
.LBB2_4:
0x15f: {  	s7 =	sadd.s32 $0xFFFFFE80, s14  }
0x160: {  	s12 =	smov.u32 s20;
	p1 =	slt.s32 s7, s20  }
0x161: {  	_ =	swait.ge [sflag:s28], $0x4000;
	s12 =	smov.u32 @p1 s7  }
0x162: {  	[sflag:s28] =	ssyncset.done $0x0;
	s7 =	sshrl.u32 s12, $0x3  }
0x163: {  	[sflag:s28] =	ssyncadd.s32 $0xFFFFC000;
	s7 =	sadd.s32 s5, s7  }
0x164: {  	[tilespmem:s29], [sflag:$0x5] =	stream.linear.gather [hbm4b:s7+s2], $0x80, $0x38;
	[tilespmem:$0x1BA80] =	vst v63  }
0x165: {  	_ =	swait.ge [sflag:s23], $0x80  }
0x166: {  	[sflag:s23] =	ssyncset.done $0x0  }
0x167: {  	[sflag:s23] =	ssyncadd.s32 $0xFFFFFF80  }
0x168: {  	v1 =	vld [tilespmem:$0x100]  }
0x169: {  	v2 =	vld [tilespmem:$0x110]  }
0x16a: {  	v3 =	vld [tilespmem:$0x120]  }
0x16b: {  	v4 =	vld [tilespmem:$0x130]  }
0x16c: {  	v5 =	vld [tilespmem:$0x140]  }
0x16d: {  	v6 =	vld [tilespmem:$0x150];
	v1 =	vadd.s32 $0xFFFFEC78, v1  }
0x16e: {  	v7 =	vld [tilespmem:$0x160];
	v2 =	vadd.s32 $0xFFFFEC78, v2;
	v1 =	vmin.u32 v1, $0x1388  }
0x16f: {  	[tilespmem:$0x100] =	vst v1;
	v1 =	vmin.u32 v2, $0x1388;
	v2 =	vadd.s32 $0xFFFFEC78, v3;
	v3 =	vld [tilespmem:$0x170]  }
0x170: {  	[tilespmem:$0x110] =	vst v1;
	v1 =	vmin.u32 v2, $0x1388;
	v2 =	vadd.s32 $0xFFFFEC78, v4  }
0x171: {  	[tilespmem:$0x120] =	vst v1;
	v1 =	vmin.u32 v2, $0x1388;
	v2 =	vadd.s32 $0xFFFFEC78, v5  }
0x172: {  	[tilespmem:$0x130] =	vst v1;
	v1 =	vmin.u32 v2, $0x1388;
	v2 =	vadd.s32 $0xFFFFEC78, v6  }
0x173: {  	s7 =	sadd.s32 $0xFFFFFF80, s14;
	[tilespmem:$0x140] =	vst v1;
	v1 =	vmin.u32 v2, $0x1388;
	v2 =	vadd.s32 $0xFFFFEC78, v7  }
0x174: {  	s12 =	smov.u32 s20;
	p1 =	slt.s32 s7, s20;
	[tilespmem:$0x150] =	vst v1;
	v1 =	vmin.u32 v2, $0x1388;
	v2 =	vadd.s32 $0xFFFFEC78, v3  }
0x175: {  	s12 =	smov.u32 @p1 s7;
	[tilespmem:$0x160] =	vst v1;
	v1 =	vmin.u32 v2, $0x1388  }
0x176: {  	s7 =	sshrl.u32 s12, $0x3;
	[tilespmem:$0x170] =	vst v1  }
0x177: {  	[spmem:s1] =	stream.indirect.scatter.add.f32 [tilespmem:s25], [sflag:$0x3], $0x80, s29, s24, $0xb8;
	[tilespmem:$0x1BA80] =	vst v63  }
0x178: {  	s7 =	sadd.s32 s4, s7  }
0x179: {  	[tilespmem:s2], [sflag:$0x5] =	stream.linear.gather [hbm4b:s7+s2], $0x80, $0x38;
	[tilespmem:$0x1BA80] =	vst v63  }
0x17a: {  	_ =	swait.ge [sflag:s23], $0x80  }
0x17b: {  	[sflag:s23] =	ssyncset.done $0x0  }
0x17c: {  	[sflag:s23] =	ssyncadd.s32 $0xFFFFFF80  }
0x17d: {  	v1 =	vld [tilespmem:$0x0]  }
0x17e: {  	v2 =	vld [tilespmem:$0x10]  }
0x17f: {  	v3 =	vld [tilespmem:$0x20]  }
0x180: {  	v54 =	vld [tilespmem:$0x30]  }
0x181: {  	v55 =	vld [tilespmem:$0x40]  }
0x182: {  	v56 =	vld [tilespmem:$0x50];
	v1 =	vadd.s32 v0, v1  }
0x183: {  	[tilespmem:$0x0] =	vst v1;
	v1 =	vadd.s32 v0, v2;
	v2 =	vld [tilespmem:$0x60]  }
0x184: {  	[tilespmem:$0x10] =	vst v1;
	v1 =	vadd.s32 v0, v3;
	v3 =	vld [tilespmem:$0x70]  }
0x185: {  	[tilespmem:$0x20] =	vst v1;
	v1 =	vadd.s32 v0, v54  }
0x186: {  	[tilespmem:$0x30] =	vst v1;
	v1 =	vadd.s32 v0, v55  }
0x187: {  	[tilespmem:$0x40] =	vst v1;
	v1 =	vadd.s32 v0, v56  }
0x188: {  	[tilespmem:$0x50] =	vst v1;
	v1 =	vadd.s32 v0, v2  }
0x189: {  	[tilespmem:$0x60] =	vst v1;
	v1 =	vadd.s32 v0, v3  }
0x18a: {  	[tilespmem:$0x70] =	vst v1  }
0x18b: {  	_ =	swait.ge [sflag:s30], $0x4000  }
0x18c: {  	s7 =	sadd.s32 $0xFFFFFF00, s14;
	[sflag:s30] =	ssyncset.done $0x0  }
0x18d: {  	s12 =	smov.u32 s20;
	p1 =	slt.s32 s7, s20;
	[sflag:s30] =	ssyncadd.s32 $0xFFFFC000  }
0x18e: {  	[tilespmem:s25], [sflag:$0x1] =	stream.indirect.gather [hbm4b:s3+s24], $0x80, s2, s24, $0xb8;
	[tilespmem:$0x1BA80] =	vst v63  }
0x18f: {  	s12 =	smov.u32 @p1 s7;
	_ =	swait.ge [sflag:s31], $0x4000  }
0x190: {  	s7 =	sshrl.u32 s12, $0x3;
	[sflag:s31] =	ssyncset.done $0x0  }
0x191: {  	s7 =	sadd.s32 s5, s7;
	[sflag:s31] =	ssyncadd.s32 $0xFFFFC000  }
0x192: {  	[tilespmem:s0], [sflag:$0x5] =	stream.linear.gather [hbm4b:s7+s2], $0x80, $0x38;
	[tilespmem:$0x1BA80] =	vst v63  }
0x193: {  	_ =	swait.ge [sflag:s23], $0x80  }
0x194: {  	[sflag:s23] =	ssyncset.done $0x0  }
0x195: {  	[sflag:s23] =	ssyncadd.s32 $0xFFFFFF80  }
0x196: {  	v1 =	vld [tilespmem:$0x180]  }
0x197: {  	v2 =	vld [tilespmem:$0x190]  }
0x198: {  	v3 =	vld [tilespmem:$0x1A0]  }
0x199: {  	v57 =	vld [tilespmem:$0x1B0]  }
0x19a: {  	v58 =	vld [tilespmem:$0x1C0]  }
0x19b: {  	v59 =	vld [tilespmem:$0x1D0];
	v1 =	vadd.s32 $0xFFFFEC78, v1  }
0x19c: {  	v60 =	vld [tilespmem:$0x1E0];
	v2 =	vadd.s32 $0xFFFFEC78, v2;
	v1 =	vmin.u32 v1, $0x1388  }
0x19d: {  	[tilespmem:$0x180] =	vst v1;
	v1 =	vmin.u32 v2, $0x1388;
	v2 =	vadd.s32 $0xFFFFEC78, v3;
	v3 =	vld [tilespmem:$0x1F0]  }
0x19e: {  	[tilespmem:$0x190] =	vst v1;
	v1 =	vmin.u32 v2, $0x1388;
	v2 =	vadd.s32 $0xFFFFEC78, v57  }
0x19f: {  	[tilespmem:$0x1A0] =	vst v1;
	v1 =	vmin.u32 v2, $0x1388;
	v2 =	vadd.s32 $0xFFFFEC78, v58  }
0x1a0: {  	[tilespmem:$0x1B0] =	vst v1;
	v1 =	vmin.u32 v2, $0x1388;
	v2 =	vadd.s32 $0xFFFFEC78, v59  }
0x1a1: {  	[tilespmem:$0x1C0] =	vst v1;
	v1 =	vmin.u32 v2, $0x1388;
	v2 =	vadd.s32 $0xFFFFEC78, v60  }
0x1a2: {  	p1 =	slt.s32 s14, s20;
	s7 =	smov.u32 s20;
	[tilespmem:$0x1D0] =	vst v1;
	v1 =	vmin.u32 v2, $0x1388;
	v2 =	vadd.s32 $0xFFFFEC78, v3  }
0x1a3: {  	s7 =	smov.u32 @p1 s14;
	[tilespmem:$0x1E0] =	vst v1;
	v1 =	vmin.u32 v2, $0x1388  }
0x1a4: {  	s7 =	sshrl.u32 s7, $0x3;
	[tilespmem:$0x1F0] =	vst v1  }
0x1a5: {  	[spmem:s1] =	stream.indirect.scatter.add.f32 [tilespmem:s26], [sflag:$0x4], $0x80, s0, s24, $0xb8;
	[tilespmem:$0x1BA80] =	vst v63  }
0x1a6: {  	s7 =	sadd.s32 s4, s7  }
0x1a7: {  	[tilespmem:s24], [sflag:$0x5] =	stream.linear.gather [hbm4b:s7+s2], $0x80, $0x38;
	[tilespmem:$0x1BA80] =	vst v63  }
0x1a8: {  	_ =	swait.ge [sflag:s23], $0x80  }
0x1a9: {  	[sflag:s23] =	ssyncset.done $0x0  }
0x1aa: {  	[sflag:s23] =	ssyncadd.s32 $0xFFFFFF80  }
0x1ab: {  	v1 =	vld [tilespmem:$0x80]  }
0x1ac: {  	v2 =	vld [tilespmem:$0x90]  }
0x1ad: {  	v3 =	vld [tilespmem:$0xA0]  }
0x1ae: {  	v61 =	vld [tilespmem:$0xB0]  }
0x1af: {  	v62 =	vld [tilespmem:$0xC0]  }
0x1b0: {  	v63 =	vld [tilespmem:$0xD0];
	v1 =	vadd.s32 v0, v1  }
0x1b1: {  	[tilespmem:$0x80] =	vst v1;
	v1 =	vadd.s32 v0, v2;
	v2 =	vld [tilespmem:$0xE0]  }
0x1b2: {  	[tilespmem:$0x90] =	vst v1;
	v1 =	vadd.s32 v0, v3;
	v3 =	vld [tilespmem:$0xF0]  }
0x1b3: {  	[tilespmem:$0xA0] =	vst v1;
	v1 =	vadd.s32 v0, v61  }
0x1b4: {  	[tilespmem:$0xB0] =	vst v1;
	v1 =	vadd.s32 v0, v62  }
0x1b5: {  	[tilespmem:$0xC0] =	vst v1;
	v1 =	vadd.s32 v0, v63  }
0x1b6: {  	[tilespmem:$0xD0] =	vst v1;
	v1 =	vadd.s32 v0, v2  }
0x1b7: {  	p1 =	sne.s32 s15, $0x1;
	[tilespmem:$0xE0] =	vst v1;
	v1 =	vadd.s32 v0, v3  }
.Ltmp2:
0x1b8: {  	[tilespmem:$0xF0] =	vst v1;
	(pc) =	sbr.rel @p1 .LBB2_4-.Ltmp2, $4  }
0x1b9: {  	_ =	swait.ge [sflag:s8], $0x4000  }
0x1ba: {  	[sflag:s8] =	ssyncset.done $0x0  }
0x1bb: {  	s14 =	sadd.s32 $0x100, s14;
	s15 =	sadd.s32 $0xFFFFFFFF, s15;
	[sflag:s8] =	ssyncadd.s32 $0xFFFFC000  }
0x1bc: {  	[tilespmem:s26], [sflag:$0x2] =	stream.indirect.gather [hbm4b:s3+s24], $0x80, s24, s24, $0xb8;
	[tilespmem:$0x1BA80] =	vst v63  }
0x1bd: {  	_ =	swait.ge [sflag:s28], $0x4000  }
0x1be: {  	[sflag:s28] =	ssyncset.done $0x0  }
0x1bf: {  	[sflag:s28] =	ssyncadd.s32 $0xFFFFC000  }
0x1c0: {  	_ =	swait.ge [sflag:s31], $0x4000  }
0x1c1: {  	[sflag:s31] =	ssyncset.done $0x0  }
0x1c2: {  	[sflag:s31] =	ssyncadd.s32 $0xFFFFC000  }
0x1c3: {  	[bflag:$0x0] =	sbarrier.arrive $0xFFFF  }
0x1c4: {  	[tilespmem:s22], [sflag:$0x5] =	stream.linear.gather [spmem:s9], $0x9C00, $0x38;
	[tilespmem:$0x1BA80] =	vst v63  }
0x1c5: {  	_ =	swait.ge [sflag:s23], $0x9C00  }
0x1c6: {  	[sflag:s23] =	ssyncset.done $0x0  }
0x1c7: {  	s7 =	rddreg [dreg:$0xa];
	[sflag:s23] =	ssyncadd.s32 $0xFFFF6400  }
0x1c8: {  	[hbm4b:s7+s2] =	stream.linear.scatter [tilespmem:s22], [sflag:$0x5], $0x9C00, $0x38;
	[tilespmem:$0x1BA80] =	vst v63  }
0x1c9: {  	_ =	swait.ge [sflag:s23], $0x9C00  }
0x1ca: {  	[sflag:s23] =	ssyncset.done $0x0  }
0x1cb: {  	s12 =	simm.s32 @!p0 $0x5;
	s7 =	simm.s32 @!p0 $0x8200;
	[sflag:s23] =	ssyncadd.s32 $0xFFFF6400  }
0x1cc: {  	[tilespmem:s7], [sflag:$0x5] =	stream.linear.gather @!p0 [spmem:s11], $0x400, $0x38;
	[tilespmem:$0x1BA80] =	vst v63  }
0x1cd: {  	_ =	swait.ge @!p0 [sflag:s12], $0x400  }
0x1ce: {  	[sflag:s12] =	ssyncset.done @!p0 $0x0  }
0x1cf: {  	s14 =	simm.s32 @!p0 $0x0;
	s13 =	rddreg [dreg:$0xb];
	[sflag:s12] =	ssyncadd.s32 @!p0 $0xFFFFFC00  }
0x1d0: {  	[hbm4b:s13+s14] =	stream.linear.scatter @!p0 [tilespmem:s7], [sflag:$0x5], $0x400, $0x38;
	[tilespmem:$0x1BA80] =	vst v63  }
0x1d1: {  	_ =	swait.ge @!p0 [sflag:s12], $0x400  }
0x1d2: {  	s10 =	sadd.s32 $0x1, s10;
	s18 =	rddreg [dreg:$0xc]  }
0x1d3: {  	p1 =	sne.s32 s10, s18  }
.Ltmp3:
0x1d4: {  	_ = 	snop;
	(pc) =	sbr.rel @p1 .LBB2_1-.Ltmp3, $3  }
0x1d5: {  	[sflag:s12] =	ssyncset.done @!p0 $0x0  }
0x1d6: {  	[sflag:s12] =	ssyncadd.s32 @!p0 $0xFFFFFC00  }
0x1d7: {  	[bflag:$0x0] =	sbarrier.arrive $0xFFFF;
	_ =	sdelay $0x1  }
0x1d8: {  	_ =	sfence.sel $0x180000  }
0x1d9: {  	[bflag:$0x0] =	sbarrier.arrive $0xFFFF  }
0x1da: {  	_ =	strace $0x9000004A  }
0x1db: {  	[bflag:$0x2] =	sbarrier.arrive $0xFFFF  }
0x1dc: {  	s0 =	rddreg [dreg:$0x2]  }
0x1dd: {  	s0 =	sadd.s32 @!p0 $0x100000, s0  }
0x1de: {  	[sflag:s0] =	ssyncadd.tile.s32 @!p0 $0x1;
	_ =	shalt  }
.Lfunc_end2:
_tile_overlayer_lowered:
.L_overlay_start_2:
0x1df: {  	(tag) =	ssettag $0x2  }
0x1e0: {  	s0 =	rddreg [dreg:$0x0];
	s2 =	stileid.u32  }
0x1e1: {  	s1 =	rddreg [dreg:$0x1];
	p0 =	sne.s32 s2, $0x0  }
0x1e2: {  	s3 =	rddreg [dreg:$0x2];
	[bflag:$0x3] =	sbarrier.arrive $0xFFFF;
	s2 =	simm.s32 @!p0 $0x1C05  }
0x1e3: {  	[timem:s3], [sflag:s2] =	dma.local @!p0 [hbm:s0], s1  }
0x1e4: {  	s0 =	simm.s32 @!p0 $0x5  }
0x1e5: {  	_ =	swait.ge @!p0 [sflag:s0], s1  }
0x1e6: {  	s1 =	ssub.s32 @!p0 $0x0, s1;
	[sflag:s0] =	ssyncset.done @!p0 $0x0  }
0x1e7: {  	[sflag:s0] =	ssyncadd.s32 @!p0 s1  }
0x1e8: {  	[bflag:$0x3] =	sbarrier.arrive $0xFFFF  }
0x1e9: {  	_ =	shalt  }

// kernel: kernel.5.cloned.1.call-start
scs
__scs_entry_jumppad:
0x0: {  	(pc) =	sbr.rel $0x88, $3  }
0x1: {  	(tag) =	ssettag $0x0;
	lr =	simm.s32 $0x1  }
0x2: {  	[smem:$0x3F93] =	sst lr;
	_ =	strace $0xD0000000  }
0x3: {  	_ = 	snop  }
0x4: {  	_ = 	snop  }
0x5: {  	_ = 	snop  }
0x6: {  	_ = 	snop  }
0x7: {  	_ = 	snop  }
__scs_overlays_trampoline_lowered:
0x8: {  	[smem:$0x3FA2] =	sst s0  }
0x9: {  	[smem:$0x3FA3] =	sst s1  }
0xa: {  	[smem:$0x3FA4] =	sst s2  }
0xb: {  	[smem:$0x3FA5] =	sst s3  }
0xc: {  	[smem:$0x3FA6] =	sst s4  }
0xd: {  	[smem:$0x3FA7] =	sst s5  }
0xe: {  	[smem:$0x3FA8] =	sst s6  }
0xf: {  	[smem:$0x3FA9] =	sst s7  }
0x10: {  	[smem:$0x3FAA] =	sst s8  }
0x11: {  	[smem:$0x3FAB] =	sst s9;
	s0 =	simm.s32 @!p0 $0x0  }
0x12: {  	s1 =	sld [smem:$0x3F91];
	s0 =	simm.s32 @p0 $0x1  }
0x13: {  	[smem:$0x3FAC] =	sst s0;
	s0 =	simm.s32 @!p1 $0x0  }
0x14: {  	s2 =	sld [smem:$0x3F90];
	s0 =	simm.s32 @p1 $0x1  }
0x15: {  	[smem:$0x3FAD] =	sst s0;
	s0 =	simm.s32 @!p2 $0x0  }
0x16: {  	s3 =	sld [smem:$0x3FDB];
	s0 =	simm.s32 @p2 $0x1  }
0x17: {  	s4 =	simm.s32 $0x1BF5;
	[smem:$0x3FAF] =	sst s0  }
0x18: {  	s0 =	sld [smem:$0x3F92];
	_ =	swait.ge [sflag:s4], $0x0  }
0x19: {  	s7 =	sld [smem:$0x3F93]  }
0x1a: {  	s8 =	sadd.s32 $0xFFFFE003, lr  }
0x1b: {  	s9 =	sadd.s32 $0xFFFFFEF7, lr;
	s5 =	simm.s32 $0xFFFFFFFF;
	p2 =	slt.u32 s8, $0xFFFFF086  }
0x1c: {  	p1 =	slt.u32 s9, $0xF7A;
	s5 =	simm.s32 @!p2 $0x0  }
0x1d: {  	s5 =	simm.s32 @p1 $0x1;
	p0 =	seq.s32 s7, s2  }
0x1e: {  	s7 =	smul.u32 @!p0 $0xF7A, s2;
	p2 =	seq.s32 @!p0 s5, $0x0  }
0x1f: {  	s9 =	smul.u32 $0xF7A, s1;
	s8 =	simm.s32 @!p0 $0x1BF5;
	p2 =	por !p2, p0  }
0x20: {  	[sflag:s8] =	ssyncset.s32 @!p0 $0xFFFFF086;
	s6 =	sadd.s32 @!p0 s3, s7;
	s7 =	simm.s32 @!p0 $0x108  }
0x21: {  	s3 =	sadd.s32 s3, s9;
	s6 =	sadd.s32 @!p0 $0x88, s6;
	s7 =	simm.s32 @p2 $0x1082  }
0x22: {  	[simem:s7], [sflag:s8] =	dma.local @!p0 [hbm:s6], $0xF7A  }
0x23: {  	s9 =	sor.u32 $0xD0000000, s2;
	s6 =	simm.s32 $0x108;
	_ =	swait.ge @!p0 [sflag:s8], $0x0  }
0x24: {  	s3 =	sadd.s32 $0x88, s3;
	s6 =	simm.s32 @!p1 $0x1082;
	[sflag:s4] =	ssyncset.s32 $0xFFFFF086  }
0x25: {  	[simem:s6], [sflag:s4] =	dma.local [hbm:s3], $0xF7A  }
0x26: {  	[smem:$0x3F93] =	sst s1;
	(tag) =	ssettag s2;
	_ =	strace s9  }
0x27: {  	s1 =	sld [smem:$0x3FA3]  }
0x28: {  	s2 =	sld [smem:$0x3FA4]  }
0x29: {  	s4 =	sld [smem:$0x3FA6]  }
0x2a: {  	p0 =	seq.s32 s5, $0x0;
	s5 =	sld [smem:$0x3FA7]  }
0x2b: {  	s6 =	sld [smem:$0x3FA8]  }
0x2c: {  	s7 =	sld [smem:$0x3FA9]  }
0x2d: {  	s3 =	simm.s32 $0x108;
	s8 =	sld [smem:$0x3FAA]  }
0x2e: {  	s3 =	simm.s32 @!p0 $0x1082;
	s9 =	sld [smem:$0x3FAB]  }
0x2f: {  	lr =	sadd.s32 s0, s3;
	s0 =	sld [smem:$0x3FA2]  }
0x30: {  	s3 =	sld [smem:$0x3FA5]  }
0x31: {  	[smem:$0x3FAE] =	sst s10  }
0x32: {  	s10 =	sld [smem:$0x3FAC];
	_ =	sdelay $0x3  }
0x33: {  	p0 =	seq.s32 s10, $0x1;
	s10 =	sld [smem:$0x3FAE];
	_ =	sdelay $0x3  }
0x34: {  	[smem:$0x3FAE] =	sst s10  }
0x35: {  	s10 =	sld [smem:$0x3FAD];
	_ =	sdelay $0x3  }
0x36: {  	p1 =	seq.s32 s10, $0x1;
	s10 =	sld [smem:$0x3FAE];
	_ =	sdelay $0x3  }
0x37: {  	[smem:$0x3FAE] =	sst s10  }
0x38: {  	s10 =	sld [smem:$0x3FAF]  }
0x39: {  	_ = 	snop;
	(pc) =	sbr.ind lr, $3  }
0x3a: {  	_ = 	snop  }
0x3b: {  	_ = 	snop  }
0x3c: {  	p2 =	seq.s32 s10, $0x1;
	s10 =	sld [smem:$0x3FAE]  }
0x3d: {  	_ =	shalt  }
0x3e: {  	_ =	shalt  }
0x3f: {  	_ =	shalt  }
0x40: {  	_ =	shalt  }
0x41: {  	_ =	shalt  }
0x42: {  	_ =	shalt  }
0x43: {  	_ =	shalt  }
0x44: {  	_ =	shalt  }
0x45: {  	_ =	shalt  }
0x46: {  	_ =	shalt  }
0x47: {  	_ =	shalt  }
0x48: {  	_ =	shalt  }
0x49: {  	_ =	shalt  }
0x4a: {  	_ =	shalt  }
0x4b: {  	_ =	shalt  }
0x4c: {  	_ =	shalt  }
0x4d: {  	_ =	shalt  }
0x4e: {  	_ =	shalt  }
0x4f: {  	_ =	shalt  }
0x50: {  	_ =	shalt  }
0x51: {  	_ =	shalt  }
0x52: {  	_ =	shalt  }
0x53: {  	_ =	shalt  }
0x54: {  	_ =	shalt  }
0x55: {  	_ =	shalt  }
0x56: {  	_ =	shalt  }
0x57: {  	_ =	shalt  }
0x58: {  	_ =	shalt  }
0x59: {  	_ =	shalt  }
0x5a: {  	_ =	shalt  }
0x5b: {  	_ =	shalt  }
0x5c: {  	_ =	shalt  }
0x5d: {  	_ =	shalt  }
0x5e: {  	_ =	shalt  }
0x5f: {  	_ =	shalt  }
0x60: {  	_ =	shalt  }
0x61: {  	_ =	shalt  }
0x62: {  	_ =	shalt  }
0x63: {  	_ =	shalt  }
0x64: {  	_ =	shalt  }
0x65: {  	_ =	shalt  }
0x66: {  	_ =	shalt  }
0x67: {  	_ =	shalt  }
0x68: {  	_ =	shalt  }
0x69: {  	_ =	shalt  }
0x6a: {  	_ =	shalt  }
0x6b: {  	_ =	shalt  }
0x6c: {  	_ =	shalt  }
0x6d: {  	_ =	shalt  }
0x6e: {  	_ =	shalt  }
0x6f: {  	_ =	shalt  }
0x70: {  	_ =	shalt  }
0x71: {  	_ =	shalt  }
0x72: {  	_ =	shalt  }
0x73: {  	_ =	shalt  }
0x74: {  	_ =	shalt  }
0x75: {  	_ =	shalt  }
0x76: {  	_ =	shalt  }
0x77: {  	_ =	shalt  }
0x78: {  	_ =	shalt  }
0x79: {  	_ =	shalt  }
0x7a: {  	_ =	shalt  }
0x7b: {  	_ =	shalt  }
0x7c: {  	_ =	shalt  }
0x7d: {  	_ =	shalt  }
0x7e: {  	_ =	shalt  }
0x7f: {  	_ =	shalt  }
0x80: {  	_ =	shalt  }
0x81: {  	_ =	shalt  }
0x82: {  	_ =	shalt  }
0x83: {  	_ =	shalt  }
0x84: {  	_ =	shalt  }
0x85: {  	_ =	shalt  }
0x86: {  	_ =	shalt  }
0x87: {  	_ =	shalt  }
.Lfunc_end0:
.L_simem_size_0:
called_computation.1_lowered:
.L_overlay_start_0:
0x88: {  	s2 =	sld [smem:$0x3FD9]  }
0x89: {  	s3 =	sld [smem:$0x3FFE];
	_ =	sdelay $0x1  }
0x8a: {  	s1 =	srdreg.scid  }
0x8b: {  	s0 =	sand.u32 $0x1, s1  }
0x8c: {  	s17 =	sshll.u32 s0, $0xA;
	s2 =	sadd.s32 s3, s2  }
0x8d: {  	s2 =	sadd.s32 s2, s17  }
0x8e: {  	[smem:$0x3FBA] =	sst s2  }
0x8f: {  	_ = 	snop  }
0x90: {  	s2 =	sld [smem:$0x3FD0];
	(tm) =	ssettm $0x1  }
0x91: {  	s18 =	sld [smem:$0x3FFB];
	_ =	sdelay $0x3  }
0x92: {  	_ =	strace s18  }
0x93: {  	s3 =	sld [smem:$0x3FFC];
	_ =	sdelay $0x3  }
0x94: {  	_ =	strace s3  }
0x95: {  	s3 =	sld [smem:$0x3FFD];
	_ =	sdelay $0x3  }
0x96: {  	_ =	strace s3  }
0x97: {  	_ =	strace $0x8FFFFFFF  }
0x98: {  	s19 =	sld [smem:$0x3FDB];
	_ =	sdelay $0x1  }
0x99: {  	s4 =	simm.s32 $_scs_section_size  }
0x9a: {  	s5 =	simm.s32 $_size__tile_overlayer_lowered;
	s6 =	simm.s32 $_tile_overlayer_lowered  }
0x9b: {  	s22 =	simm.s32 $0x1BFF;
	s21 =	sshll.u32 s6, $0x1;
	s3 =	sadd.s32 s4, s19  }
0x9c: {  	s7 =	simm.s32 $0x0;
	s20 =	sshll.u32 s5, $0x1;
	s5 =	sadd.s32 s21, s3  }
0x9d: {  	[timem:s7], [sflag:s22] =	dma.local [hbm:s5], s20  }
0x9e: {  	_ =	swait.ge [sflag:s22], s20  }
0x9f: {  	s4 =	ssub.s32 $0x0, s20;
	[sflag:s22] =	ssyncset.done $0x0  }
0xa0: {  	[sflag:s22] =	ssyncadd.s32 s4;
	_ =	sdelay $0x1  }
0xa1: {  	s23 =	simm.s32 $0x1B8B  }
0xa2: {  	_ =	swait.ge [sflag:s23], $0x1  }
0xa3: {  	[sflag:s23] =	ssyncset.done $0x0  }
0xa4: {  	s25 =	simm.s32 $0x1B8E;
	s24 =	sld [smem:$0x3FFE];
	[sflag:s23] =	ssyncadd.s32 $0xFFFFFFFF  }
0xa5: {  	s26 =	simm.s32 $execute0_lowered;
	[smem:$0x3FD2] =	sst s25  }
0xa6: {  	s5 =	sshll.u32 s26, $0x1;
	_ =	strace $0x80000046;
	[dreg:$0x1] =	wrdreg $0xFFFFFFFF  }
0xa7: {  	s28 =	simm.s32 $_size_execute0_lowered;
	s3 =	sadd.s32 s3, s5;
	[dreg:$0x0] =	wrdreg $0x0  }
0xa8: {  	s5 =	sshll.u32 s28, $0x1;
	[dreg:$0x2] =	wrdreg s3  }
0xa9: {  	[dreg:$0x3] =	wrdreg s5  }
0xaa: {  	[dreg:$0x4] =	wrdreg $0xC0  }
0xab: {  	_ =	task [dreg:s7], $0x5FFFF  }
0xac: {  	[dreg:$0x1] =	wrdreg $0xFFFFFFFF  }
0xad: {  	[dreg:$0x0] =	wrdreg $0x60  }
0xae: {  	[dreg:$0x2] =	wrdreg s24  }
0xaf: {  	[dreg:$0x3] =	wrdreg s2  }
0xb0: {  	[dreg:$0x4] =	wrdreg $0x3800  }
0xb1: {  	[dreg:$0x5] =	wrdreg $0x9  }
0xb2: {  	_ =	task.clear_ibuf [dreg:s7], $0x6FFFF;
	_ =	strace $0x90000046  }
0xb3: {  	s29 =	simm.s32 $0x9;
	_ =	strace $0x80000048  }
0xb4: {  	_ =	swait.ge [sflag:s29], $0x1  }
0xb5: {  	[sflag:s29] =	ssyncadd.s32 $0xFFFFFFFF  }
0xb6: {  	_ =	strace $0x90000048  }
0xb7: {  	_ =	sfence  }
0xb8: {  	s30 =	sld [smem:$0x0];
	_ =	sdelay $0x2  }
0xb9: {  	s31 =	sshll.u32 s1, $0xD;
	s1 =	sshrl.u32 s1, $0x2  }
0xba: {  	s3 =	sand.u32 $0x4000, s31;
	s1 =	sadd.s32 s1, s30  }
0xbb: {  	s0 =	sor.u32 s3, s0;
	s1 =	sshll.u32 s1, $0x11  }
0xbc: {  	s0 =	sor.u32 s1, s0  }
0xbd: {  	s0 =	sadd.s32 $0x8F2B, s0  }
0xbe: {  	[sflag:s0] =	ssyncadd.remote.s32 $0x1  }
0xbf: {  	_ =	sfence.sel $0xFFFF  }
0xc0: {  	[dreg:$0x0] =	wrdreg $0xFFFFFFFF;
	(pc) =	sbr.abs _section_cstart, $3  }
0xc1: {  	[dreg:$0x1] =	wrdreg $0xFFFFFFFF  }
0xc2: {  	_ =	task.clear_ibuf [dreg:s7], $0x2FFFF;
	_ =	strace $0x9FFFFFFF  }
0xc3: {  	(tm) =	ssettm $0x7FFFFFFF  }
tec
execute0_lowered:
.L_overlay_start_1:
0x0: {  	(tag) =	ssettag $0x1  }
0x1: {  	s3 =	rddreg [dreg:$0x0]  }
0x2: {  	s6 =	rddreg [dreg:$0x1];
	s0 =	srdreg.scid  }
0x3: {  	s1 =	rddreg [dreg:$0x2];
	s10 =	stileid.u32  }
0x4: {  	s2 =	simm.s32 $0x0;
	s12 =	simm.s32 $0x80;
	s7 =	smul.u32 $0x1380, s10  }
0x5: {  	s4 =	sand.u32 $0x1, s0;
	s0 =	rddreg [dreg:$0x3];
	s9 =	smul.u32 $0x270, s10  }
0x6: {  	s13 =	simm.s32 $0x0;
	[smem:$0x7FF] =	sst s2;
	s5 =	smul.u32 $0x13880, s4  }
0x7: {  	p0 =	seq.s32 s10, $0xF;
	s30 =	ssub.s32 $0x2, s4;
	s31 =	smul.u32 $0x2710, s4  }
0x8: {  	_ =	strace $0x80000047;
	s4 =	sadd.s32 $0x2700, s1;
	s8 =	sshrl.u32 s30, $0x1  }
0x9: {  	s5 =	sadd.s32 s7, s5;
	s8 =	ssub.s32 s30, s8;
	s7 =	sshrl.u32 s31, $0x3  }
0xa: {  	s5 =	sshrl.u32 s5, $0x3;
	s7 =	sadd.s32 s6, s7;
	s8 =	smax.u32 s8, $0x1  }
0xb: {  	s11 =	sadd.s32 s5, s3;
	s3 =	sadd.s32 s9, s1;
	s5 =	simm.s32 $0x28  }
0xc: {  	s9 =	sadd.s32 s9, s31;
	s7 =	sadd.s32 $0x4E0, s7;
	s5 =	simm.s32 @!p0 $0x27  }
0xd: {  	s9 =	sshrl.u32 s9, $0x3;
	p0 =	sne.s32 s10, $0x0;
	s10 =	simm.s32 $0x100  }
0xe: {  	v0 =	vimm.f32 $1.000000000e+00;
	v1 =	vimm.f32 $0.0e+00;
	s6 =	sadd.s32 s6, s9;
	s9 =	sadd.s32 $0x2000, s11;
	s11 =	simm.s32 $0x1  }
.LBB2_1:
0xf: {  	[tilespmem:$0x80] =	vst v0  }
0x10: {  	[tilespmem:$0x90] =	vst v0  }
0x11: {  	[tilespmem:$0xA0] =	vst v0  }
0x12: {  	[tilespmem:$0xB0] =	vst v0  }
0x13: {  	[tilespmem:$0xC0] =	vst v0  }
0x14: {  	[tilespmem:$0xD0] =	vst v0  }
0x15: {  	[tilespmem:$0xE0] =	vst v0  }
0x16: {  	[tilespmem:$0xF0] =	vst v0  }
0x17: {  	[tilespmem:$0x100] =	vst v1  }
0x18: {  	[tilespmem:$0x110] =	vst v1  }
0x19: {  	[tilespmem:$0x120] =	vst v1  }
0x1a: {  	[tilespmem:$0x130] =	vst v1  }
0x1b: {  	[tilespmem:$0x140] =	vst v1  }
0x1c: {  	[tilespmem:$0x150] =	vst v1  }
0x1d: {  	[tilespmem:$0x160] =	vst v1  }
0x1e: {  	[tilespmem:$0x170] =	vst v1  }
0x1f: {  	[tilespmem:$0x180] =	vst v1  }
0x20: {  	[tilespmem:$0x190] =	vst v1  }
0x21: {  	[tilespmem:$0x1A0] =	vst v1  }
0x22: {  	[tilespmem:$0x1B0] =	vst v1  }
0x23: {  	[tilespmem:$0x1C0] =	vst v1  }
0x24: {  	[tilespmem:$0x1D0] =	vst v1  }
0x25: {  	[tilespmem:$0x1E0] =	vst v1  }
0x26: {  	[tilespmem:$0x1F0] =	vst v1  }
0x27: {  	[tilespmem:$0x200] =	vst v1  }
0x28: {  	[tilespmem:$0x210] =	vst v1  }
0x29: {  	[tilespmem:$0x220] =	vst v1  }
0x2a: {  	[tilespmem:$0x230] =	vst v1  }
0x2b: {  	[tilespmem:$0x240] =	vst v1  }
0x2c: {  	[tilespmem:$0x250] =	vst v1  }
0x2d: {  	[tilespmem:$0x260] =	vst v1  }
0x2e: {  	[tilespmem:$0x270] =	vst v1  }
0x2f: {  	[tilespmem:$0x280] =	vst v1  }
0x30: {  	[tilespmem:$0x290] =	vst v1  }
0x31: {  	[tilespmem:$0x2A0] =	vst v1  }
0x32: {  	[tilespmem:$0x2B0] =	vst v1  }
0x33: {  	[tilespmem:$0x2C0] =	vst v1  }
0x34: {  	[tilespmem:$0x2D0] =	vst v1  }
0x35: {  	[tilespmem:$0x2E0] =	vst v1  }
0x36: {  	[tilespmem:$0x2F0] =	vst v1  }
0x37: {  	[tilespmem:$0x300] =	vst v1  }
0x38: {  	[tilespmem:$0x310] =	vst v1  }
0x39: {  	[tilespmem:$0x320] =	vst v1  }
0x3a: {  	[tilespmem:$0x330] =	vst v1  }
0x3b: {  	[tilespmem:$0x340] =	vst v1  }
0x3c: {  	[tilespmem:$0x350] =	vst v1  }
0x3d: {  	[tilespmem:$0x360] =	vst v1  }
0x3e: {  	[spmem:s3] =	stream.linear.scatter [tilespmem:s10], [sflag:$0x1], $0x270, $0x38;
	[tilespmem:$0x5F8] =	vst v63  }
0x3f: {  	_ =	swait.ge [sflag:s11], $0x270  }
0x40: {  	[sflag:s11] =	ssyncset.done $0x0  }
0x41: {  	s15 =	simm.s32 @!p0 $0x100;
	s14 =	simm.s32 @!p0 $0x1;
	[sflag:s11] =	ssyncadd.s32 $0xFFFFFD90  }
0x42: {  	[spmem:s4] =	stream.linear.scatter @!p0 [tilespmem:s15], [sflag:$0x1], $0x10, $0x38;
	[tilespmem:$0x5F8] =	vst v63  }
0x43: {  	_ =	swait.ge @!p0 [sflag:s14], $0x10  }
0x44: {  	[sflag:s14] =	ssyncset.done @!p0 $0x0  }
0x45: {  	[sflag:s14] =	ssyncadd.s32 @!p0 $0xFFFFFFF0  }
0x46: {  	[bflag:$0x0] =	sbarrier.arrive $0xFFFF  }
0x47: {  	[tilespmem:s2], [sflag:$0x1] =	stream.linear.gather [hbm4b:s9+s2], $0x80, $0x38;
	[tilespmem:$0x5F8] =	vst v63  }
0x48: {  	p1 =	sne.s32 s5, $0x1;
	_ =	swait.ge [sflag:s11], $0x80  }
.Ltmp0:
0x49: {  	[sflag:s11] =	ssyncset.done $0x0;
	(pc) =	sbr.rel @!p1 .LBB2_3-.Ltmp0, $4  }
0x4a: {  	[sflag:s11] =	ssyncadd.s32 $0xFFFFFF80  }
0x4b: {  	[spmem:s1] =	stream.indirect.scatter.add.f32 [tilespmem:s12], [sflag:$0x1], $0x1, s2, s12, $0xb8;
	[tilespmem:$0x5F8] =	vst v63  }
0x4c: {  	_ =	swait.ge [sflag:s11], $0x80  }
0x4d: {  	s16 =	sadd.s32 $0xFFFFFFFF, s5;
	s17 =	smov.u32 s9;
	[sflag:s11] =	ssyncset.done $0x0  }
.LBB2_2:
0x4e: {  	p1 =	sne.s32 s16, $0x1;
	[sflag:s11] =	ssyncadd.s32 $0xFFFFFF80;
	s17 =	sadd.s32 $0x10, s17  }
0x4f: {  	[tilespmem:s2], [sflag:$0x1] =	stream.linear.gather [hbm4b:s17+s2], $0x80, $0x38;
	[tilespmem:$0x5F8] =	vst v63  }
0x50: {  	s16 =	sadd.s32 $0xFFFFFFFF, s16;
	_ =	swait.ge [sflag:s11], $0x80  }
.Ltmp1:
0x51: {  	[sflag:s11] =	ssyncset.done $0x0;
	(pc) =	sbr.rel @p1 .LBB2_2-.Ltmp1, $4  }
0x52: {  	[sflag:s11] =	ssyncadd.s32 $0xFFFFFF80  }
0x53: {  	[spmem:s1] =	stream.indirect.scatter.add.f32 [tilespmem:s12], [sflag:$0x1], $0x1, s2, s12, $0xb8;
	[tilespmem:$0x5F8] =	vst v63  }
0x54: {  	_ =	swait.ge [sflag:s11], $0x80  }
0x55: {  	[sflag:s11] =	ssyncset.done $0x0  }
.LBB2_3:
0x56: {  	[sflag:s11] =	ssyncadd.s32 $0xFFFFFF80  }
0x57: {  	[bflag:$0x0] =	sbarrier.arrive $0xFFFF  }
0x58: {  	[tilespmem:s10], [sflag:$0x1] =	stream.linear.gather [spmem:s3], $0x270, $0x38;
	[tilespmem:$0x5F8] =	vst v63  }
0x59: {  	_ =	swait.ge [sflag:s11], $0x270  }
0x5a: {  	[sflag:s11] =	ssyncset.done $0x0  }
0x5b: {  	[sflag:s11] =	ssyncadd.s32 $0xFFFFFD90  }
0x5c: {  	[hbm4b:s6+s2] =	stream.linear.scatter [tilespmem:s10], [sflag:$0x1], $0x270, $0x38;
	[tilespmem:$0x5F8] =	vst v63  }
0x5d: {  	_ =	swait.ge [sflag:s11], $0x270  }
0x5e: {  	[sflag:s11] =	ssyncset.done $0x0  }
0x5f: {  	[sflag:s11] =	ssyncadd.s32 $0xFFFFFD90  }
0x60: {  	[tilespmem:s15], [sflag:$0x1] =	stream.linear.gather @!p0 [spmem:s4], $0x10, $0x38;
	[tilespmem:$0x5F8] =	vst v63  }
0x61: {  	s13 =	sadd.s32 $0x1, s13;
	_ =	swait.ge @!p0 [sflag:s14], $0x10  }
0x62: {  	p1 =	sne.s32 s13, s8;
	[sflag:s14] =	ssyncset.done @!p0 $0x0  }
.Ltmp2:
0x63: {  	s16 =	simm.s32 @!p0 $0x0;
	[sflag:s14] =	ssyncadd.s32 @!p0 $0xFFFFFFF0;
	(pc) =	sbr.rel @p1 .LBB2_1-.Ltmp2, $4  }
0x64: {  	[hbm4b:s7+s16] =	stream.linear.scatter @!p0 [tilespmem:s15], [sflag:$0x1], $0x10, $0x38;
	[tilespmem:$0x5F8] =	vst v63  }
0x65: {  	_ =	swait.ge @!p0 [sflag:s14], $0x10  }
0x66: {  	[sflag:s14] =	ssyncset.done @!p0 $0x0  }
0x67: {  	[sflag:s14] =	ssyncadd.s32 @!p0 $0xFFFFFFF0  }
0x68: {  	_ =	sfence.sel $0x180000  }
0x69: {  	[bflag:$0x0] =	sbarrier.arrive $0xFFFF  }
0x6a: {  	_ =	strace $0x90000047  }
0x6b: {  	s0 =	sadd.s32 @!p0 $0x100000, s0;
	[bflag:$0x2] =	sbarrier.arrive $0xFFFF  }
0x6c: {  	[sflag:s0] =	ssyncadd.tile.s32 @!p0 $0x1;
	_ =	shalt  }
.Lfunc_end2:
_tile_overlayer_lowered:
.L_overlay_start_2:
0x6d: {  	(tag) =	ssettag $0x2  }
0x6e: {  	s0 =	rddreg [dreg:$0x0];
	s2 =	stileid.u32  }
0x6f: {  	s1 =	rddreg [dreg:$0x1];
	p0 =	sne.s32 s2, $0x0  }
0x70: {  	s3 =	rddreg [dreg:$0x2];
	[bflag:$0x3] =	sbarrier.arrive $0xFFFF;
	s2 =	simm.s32 @!p0 $0x1C01  }
0x71: {  	[timem:s3], [sflag:s2] =	dma.local @!p0 [hbm:s0], s1  }
0x72: {  	s0 =	simm.s32 @!p0 $0x1  }
0x73: {  	_ =	swait.ge @!p0 [sflag:s0], s1  }
0x74: {  	s1 =	ssub.s32 @!p0 $0x0, s1;
	[sflag:s0] =	ssyncset.done @!p0 $0x0  }
0x75: {  	[sflag:s0] =	ssyncadd.s32 @!p0 s1  }
0x76: {  	[bflag:$0x3] =	sbarrier.arrive $0xFFFF  }
0x77: {  	_ =	shalt  }

</sc_bundles>
